<compile_context>
chip_gen: v7x
topology: tpu7x:2x2x1
jax: 0.10.2.dev20260603
libtpu: 0.0.44.dev20260713+nightly
codegen_flags: <defaults>
</compile_context>

<pallas_src>
import functools

import jax
import jax.numpy as jnp
from jax import lax
from jax.experimental import pallas as pl
from jax.experimental.pallas import tpu as pltpu
from jax.experimental.pallas import tpu_sc as plsc

F = 128
RB = 16
CUTOFF = 0.5
N_BLOCKS = 4

E_PAD = 163840
N_PAD = 10240
BE = 2048
BA = 2048
GW = 256
CH = 320

_VMESH = plsc.VectorSubcoreMesh(core_axis_name="c", subcore_axis_name="s")



def _h_body(z_ref, emb_ref, h_ref):
    z = z_ref[...]
    cols = lax.broadcasted_iota(jnp.int32, (BA, F), 1)
    onehot = (cols == z).astype(jnp.float32)
    h_ref[...] = jnp.dot(onehot, emb_ref[...],
                         preferred_element_type=jnp.float32)


_PI32 = 3.1415927410125732
_TWO_OVER_PI = 0.6366197723675814
_PIO2_HI = 1.5707855224609375
_PIO2_LO = 1.0804334e-05
_S3, _S5, _S7, _S9 = -1.0 / 6, 1.0 / 120, -1.0 / 5040, 1.0 / 362880
_C2, _C4, _C6, _C8 = -0.5, 1.0 / 24, -1.0 / 720, 1.0 / 40320


def _sin_cw(a, quad_shift):
    k = jnp.round(a * _TWO_OVER_PI)
    r = (a - k * _PIO2_HI) - k * _PIO2_LO
    z = r * r
    sp = r * (1.0 + z * (_S3 + z * (_S5 + z * (_S7 + z * _S9))))
    cp = 1.0 + z * (_C2 + z * (_C4 + z * (_C6 + z * _C8)))
    i = (k.astype(jnp.int32) + quad_shift) & 3
    return jnp.where(i == 0, sp,
                     jnp.where(i == 1, cp,
                               jnp.where(i == 2, -sp, -cp)))


def _edge_basis(d_ref):
    dd = d_ref[...] + 1e-3
    j = lax.broadcasted_iota(jnp.int32, (BE, 32), 1)
    jf = (j + 1).astype(jnp.float32)
    n = jnp.where(j < 16, jf, jnp.where(j == 16, 1.0, 0.0))
    a = ((n * _PI32) * dd) / CUTOFF
    s = _sin_cw(a, (j == 16).astype(jnp.int32))
    sin16 = s[:, :RB]
    c = s[:, RB:RB + 1]
    fcut = 0.5 * (c + 1.0) * (dd < CUTOFF).astype(jnp.float32)
    rowscale = 2.0 * fcut / dd
    return sin16, rowscale


def _silu(x):
    return x * jax.nn.sigmoid(x)


def _embed_body(hs_ref, hd_ref, d_ref, w1_ref, w2_ref, w3_ref, b_ref, m_ref):
    sin16, rowscale = _edge_basis(d_ref)
    rbf = sin16 * rowscale
    x = (jnp.dot(hs_ref[...], w1_ref[...], preferred_element_type=jnp.float32)
         + jnp.dot(hd_ref[...], w2_ref[...], preferred_element_type=jnp.float32)
         + jnp.dot(rbf, w3_ref[...], preferred_element_type=jnp.float32)
         + b_ref[...])
    m_ref[...] = _silu(x)


def _msg_first_body(m_ref, d_ref, wr_ref, wm_ref, mm_ref):
    sin16, rowscale = _edge_basis(d_ref)
    g = jnp.dot(sin16 * rowscale, wr_ref[...],
                preferred_element_type=jnp.float32)
    x = jnp.dot(m_ref[...] * g, wm_ref[...], preferred_element_type=jnp.float32)
    mm_ref[...] = _silu(x)


def _msg_body(m_ref, agg_ref, d_ref, wr_ref, wm_ref, mm_ref, mnew_ref):
    m = m_ref[...] + agg_ref[...]
    sin16, rowscale = _edge_basis(d_ref)
    g = jnp.dot(sin16 * rowscale, wr_ref[...],
                preferred_element_type=jnp.float32)
    x = jnp.dot(m * g, wm_ref[...], preferred_element_type=jnp.float32)
    mm_ref[...] = _silu(x)
    mnew_ref[...] = m


def _add_body(m_ref, agg_ref, o_ref):
    o_ref[...] = m_ref[...] + agg_ref[...]


def _final_body(p0_ref, p1_ref, w16_ref, b_ref, o_ref):
    s = p0_ref[...] + p1_ref[...]
    e = jnp.dot(s, w16_ref[...], preferred_element_type=jnp.float32)
    o_ref[...] = e[:, 0:1] + b_ref[...]


def _full(shape):
    return pl.BlockSpec(shape, lambda i: tuple(0 for _ in shape))



def _sc_gather(tables, idx):
    e = idx.shape[0]
    width = tables[0].shape[1]
    idx2 = idx.reshape(1, e)

    @functools.partial(
        pl.kernel,
        out_type=jax.ShapeDtypeStruct((e, width), tables[0].dtype),
        mesh=_VMESH,
    )
    def k(*refs):
        tab_refs = refs[:len(tables)]
        i_hbm = refs[len(tables)]
        o_hbm = refs[len(tables) + 1]

        def body(i_vmem, o_vmem):
            pltpu.sync_copy(tab_refs[0].at[i_vmem.at[0]], o_vmem)
            for t in tab_refs[1:]:
                pltpu.sync_copy(t.at[i_vmem.at[0]], o_vmem, add=True)

        pltpu.emit_pipeline(
            body,
            grid=(e // GW,),
            in_specs=[pl.BlockSpec((1, GW), lambda i: (0, i))],
            out_specs=[pl.BlockSpec((GW, width), lambda i: (i, 0))],
            core_axis_name=("c", "s"),
            dimension_semantics=(pltpu.PARALLEL,),
        )(i_hbm, o_hbm)

    return k(*tables, idx2)


def _sc_segment_sum(vals, dst3, zeros):
    width = vals.shape[1]
    nch_w = E_PAD // CH // 32
    rs = N_PAD // 16

    @functools.partial(
        pl.kernel,
        out_type=jax.ShapeDtypeStruct((2, N_PAD, width), jnp.float32),
        mesh=_VMESH,
        scratch_types=[
            pltpu.VMEM_SHARED((N_PAD, width), jnp.float32),
            pltpu.VMEM((CH, width), jnp.float32),
            pltpu.VMEM((1, CH), jnp.int32),
        ],
    )
    def k(vals_hbm, dst_hbm, z_hbm, out_hbm, agg_sh, rows_v, idx_v):
        cid = lax.axis_index("c")
        sid = lax.axis_index("s")
        pltpu.sync_copy(z_hbm.at[pl.ds(sid * rs, rs)],
                        agg_sh.at[pl.ds(sid * rs, rs)])
        plsc.subcore_barrier()

        w = cid * 16 + sid

        @pl.loop(0, nch_w)
        def _(j):
            ch = w * nch_w + j
            pltpu.sync_copy(dst_hbm.at[ch], idx_v)
            pltpu.sync_copy(vals_hbm.at[pl.ds(ch * CH, CH)], rows_v)
            pltpu.sync_copy(rows_v, agg_sh.at[idx_v.at[0]], add=True)

        plsc.subcore_barrier()
        pltpu.sync_copy(agg_sh.at[pl.ds(sid * rs, rs)],
                        out_hbm.at[cid].at[pl.ds(sid * rs, rs)])

    return k(vals, dst3, zeros)



def kernel(atomic_numbers, positions, pair_indices, d_ij,
           atomic_subsystem_indices, emb_table, w_embed, b_embed,
           w_rbf, w_msg, w_out, b_out):
    n_atoms = atomic_numbers.shape[0]
    e = pair_indices.shape[1]
    f32 = jnp.float32

    pad_a = N_PAD - n_atoms
    pad_e = E_PAD - e
    z_p = jnp.concatenate(
        [atomic_numbers.astype(jnp.int32),
         jnp.full((pad_a,), 101, jnp.int32)]).reshape(N_PAD, 1)
    emb_pad = jnp.zeros((F, F), f32).at[:emb_table.shape[0]].set(emb_table)
    src_p = jnp.concatenate([pair_indices[0].astype(jnp.int32),
                             jnp.full((pad_e,), n_atoms, jnp.int32)])
    dst_p = jnp.concatenate([pair_indices[1].astype(jnp.int32),
                             jnp.full((pad_e,), n_atoms, jnp.int32)])
    dst3 = dst_p.reshape(E_PAD // CH, 1, CH)
    d_p = jnp.concatenate([d_ij.astype(f32),
                           jnp.zeros((pad_e, 1), f32)])
    w1 = w_embed[:F]
    w2 = w_embed[F:2 * F]
    w3 = w_embed[2 * F:]
    b2 = b_embed.reshape(1, F)
    w16 = jnp.tile(w_out, (1, 16))
    b11 = b_out.reshape(1, 1)
    zeros_f = jnp.zeros((N_PAD, F), f32)

    h = pl.pallas_call(
        _h_body,
        grid=(N_PAD // BA,),
        in_specs=[pl.BlockSpec((BA, 1), lambda i: (i, 0)), _full((F, F))],
        out_specs=pl.BlockSpec((BA, F), lambda i: (i, 0)),
        out_shape=jax.ShapeDtypeStruct((N_PAD, F), f32),
    )(z_p, emb_pad)

    hsd = _sc_gather([h], jnp.concatenate([src_p, dst_p]))

    nblk = E_PAD // BE
    m = pl.pallas_call(
        _embed_body,
        grid=(nblk,),
        in_specs=[pl.BlockSpec((BE, F), lambda i: (i, 0)),
                  pl.BlockSpec((BE, F), lambda i: (i + nblk, 0)),
                  pl.BlockSpec((BE, 1), lambda i: (i, 0)),
                  _full((F, F)), _full((F, F)), _full((RB, F)),
                  _full((1, F))],
        out_specs=pl.BlockSpec((BE, F), lambda i: (i, 0)),
        out_shape=jax.ShapeDtypeStruct((E_PAD, F), f32),
    )(hsd, hsd, d_p, w1, w2, w3, b2)

    aggsrc = None
    for b in range(N_BLOCKS):
        if b == 0:
            mm = pl.pallas_call(
                _msg_first_body,
                grid=(E_PAD // BE,),
                in_specs=[pl.BlockSpec((BE, F), lambda i: (i, 0)),
                          pl.BlockSpec((BE, 1), lambda i: (i, 0)),
                          _full((RB, F)), _full((F, F))],
                out_specs=pl.BlockSpec((BE, F), lambda i: (i, 0)),
                out_shape=jax.ShapeDtypeStruct((E_PAD, F), f32),
            )(m, d_p, w_rbf[b], w_msg[b])
        else:
            mm, m = pl.pallas_call(
                _msg_body,
                grid=(E_PAD // BE,),
                in_specs=[pl.BlockSpec((BE, F), lambda i: (i, 0)),
                          pl.BlockSpec((BE, F), lambda i: (i, 0)),
                          pl.BlockSpec((BE, 1), lambda i: (i, 0)),
                          _full((RB, F)), _full((F, F))],
                out_specs=[pl.BlockSpec((BE, F), lambda i: (i, 0)),
                           pl.BlockSpec((BE, F), lambda i: (i, 0))],
                out_shape=[jax.ShapeDtypeStruct((E_PAD, F), f32),
                           jax.ShapeDtypeStruct((E_PAD, F), f32)],
            )(m, aggsrc, d_p, w_rbf[b], w_msg[b])

        parts = _sc_segment_sum(mm, dst3, zeros_f)
        aggsrc = _sc_gather([parts[0], parts[1]], src_p)

    m4 = pl.pallas_call(
        _add_body,
        grid=(E_PAD // BE,),
        in_specs=[pl.BlockSpec((BE, F), lambda i: (i, 0)),
                  pl.BlockSpec((BE, F), lambda i: (i, 0))],
        out_specs=pl.BlockSpec((BE, F), lambda i: (i, 0)),
        out_shape=jax.ShapeDtypeStruct((E_PAD, F), f32),
    )(m, aggsrc)

    parts4 = _sc_segment_sum(m4, dst3, zeros_f)

    out = pl.pallas_call(
        _final_body,
        grid=(N_PAD // BA,),
        in_specs=[pl.BlockSpec((BA, F), lambda i: (i, 0)),
                  pl.BlockSpec((BA, F), lambda i: (i, 0)),
                  _full((F, 16)), _full((1, 1))],
        out_specs=pl.BlockSpec((BA, 1), lambda i: (i, 0)),
        out_shape=jax.ShapeDtypeStruct((N_PAD, 1), f32),
    )(parts4[0], parts4[1], w16, b11)

    return out[:n_atoms, 0]

# --- scband reference (transcript-rebuilt; emitter-appended) ---
"""Pipeline reference for scband-dime-net-core-77103252898074 (READ-ONLY COPY).

The authoritative reference and input builder live on the scoring server;
editing this copy changes nothing except your own understanding.
"""

import jax, jax.numpy as jnp
import numpy as np

N_ATOMS = 10000
N_PAIRS = 160000
F = 128
R = 16
ZMAX = 101
N_BLOCKS = 4
CUTOFF = 0.5


def setup_inputs(seed: int = 0) -> dict:
    key = jax.random.key(seed)
    ks = jax.random.split(key, 12)
    atomic_numbers = jax.random.randint(ks[0], (N_ATOMS,), 0, 100)
    positions = jax.random.normal(ks[1], (N_ATOMS, 3), dtype=jnp.float32)
    pair_indices = jax.random.randint(ks[2], (2, N_PAIRS), 0, N_ATOMS)
    d_ij = jax.random.uniform(ks[3], (N_PAIRS, 1), dtype=jnp.float32)
    atomic_subsystem_indices = jnp.sort(jax.random.randint(ks[4], (N_ATOMS,), 0, 64))
    emb_table = jax.random.normal(ks[5], (ZMAX, F), dtype=jnp.float32) * 0.1
    w_embed = jax.random.normal(ks[6], (2 * F + R, F), dtype=jnp.float32) * (1.0 / np.sqrt(2 * F + R))
    b_embed = jnp.zeros((F,), dtype=jnp.float32)
    w_rbf = jax.random.normal(ks[7], (N_BLOCKS, R, F), dtype=jnp.float32) * (1.0 / np.sqrt(R))
    w_msg = jax.random.normal(ks[8], (N_BLOCKS, F, F), dtype=jnp.float32) * (1.0 / np.sqrt(F))
    w_out = jax.random.normal(ks[9], (F, 1), dtype=jnp.float32) * (1.0 / np.sqrt(F))
    b_out = jnp.zeros((1,), dtype=jnp.float32)
    return {
        "atomic_numbers": atomic_numbers,
        "positions": positions,
        "pair_indices": pair_indices,
        "d_ij": d_ij,
        "atomic_subsystem_indices": atomic_subsystem_indices,
        "emb_table": emb_table,
        "w_embed": w_embed,
        "b_embed": b_embed,
        "w_rbf": w_rbf,
        "w_msg": w_msg,
        "w_out": w_out,
        "b_out": b_out,
    }


def reference(atomic_numbers, positions, pair_indices, d_ij, atomic_subsystem_indices,
              emb_table, w_embed, b_embed, w_rbf, w_msg, w_out, b_out):
    # --- Representation: radial Bessel basis + cosine attenuation cutoff ---
    d = d_ij + 1e-3  # [E, 1], avoid division by zero
    n = jnp.arange(1, R + 1, dtype=jnp.float32)[None, :]  # [1, R]
    rbf = jnp.sqrt(2.0 / CUTOFF) * jnp.sin(n * jnp.pi * d / CUTOFF) / d  # [E, R]
    u = d / CUTOFF
    f_cutoff = 0.5 * (jnp.cos(jnp.pi * u) + 1.0) * (u < 1.0).astype(jnp.float32)  # [E, 1]
    rbf = rbf * f_cutoff  # [E, R]

    # --- FeaturizeInput: atomic embedding lookup (gather) ---
    h = jnp.take(emb_table, atomic_numbers, axis=0)  # [N, F]

    src = pair_indices[0]
    dst = pair_indices[1]

    # --- Embedding block: edge messages from gathered endpoint features + rbf ---
    m_in = jnp.concatenate([h[src], h[dst], rbf], axis=-1)  # [E, 2F+R]
    m = jax.nn.silu(m_in @ w_embed + b_embed)  # [E, F]

    # --- Interaction blocks: rbf-gated message update + scatter-add aggregation ---
    for b in range(N_BLOCKS):
        g = rbf @ w_rbf[b]  # [E, F]
        mm = jax.nn.silu((m * g) @ w_msg[b])  # [E, F]
        agg = jax.ops.segment_sum(mm, dst, num_segments=N_ATOMS)  # [N, F] scatter-add
        m = m + agg[src]  # gather back, residual

    # --- Per-atom readout + output layer ---
    per_atom = jax.ops.segment_sum(m, dst, num_segments=N_ATOMS)  # [N, F]
    per_atom_energy = (per_atom @ w_out + b_out).squeeze(-1)  # [N]
    return per_atom_energy

if __name__ == "__main__":
    import jax
    _d = setup_inputs()
    print(jax.jit(kernel)(*tuple(_d.values())))

</pallas_src>

<mosaic_0001>
#map = affine_map<(d0, d1) -> (0, 0)>
module attributes {stable_mosaic.version = 14 : i64} {
  func.func @k(%arg0: i32, %arg1: i32, %arg2: memref<10240x128xf32, #tpu.memory_space<hbm>>, %arg3: memref<1x327680xi32, #tpu.memory_space<hbm>>, %arg4: memref<327680x128xf32, #tpu.memory_space<hbm>>) attributes {dimension_semantics = [#tpu.dimension_semantics<core_parallel>, #tpu.dimension_semantics<subcore_parallel>], iteration_bounds = array<i64: 2, 16>, scalar_prefetch = 0 : i64, scratch_operands = 0 : i64, tpu.core_type = #tpu.core_type<sc_vector_subcore>, window_params = [{transform_indices = #map}, {transform_indices = #map}, {transform_indices = #map}]} {
    %mul3A = arith.constant 1 : i32
    %mul3A_0 = arith.muli %arg1, %mul3A : i32
    %add3A = arith.constant 0 : i32
    %add3A_1 = arith.addi %add3A, %mul3A_0 : i32
    %mul3A_2 = arith.constant 16 : i32
    %mul3A_3 = arith.muli %arg0, %mul3A_2 : i32
    %add3A_4 = arith.addi %add3A_1, %mul3A_3 : i32
    %mul3A_5 = arith.constant 40 : i32
    %mul3A_6 = arith.muli %add3A_4, %mul3A_5 : i32
    "tpu.region"() ({
      %run_scoped3A = memref.alloca() : memref<2x1x256xi32, #tpu.memory_space<vmem>>
      %run_scoped3A_7 = tpu.sem_alloc : memref<2x!tpu.dma_semaphore, #tpu.memory_space<semaphore_mem>>
      %run_scoped3A_8 = memref.alloca() : memref<2x256x128xf32, #tpu.memory_space<vmem>>
      %run_scoped3A_9 = tpu.sem_alloc : memref<2x!tpu.dma_semaphore, #tpu.memory_space<semaphore_mem>>
      %add3A_10 = arith.constant 0 : i32
      %add3A_11 = arith.addi %add3A_10, %mul3A_6 : i32
      %select_n3A = arith.constant true
      %select_n3A_12 = arith.constant 0 : i32
      %select_n3A_13 = arith.constant -1 : i32
      %select_n3A_14 = arith.select %select_n3A, %select_n3A_13, %select_n3A_12 : i32
      %eq3A = arith.constant -1 : i32
      %eq3A_15 = arith.cmpi eq, %select_n3A_14, %eq3A : i32
      %select_n3A_16 = arith.constant 39 : i32
      %select_n3A_17 = arith.select %eq3A_15, %select_n3A_16, %select_n3A_14 : i32
      %add3A_18 = arith.addi %select_n3A_17, %mul3A_6 : i32
      %select_n3A_19 = arith.constant true
      %select_n3A_20 = arith.constant 0 : i32
      %select_n3A_21 = arith.constant 1 : i32
      %select_n3A_22 = arith.select %select_n3A_19, %select_n3A_21, %select_n3A_20 : i32
      %eq3A_23 = arith.constant 40 : i32
      %eq3A_24 = arith.cmpi eq, %select_n3A_22, %eq3A_23 : i32
      %select_n3A_25 = arith.constant 0 : i32
      %select_n3A_26 = arith.select %eq3A_24, %select_n3A_25, %select_n3A_22 : i32
      %add3A_27 = arith.addi %select_n3A_26, %mul3A_6 : i32
      %add3A_28 = arith.constant 1 : i32
      %add3A_29 = arith.addi %select_n3A_26, %add3A_28 : i32
      %select_n3A_30 = arith.constant true
      %select_n3A_31 = arith.select %select_n3A_30, %add3A_29, %select_n3A_26 : i32
      %eq3A_32 = arith.constant 40 : i32
      %eq3A_33 = arith.cmpi eq, %select_n3A_31, %eq3A_32 : i32
      %select_n3A_34 = arith.constant 0 : i32
      %select_n3A_35 = arith.select %eq3A_33, %select_n3A_34, %select_n3A_31 : i32
      %add3A_36 = arith.addi %select_n3A_35, %mul3A_6 : i32
      "tpu.trace_start"() <{level = 10 : i32, message = "ep_initialize_0"}> : () -> ()
      %rem3A = arith.constant 0 : i32
      %rem3A_37 = arith.constant 2 : i32
      %rem3A_38 = arith.remui %rem3A, %rem3A_37 : i32
      %mul3A_39 = arith.constant 256 : i32
      %mul3A_40 = arith.muli %mul3A_39, %add3A_11 : i32
      %dma_start3A = arith.constant 0 : i32
      %dma_start3A_41 = arith.constant 0 : i32
      %dma_start3A_42 = tpu.memref_slice %run_scoped3A[%rem3A_38, %dma_start3A, %dma_start3A_41] : memref<2x1x256xi32, #tpu.memory_space<vmem>> -> memref<1x1x256xi32, #tpu.memory_space<vmem>>
      %dma_start3A_43 = tpu.memref_squeeze %dma_start3A_42 : memref<1x1x256xi32, #tpu.memory_space<vmem>> -> memref<1x256xi32, #tpu.memory_space<vmem>>
      %dma_start3A_44 = arith.constant 0 : i32
      %dma_start3A_45 = tpu.memref_slice %arg3[%dma_start3A_44, %mul3A_40] : memref<1x327680xi32, #tpu.memory_space<hbm>> -> memref<1x256xi32, #tpu.memory_space<hbm>>
      %dma_start3A_46 = tpu.memref_slice %run_scoped3A_7[%rem3A_38] : memref<2x!tpu.dma_semaphore, #tpu.memory_space<semaphore_mem>> -> memref<1x!tpu.dma_semaphore, #tpu.memory_space<semaphore_mem>>
      %dma_start3A_47 = tpu.memref_squeeze %dma_start3A_46 : memref<1x!tpu.dma_semaphore, #tpu.memory_space<semaphore_mem>> -> memref<!tpu.dma_semaphore, #tpu.memory_space<semaphore_mem>>
      %dma_start3A_48 = arith.constant 0 : i32
      %dma_start3A_49 = arith.constant 0 : i32
      %dma_start3A_50 = tpu.memref_slice %run_scoped3A[%rem3A_38, %dma_start3A_48, %dma_start3A_49] : memref<2x1x256xi32, #tpu.memory_space<vmem>> -> memref<1x1x256xi32, #tpu.memory_space<vmem>>
      %dma_start3A_51 = tpu.memref_squeeze %dma_start3A_50 : memref<1x1x256xi32, #tpu.memory_space<vmem>> -> memref<1x256xi32, #tpu.memory_space<vmem>>
      %dma_start3A_52 = arith.constant 0 : i32
      %dma_start3A_53 = tpu.memref_slice %arg3[%dma_start3A_52, %mul3A_40] : memref<1x327680xi32, #tpu.memory_space<hbm>> -> memref<1x256xi32, #tpu.memory_space<hbm>>
      tpu.enqueue_dma source(%dma_start3A_53 : memref<1x256xi32, #tpu.memory_space<hbm>>) target(%dma_start3A_51 : memref<1x256xi32, #tpu.memory_space<vmem>>) target_semaphore(%dma_start3A_47 : memref<!tpu.dma_semaphore, #tpu.memory_space<semaphore_mem>>)
      %add3A_54 = arith.constant 0 : i32
      %add3A_55 = arith.constant 1 : i32
      %add3A_56 = arith.addi %add3A_54, %add3A_55 : i32
      %select_n3A_57 = arith.constant true
      %select_n3A_58 = arith.constant 0 : i32
      %select_n3A_59 = arith.select %select_n3A_57, %add3A_56, %select_n3A_58 : i32
      "tpu.trace_stop"() : () -> ()
      %scan3A = arith.constant 0 : i32
      %scan3A_60 = arith.constant 0 : i32
      %scan3A_61 = arith.constant 0 : i32
      %scan3A_62 = arith.constant 0 : i32
      %scan3A_63 = arith.constant 0 : i32
      %scan3A_64 = arith.constant 40 : i32
      %scan3A_65 = arith.addi %scan3A_63, %scan3A_64 : i32
      %scan3A_66 = arith.constant 1 : i32
      %scan3A_67:5 = scf.for %scan3A_121 = %scan3A_63 to %scan3A_65 step %scan3A_66 iter_args(%scan3A_122 = %select_n3A_59, %scan3A_123 = %scan3A, %scan3A_124 = %scan3A_60, %scan3A_125 = %scan3A_61, %scan3A_126 = %scan3A_62) -> (i32, i32, i32, i32, i32)  : i32 {
        %eq3A_127 = arith.constant 0 : i32
        %eq3A_128 = arith.cmpi eq, %scan3A_121, %eq3A_127 : i32
        %eq3A_129 = arith.constant 39 : i32
        %eq3A_130 = arith.cmpi eq, %scan3A_121, %eq3A_129 : i32
        %add3A_131 = arith.addi %scan3A_126, %mul3A_6 : i32
        %sub3A_132 = arith.constant 1 : i32
        %sub3A_133 = arith.subi %scan3A_126, %sub3A_132 : i32
        %select_n3A_134 = arith.constant true
        %select_n3A_135 = arith.select %select_n3A_134, %sub3A_133, %scan3A_126 : i32
        %eq3A_136 = arith.constant -1 : i32
        %eq3A_137 = arith.cmpi eq, %select_n3A_135, %eq3A_136 : i32
        %select_n3A_138 = arith.constant 39 : i32
        %select_n3A_139 = arith.select %eq3A_137, %select_n3A_138, %select_n3A_135 : i32
        %add3A_140 = arith.addi %select_n3A_139, %mul3A_6 : i32
        %add3A_141 = arith.constant 1 : i32
        %add3A_142 = arith.addi %scan3A_126, %add3A_141 : i32
        %select_n3A_143 = arith.constant true
        %select_n3A_144 = arith.select %select_n3A_143, %add3A_142, %scan3A_126 : i32
        %eq3A_145 = arith.constant 40 : i32
        %eq3A_146 = arith.cmpi eq, %select_n3A_144, %eq3A_145 : i32
        %select_n3A_147 = arith.constant 0 : i32
        %select_n3A_148 = arith.select %eq3A_146, %select_n3A_147, %select_n3A_144 : i32
        %add3A_149 = arith.addi %select_n3A_148, %mul3A_6 : i32
        %add3A_150 = arith.constant 1 : i32
        %add3A_151 = arith.addi %select_n3A_148, %add3A_150 : i32
        %select_n3A_152 = arith.constant true
        %select_n3A_153 = arith.select %select_n3A_152, %add3A_151, %select_n3A_148 : i32
        %eq3A_154 = arith.constant 40 : i32
        %eq3A_155 = arith.cmpi eq, %select_n3A_153, %eq3A_154 : i32
        %select_n3A_156 = arith.constant 0 : i32
        %select_n3A_157 = arith.select %eq3A_155, %select_n3A_156, %select_n3A_153 : i32
        %add3A_158 = arith.addi %select_n3A_157, %mul3A_6 : i32
        %ne3A = arith.cmpi ne, %add3A_131, %add3A_149 : i32
        %or3A = arith.constant false
        %or3A_159 = arith.ori %or3A, %ne3A : i1
        %ge3A = arith.constant 39 : i32
        %ge3A_160 = arith.cmpi sge, %scan3A_121, %ge3A : i32
        %not3A = arith.constant true
        %not3A_161 = arith.xori %ge3A_160, %not3A : i1
        %and3A = arith.andi %or3A_159, %not3A_161 : i1
        %convert_element_type3A = arith.extui %and3A : i1 to i32
        %cond3A = arith.constant 0 : i32
        %cond3A_162 = arith.cmpi ne, %convert_element_type3A, %cond3A : i32
        scf.if %cond3A_162 {
          "tpu.trace_start"() <{level = 10 : i32, message = "ep_copy_in"}> : () -> ()
          %rem3A_264 = arith.constant 2 : i32
          %rem3A_265 = arith.remui %scan3A_122, %rem3A_264 : i32
          %mul3A_266 = arith.constant 256 : i32
          %mul3A_267 = arith.muli %mul3A_266, %add3A_149 : i32
          %dma_start3A_268 = arith.constant 0 : i32
          %dma_start3A_269 = arith.constant 0 : i32
          %dma_start3A_270 = tpu.memref_slice %run_scoped3A[%rem3A_265, %dma_start3A_268, %dma_start3A_269] : memref<2x1x256xi32, #tpu.memory_space<vmem>> -> memref<1x1x256xi32, #tpu.memory_space<vmem>>
          %dma_start3A_271 = tpu.memref_squeeze %dma_start3A_270 : memref<1x1x256xi32, #tpu.memory_space<vmem>> -> memref<1x256xi32, #tpu.memory_space<vmem>>
          %dma_start3A_272 = arith.constant 0 : i32
          %dma_start3A_273 = tpu.memref_slice %arg3[%dma_start3A_272, %mul3A_267] : memref<1x327680xi32, #tpu.memory_space<hbm>> -> memref<1x256xi32, #tpu.memory_space<hbm>>
          %dma_start3A_274 = tpu.memref_slice %run_scoped3A_7[%rem3A_265] : memref<2x!tpu.dma_semaphore, #tpu.memory_space<semaphore_mem>> -> memref<1x!tpu.dma_semaphore, #tpu.memory_space<semaphore_mem>>
          %dma_start3A_275 = tpu.memref_squeeze %dma_start3A_274 : memref<1x!tpu.dma_semaphore, #tpu.memory_space<semaphore_mem>> -> memref<!tpu.dma_semaphore, #tpu.memory_space<semaphore_mem>>
          %dma_start3A_276 = arith.constant 0 : i32
          %dma_start3A_277 = arith.constant 0 : i32
          %dma_start3A_278 = tpu.memref_slice %run_scoped3A[%rem3A_265, %dma_start3A_276, %dma_start3A_277] : memref<2x1x256xi32, #tpu.memory_space<vmem>> -> memref<1x1x256xi32, #tpu.memory_space<vmem>>
          %dma_start3A_279 = tpu.memref_squeeze %dma_start3A_278 : memref<1x1x256xi32, #tpu.memory_space<vmem>> -> memref<1x256xi32, #tpu.memory_space<vmem>>
          %dma_start3A_280 = arith.constant 0 : i32
          %dma_start3A_281 = tpu.memref_slice %arg3[%dma_start3A_280, %mul3A_267] : memref<1x327680xi32, #tpu.memory_space<hbm>> -> memref<1x256xi32, #tpu.memory_space<hbm>>
          tpu.enqueue_dma source(%dma_start3A_281 : memref<1x256xi32, #tpu.memory_space<hbm>>) target(%dma_start3A_279 : memref<1x256xi32, #tpu.memory_space<vmem>>) target_semaphore(%dma_start3A_275 : memref<!tpu.dma_semaphore, #tpu.memory_space<semaphore_mem>>)
          "tpu.trace_stop"() : () -> ()
        } else {
        }
        %and3A_163 = arith.constant true
        %and3A_164 = arith.andi %and3A, %and3A_163 : i1
        %add3A_165 = arith.constant 1 : i32
        %add3A_166 = arith.addi %scan3A_122, %add3A_165 : i32
        %select_n3A_167 = arith.select %and3A_164, %add3A_166, %scan3A_122 : i32
        %ne3A_168 = arith.cmpi ne, %add3A_131, %add3A_149 : i32
        %or3A_169 = arith.constant false
        %or3A_170 = arith.ori %or3A_169, %ne3A_168 : i1
        %or3A_171 = arith.constant false
        %or3A_172 = arith.ori %or3A_170, %or3A_171 : i1
        %ge3A_173 = arith.constant 39 : i32
        %ge3A_174 = arith.cmpi sge, %scan3A_121, %ge3A_173 : i32
        %not3A_175 = arith.constant true
        %not3A_176 = arith.xori %ge3A_174, %not3A_175 : i1
        %and3A_177 = arith.andi %or3A_172, %not3A_176 : i1
        %ne3A_178 = arith.cmpi ne, %add3A_131, %add3A_140 : i32
        %or3A_179 = arith.constant false
        %or3A_180 = arith.ori %or3A_179, %ne3A_178 : i1
        %or3A_181 = arith.ori %or3A_180, %eq3A_128 : i1
        %convert_element_type3A_182 = arith.extui %or3A_181 : i1 to i32
        %cond3A_183 = arith.constant 0 : i32
        %cond3A_184 = arith.cmpi ne, %convert_element_type3A_182, %cond3A_183 : i32
        scf.if %cond3A_184 {
          "tpu.trace_start"() <{level = 10 : i32, message = "ep_wait_in"}> : () -> ()
          %mul3A_264 = arith.constant 256 : i32
          %mul3A_265 = arith.muli %mul3A_264, %add3A_131 : i32
          %rem3A_266 = arith.constant 2 : i32
          %rem3A_267 = arith.remui %scan3A_123, %rem3A_266 : i32
          %dma_wait3A_268 = arith.constant 0 : i32
          %dma_wait3A_269 = arith.constant 0 : i32
          %dma_wait3A_270 = tpu.memref_slice %run_scoped3A[%rem3A_267, %dma_wait3A_268, %dma_wait3A_269] : memref<2x1x256xi32, #tpu.memory_space<vmem>> -> memref<1x1x256xi32, #tpu.memory_space<vmem>>
          %dma_wait3A_271 = tpu.memref_squeeze %dma_wait3A_270 : memref<1x1x256xi32, #tpu.memory_space<vmem>> -> memref<1x256xi32, #tpu.memory_space<vmem>>
          %dma_wait3A_272 = arith.constant 0 : i32
          %dma_wait3A_273 = tpu.memref_slice %arg3[%dma_wait3A_272, %mul3A_265] : memref<1x327680xi32, #tpu.memory_space<hbm>> -> memref<1x256xi32, #tpu.memory_space<hbm>>
          %dma_wait3A_274 = tpu.memref_slice %run_scoped3A_7[%rem3A_267] : memref<2x!tpu.dma_semaphore, #tpu.memory_space<semaphore_mem>> -> memref<1x!tpu.dma_semaphore, #tpu.memory_space<semaphore_mem>>
          %dma_wait3A_275 = tpu.memref_squeeze %dma_wait3A_274 : memref<1x!tpu.dma_semaphore, #tpu.memory_space<semaphore_mem>> -> memref<!tpu.dma_semaphore, #tpu.memory_space<semaphore_mem>>
          %dma_wait3A_276 = arith.constant 0 : i32
          %dma_wait3A_277 = arith.constant 0 : i32
          %dma_wait3A_278 = tpu.memref_slice %run_scoped3A[%rem3A_267, %dma_wait3A_276, %dma_wait3A_277] : memref<2x1x256xi32, #tpu.memory_space<vmem>> -> memref<1x1x256xi32, #tpu.memory_space<vmem>>
          %dma_wait3A_279 = tpu.memref_squeeze %dma_wait3A_278 : memref<1x1x256xi32, #tpu.memory_space<vmem>> -> memref<1x256xi32, #tpu.memory_space<vmem>>
          %dma_wait3A_280 = arith.constant 0 : i32
          %dma_wait3A_281 = tpu.memref_slice %arg3[%dma_wait3A_280, %mul3A_265] : memref<1x327680xi32, #tpu.memory_space<hbm>> -> memref<1x256xi32, #tpu.memory_space<hbm>>
          tpu.wait_dma2 semaphore(%dma_wait3A_275 : memref<!tpu.dma_semaphore, #tpu.memory_space<semaphore_mem>>) src(%dma_wait3A_281 : memref<1x256xi32, #tpu.memory_space<hbm>>) dst(%dma_wait3A_279 : memref<1x256xi32, #tpu.memory_space<vmem>>)
          "tpu.trace_stop"() : () -> ()
        } else {
        }
        %ne3A_185 = arith.cmpi ne, %add3A_131, %add3A_140 : i32
        %or3A_186 = arith.constant false
        %or3A_187 = arith.ori %or3A_186, %ne3A_185 : i1
        %or3A_188 = arith.constant false
        %or3A_189 = arith.ori %or3A_187, %or3A_188 : i1
        %or3A_190 = arith.ori %or3A_189, %eq3A_128 : i1
        %convert_element_type3A_191 = arith.extui %or3A_190 : i1 to i32
        %cond3A_192 = arith.constant 0 : i32
        %cond3A_193 = arith.cmpi ne, %convert_element_type3A_191, %cond3A_192 : i32
        scf.if %cond3A_193 {
        } else {
        }
        %rem3A_194 = arith.constant 2 : i32
        %rem3A_195 = arith.remui %scan3A_123, %rem3A_194 : i32
        %rem3A_196 = arith.constant 2 : i32
        %rem3A_197 = arith.remui %scan3A_124, %rem3A_196 : i32
        %run_scoped3A_198 = arith.constant 0 : i32
        "tpu.trace_start"() <{level = 10 : i32, message = "ep_run_kernel"}> : () -> ()
        "tpu.region"() ({
          %run_scoped3A_264 = tpu.sem_alloc : memref<!tpu.dma_semaphore, #tpu.memory_space<semaphore_mem>>
          %dma_start3A_265 = arith.constant 0 : i32
          %dma_start3A_266 = arith.constant 0 : i32
          %dma_start3A_267 = tpu.memref_slice %run_scoped3A_8[%rem3A_197, %dma_start3A_265, %dma_start3A_266] : memref<2x256x128xf32, #tpu.memory_space<vmem>> -> memref<1x256x128xf32, #tpu.memory_space<vmem>>
          %dma_start3A_268 = tpu.memref_squeeze %dma_start3A_267 : memref<1x256x128xf32, #tpu.memory_space<vmem>> -> memref<256x128xf32, #tpu.memory_space<vmem>>
          %dma_start3A_269 = arith.constant 0 : i32
          %dma_start3A_270 = arith.constant 0 : i32
          %dma_start3A_271 = tpu.memref_slice %run_scoped3A[%rem3A_195, %dma_start3A_269, %dma_start3A_270] : memref<2x1x256xi32, #tpu.memory_space<vmem>> -> memref<1x1x256xi32, #tpu.memory_space<vmem>>
          %dma_start3A_272 = tpu.memref_squeeze %dma_start3A_271 : memref<1x1x256xi32, #tpu.memory_space<vmem>> -> memref<1x256xi32, #tpu.memory_space<vmem>>
          %dma_start3A_273 = arith.constant 0 : i32
          %dma_start3A_274 = tpu.memref_slice %dma_start3A_272[%run_scoped3A_198, %dma_start3A_273] : memref<1x256xi32, #tpu.memory_space<vmem>> -> memref<1x256xi32, #tpu.memory_space<vmem>>
          %dma_start3A_275 = tpu.memref_squeeze %dma_start3A_274 : memref<1x256xi32, #tpu.memory_space<vmem>> -> memref<256xi32, #tpu.memory_space<vmem>>
          %dma_start3A_276 = arith.constant 0 : i32
          %dma_start3A_277 = arith.constant 0 : i32
          %dma_start3A_278 = tpu.memref_slice %arg2[%dma_start3A_276, %dma_start3A_277] : memref<10240x128xf32, #tpu.memory_space<hbm>> -> memref<10240x128xf32, #tpu.memory_space<hbm>>
          tpu.enqueue_indirect_dma source(%dma_start3A_278 : memref<10240x128xf32, #tpu.memory_space<hbm>>) target(%dma_start3A_268 : memref<256x128xf32, #tpu.memory_space<vmem>>) offsets(%dma_start3A_275 : memref<256xi32, #tpu.memory_space<vmem>>) semaphore(%run_scoped3A_264 : memref<!tpu.dma_semaphore, #tpu.memory_space<semaphore_mem>>)
          %dma_wait3A_279 = arith.constant 0 : i32
          %dma_wait3A_280 = arith.constant 0 : i32
          %dma_wait3A_281 = tpu.memref_slice %run_scoped3A_8[%rem3A_197, %dma_wait3A_279, %dma_wait3A_280] : memref<2x256x128xf32, #tpu.memory_space<vmem>> -> memref<1x256x128xf32, #tpu.memory_space<vmem>>
          %dma_wait3A_282 = tpu.memref_squeeze %dma_wait3A_281 : memref<1x256x128xf32, #tpu.memory_space<vmem>> -> memref<256x128xf32, #tpu.memory_space<vmem>>
          %dma_wait3A_283 = arith.constant 0 : i32
          %dma_wait3A_284 = arith.constant 0 : i32
          %dma_wait3A_285 = tpu.memref_slice %run_scoped3A[%rem3A_195, %dma_wait3A_283, %dma_wait3A_284] : memref<2x1x256xi32, #tpu.memory_space<vmem>> -> memref<1x1x256xi32, #tpu.memory_space<vmem>>
          %dma_wait3A_286 = tpu.memref_squeeze %dma_wait3A_285 : memref<1x1x256xi32, #tpu.memory_space<vmem>> -> memref<1x256xi32, #tpu.memory_space<vmem>>
          %dma_wait3A_287 = arith.constant 0 : i32
          %dma_wait3A_288 = tpu.memref_slice %dma_wait3A_286[%run_scoped3A_198, %dma_wait3A_287] : memref<1x256xi32, #tpu.memory_space<vmem>> -> memref<1x256xi32, #tpu.memory_space<vmem>>
          %dma_wait3A_289 = tpu.memref_squeeze %dma_wait3A_288 : memref<1x256xi32, #tpu.memory_space<vmem>> -> memref<256xi32, #tpu.memory_space<vmem>>
          %dma_wait3A_290 = arith.constant 0 : i32
          %dma_wait3A_291 = arith.constant 0 : i32
          %dma_wait3A_292 = tpu.memref_slice %arg2[%dma_wait3A_290, %dma_wait3A_291] : memref<10240x128xf32, #tpu.memory_space<hbm>> -> memref<10240x128xf32, #tpu.memory_space<hbm>>
          tpu.wait_indirect_dma semaphore(%run_scoped3A_264 : memref<!tpu.dma_semaphore, #tpu.memory_space<semaphore_mem>>) src(%dma_wait3A_292 : memref<10240x128xf32, #tpu.memory_space<hbm>>) dst(%dma_wait3A_282 : memref<256x128xf32, #tpu.memory_space<vmem>>)
          tpu.yield
        }) : () -> ()
        "tpu.trace_stop"() : () -> ()
        %ne3A_199 = arith.cmpi ne, %add3A_131, %add3A_149 : i32
        %or3A_200 = arith.constant false
        %or3A_201 = arith.ori %or3A_200, %ne3A_199 : i1
        %or3A_202 = arith.ori %or3A_201, %eq3A_130 : i1
        %convert_element_type3A_203 = arith.extui %or3A_202 : i1 to i32
        %cond3A_204 = arith.constant 0 : i32
        %cond3A_205 = arith.cmpi ne, %convert_element_type3A_203, %cond3A_204 : i32
        scf.if %cond3A_205 {
        } else {
        }
        %and3A_206 = arith.constant false
        %and3A_207 = arith.andi %or3A_202, %and3A_206 : i1
        %ne3A_208 = arith.cmpi ne, %add3A_131, %add3A_149 : i32
        %or3A_209 = arith.constant false
        %or3A_210 = arith.ori %or3A_209, %ne3A_208 : i1
        %or3A_211 = arith.constant false
        %or3A_212 = arith.ori %or3A_210, %or3A_211 : i1
        %or3A_213 = arith.ori %or3A_212, %eq3A_130 : i1
        %convert_element_type3A_214 = arith.extui %or3A_213 : i1 to i32
        %cond3A_215 = arith.constant 0 : i32
        %cond3A_216 = arith.cmpi ne, %convert_element_type3A_214, %cond3A_215 : i32
        scf.if %cond3A_216 {
          "tpu.trace_start"() <{level = 10 : i32, message = "ep_copy_out"}> : () -> ()
          %rem3A_264 = arith.constant 2 : i32
          %rem3A_265 = arith.remui %scan3A_124, %rem3A_264 : i32
          %mul3A_266 = arith.constant 256 : i32
          %mul3A_267 = arith.muli %mul3A_266, %add3A_131 : i32
          %dma_start3A_268 = arith.constant 0 : i32
          %dma_start3A_269 = arith.constant 0 : i32
          %dma_start3A_270 = tpu.memref_slice %run_scoped3A_8[%rem3A_265, %dma_start3A_268, %dma_start3A_269] : memref<2x256x128xf32, #tpu.memory_space<vmem>> -> memref<1x256x128xf32, #tpu.memory_space<vmem>>
          %dma_start3A_271 = tpu.memref_squeeze %dma_start3A_270 : memref<1x256x128xf32, #tpu.memory_space<vmem>> -> memref<256x128xf32, #tpu.memory_space<vmem>>
          %dma_start3A_272 = arith.constant 0 : i32
          %dma_start3A_273 = tpu.memref_slice %arg4[%mul3A_267, %dma_start3A_272] : memref<327680x128xf32, #tpu.memory_space<hbm>> -> memref<256x128xf32, #tpu.memory_space<hbm>>
          %dma_start3A_274 = tpu.memref_slice %run_scoped3A_9[%rem3A_265] : memref<2x!tpu.dma_semaphore, #tpu.memory_space<semaphore_mem>> -> memref<1x!tpu.dma_semaphore, #tpu.memory_space<semaphore_mem>>
          %dma_start3A_275 = tpu.memref_squeeze %dma_start3A_274 : memref<1x!tpu.dma_semaphore, #tpu.memory_space<semaphore_mem>> -> memref<!tpu.dma_semaphore, #tpu.memory_space<semaphore_mem>>
          %dma_start3A_276 = arith.constant 0 : i32
          %dma_start3A_277 = tpu.memref_slice %arg4[%mul3A_267, %dma_start3A_276] : memref<327680x128xf32, #tpu.memory_space<hbm>> -> memref<256x128xf32, #tpu.memory_space<hbm>>
          %dma_start3A_278 = arith.constant 0 : i32
          %dma_start3A_279 = arith.constant 0 : i32
          %dma_start3A_280 = tpu.memref_slice %run_scoped3A_8[%rem3A_265, %dma_start3A_278, %dma_start3A_279] : memref<2x256x128xf32, #tpu.memory_space<vmem>> -> memref<1x256x128xf32, #tpu.memory_space<vmem>>
          %dma_start3A_281 = tpu.memref_squeeze %dma_start3A_280 : memref<1x256x128xf32, #tpu.memory_space<vmem>> -> memref<256x128xf32, #tpu.memory_space<vmem>>
          tpu.enqueue_dma source(%dma_start3A_281 : memref<256x128xf32, #tpu.memory_space<vmem>>) target(%dma_start3A_277 : memref<256x128xf32, #tpu.memory_space<hbm>>) target_semaphore(%dma_start3A_275 : memref<!tpu.dma_semaphore, #tpu.memory_space<semaphore_mem>>)
          "tpu.trace_stop"() : () -> ()
        } else {
        }
        %and3A_217 = arith.constant true
        %and3A_218 = arith.andi %or3A_213, %and3A_217 : i1
        %add3A_219 = arith.constant 1 : i32
        %add3A_220 = arith.addi %scan3A_124, %add3A_219 : i32
        %select_n3A_221 = arith.select %and3A_218, %add3A_220, %scan3A_124 : i32
        %ne3A_222 = arith.cmpi ne, %add3A_131, %add3A_140 : i32
        %or3A_223 = arith.constant false
        %or3A_224 = arith.ori %or3A_223, %ne3A_222 : i1
        %not3A_225 = arith.constant true
        %not3A_226 = arith.xori %eq3A_128, %not3A_225 : i1
        %and3A_227 = arith.andi %or3A_224, %not3A_226 : i1
        %convert_element_type3A_228 = arith.extui %and3A_227 : i1 to i32
        %cond3A_229 = arith.constant 0 : i32
        %cond3A_230 = arith.cmpi ne, %convert_element_type3A_228, %cond3A_229 : i32
        scf.if %cond3A_230 {
        } else {
        }
        %and3A_231 = arith.constant false
        %and3A_232 = arith.andi %and3A_227, %and3A_231 : i1
        %ne3A_233 = arith.cmpi ne, %add3A_131, %add3A_140 : i32
        %or3A_234 = arith.constant false
        %or3A_235 = arith.ori %or3A_234, %ne3A_233 : i1
        %or3A_236 = arith.constant false
        %or3A_237 = arith.ori %or3A_235, %or3A_236 : i1
        %not3A_238 = arith.constant true
        %not3A_239 = arith.xori %eq3A_128, %not3A_238 : i1
        %and3A_240 = arith.andi %or3A_237, %not3A_239 : i1
        %convert_element_type3A_241 = arith.extui %and3A_240 : i1 to i32
        %cond3A_242 = arith.constant 0 : i32
        %cond3A_243 = arith.cmpi ne, %convert_element_type3A_241, %cond3A_242 : i32
        scf.if %cond3A_243 {
          "tpu.trace_start"() <{level = 10 : i32, message = "ep_wait_out"}> : () -> ()
          %rem3A_264 = arith.constant 2 : i32
          %rem3A_265 = arith.remui %scan3A_125, %rem3A_264 : i32
          %mul3A_266 = arith.constant 256 : i32
          %mul3A_267 = arith.muli %mul3A_266, %add3A_140 : i32
          %dma_wait3A_268 = arith.constant 0 : i32
          %dma_wait3A_269 = arith.constant 0 : i32
          %dma_wait3A_270 = tpu.memref_slice %run_scoped3A_8[%rem3A_265, %dma_wait3A_268, %dma_wait3A_269] : memref<2x256x128xf32, #tpu.memory_space<vmem>> -> memref<1x256x128xf32, #tpu.memory_space<vmem>>
          %dma_wait3A_271 = tpu.memref_squeeze %dma_wait3A_270 : memref<1x256x128xf32, #tpu.memory_space<vmem>> -> memref<256x128xf32, #tpu.memory_space<vmem>>
          %dma_wait3A_272 = arith.constant 0 : i32
          %dma_wait3A_273 = tpu.memref_slice %arg4[%mul3A_267, %dma_wait3A_272] : memref<327680x128xf32, #tpu.memory_space<hbm>> -> memref<256x128xf32, #tpu.memory_space<hbm>>
          %dma_wait3A_274 = tpu.memref_slice %run_scoped3A_9[%rem3A_265] : memref<2x!tpu.dma_semaphore, #tpu.memory_space<semaphore_mem>> -> memref<1x!tpu.dma_semaphore, #tpu.memory_space<semaphore_mem>>
          %dma_wait3A_275 = tpu.memref_squeeze %dma_wait3A_274 : memref<1x!tpu.dma_semaphore, #tpu.memory_space<semaphore_mem>> -> memref<!tpu.dma_semaphore, #tpu.memory_space<semaphore_mem>>
          %dma_wait3A_276 = arith.constant 0 : i32
          %dma_wait3A_277 = tpu.memref_slice %arg4[%mul3A_267, %dma_wait3A_276] : memref<327680x128xf32, #tpu.memory_space<hbm>> -> memref<256x128xf32, #tpu.memory_space<hbm>>
          %dma_wait3A_278 = arith.constant 0 : i32
          %dma_wait3A_279 = arith.constant 0 : i32
          %dma_wait3A_280 = tpu.memref_slice %run_scoped3A_8[%rem3A_265, %dma_wait3A_278, %dma_wait3A_279] : memref<2x256x128xf32, #tpu.memory_space<vmem>> -> memref<1x256x128xf32, #tpu.memory_space<vmem>>
          %dma_wait3A_281 = tpu.memref_squeeze %dma_wait3A_280 : memref<1x256x128xf32, #tpu.memory_space<vmem>> -> memref<256x128xf32, #tpu.memory_space<vmem>>
          tpu.wait_dma2 semaphore(%dma_wait3A_275 : memref<!tpu.dma_semaphore, #tpu.memory_space<semaphore_mem>>) src(%dma_wait3A_281 : memref<256x128xf32, #tpu.memory_space<vmem>>) dst(%dma_wait3A_277 : memref<256x128xf32, #tpu.memory_space<hbm>>)
          "tpu.trace_stop"() : () -> ()
        } else {
        }
        %and3A_244 = arith.constant true
        %and3A_245 = arith.andi %and3A_240, %and3A_244 : i1
        %add3A_246 = arith.constant 1 : i32
        %add3A_247 = arith.addi %scan3A_125, %add3A_246 : i32
        %select_n3A_248 = arith.select %and3A_245, %add3A_247, %scan3A_125 : i32
        %ne3A_249 = arith.cmpi ne, %add3A_131, %add3A_149 : i32
        %or3A_250 = arith.constant false
        %or3A_251 = arith.ori %or3A_250, %ne3A_249 : i1
        %or3A_252 = arith.ori %or3A_251, %eq3A_130 : i1
        %add3A_253 = arith.constant 1 : i32
        %add3A_254 = arith.addi %scan3A_123, %add3A_253 : i32
        %select_n3A_255 = arith.select %or3A_252, %add3A_254, %scan3A_123 : i32
        %add3A_256 = arith.constant 1 : i32
        %add3A_257 = arith.addi %scan3A_126, %add3A_256 : i32
        %select_n3A_258 = arith.constant true
        %select_n3A_259 = arith.select %select_n3A_258, %add3A_257, %scan3A_126 : i32
        %eq3A_260 = arith.constant 40 : i32
        %eq3A_261 = arith.cmpi eq, %select_n3A_259, %eq3A_260 : i32
        %select_n3A_262 = arith.constant 0 : i32
        %select_n3A_263 = arith.select %eq3A_261, %select_n3A_262, %select_n3A_259 : i32
        scf.yield %select_n3A_167, %select_n3A_255, %select_n3A_221, %select_n3A_248, %select_n3A_263 : i32, i32, i32, i32, i32
      }
      %scan3A_68 = arith.constant 40 : i32
      %sub3A = arith.constant 1 : i32
      %sub3A_69 = arith.subi %scan3A_67#4, %sub3A : i32
      %select_n3A_70 = arith.constant true
      %select_n3A_71 = arith.select %select_n3A_70, %sub3A_69, %scan3A_67#4 : i32
      %eq3A_72 = arith.constant -1 : i32
      %eq3A_73 = arith.cmpi eq, %select_n3A_71, %eq3A_72 : i32
      %select_n3A_74 = arith.constant 39 : i32
      %select_n3A_75 = arith.select %eq3A_73, %select_n3A_74, %select_n3A_71 : i32
      %add3A_76 = arith.addi %select_n3A_75, %mul3A_6 : i32
      %sub3A_77 = arith.constant 1 : i32
      %sub3A_78 = arith.subi %select_n3A_75, %sub3A_77 : i32
      %select_n3A_79 = arith.constant true
      %select_n3A_80 = arith.select %select_n3A_79, %sub3A_78, %select_n3A_75 : i32
      %eq3A_81 = arith.constant -1 : i32
      %eq3A_82 = arith.cmpi eq, %select_n3A_80, %eq3A_81 : i32
      %select_n3A_83 = arith.constant 39 : i32
      %select_n3A_84 = arith.select %eq3A_82, %select_n3A_83, %select_n3A_80 : i32
      %add3A_85 = arith.addi %select_n3A_84, %mul3A_6 : i32
      %add3A_86 = arith.constant 1 : i32
      %add3A_87 = arith.addi %select_n3A_75, %add3A_86 : i32
      %select_n3A_88 = arith.constant true
      %select_n3A_89 = arith.select %select_n3A_88, %add3A_87, %select_n3A_75 : i32
      %eq3A_90 = arith.constant 40 : i32
      %eq3A_91 = arith.cmpi eq, %select_n3A_89, %eq3A_90 : i32
      %select_n3A_92 = arith.constant 0 : i32
      %select_n3A_93 = arith.select %eq3A_91, %select_n3A_92, %select_n3A_89 : i32
      %add3A_94 = arith.addi %select_n3A_93, %mul3A_6 : i32
      %add3A_95 = arith.constant 1 : i32
      %add3A_96 = arith.addi %select_n3A_93, %add3A_95 : i32
      %select_n3A_97 = arith.constant true
      %select_n3A_98 = arith.select %select_n3A_97, %add3A_96, %select_n3A_93 : i32
      %eq3A_99 = arith.constant 40 : i32
      %eq3A_100 = arith.cmpi eq, %select_n3A_98, %eq3A_99 : i32
      %select_n3A_101 = arith.constant 0 : i32
      %select_n3A_102 = arith.select %eq3A_100, %select_n3A_101, %select_n3A_98 : i32
      %add3A_103 = arith.addi %select_n3A_102, %mul3A_6 : i32
      "tpu.trace_start"() <{level = 10 : i32, message = "ep_finalize"}> : () -> ()
      %rem3A_104 = arith.constant 2 : i32
      %rem3A_105 = arith.remui %scan3A_67#3, %rem3A_104 : i32
      %mul3A_106 = arith.constant 256 : i32
      %mul3A_107 = arith.muli %mul3A_106, %add3A_76 : i32
      %dma_wait3A = arith.constant 0 : i32
      %dma_wait3A_108 = arith.constant 0 : i32
      %dma_wait3A_109 = tpu.memref_slice %run_scoped3A_8[%rem3A_105, %dma_wait3A, %dma_wait3A_108] : memref<2x256x128xf32, #tpu.memory_space<vmem>> -> memref<1x256x128xf32, #tpu.memory_space<vmem>>
      %dma_wait3A_110 = tpu.memref_squeeze %dma_wait3A_109 : memref<1x256x128xf32, #tpu.memory_space<vmem>> -> memref<256x128xf32, #tpu.memory_space<vmem>>
      %dma_wait3A_111 = arith.constant 0 : i32
      %dma_wait3A_112 = tpu.memref_slice %arg4[%mul3A_107, %dma_wait3A_111] : memref<327680x128xf32, #tpu.memory_space<hbm>> -> memref<256x128xf32, #tpu.memory_space<hbm>>
      %dma_wait3A_113 = tpu.memref_slice %run_scoped3A_9[%rem3A_105] : memref<2x!tpu.dma_semaphore, #tpu.memory_space<semaphore_mem>> -> memref<1x!tpu.dma_semaphore, #tpu.memory_space<semaphore_mem>>
      %dma_wait3A_114 = tpu.memref_squeeze %dma_wait3A_113 : memref<1x!tpu.dma_semaphore, #tpu.memory_space<semaphore_mem>> -> memref<!tpu.dma_semaphore, #tpu.memory_space<semaphore_mem>>
      %dma_wait3A_115 = arith.constant 0 : i32
      %dma_wait3A_116 = tpu.memref_slice %arg4[%mul3A_107, %dma_wait3A_115] : memref<327680x128xf32, #tpu.memory_space<hbm>> -> memref<256x128xf32, #tpu.memory_space<hbm>>
      %dma_wait3A_117 = arith.constant 0 : i32
      %dma_wait3A_118 = arith.constant 0 : i32
      %dma_wait3A_119 = tpu.memref_slice %run_scoped3A_8[%rem3A_105, %dma_wait3A_117, %dma_wait3A_118] : memref<2x256x128xf32, #tpu.memory_space<vmem>> -> memref<1x256x128xf32, #tpu.memory_space<vmem>>
      %dma_wait3A_120 = tpu.memref_squeeze %dma_wait3A_119 : memref<1x256x128xf32, #tpu.memory_space<vmem>> -> memref<256x128xf32, #tpu.memory_space<vmem>>
      tpu.wait_dma2 semaphore(%dma_wait3A_114 : memref<!tpu.dma_semaphore, #tpu.memory_space<semaphore_mem>>) src(%dma_wait3A_120 : memref<256x128xf32, #tpu.memory_space<vmem>>) dst(%dma_wait3A_116 : memref<256x128xf32, #tpu.memory_space<hbm>>)
      "tpu.trace_stop"() : () -> ()
      tpu.yield
    }) : () -> ()
    return
  }
}

#map = affine_map<(d0, d1) -> (0, 0)>
#map1 = affine_map<(d0, d1) -> (0, 0, 0)>
module attributes {stable_mosaic.version = 14 : i64} {
  func.func @k(%arg0: i32, %arg1: i32, %arg2: memref<163840x128xf32, #tpu.memory_space<hbm>>, %arg3: memref<512x1x320xi32, #tpu.memory_space<hbm>>, %arg4: memref<10240x128xf32, #tpu.memory_space<hbm>>, %arg5: memref<2x10240x128xf32, #tpu.memory_space<hbm>>, %arg6: memref<10240x128xf32, #tpu.memory_space<vmem_shared>>, %arg7: memref<320x128xf32, #tpu.memory_space<vmem>>, %arg8: memref<1x320xi32, #tpu.memory_space<vmem>>) attributes {dimension_semantics = [#tpu.dimension_semantics<core_parallel>, #tpu.dimension_semantics<subcore_parallel>], iteration_bounds = array<i64: 2, 16>, scalar_prefetch = 0 : i64, scratch_operands = 3 : i64, tpu.core_type = #tpu.core_type<sc_vector_subcore>, window_params = [{transform_indices = #map}, {transform_indices = #map1}, {transform_indices = #map}, {transform_indices = #map1}]} {
    %mul3A = arith.constant 640 : i32
    %mul3A_0 = arith.muli %arg1, %mul3A : i32
    %mul3A_1 = arith.constant 640 : i32
    %mul3A_2 = arith.muli %arg1, %mul3A_1 : i32
    "tpu.region"() ({
      %run_scoped3A = tpu.sem_alloc : memref<!tpu.dma_semaphore, #tpu.memory_space<semaphore_mem>>
      %dma_start3A = arith.constant 0 : i32
      %dma_start3A_14 = tpu.memref_slice %arg6[%mul3A_2, %dma_start3A] : memref<10240x128xf32, #tpu.memory_space<vmem_shared>> -> memref<640x128xf32, #tpu.memory_space<vmem_shared>>
      %dma_start3A_15 = arith.constant 0 : i32
      %dma_start3A_16 = tpu.memref_slice %arg4[%mul3A_0, %dma_start3A_15] : memref<10240x128xf32, #tpu.memory_space<hbm>> -> memref<640x128xf32, #tpu.memory_space<hbm>>
      tpu.enqueue_dma source(%dma_start3A_16 : memref<640x128xf32, #tpu.memory_space<hbm>>) target(%dma_start3A_14 : memref<640x128xf32, #tpu.memory_space<vmem_shared>>) target_semaphore(%run_scoped3A : memref<!tpu.dma_semaphore, #tpu.memory_space<semaphore_mem>>)
      %dma_wait3A = arith.constant 0 : i32
      %dma_wait3A_17 = tpu.memref_slice %arg6[%mul3A_2, %dma_wait3A] : memref<10240x128xf32, #tpu.memory_space<vmem_shared>> -> memref<640x128xf32, #tpu.memory_space<vmem_shared>>
      %dma_wait3A_18 = arith.constant 0 : i32
      %dma_wait3A_19 = tpu.memref_slice %arg4[%mul3A_0, %dma_wait3A_18] : memref<10240x128xf32, #tpu.memory_space<hbm>> -> memref<640x128xf32, #tpu.memory_space<hbm>>
      tpu.wait_dma2 semaphore(%run_scoped3A : memref<!tpu.dma_semaphore, #tpu.memory_space<semaphore_mem>>) src(%dma_wait3A_19 : memref<640x128xf32, #tpu.memory_space<hbm>>) dst(%dma_wait3A_17 : memref<640x128xf32, #tpu.memory_space<vmem_shared>>)
      tpu.yield
    }) : () -> ()
    %barrier3A = arith.constant 0 : index
    tpu.barrier barrier_id(%barrier3A)
    %mul3A_3 = arith.constant 16 : i32
    %mul3A_4 = arith.muli %arg0, %mul3A_3 : i32
    %add3A = arith.addi %mul3A_4, %arg1 : i32
    %scan3A = arith.constant 0 : i32
    %scan3A_5 = arith.constant 16 : i32
    %scan3A_6 = arith.addi %scan3A, %scan3A_5 : i32
    %scan3A_7 = arith.constant 1 : i32
    scf.for %scan3A_14 = %scan3A to %scan3A_6 step %scan3A_7  : i32 {
      %mul3A_15 = arith.constant 1 : i32
      %mul3A_16 = arith.muli %scan3A_14, %mul3A_15 : i32
      %add3A_17 = arith.constant 0 : i32
      %add3A_18 = arith.addi %add3A_17, %mul3A_16 : i32
      %mul3A_19 = arith.constant 16 : i32
      %mul3A_20 = arith.muli %add3A, %mul3A_19 : i32
      %add3A_21 = arith.addi %mul3A_20, %add3A_18 : i32
      "tpu.region"() ({
        %run_scoped3A_24 = tpu.sem_alloc : memref<!tpu.dma_semaphore, #tpu.memory_space<semaphore_mem>>
        %dma_start3A = arith.constant 0 : i32
        %dma_start3A_25 = arith.constant 0 : i32
        %dma_start3A_26 = tpu.memref_slice %arg3[%add3A_21, %dma_start3A, %dma_start3A_25] : memref<512x1x320xi32, #tpu.memory_space<hbm>> -> memref<1x1x320xi32, #tpu.memory_space<hbm>>
        %dma_start3A_27 = tpu.memref_squeeze %dma_start3A_26 : memref<1x1x320xi32, #tpu.memory_space<hbm>> -> memref<1x320xi32, #tpu.memory_space<hbm>>
        %dma_start3A_28 = arith.constant 0 : i32
        %dma_start3A_29 = arith.constant 0 : i32
        %dma_start3A_30 = tpu.memref_slice %arg3[%add3A_21, %dma_start3A_28, %dma_start3A_29] : memref<512x1x320xi32, #tpu.memory_space<hbm>> -> memref<1x1x320xi32, #tpu.memory_space<hbm>>
        %dma_start3A_31 = tpu.memref_squeeze %dma_start3A_30 : memref<1x1x320xi32, #tpu.memory_space<hbm>> -> memref<1x320xi32, #tpu.memory_space<hbm>>
        tpu.enqueue_dma source(%dma_start3A_31 : memref<1x320xi32, #tpu.memory_space<hbm>>) target(%arg8 : memref<1x320xi32, #tpu.memory_space<vmem>>) target_semaphore(%run_scoped3A_24 : memref<!tpu.dma_semaphore, #tpu.memory_space<semaphore_mem>>)
        %dma_wait3A = arith.constant 0 : i32
        %dma_wait3A_32 = arith.constant 0 : i32
        %dma_wait3A_33 = tpu.memref_slice %arg3[%add3A_21, %dma_wait3A, %dma_wait3A_32] : memref<512x1x320xi32, #tpu.memory_space<hbm>> -> memref<1x1x320xi32, #tpu.memory_space<hbm>>
        %dma_wait3A_34 = tpu.memref_squeeze %dma_wait3A_33 : memref<1x1x320xi32, #tpu.memory_space<hbm>> -> memref<1x320xi32, #tpu.memory_space<hbm>>
        %dma_wait3A_35 = arith.constant 0 : i32
        %dma_wait3A_36 = arith.constant 0 : i32
        %dma_wait3A_37 = tpu.memref_slice %arg3[%add3A_21, %dma_wait3A_35, %dma_wait3A_36] : memref<512x1x320xi32, #tpu.memory_space<hbm>> -> memref<1x1x320xi32, #tpu.memory_space<hbm>>
        %dma_wait3A_38 = tpu.memref_squeeze %dma_wait3A_37 : memref<1x1x320xi32, #tpu.memory_space<hbm>> -> memref<1x320xi32, #tpu.memory_space<hbm>>
        tpu.wait_dma2 semaphore(%run_scoped3A_24 : memref<!tpu.dma_semaphore, #tpu.memory_space<semaphore_mem>>) src(%dma_wait3A_38 : memref<1x320xi32, #tpu.memory_space<hbm>>) dst(%arg8 : memref<1x320xi32, #tpu.memory_space<vmem>>)
        tpu.yield
      }) : () -> ()
      %mul3A_22 = arith.constant 320 : i32
      %mul3A_23 = arith.muli %add3A_21, %mul3A_22 : i32
      "tpu.region"() ({
        %run_scoped3A_24 = tpu.sem_alloc : memref<!tpu.dma_semaphore, #tpu.memory_space<semaphore_mem>>
        %dma_start3A = arith.constant 0 : i32
        %dma_start3A_25 = tpu.memref_slice %arg2[%mul3A_23, %dma_start3A] : memref<163840x128xf32, #tpu.memory_space<hbm>> -> memref<320x128xf32, #tpu.memory_space<hbm>>
        %dma_start3A_26 = arith.constant 0 : i32
        %dma_start3A_27 = tpu.memref_slice %arg2[%mul3A_23, %dma_start3A_26] : memref<163840x128xf32, #tpu.memory_space<hbm>> -> memref<320x128xf32, #tpu.memory_space<hbm>>
        tpu.enqueue_dma source(%dma_start3A_27 : memref<320x128xf32, #tpu.memory_space<hbm>>) target(%arg7 : memref<320x128xf32, #tpu.memory_space<vmem>>) target_semaphore(%run_scoped3A_24 : memref<!tpu.dma_semaphore, #tpu.memory_space<semaphore_mem>>)
        %dma_wait3A = arith.constant 0 : i32
        %dma_wait3A_28 = tpu.memref_slice %arg2[%mul3A_23, %dma_wait3A] : memref<163840x128xf32, #tpu.memory_space<hbm>> -> memref<320x128xf32, #tpu.memory_space<hbm>>
        %dma_wait3A_29 = arith.constant 0 : i32
        %dma_wait3A_30 = tpu.memref_slice %arg2[%mul3A_23, %dma_wait3A_29] : memref<163840x128xf32, #tpu.memory_space<hbm>> -> memref<320x128xf32, #tpu.memory_space<hbm>>
        tpu.wait_dma2 semaphore(%run_scoped3A_24 : memref<!tpu.dma_semaphore, #tpu.memory_space<semaphore_mem>>) src(%dma_wait3A_30 : memref<320x128xf32, #tpu.memory_space<hbm>>) dst(%arg7 : memref<320x128xf32, #tpu.memory_space<vmem>>)
        tpu.yield
      }) : () -> ()
      %run_scoped3A = arith.constant 0 : i32
      "tpu.region"() ({
        %run_scoped3A_24 = tpu.sem_alloc : memref<!tpu.dma_semaphore, #tpu.memory_space<semaphore_mem>>
        %dma_start3A = arith.constant 0 : i32
        %dma_start3A_25 = tpu.memref_slice %arg8[%run_scoped3A, %dma_start3A] : memref<1x320xi32, #tpu.memory_space<vmem>> -> memref<1x320xi32, #tpu.memory_space<vmem>>
        %dma_start3A_26 = tpu.memref_squeeze %dma_start3A_25 : memref<1x320xi32, #tpu.memory_space<vmem>> -> memref<320xi32, #tpu.memory_space<vmem>>
        %dma_start3A_27 = arith.constant 0 : i32
        %dma_start3A_28 = arith.constant 0 : i32
        %dma_start3A_29 = tpu.memref_slice %arg6[%dma_start3A_27, %dma_start3A_28] : memref<10240x128xf32, #tpu.memory_space<vmem_shared>> -> memref<10240x128xf32, #tpu.memory_space<vmem_shared>>
        tpu.enqueue_indirect_dma source(%arg7 : memref<320x128xf32, #tpu.memory_space<vmem>>) target(%dma_start3A_29 : memref<10240x128xf32, #tpu.memory_space<vmem_shared>>) offsets(%dma_start3A_26 : memref<320xi32, #tpu.memory_space<vmem>>) semaphore(%run_scoped3A_24 : memref<!tpu.dma_semaphore, #tpu.memory_space<semaphore_mem>>) {add = true}
        %dma_wait3A = arith.constant 0 : i32
        %dma_wait3A_30 = tpu.memref_slice %arg8[%run_scoped3A, %dma_wait3A] : memref<1x320xi32, #tpu.memory_space<vmem>> -> memref<1x320xi32, #tpu.memory_space<vmem>>
        %dma_wait3A_31 = tpu.memref_squeeze %dma_wait3A_30 : memref<1x320xi32, #tpu.memory_space<vmem>> -> memref<320xi32, #tpu.memory_space<vmem>>
        %dma_wait3A_32 = arith.constant 0 : i32
        %dma_wait3A_33 = arith.constant 0 : i32
        %dma_wait3A_34 = tpu.memref_slice %arg6[%dma_wait3A_32, %dma_wait3A_33] : memref<10240x128xf32, #tpu.memory_space<vmem_shared>> -> memref<10240x128xf32, #tpu.memory_space<vmem_shared>>
        tpu.wait_indirect_dma semaphore(%run_scoped3A_24 : memref<!tpu.dma_semaphore, #tpu.memory_space<semaphore_mem>>) src(%arg7 : memref<320x128xf32, #tpu.memory_space<vmem>>) dst(%dma_wait3A_34 : memref<10240x128xf32, #tpu.memory_space<vmem_shared>>)
        tpu.yield
      }) : () -> ()
    }
    %scan3A_8 = arith.constant 16 : i32
    %barrier3A_9 = arith.constant 0 : index
    tpu.barrier barrier_id(%barrier3A_9)
    %mul3A_10 = arith.constant 640 : i32
    %mul3A_11 = arith.muli %arg1, %mul3A_10 : i32
    %mul3A_12 = arith.constant 640 : i32
    %mul3A_13 = arith.muli %arg1, %mul3A_12 : i32
    "tpu.region"() ({
      %run_scoped3A = tpu.sem_alloc : memref<!tpu.dma_semaphore, #tpu.memory_space<semaphore_mem>>
      %dma_start3A = arith.constant 0 : i32
      %dma_start3A_14 = arith.constant 0 : i32
      %dma_start3A_15 = tpu.memref_slice %arg5[%arg0, %dma_start3A, %dma_start3A_14] : memref<2x10240x128xf32, #tpu.memory_space<hbm>> -> memref<1x10240x128xf32, #tpu.memory_space<hbm>>
      %dma_start3A_16 = tpu.memref_squeeze %dma_start3A_15 : memref<1x10240x128xf32, #tpu.memory_space<hbm>> -> memref<10240x128xf32, #tpu.memory_space<hbm>>
      %dma_start3A_17 = arith.constant 0 : i32
      %dma_start3A_18 = tpu.memref_slice %dma_start3A_16[%mul3A_13, %dma_start3A_17] : memref<10240x128xf32, #tpu.memory_space<hbm>> -> memref<640x128xf32, #tpu.memory_space<hbm>>
      %dma_start3A_19 = arith.constant 0 : i32
      %dma_start3A_20 = tpu.memref_slice %arg6[%mul3A_11, %dma_start3A_19] : memref<10240x128xf32, #tpu.memory_space<vmem_shared>> -> memref<640x128xf32, #tpu.memory_space<vmem_shared>>
      tpu.enqueue_dma source(%dma_start3A_20 : memref<640x128xf32, #tpu.memory_space<vmem_shared>>) target(%dma_start3A_18 : memref<640x128xf32, #tpu.memory_space<hbm>>) target_semaphore(%run_scoped3A : memref<!tpu.dma_semaphore, #tpu.memory_space<semaphore_mem>>)
      %dma_wait3A = arith.constant 0 : i32
      %dma_wait3A_21 = arith.constant 0 : i32
      %dma_wait3A_22 = tpu.memref_slice %arg5[%arg0, %dma_wait3A, %dma_wait3A_21] : memref<2x10240x128xf32, #tpu.memory_space<hbm>> -> memref<1x10240x128xf32, #tpu.memory_space<hbm>>
      %dma_wait3A_23 = tpu.memref_squeeze %dma_wait3A_22 : memref<1x10240x128xf32, #tpu.memory_space<hbm>> -> memref<10240x128xf32, #tpu.memory_space<hbm>>
      %dma_wait3A_24 = arith.constant 0 : i32
      %dma_wait3A_25 = tpu.memref_slice %dma_wait3A_23[%mul3A_13, %dma_wait3A_24] : memref<10240x128xf32, #tpu.memory_space<hbm>> -> memref<640x128xf32, #tpu.memory_space<hbm>>
      %dma_wait3A_26 = arith.constant 0 : i32
      %dma_wait3A_27 = tpu.memref_slice %arg6[%mul3A_11, %dma_wait3A_26] : memref<10240x128xf32, #tpu.memory_space<vmem_shared>> -> memref<640x128xf32, #tpu.memory_space<vmem_shared>>
      tpu.wait_dma2 semaphore(%run_scoped3A : memref<!tpu.dma_semaphore, #tpu.memory_space<semaphore_mem>>) src(%dma_wait3A_27 : memref<640x128xf32, #tpu.memory_space<vmem_shared>>) dst(%dma_wait3A_25 : memref<640x128xf32, #tpu.memory_space<hbm>>)
      tpu.yield
    }) : () -> ()
    return
  }
}

#map = affine_map<(d0, d1) -> (0, 0)>
module attributes {stable_mosaic.version = 14 : i64} {
  func.func @k(%arg0: i32, %arg1: i32, %arg2: memref<10240x128xf32, #tpu.memory_space<hbm>>, %arg3: memref<10240x128xf32, #tpu.memory_space<hbm>>, %arg4: memref<1x163840xi32, #tpu.memory_space<hbm>>, %arg5: memref<163840x128xf32, #tpu.memory_space<hbm>>) attributes {dimension_semantics = [#tpu.dimension_semantics<core_parallel>, #tpu.dimension_semantics<subcore_parallel>], iteration_bounds = array<i64: 2, 16>, scalar_prefetch = 0 : i64, scratch_operands = 0 : i64, tpu.core_type = #tpu.core_type<sc_vector_subcore>, window_params = [{transform_indices = #map}, {transform_indices = #map}, {transform_indices = #map}, {transform_indices = #map}]} {
    %mul3A = arith.constant 1 : i32
    %mul3A_0 = arith.muli %arg1, %mul3A : i32
    %add3A = arith.constant 0 : i32
    %add3A_1 = arith.addi %add3A, %mul3A_0 : i32
    %mul3A_2 = arith.constant 16 : i32
    %mul3A_3 = arith.muli %arg0, %mul3A_2 : i32
    %add3A_4 = arith.addi %add3A_1, %mul3A_3 : i32
    %mul3A_5 = arith.constant 20 : i32
    %mul3A_6 = arith.muli %add3A_4, %mul3A_5 : i32
    "tpu.region"() ({
      %run_scoped3A = memref.alloca() : memref<2x1x256xi32, #tpu.memory_space<vmem>>
      %run_scoped3A_7 = tpu.sem_alloc : memref<2x!tpu.dma_semaphore, #tpu.memory_space<semaphore_mem>>
      %run_scoped3A_8 = memref.alloca() : memref<2x256x128xf32, #tpu.memory_space<vmem>>
      %run_scoped3A_9 = tpu.sem_alloc : memref<2x!tpu.dma_semaphore, #tpu.memory_space<semaphore_mem>>
      %add3A_10 = arith.constant 0 : i32
      %add3A_11 = arith.addi %add3A_10, %mul3A_6 : i32
      %select_n3A = arith.constant true
      %select_n3A_12 = arith.constant 0 : i32
      %select_n3A_13 = arith.constant -1 : i32
      %select_n3A_14 = arith.select %select_n3A, %select_n3A_13, %select_n3A_12 : i32
      %eq3A = arith.constant -1 : i32
      %eq3A_15 = arith.cmpi eq, %select_n3A_14, %eq3A : i32
      %select_n3A_16 = arith.constant 19 : i32
      %select_n3A_17 = arith.select %eq3A_15, %select_n3A_16, %select_n3A_14 : i32
      %add3A_18 = arith.addi %select_n3A_17, %mul3A_6 : i32
      %select_n3A_19 = arith.constant true
      %select_n3A_20 = arith.constant 0 : i32
      %select_n3A_21 = arith.constant 1 : i32
      %select_n3A_22 = arith.select %select_n3A_19, %select_n3A_21, %select_n3A_20 : i32
      %eq3A_23 = arith.constant 20 : i32
      %eq3A_24 = arith.cmpi eq, %select_n3A_22, %eq3A_23 : i32
      %select_n3A_25 = arith.constant 0 : i32
      %select_n3A_26 = arith.select %eq3A_24, %select_n3A_25, %select_n3A_22 : i32
      %add3A_27 = arith.addi %select_n3A_26, %mul3A_6 : i32
      %add3A_28 = arith.constant 1 : i32
      %add3A_29 = arith.addi %select_n3A_26, %add3A_28 : i32
      %select_n3A_30 = arith.constant true
      %select_n3A_31 = arith.select %select_n3A_30, %add3A_29, %select_n3A_26 : i32
      %eq3A_32 = arith.constant 20 : i32
      %eq3A_33 = arith.cmpi eq, %select_n3A_31, %eq3A_32 : i32
      %select_n3A_34 = arith.constant 0 : i32
      %select_n3A_35 = arith.select %eq3A_33, %select_n3A_34, %select_n3A_31 : i32
      %add3A_36 = arith.addi %select_n3A_35, %mul3A_6 : i32
      "tpu.trace_start"() <{level = 10 : i32, message = "ep_initialize_0"}> : () -> ()
      %rem3A = arith.constant 0 : i32
      %rem3A_37 = arith.constant 2 : i32
      %rem3A_38 = arith.remui %rem3A, %rem3A_37 : i32
      %mul3A_39 = arith.constant 256 : i32
      %mul3A_40 = arith.muli %mul3A_39, %add3A_11 : i32
      %dma_start3A = arith.constant 0 : i32
      %dma_start3A_41 = arith.constant 0 : i32
      %dma_start3A_42 = tpu.memref_slice %run_scoped3A[%rem3A_38, %dma_start3A, %dma_start3A_41] : memref<2x1x256xi32, #tpu.memory_space<vmem>> -> memref<1x1x256xi32, #tpu.memory_space<vmem>>
      %dma_start3A_43 = tpu.memref_squeeze %dma_start3A_42 : memref<1x1x256xi32, #tpu.memory_space<vmem>> -> memref<1x256xi32, #tpu.memory_space<vmem>>
      %dma_start3A_44 = arith.constant 0 : i32
      %dma_start3A_45 = tpu.memref_slice %arg4[%dma_start3A_44, %mul3A_40] : memref<1x163840xi32, #tpu.memory_space<hbm>> -> memref<1x256xi32, #tpu.memory_space<hbm>>
      %dma_start3A_46 = tpu.memref_slice %run_scoped3A_7[%rem3A_38] : memref<2x!tpu.dma_semaphore, #tpu.memory_space<semaphore_mem>> -> memref<1x!tpu.dma_semaphore, #tpu.memory_space<semaphore_mem>>
      %dma_start3A_47 = tpu.memref_squeeze %dma_start3A_46 : memref<1x!tpu.dma_semaphore, #tpu.memory_space<semaphore_mem>> -> memref<!tpu.dma_semaphore, #tpu.memory_space<semaphore_mem>>
      %dma_start3A_48 = arith.constant 0 : i32
      %dma_start3A_49 = arith.constant 0 : i32
      %dma_start3A_50 = tpu.memref_slice %run_scoped3A[%rem3A_38, %dma_start3A_48, %dma_start3A_49] : memref<2x1x256xi32, #tpu.memory_space<vmem>> -> memref<1x1x256xi32, #tpu.memory_space<vmem>>
      %dma_start3A_51 = tpu.memref_squeeze %dma_start3A_50 : memref<1x1x256xi32, #tpu.memory_space<vmem>> -> memref<1x256xi32, #tpu.memory_space<vmem>>
      %dma_start3A_52 = arith.constant 0 : i32
      %dma_start3A_53 = tpu.memref_slice %arg4[%dma_start3A_52, %mul3A_40] : memref<1x163840xi32, #tpu.memory_space<hbm>> -> memref<1x256xi32, #tpu.memory_space<hbm>>
      tpu.enqueue_dma source(%dma_start3A_53 : memref<1x256xi32, #tpu.memory_space<hbm>>) target(%dma_start3A_51 : memref<1x256xi32, #tpu.memory_space<vmem>>) target_semaphore(%dma_start3A_47 : memref<!tpu.dma_semaphore, #tpu.memory_space<semaphore_mem>>)
      %add3A_54 = arith.constant 0 : i32
      %add3A_55 = arith.constant 1 : i32
      %add3A_56 = arith.addi %add3A_54, %add3A_55 : i32
      %select_n3A_57 = arith.constant true
      %select_n3A_58 = arith.constant 0 : i32
      %select_n3A_59 = arith.select %select_n3A_57, %add3A_56, %select_n3A_58 : i32
      "tpu.trace_stop"() : () -> ()
      %scan3A = arith.constant 0 : i32
      %scan3A_60 = arith.constant 0 : i32
      %scan3A_61 = arith.constant 0 : i32
      %scan3A_62 = arith.constant 0 : i32
      %scan3A_63 = arith.constant 0 : i32
      %scan3A_64 = arith.constant 20 : i32
      %scan3A_65 = arith.addi %scan3A_63, %scan3A_64 : i32
      %scan3A_66 = arith.constant 1 : i32
      %scan3A_67:5 = scf.for %scan3A_121 = %scan3A_63 to %scan3A_65 step %scan3A_66 iter_args(%scan3A_122 = %select_n3A_59, %scan3A_123 = %scan3A, %scan3A_124 = %scan3A_60, %scan3A_125 = %scan3A_61, %scan3A_126 = %scan3A_62) -> (i32, i32, i32, i32, i32)  : i32 {
        %eq3A_127 = arith.constant 0 : i32
        %eq3A_128 = arith.cmpi eq, %scan3A_121, %eq3A_127 : i32
        %eq3A_129 = arith.constant 19 : i32
        %eq3A_130 = arith.cmpi eq, %scan3A_121, %eq3A_129 : i32
        %add3A_131 = arith.addi %scan3A_126, %mul3A_6 : i32
        %sub3A_132 = arith.constant 1 : i32
        %sub3A_133 = arith.subi %scan3A_126, %sub3A_132 : i32
        %select_n3A_134 = arith.constant true
        %select_n3A_135 = arith.select %select_n3A_134, %sub3A_133, %scan3A_126 : i32
        %eq3A_136 = arith.constant -1 : i32
        %eq3A_137 = arith.cmpi eq, %select_n3A_135, %eq3A_136 : i32
        %select_n3A_138 = arith.constant 19 : i32
        %select_n3A_139 = arith.select %eq3A_137, %select_n3A_138, %select_n3A_135 : i32
        %add3A_140 = arith.addi %select_n3A_139, %mul3A_6 : i32
        %add3A_141 = arith.constant 1 : i32
        %add3A_142 = arith.addi %scan3A_126, %add3A_141 : i32
        %select_n3A_143 = arith.constant true
        %select_n3A_144 = arith.select %select_n3A_143, %add3A_142, %scan3A_126 : i32
        %eq3A_145 = arith.constant 20 : i32
        %eq3A_146 = arith.cmpi eq, %select_n3A_144, %eq3A_145 : i32
        %select_n3A_147 = arith.constant 0 : i32
        %select_n3A_148 = arith.select %eq3A_146, %select_n3A_147, %select_n3A_144 : i32
        %add3A_149 = arith.addi %select_n3A_148, %mul3A_6 : i32
        %add3A_150 = arith.constant 1 : i32
        %add3A_151 = arith.addi %select_n3A_148, %add3A_150 : i32
        %select_n3A_152 = arith.constant true
        %select_n3A_153 = arith.select %select_n3A_152, %add3A_151, %select_n3A_148 : i32
        %eq3A_154 = arith.constant 20 : i32
        %eq3A_155 = arith.cmpi eq, %select_n3A_153, %eq3A_154 : i32
        %select_n3A_156 = arith.constant 0 : i32
        %select_n3A_157 = arith.select %eq3A_155, %select_n3A_156, %select_n3A_153 : i32
        %add3A_158 = arith.addi %select_n3A_157, %mul3A_6 : i32
        %ne3A = arith.cmpi ne, %add3A_131, %add3A_149 : i32
        %or3A = arith.constant false
        %or3A_159 = arith.ori %or3A, %ne3A : i1
        %ge3A = arith.constant 19 : i32
        %ge3A_160 = arith.cmpi sge, %scan3A_121, %ge3A : i32
        %not3A = arith.constant true
        %not3A_161 = arith.xori %ge3A_160, %not3A : i1
        %and3A = arith.andi %or3A_159, %not3A_161 : i1
        %convert_element_type3A = arith.extui %and3A : i1 to i32
        %cond3A = arith.constant 0 : i32
        %cond3A_162 = arith.cmpi ne, %convert_element_type3A, %cond3A : i32
        scf.if %cond3A_162 {
          "tpu.trace_start"() <{level = 10 : i32, message = "ep_copy_in"}> : () -> ()
          %rem3A_265 = arith.constant 2 : i32
          %rem3A_266 = arith.remui %scan3A_122, %rem3A_265 : i32
          %mul3A_267 = arith.constant 256 : i32
          %mul3A_268 = arith.muli %mul3A_267, %add3A_149 : i32
          %dma_start3A_269 = arith.constant 0 : i32
          %dma_start3A_270 = arith.constant 0 : i32
          %dma_start3A_271 = tpu.memref_slice %run_scoped3A[%rem3A_266, %dma_start3A_269, %dma_start3A_270] : memref<2x1x256xi32, #tpu.memory_space<vmem>> -> memref<1x1x256xi32, #tpu.memory_space<vmem>>
          %dma_start3A_272 = tpu.memref_squeeze %dma_start3A_271 : memref<1x1x256xi32, #tpu.memory_space<vmem>> -> memref<1x256xi32, #tpu.memory_space<vmem>>
          %dma_start3A_273 = arith.constant 0 : i32
          %dma_start3A_274 = tpu.memref_slice %arg4[%dma_start3A_273, %mul3A_268] : memref<1x163840xi32, #tpu.memory_space<hbm>> -> memref<1x256xi32, #tpu.memory_space<hbm>>
          %dma_start3A_275 = tpu.memref_slice %run_scoped3A_7[%rem3A_266] : memref<2x!tpu.dma_semaphore, #tpu.memory_space<semaphore_mem>> -> memref<1x!tpu.dma_semaphore, #tpu.memory_space<semaphore_mem>>
          %dma_start3A_276 = tpu.memref_squeeze %dma_start3A_275 : memref<1x!tpu.dma_semaphore, #tpu.memory_space<semaphore_mem>> -> memref<!tpu.dma_semaphore, #tpu.memory_space<semaphore_mem>>
          %dma_start3A_277 = arith.constant 0 : i32
          %dma_start3A_278 = arith.constant 0 : i32
          %dma_start3A_279 = tpu.memref_slice %run_scoped3A[%rem3A_266, %dma_start3A_277, %dma_start3A_278] : memref<2x1x256xi32, #tpu.memory_space<vmem>> -> memref<1x1x256xi32, #tpu.memory_space<vmem>>
          %dma_start3A_280 = tpu.memref_squeeze %dma_start3A_279 : memref<1x1x256xi32, #tpu.memory_space<vmem>> -> memref<1x256xi32, #tpu.memory_space<vmem>>
          %dma_start3A_281 = arith.constant 0 : i32
          %dma_start3A_282 = tpu.memref_slice %arg4[%dma_start3A_281, %mul3A_268] : memref<1x163840xi32, #tpu.memory_space<hbm>> -> memref<1x256xi32, #tpu.memory_space<hbm>>
          tpu.enqueue_dma source(%dma_start3A_282 : memref<1x256xi32, #tpu.memory_space<hbm>>) target(%dma_start3A_280 : memref<1x256xi32, #tpu.memory_space<vmem>>) target_semaphore(%dma_start3A_276 : memref<!tpu.dma_semaphore, #tpu.memory_space<semaphore_mem>>)
          "tpu.trace_stop"() : () -> ()
        } else {
        }
        %and3A_163 = arith.constant true
        %and3A_164 = arith.andi %and3A, %and3A_163 : i1
        %add3A_165 = arith.constant 1 : i32
        %add3A_166 = arith.addi %scan3A_122, %add3A_165 : i32
        %select_n3A_167 = arith.select %and3A_164, %add3A_166, %scan3A_122 : i32
        %ne3A_168 = arith.cmpi ne, %add3A_131, %add3A_149 : i32
        %or3A_169 = arith.constant false
        %or3A_170 = arith.ori %or3A_169, %ne3A_168 : i1
        %or3A_171 = arith.constant false
        %or3A_172 = arith.ori %or3A_170, %or3A_171 : i1
        %ge3A_173 = arith.constant 19 : i32
        %ge3A_174 = arith.cmpi sge, %scan3A_121, %ge3A_173 : i32
        %not3A_175 = arith.constant true
        %not3A_176 = arith.xori %ge3A_174, %not3A_175 : i1
        %and3A_177 = arith.andi %or3A_172, %not3A_176 : i1
        %ne3A_178 = arith.cmpi ne, %add3A_131, %add3A_140 : i32
        %or3A_179 = arith.constant false
        %or3A_180 = arith.ori %or3A_179, %ne3A_178 : i1
        %or3A_181 = arith.ori %or3A_180, %eq3A_128 : i1
        %convert_element_type3A_182 = arith.extui %or3A_181 : i1 to i32
        %cond3A_183 = arith.constant 0 : i32
        %cond3A_184 = arith.cmpi ne, %convert_element_type3A_182, %cond3A_183 : i32
        scf.if %cond3A_184 {
          "tpu.trace_start"() <{level = 10 : i32, message = "ep_wait_in"}> : () -> ()
          %mul3A_265 = arith.constant 256 : i32
          %mul3A_266 = arith.muli %mul3A_265, %add3A_131 : i32
          %rem3A_267 = arith.constant 2 : i32
          %rem3A_268 = arith.remui %scan3A_123, %rem3A_267 : i32
          %dma_wait3A_269 = arith.constant 0 : i32
          %dma_wait3A_270 = arith.constant 0 : i32
          %dma_wait3A_271 = tpu.memref_slice %run_scoped3A[%rem3A_268, %dma_wait3A_269, %dma_wait3A_270] : memref<2x1x256xi32, #tpu.memory_space<vmem>> -> memref<1x1x256xi32, #tpu.memory_space<vmem>>
          %dma_wait3A_272 = tpu.memref_squeeze %dma_wait3A_271 : memref<1x1x256xi32, #tpu.memory_space<vmem>> -> memref<1x256xi32, #tpu.memory_space<vmem>>
          %dma_wait3A_273 = arith.constant 0 : i32
          %dma_wait3A_274 = tpu.memref_slice %arg4[%dma_wait3A_273, %mul3A_266] : memref<1x163840xi32, #tpu.memory_space<hbm>> -> memref<1x256xi32, #tpu.memory_space<hbm>>
          %dma_wait3A_275 = tpu.memref_slice %run_scoped3A_7[%rem3A_268] : memref<2x!tpu.dma_semaphore, #tpu.memory_space<semaphore_mem>> -> memref<1x!tpu.dma_semaphore, #tpu.memory_space<semaphore_mem>>
          %dma_wait3A_276 = tpu.memref_squeeze %dma_wait3A_275 : memref<1x!tpu.dma_semaphore, #tpu.memory_space<semaphore_mem>> -> memref<!tpu.dma_semaphore, #tpu.memory_space<semaphore_mem>>
          %dma_wait3A_277 = arith.constant 0 : i32
          %dma_wait3A_278 = arith.constant 0 : i32
          %dma_wait3A_279 = tpu.memref_slice %run_scoped3A[%rem3A_268, %dma_wait3A_277, %dma_wait3A_278] : memref<2x1x256xi32, #tpu.memory_space<vmem>> -> memref<1x1x256xi32, #tpu.memory_space<vmem>>
          %dma_wait3A_280 = tpu.memref_squeeze %dma_wait3A_279 : memref<1x1x256xi32, #tpu.memory_space<vmem>> -> memref<1x256xi32, #tpu.memory_space<vmem>>
          %dma_wait3A_281 = arith.constant 0 : i32
          %dma_wait3A_282 = tpu.memref_slice %arg4[%dma_wait3A_281, %mul3A_266] : memref<1x163840xi32, #tpu.memory_space<hbm>> -> memref<1x256xi32, #tpu.memory_space<hbm>>
          tpu.wait_dma2 semaphore(%dma_wait3A_276 : memref<!tpu.dma_semaphore, #tpu.memory_space<semaphore_mem>>) src(%dma_wait3A_282 : memref<1x256xi32, #tpu.memory_space<hbm>>) dst(%dma_wait3A_280 : memref<1x256xi32, #tpu.memory_space<vmem>>)
          "tpu.trace_stop"() : () -> ()
        } else {
        }
        %ne3A_185 = arith.cmpi ne, %add3A_131, %add3A_140 : i32
        %or3A_186 = arith.constant false
        %or3A_187 = arith.ori %or3A_186, %ne3A_185 : i1
        %or3A_188 = arith.constant false
        %or3A_189 = arith.ori %or3A_187, %or3A_188 : i1
        %or3A_190 = arith.ori %or3A_189, %eq3A_128 : i1
        %convert_element_type3A_191 = arith.extui %or3A_190 : i1 to i32
        %cond3A_192 = arith.constant 0 : i32
        %cond3A_193 = arith.cmpi ne, %convert_element_type3A_191, %cond3A_192 : i32
        scf.if %cond3A_193 {
        } else {
        }
        %rem3A_194 = arith.constant 2 : i32
        %rem3A_195 = arith.remui %scan3A_123, %rem3A_194 : i32
        %rem3A_196 = arith.constant 2 : i32
        %rem3A_197 = arith.remui %scan3A_124, %rem3A_196 : i32
        %run_scoped3A_198 = arith.constant 0 : i32
        "tpu.trace_start"() <{level = 10 : i32, message = "ep_run_kernel"}> : () -> ()
        "tpu.region"() ({
          %run_scoped3A_265 = tpu.sem_alloc : memref<!tpu.dma_semaphore, #tpu.memory_space<semaphore_mem>>
          %dma_start3A_266 = arith.constant 0 : i32
          %dma_start3A_267 = arith.constant 0 : i32
          %dma_start3A_268 = tpu.memref_slice %run_scoped3A_8[%rem3A_197, %dma_start3A_266, %dma_start3A_267] : memref<2x256x128xf32, #tpu.memory_space<vmem>> -> memref<1x256x128xf32, #tpu.memory_space<vmem>>
          %dma_start3A_269 = tpu.memref_squeeze %dma_start3A_268 : memref<1x256x128xf32, #tpu.memory_space<vmem>> -> memref<256x128xf32, #tpu.memory_space<vmem>>
          %dma_start3A_270 = arith.constant 0 : i32
          %dma_start3A_271 = arith.constant 0 : i32
          %dma_start3A_272 = tpu.memref_slice %run_scoped3A[%rem3A_195, %dma_start3A_270, %dma_start3A_271] : memref<2x1x256xi32, #tpu.memory_space<vmem>> -> memref<1x1x256xi32, #tpu.memory_space<vmem>>
          %dma_start3A_273 = tpu.memref_squeeze %dma_start3A_272 : memref<1x1x256xi32, #tpu.memory_space<vmem>> -> memref<1x256xi32, #tpu.memory_space<vmem>>
          %dma_start3A_274 = arith.constant 0 : i32
          %dma_start3A_275 = tpu.memref_slice %dma_start3A_273[%run_scoped3A_198, %dma_start3A_274] : memref<1x256xi32, #tpu.memory_space<vmem>> -> memref<1x256xi32, #tpu.memory_space<vmem>>
          %dma_start3A_276 = tpu.memref_squeeze %dma_start3A_275 : memref<1x256xi32, #tpu.memory_space<vmem>> -> memref<256xi32, #tpu.memory_space<vmem>>
          %dma_start3A_277 = arith.constant 0 : i32
          %dma_start3A_278 = arith.constant 0 : i32
          %dma_start3A_279 = tpu.memref_slice %arg2[%dma_start3A_277, %dma_start3A_278] : memref<10240x128xf32, #tpu.memory_space<hbm>> -> memref<10240x128xf32, #tpu.memory_space<hbm>>
          tpu.enqueue_indirect_dma source(%dma_start3A_279 : memref<10240x128xf32, #tpu.memory_space<hbm>>) target(%dma_start3A_269 : memref<256x128xf32, #tpu.memory_space<vmem>>) offsets(%dma_start3A_276 : memref<256xi32, #tpu.memory_space<vmem>>) semaphore(%run_scoped3A_265 : memref<!tpu.dma_semaphore, #tpu.memory_space<semaphore_mem>>)
          %dma_wait3A_280 = arith.constant 0 : i32
          %dma_wait3A_281 = arith.constant 0 : i32
          %dma_wait3A_282 = tpu.memref_slice %run_scoped3A_8[%rem3A_197, %dma_wait3A_280, %dma_wait3A_281] : memref<2x256x128xf32, #tpu.memory_space<vmem>> -> memref<1x256x128xf32, #tpu.memory_space<vmem>>
          %dma_wait3A_283 = tpu.memref_squeeze %dma_wait3A_282 : memref<1x256x128xf32, #tpu.memory_space<vmem>> -> memref<256x128xf32, #tpu.memory_space<vmem>>
          %dma_wait3A_284 = arith.constant 0 : i32
          %dma_wait3A_285 = arith.constant 0 : i32
          %dma_wait3A_286 = tpu.memref_slice %run_scoped3A[%rem3A_195, %dma_wait3A_284, %dma_wait3A_285] : memref<2x1x256xi32, #tpu.memory_space<vmem>> -> memref<1x1x256xi32, #tpu.memory_space<vmem>>
          %dma_wait3A_287 = tpu.memref_squeeze %dma_wait3A_286 : memref<1x1x256xi32, #tpu.memory_space<vmem>> -> memref<1x256xi32, #tpu.memory_space<vmem>>
          %dma_wait3A_288 = arith.constant 0 : i32
          %dma_wait3A_289 = tpu.memref_slice %dma_wait3A_287[%run_scoped3A_198, %dma_wait3A_288] : memref<1x256xi32, #tpu.memory_space<vmem>> -> memref<1x256xi32, #tpu.memory_space<vmem>>
          %dma_wait3A_290 = tpu.memref_squeeze %dma_wait3A_289 : memref<1x256xi32, #tpu.memory_space<vmem>> -> memref<256xi32, #tpu.memory_space<vmem>>
          %dma_wait3A_291 = arith.constant 0 : i32
          %dma_wait3A_292 = arith.constant 0 : i32
          %dma_wait3A_293 = tpu.memref_slice %arg2[%dma_wait3A_291, %dma_wait3A_292] : memref<10240x128xf32, #tpu.memory_space<hbm>> -> memref<10240x128xf32, #tpu.memory_space<hbm>>
          tpu.wait_indirect_dma semaphore(%run_scoped3A_265 : memref<!tpu.dma_semaphore, #tpu.memory_space<semaphore_mem>>) src(%dma_wait3A_293 : memref<10240x128xf32, #tpu.memory_space<hbm>>) dst(%dma_wait3A_283 : memref<256x128xf32, #tpu.memory_space<vmem>>)
          tpu.yield
        }) : () -> ()
        %run_scoped3A_199 = arith.constant 0 : i32
        "tpu.region"() ({
          %run_scoped3A_265 = tpu.sem_alloc : memref<!tpu.dma_semaphore, #tpu.memory_space<semaphore_mem>>
          %dma_start3A_266 = arith.constant 0 : i32
          %dma_start3A_267 = arith.constant 0 : i32
          %dma_start3A_268 = tpu.memref_slice %run_scoped3A_8[%rem3A_197, %dma_start3A_266, %dma_start3A_267] : memref<2x256x128xf32, #tpu.memory_space<vmem>> -> memref<1x256x128xf32, #tpu.memory_space<vmem>>
          %dma_start3A_269 = tpu.memref_squeeze %dma_start3A_268 : memref<1x256x128xf32, #tpu.memory_space<vmem>> -> memref<256x128xf32, #tpu.memory_space<vmem>>
          %dma_start3A_270 = arith.constant 0 : i32
          %dma_start3A_271 = arith.constant 0 : i32
          %dma_start3A_272 = tpu.memref_slice %run_scoped3A[%rem3A_195, %dma_start3A_270, %dma_start3A_271] : memref<2x1x256xi32, #tpu.memory_space<vmem>> -> memref<1x1x256xi32, #tpu.memory_space<vmem>>
          %dma_start3A_273 = tpu.memref_squeeze %dma_start3A_272 : memref<1x1x256xi32, #tpu.memory_space<vmem>> -> memref<1x256xi32, #tpu.memory_space<vmem>>
          %dma_start3A_274 = arith.constant 0 : i32
          %dma_start3A_275 = tpu.memref_slice %dma_start3A_273[%run_scoped3A_199, %dma_start3A_274] : memref<1x256xi32, #tpu.memory_space<vmem>> -> memref<1x256xi32, #tpu.memory_space<vmem>>
          %dma_start3A_276 = tpu.memref_squeeze %dma_start3A_275 : memref<1x256xi32, #tpu.memory_space<vmem>> -> memref<256xi32, #tpu.memory_space<vmem>>
          %dma_start3A_277 = arith.constant 0 : i32
          %dma_start3A_278 = arith.constant 0 : i32
          %dma_start3A_279 = tpu.memref_slice %arg3[%dma_start3A_277, %dma_start3A_278] : memref<10240x128xf32, #tpu.memory_space<hbm>> -> memref<10240x128xf32, #tpu.memory_space<hbm>>
          tpu.enqueue_indirect_dma source(%dma_start3A_279 : memref<10240x128xf32, #tpu.memory_space<hbm>>) target(%dma_start3A_269 : memref<256x128xf32, #tpu.memory_space<vmem>>) offsets(%dma_start3A_276 : memref<256xi32, #tpu.memory_space<vmem>>) semaphore(%run_scoped3A_265 : memref<!tpu.dma_semaphore, #tpu.memory_space<semaphore_mem>>) {add = true}
          %dma_wait3A_280 = arith.constant 0 : i32
          %dma_wait3A_281 = arith.constant 0 : i32
          %dma_wait3A_282 = tpu.memref_slice %run_scoped3A_8[%rem3A_197, %dma_wait3A_280, %dma_wait3A_281] : memref<2x256x128xf32, #tpu.memory_space<vmem>> -> memref<1x256x128xf32, #tpu.memory_space<vmem>>
          %dma_wait3A_283 = tpu.memref_squeeze %dma_wait3A_282 : memref<1x256x128xf32, #tpu.memory_space<vmem>> -> memref<256x128xf32, #tpu.memory_space<vmem>>
          %dma_wait3A_284 = arith.constant 0 : i32
          %dma_wait3A_285 = arith.constant 0 : i32
          %dma_wait3A_286 = tpu.memref_slice %run_scoped3A[%rem3A_195, %dma_wait3A_284, %dma_wait3A_285] : memref<2x1x256xi32, #tpu.memory_space<vmem>> -> memref<1x1x256xi32, #tpu.memory_space<vmem>>
          %dma_wait3A_287 = tpu.memref_squeeze %dma_wait3A_286 : memref<1x1x256xi32, #tpu.memory_space<vmem>> -> memref<1x256xi32, #tpu.memory_space<vmem>>
          %dma_wait3A_288 = arith.constant 0 : i32
          %dma_wait3A_289 = tpu.memref_slice %dma_wait3A_287[%run_scoped3A_199, %dma_wait3A_288] : memref<1x256xi32, #tpu.memory_space<vmem>> -> memref<1x256xi32, #tpu.memory_space<vmem>>
          %dma_wait3A_290 = tpu.memref_squeeze %dma_wait3A_289 : memref<1x256xi32, #tpu.memory_space<vmem>> -> memref<256xi32, #tpu.memory_space<vmem>>
          %dma_wait3A_291 = arith.constant 0 : i32
          %dma_wait3A_292 = arith.constant 0 : i32
          %dma_wait3A_293 = tpu.memref_slice %arg3[%dma_wait3A_291, %dma_wait3A_292] : memref<10240x128xf32, #tpu.memory_space<hbm>> -> memref<10240x128xf32, #tpu.memory_space<hbm>>
          tpu.wait_indirect_dma semaphore(%run_scoped3A_265 : memref<!tpu.dma_semaphore, #tpu.memory_space<semaphore_mem>>) src(%dma_wait3A_293 : memref<10240x128xf32, #tpu.memory_space<hbm>>) dst(%dma_wait3A_283 : memref<256x128xf32, #tpu.memory_space<vmem>>)
          tpu.yield
        }) : () -> ()
        "tpu.trace_stop"() : () -> ()
        %ne3A_200 = arith.cmpi ne, %add3A_131, %add3A_149 : i32
        %or3A_201 = arith.constant false
        %or3A_202 = arith.ori %or3A_201, %ne3A_200 : i1
        %or3A_203 = arith.ori %or3A_202, %eq3A_130 : i1
        %convert_element_type3A_204 = arith.extui %or3A_203 : i1 to i32
        %cond3A_205 = arith.constant 0 : i32
        %cond3A_206 = arith.cmpi ne, %convert_element_type3A_204, %cond3A_205 : i32
        scf.if %cond3A_206 {
        } else {
        }
        %and3A_207 = arith.constant false
        %and3A_208 = arith.andi %or3A_203, %and3A_207 : i1
        %ne3A_209 = arith.cmpi ne, %add3A_131, %add3A_149 : i32
        %or3A_210 = arith.constant false
        %or3A_211 = arith.ori %or3A_210, %ne3A_209 : i1
        %or3A_212 = arith.constant false
        %or3A_213 = arith.ori %or3A_211, %or3A_212 : i1
        %or3A_214 = arith.ori %or3A_213, %eq3A_130 : i1
        %convert_element_type3A_215 = arith.extui %or3A_214 : i1 to i32
        %cond3A_216 = arith.constant 0 : i32
        %cond3A_217 = arith.cmpi ne, %convert_element_type3A_215, %cond3A_216 : i32
        scf.if %cond3A_217 {
          "tpu.trace_start"() <{level = 10 : i32, message = "ep_copy_out"}> : () -> ()
          %rem3A_265 = arith.constant 2 : i32
          %rem3A_266 = arith.remui %scan3A_124, %rem3A_265 : i32
          %mul3A_267 = arith.constant 256 : i32
          %mul3A_268 = arith.muli %mul3A_267, %add3A_131 : i32
          %dma_start3A_269 = arith.constant 0 : i32
          %dma_start3A_270 = arith.constant 0 : i32
          %dma_start3A_271 = tpu.memref_slice %run_scoped3A_8[%rem3A_266, %dma_start3A_269, %dma_start3A_270] : memref<2x256x128xf32, #tpu.memory_space<vmem>> -> memref<1x256x128xf32, #tpu.memory_space<vmem>>
          %dma_start3A_272 = tpu.memref_squeeze %dma_start3A_271 : memref<1x256x128xf32, #tpu.memory_space<vmem>> -> memref<256x128xf32, #tpu.memory_space<vmem>>
          %dma_start3A_273 = arith.constant 0 : i32
          %dma_start3A_274 = tpu.memref_slice %arg5[%mul3A_268, %dma_start3A_273] : memref<163840x128xf32, #tpu.memory_space<hbm>> -> memref<256x128xf32, #tpu.memory_space<hbm>>
          %dma_start3A_275 = tpu.memref_slice %run_scoped3A_9[%rem3A_266] : memref<2x!tpu.dma_semaphore, #tpu.memory_space<semaphore_mem>> -> memref<1x!tpu.dma_semaphore, #tpu.memory_space<semaphore_mem>>
          %dma_start3A_276 = tpu.memref_squeeze %dma_start3A_275 : memref<1x!tpu.dma_semaphore, #tpu.memory_space<semaphore_mem>> -> memref<!tpu.dma_semaphore, #tpu.memory_space<semaphore_mem>>
          %dma_start3A_277 = arith.constant 0 : i32
          %dma_start3A_278 = tpu.memref_slice %arg5[%mul3A_268, %dma_start3A_277] : memref<163840x128xf32, #tpu.memory_space<hbm>> -> memref<256x128xf32, #tpu.memory_space<hbm>>
          %dma_start3A_279 = arith.constant 0 : i32
          %dma_start3A_280 = arith.constant 0 : i32
          %dma_start3A_281 = tpu.memref_slice %run_scoped3A_8[%rem3A_266, %dma_start3A_279, %dma_start3A_280] : memref<2x256x128xf32, #tpu.memory_space<vmem>> -> memref<1x256x128xf32, #tpu.memory_space<vmem>>
          %dma_start3A_282 = tpu.memref_squeeze %dma_start3A_281 : memref<1x256x128xf32, #tpu.memory_space<vmem>> -> memref<256x128xf32, #tpu.memory_space<vmem>>
          tpu.enqueue_dma source(%dma_start3A_282 : memref<256x128xf32, #tpu.memory_space<vmem>>) target(%dma_start3A_278 : memref<256x128xf32, #tpu.memory_space<hbm>>) target_semaphore(%dma_start3A_276 : memref<!tpu.dma_semaphore, #tpu.memory_space<semaphore_mem>>)
          "tpu.trace_stop"() : () -> ()
        } else {
        }
        %and3A_218 = arith.constant true
        %and3A_219 = arith.andi %or3A_214, %and3A_218 : i1
        %add3A_220 = arith.constant 1 : i32
        %add3A_221 = arith.addi %scan3A_124, %add3A_220 : i32
        %select_n3A_222 = arith.select %and3A_219, %add3A_221, %scan3A_124 : i32
        %ne3A_223 = arith.cmpi ne, %add3A_131, %add3A_140 : i32
        %or3A_224 = arith.constant false
        %or3A_225 = arith.ori %or3A_224, %ne3A_223 : i1
        %not3A_226 = arith.constant true
        %not3A_227 = arith.xori %eq3A_128, %not3A_226 : i1
        %and3A_228 = arith.andi %or3A_225, %not3A_227 : i1
        %convert_element_type3A_229 = arith.extui %and3A_228 : i1 to i32
        %cond3A_230 = arith.constant 0 : i32
        %cond3A_231 = arith.cmpi ne, %convert_element_type3A_229, %cond3A_230 : i32
        scf.if %cond3A_231 {
        } else {
        }
        %and3A_232 = arith.constant false
        %and3A_233 = arith.andi %and3A_228, %and3A_232 : i1
        %ne3A_234 = arith.cmpi ne, %add3A_131, %add3A_140 : i32
        %or3A_235 = arith.constant false
        %or3A_236 = arith.ori %or3A_235, %ne3A_234 : i1
        %or3A_237 = arith.constant false
        %or3A_238 = arith.ori %or3A_236, %or3A_237 : i1
        %not3A_239 = arith.constant true
        %not3A_240 = arith.xori %eq3A_128, %not3A_239 : i1
        %and3A_241 = arith.andi %or3A_238, %not3A_240 : i1
        %convert_element_type3A_242 = arith.extui %and3A_241 : i1 to i32
        %cond3A_243 = arith.constant 0 : i32
        %cond3A_244 = arith.cmpi ne, %convert_element_type3A_242, %cond3A_243 : i32
        scf.if %cond3A_244 {
          "tpu.trace_start"() <{level = 10 : i32, message = "ep_wait_out"}> : () -> ()
          %rem3A_265 = arith.constant 2 : i32
          %rem3A_266 = arith.remui %scan3A_125, %rem3A_265 : i32
          %mul3A_267 = arith.constant 256 : i32
          %mul3A_268 = arith.muli %mul3A_267, %add3A_140 : i32
          %dma_wait3A_269 = arith.constant 0 : i32
          %dma_wait3A_270 = arith.constant 0 : i32
          %dma_wait3A_271 = tpu.memref_slice %run_scoped3A_8[%rem3A_266, %dma_wait3A_269, %dma_wait3A_270] : memref<2x256x128xf32, #tpu.memory_space<vmem>> -> memref<1x256x128xf32, #tpu.memory_space<vmem>>
          %dma_wait3A_272 = tpu.memref_squeeze %dma_wait3A_271 : memref<1x256x128xf32, #tpu.memory_space<vmem>> -> memref<256x128xf32, #tpu.memory_space<vmem>>
          %dma_wait3A_273 = arith.constant 0 : i32
          %dma_wait3A_274 = tpu.memref_slice %arg5[%mul3A_268, %dma_wait3A_273] : memref<163840x128xf32, #tpu.memory_space<hbm>> -> memref<256x128xf32, #tpu.memory_space<hbm>>
          %dma_wait3A_275 = tpu.memref_slice %run_scoped3A_9[%rem3A_266] : memref<2x!tpu.dma_semaphore, #tpu.memory_space<semaphore_mem>> -> memref<1x!tpu.dma_semaphore, #tpu.memory_space<semaphore_mem>>
          %dma_wait3A_276 = tpu.memref_squeeze %dma_wait3A_275 : memref<1x!tpu.dma_semaphore, #tpu.memory_space<semaphore_mem>> -> memref<!tpu.dma_semaphore, #tpu.memory_space<semaphore_mem>>
          %dma_wait3A_277 = arith.constant 0 : i32
          %dma_wait3A_278 = tpu.memref_slice %arg5[%mul3A_268, %dma_wait3A_277] : memref<163840x128xf32, #tpu.memory_space<hbm>> -> memref<256x128xf32, #tpu.memory_space<hbm>>
          %dma_wait3A_279 = arith.constant 0 : i32
          %dma_wait3A_280 = arith.constant 0 : i32
          %dma_wait3A_281 = tpu.memref_slice %run_scoped3A_8[%rem3A_266, %dma_wait3A_279, %dma_wait3A_280] : memref<2x256x128xf32, #tpu.memory_space<vmem>> -> memref<1x256x128xf32, #tpu.memory_space<vmem>>
          %dma_wait3A_282 = tpu.memref_squeeze %dma_wait3A_281 : memref<1x256x128xf32, #tpu.memory_space<vmem>> -> memref<256x128xf32, #tpu.memory_space<vmem>>
          tpu.wait_dma2 semaphore(%dma_wait3A_276 : memref<!tpu.dma_semaphore, #tpu.memory_space<semaphore_mem>>) src(%dma_wait3A_282 : memref<256x128xf32, #tpu.memory_space<vmem>>) dst(%dma_wait3A_278 : memref<256x128xf32, #tpu.memory_space<hbm>>)
          "tpu.trace_stop"() : () -> ()
        } else {
        }
        %and3A_245 = arith.constant true
        %and3A_246 = arith.andi %and3A_241, %and3A_245 : i1
        %add3A_247 = arith.constant 1 : i32
        %add3A_248 = arith.addi %scan3A_125, %add3A_247 : i32
        %select_n3A_249 = arith.select %and3A_246, %add3A_248, %scan3A_125 : i32
        %ne3A_250 = arith.cmpi ne, %add3A_131, %add3A_149 : i32
        %or3A_251 = arith.constant false
        %or3A_252 = arith.ori %or3A_251, %ne3A_250 : i1
        %or3A_253 = arith.ori %or3A_252, %eq3A_130 : i1
        %add3A_254 = arith.constant 1 : i32
        %add3A_255 = arith.addi %scan3A_123, %add3A_254 : i32
        %select_n3A_256 = arith.select %or3A_253, %add3A_255, %scan3A_123 : i32
        %add3A_257 = arith.constant 1 : i32
        %add3A_258 = arith.addi %scan3A_126, %add3A_257 : i32
        %select_n3A_259 = arith.constant true
        %select_n3A_260 = arith.select %select_n3A_259, %add3A_258, %scan3A_126 : i32
        %eq3A_261 = arith.constant 20 : i32
        %eq3A_262 = arith.cmpi eq, %select_n3A_260, %eq3A_261 : i32
        %select_n3A_263 = arith.constant 0 : i32
        %select_n3A_264 = arith.select %eq3A_262, %select_n3A_263, %select_n3A_260 : i32
        scf.yield %select_n3A_167, %select_n3A_256, %select_n3A_222, %select_n3A_249, %select_n3A_264 : i32, i32, i32, i32, i32
      }
      %scan3A_68 = arith.constant 20 : i32
      %sub3A = arith.constant 1 : i32
      %sub3A_69 = arith.subi %scan3A_67#4, %sub3A : i32
      %select_n3A_70 = arith.constant true
      %select_n3A_71 = arith.select %select_n3A_70, %sub3A_69, %scan3A_67#4 : i32
      %eq3A_72 = arith.constant -1 : i32
      %eq3A_73 = arith.cmpi eq, %select_n3A_71, %eq3A_72 : i32
      %select_n3A_74 = arith.constant 19 : i32
      %select_n3A_75 = arith.select %eq3A_73, %select_n3A_74, %select_n3A_71 : i32
      %add3A_76 = arith.addi %select_n3A_75, %mul3A_6 : i32
      %sub3A_77 = arith.constant 1 : i32
      %sub3A_78 = arith.subi %select_n3A_75, %sub3A_77 : i32
      %select_n3A_79 = arith.constant true
      %select_n3A_80 = arith.select %select_n3A_79, %sub3A_78, %select_n3A_75 : i32
      %eq3A_81 = arith.constant -1 : i32
      %eq3A_82 = arith.cmpi eq, %select_n3A_80, %eq3A_81 : i32
      %select_n3A_83 = arith.constant 19 : i32
      %select_n3A_84 = arith.select %eq3A_82, %select_n3A_83, %select_n3A_80 : i32
      %add3A_85 = arith.addi %select_n3A_84, %mul3A_6 : i32
      %add3A_86 = arith.constant 1 : i32
      %add3A_87 = arith.addi %select_n3A_75, %add3A_86 : i32
      %select_n3A_88 = arith.constant true
      %select_n3A_89 = arith.select %select_n3A_88, %add3A_87, %select_n3A_75 : i32
      %eq3A_90 = arith.constant 20 : i32
      %eq3A_91 = arith.cmpi eq, %select_n3A_89, %eq3A_90 : i32
      %select_n3A_92 = arith.constant 0 : i32
      %select_n3A_93 = arith.select %eq3A_91, %select_n3A_92, %select_n3A_89 : i32
      %add3A_94 = arith.addi %select_n3A_93, %mul3A_6 : i32
      %add3A_95 = arith.constant 1 : i32
      %add3A_96 = arith.addi %select_n3A_93, %add3A_95 : i32
      %select_n3A_97 = arith.constant true
      %select_n3A_98 = arith.select %select_n3A_97, %add3A_96, %select_n3A_93 : i32
      %eq3A_99 = arith.constant 20 : i32
      %eq3A_100 = arith.cmpi eq, %select_n3A_98, %eq3A_99 : i32
      %select_n3A_101 = arith.constant 0 : i32
      %select_n3A_102 = arith.select %eq3A_100, %select_n3A_101, %select_n3A_98 : i32
      %add3A_103 = arith.addi %select_n3A_102, %mul3A_6 : i32
      "tpu.trace_start"() <{level = 10 : i32, message = "ep_finalize"}> : () -> ()
      %rem3A_104 = arith.constant 2 : i32
      %rem3A_105 = arith.remui %scan3A_67#3, %rem3A_104 : i32
      %mul3A_106 = arith.constant 256 : i32
      %mul3A_107 = arith.muli %mul3A_106, %add3A_76 : i32
      %dma_wait3A = arith.constant 0 : i32
      %dma_wait3A_108 = arith.constant 0 : i32
      %dma_wait3A_109 = tpu.memref_slice %run_scoped3A_8[%rem3A_105, %dma_wait3A, %dma_wait3A_108] : memref<2x256x128xf32, #tpu.memory_space<vmem>> -> memref<1x256x128xf32, #tpu.memory_space<vmem>>
      %dma_wait3A_110 = tpu.memref_squeeze %dma_wait3A_109 : memref<1x256x128xf32, #tpu.memory_space<vmem>> -> memref<256x128xf32, #tpu.memory_space<vmem>>
      %dma_wait3A_111 = arith.constant 0 : i32
      %dma_wait3A_112 = tpu.memref_slice %arg5[%mul3A_107, %dma_wait3A_111] : memref<163840x128xf32, #tpu.memory_space<hbm>> -> memref<256x128xf32, #tpu.memory_space<hbm>>
      %dma_wait3A_113 = tpu.memref_slice %run_scoped3A_9[%rem3A_105] : memref<2x!tpu.dma_semaphore, #tpu.memory_space<semaphore_mem>> -> memref<1x!tpu.dma_semaphore, #tpu.memory_space<semaphore_mem>>
      %dma_wait3A_114 = tpu.memref_squeeze %dma_wait3A_113 : memref<1x!tpu.dma_semaphore, #tpu.memory_space<semaphore_mem>> -> memref<!tpu.dma_semaphore, #tpu.memory_space<semaphore_mem>>
      %dma_wait3A_115 = arith.constant 0 : i32
      %dma_wait3A_116 = tpu.memref_slice %arg5[%mul3A_107, %dma_wait3A_115] : memref<163840x128xf32, #tpu.memory_space<hbm>> -> memref<256x128xf32, #tpu.memory_space<hbm>>
      %dma_wait3A_117 = arith.constant 0 : i32
      %dma_wait3A_118 = arith.constant 0 : i32
      %dma_wait3A_119 = tpu.memref_slice %run_scoped3A_8[%rem3A_105, %dma_wait3A_117, %dma_wait3A_118] : memref<2x256x128xf32, #tpu.memory_space<vmem>> -> memref<1x256x128xf32, #tpu.memory_space<vmem>>
      %dma_wait3A_120 = tpu.memref_squeeze %dma_wait3A_119 : memref<1x256x128xf32, #tpu.memory_space<vmem>> -> memref<256x128xf32, #tpu.memory_space<vmem>>
      tpu.wait_dma2 semaphore(%dma_wait3A_114 : memref<!tpu.dma_semaphore, #tpu.memory_space<semaphore_mem>>) src(%dma_wait3A_120 : memref<256x128xf32, #tpu.memory_space<vmem>>) dst(%dma_wait3A_116 : memref<256x128xf32, #tpu.memory_space<hbm>>)
      "tpu.trace_stop"() : () -> ()
      tpu.yield
    }) : () -> ()
    return
  }
}

#map = affine_map<(d0, d1) -> (0, 0)>
#map1 = affine_map<(d0, d1) -> (0, 0, 0)>
module attributes {stable_mosaic.version = 14 : i64} {
  func.func @k(%arg0: i32, %arg1: i32, %arg2: memref<163840x128xf32, #tpu.memory_space<hbm>>, %arg3: memref<512x1x320xi32, #tpu.memory_space<hbm>>, %arg4: memref<10240x128xf32, #tpu.memory_space<hbm>>, %arg5: memref<2x10240x128xf32, #tpu.memory_space<hbm>>, %arg6: memref<10240x128xf32, #tpu.memory_space<vmem_shared>>, %arg7: memref<320x128xf32, #tpu.memory_space<vmem>>, %arg8: memref<1x320xi32, #tpu.memory_space<vmem>>) attributes {dimension_semantics = [#tpu.dimension_semantics<core_parallel>, #tpu.dimension_semantics<subcore_parallel>], iteration_bounds = array<i64: 2, 16>, scalar_prefetch = 0 : i64, scratch_operands = 3 : i64, tpu.core_type = #tpu.core_type<sc_vector_subcore>, window_params = [{transform_indices = #map}, {transform_indices = #map1}, {transform_indices = #map}, {transform_indices = #map1}]} {
    %mul3A = arith.constant 640 : i32
    %mul3A_0 = arith.muli %arg1, %mul3A : i32
    %mul3A_1 = arith.constant 640 : i32
    %mul3A_2 = arith.muli %arg1, %mul3A_1 : i32
    "tpu.region"() ({
      %run_scoped3A = tpu.sem_alloc : memref<!tpu.dma_semaphore, #tpu.memory_space<semaphore_mem>>
      %dma_start3A = arith.constant 0 : i32
      %dma_start3A_14 = tpu.memref_slice %arg6[%mul3A_2, %dma_start3A] : memref<10240x128xf32, #tpu.memory_space<vmem_shared>> -> memref<640x128xf32, #tpu.memory_space<vmem_shared>>
      %dma_start3A_15 = arith.constant 0 : i32
      %dma_start3A_16 = tpu.memref_slice %arg4[%mul3A_0, %dma_start3A_15] : memref<10240x128xf32, #tpu.memory_space<hbm>> -> memref<640x128xf32, #tpu.memory_space<hbm>>
      tpu.enqueue_dma source(%dma_start3A_16 : memref<640x128xf32, #tpu.memory_space<hbm>>) target(%dma_start3A_14 : memref<640x128xf32, #tpu.memory_space<vmem_shared>>) target_semaphore(%run_scoped3A : memref<!tpu.dma_semaphore, #tpu.memory_space<semaphore_mem>>)
      %dma_wait3A = arith.constant 0 : i32
      %dma_wait3A_17 = tpu.memref_slice %arg6[%mul3A_2, %dma_wait3A] : memref<10240x128xf32, #tpu.memory_space<vmem_shared>> -> memref<640x128xf32, #tpu.memory_space<vmem_shared>>
      %dma_wait3A_18 = arith.constant 0 : i32
      %dma_wait3A_19 = tpu.memref_slice %arg4[%mul3A_0, %dma_wait3A_18] : memref<10240x128xf32, #tpu.memory_space<hbm>> -> memref<640x128xf32, #tpu.memory_space<hbm>>
      tpu.wait_dma2 semaphore(%run_scoped3A : memref<!tpu.dma_semaphore, #tpu.memory_space<semaphore_mem>>) src(%dma_wait3A_19 : memref<640x128xf32, #tpu.memory_space<hbm>>) dst(%dma_wait3A_17 : memref<640x128xf32, #tpu.memory_space<vmem_shared>>)
      tpu.yield
    }) : () -> ()
    %barrier3A = arith.constant 0 : index
    tpu.barrier barrier_id(%barrier3A)
    %mul3A_3 = arith.constant 16 : i32
    %mul3A_4 = arith.muli %arg0, %mul3A_3 : i32
    %add3A = arith.addi %mul3A_4, %arg1 : i32
    %scan3A = arith.constant 0 : i32
    %scan3A_5 = arith.constant 16 : i32
    %scan3A_6 = arith.addi %scan3A, %scan3A_5 : i32
    %scan3A_7 = arith.constant 1 : i32
    scf.for %scan3A_14 = %scan3A to %scan3A_6 step %scan3A_7  : i32 {
      %mul3A_15 = arith.constant 1 : i32
      %mul3A_16 = arith.muli %scan3A_14, %mul3A_15 : i32
      %add3A_17 = arith.constant 0 : i32
      %add3A_18 = arith.addi %add3A_17, %mul3A_16 : i32
      %mul3A_19 = arith.constant 16 : i32
      %mul3A_20 = arith.muli %add3A, %mul3A_19 : i32
      %add3A_21 = arith.addi %mul3A_20, %add3A_18 : i32
      "tpu.region"() ({
        %run_scoped3A_24 = tpu.sem_alloc : memref<!tpu.dma_semaphore, #tpu.memory_space<semaphore_mem>>
        %dma_start3A = arith.constant 0 : i32
        %dma_start3A_25 = arith.constant 0 : i32
        %dma_start3A_26 = tpu.memref_slice %arg3[%add3A_21, %dma_start3A, %dma_start3A_25] : memref<512x1x320xi32, #tpu.memory_space<hbm>> -> memref<1x1x320xi32, #tpu.memory_space<hbm>>
        %dma_start3A_27 = tpu.memref_squeeze %dma_start3A_26 : memref<1x1x320xi32, #tpu.memory_space<hbm>> -> memref<1x320xi32, #tpu.memory_space<hbm>>
        %dma_start3A_28 = arith.constant 0 : i32
        %dma_start3A_29 = arith.constant 0 : i32
        %dma_start3A_30 = tpu.memref_slice %arg3[%add3A_21, %dma_start3A_28, %dma_start3A_29] : memref<512x1x320xi32, #tpu.memory_space<hbm>> -> memref<1x1x320xi32, #tpu.memory_space<hbm>>
        %dma_start3A_31 = tpu.memref_squeeze %dma_start3A_30 : memref<1x1x320xi32, #tpu.memory_space<hbm>> -> memref<1x320xi32, #tpu.memory_space<hbm>>
        tpu.enqueue_dma source(%dma_start3A_31 : memref<1x320xi32, #tpu.memory_space<hbm>>) target(%arg8 : memref<1x320xi32, #tpu.memory_space<vmem>>) target_semaphore(%run_scoped3A_24 : memref<!tpu.dma_semaphore, #tpu.memory_space<semaphore_mem>>)
        %dma_wait3A = arith.constant 0 : i32
        %dma_wait3A_32 = arith.constant 0 : i32
        %dma_wait3A_33 = tpu.memref_slice %arg3[%add3A_21, %dma_wait3A, %dma_wait3A_32] : memref<512x1x320xi32, #tpu.memory_space<hbm>> -> memref<1x1x320xi32, #tpu.memory_space<hbm>>
        %dma_wait3A_34 = tpu.memref_squeeze %dma_wait3A_33 : memref<1x1x320xi32, #tpu.memory_space<hbm>> -> memref<1x320xi32, #tpu.memory_space<hbm>>
        %dma_wait3A_35 = arith.constant 0 : i32
        %dma_wait3A_36 = arith.constant 0 : i32
        %dma_wait3A_37 = tpu.memref_slice %arg3[%add3A_21, %dma_wait3A_35, %dma_wait3A_36] : memref<512x1x320xi32, #tpu.memory_space<hbm>> -> memref<1x1x320xi32, #tpu.memory_space<hbm>>
        %dma_wait3A_38 = tpu.memref_squeeze %dma_wait3A_37 : memref<1x1x320xi32, #tpu.memory_space<hbm>> -> memref<1x320xi32, #tpu.memory_space<hbm>>
        tpu.wait_dma2 semaphore(%run_scoped3A_24 : memref<!tpu.dma_semaphore, #tpu.memory_space<semaphore_mem>>) src(%dma_wait3A_38 : memref<1x320xi32, #tpu.memory_space<hbm>>) dst(%arg8 : memref<1x320xi32, #tpu.memory_space<vmem>>)
        tpu.yield
      }) : () -> ()
      %mul3A_22 = arith.constant 320 : i32
      %mul3A_23 = arith.muli %add3A_21, %mul3A_22 : i32
      "tpu.region"() ({
        %run_scoped3A_24 = tpu.sem_alloc : memref<!tpu.dma_semaphore, #tpu.memory_space<semaphore_mem>>
        %dma_start3A = arith.constant 0 : i32
        %dma_start3A_25 = tpu.memref_slice %arg2[%mul3A_23, %dma_start3A] : memref<163840x128xf32, #tpu.memory_space<hbm>> -> memref<320x128xf32, #tpu.memory_space<hbm>>
        %dma_start3A_26 = arith.constant 0 : i32
        %dma_start3A_27 = tpu.memref_slice %arg2[%mul3A_23, %dma_start3A_26] : memref<163840x128xf32, #tpu.memory_space<hbm>> -> memref<320x128xf32, #tpu.memory_space<hbm>>
        tpu.enqueue_dma source(%dma_start3A_27 : memref<320x128xf32, #tpu.memory_space<hbm>>) target(%arg7 : memref<320x128xf32, #tpu.memory_space<vmem>>) target_semaphore(%run_scoped3A_24 : memref<!tpu.dma_semaphore, #tpu.memory_space<semaphore_mem>>)
        %dma_wait3A = arith.constant 0 : i32
        %dma_wait3A_28 = tpu.memref_slice %arg2[%mul3A_23, %dma_wait3A] : memref<163840x128xf32, #tpu.memory_space<hbm>> -> memref<320x128xf32, #tpu.memory_space<hbm>>
        %dma_wait3A_29 = arith.constant 0 : i32
        %dma_wait3A_30 = tpu.memref_slice %arg2[%mul3A_23, %dma_wait3A_29] : memref<163840x128xf32, #tpu.memory_space<hbm>> -> memref<320x128xf32, #tpu.memory_space<hbm>>
        tpu.wait_dma2 semaphore(%run_scoped3A_24 : memref<!tpu.dma_semaphore, #tpu.memory_space<semaphore_mem>>) src(%dma_wait3A_30 : memref<320x128xf32, #tpu.memory_space<hbm>>) dst(%arg7 : memref<320x128xf32, #tpu.memory_space<vmem>>)
        tpu.yield
      }) : () -> ()
      %run_scoped3A = arith.constant 0 : i32
      "tpu.region"() ({
        %run_scoped3A_24 = tpu.sem_alloc : memref<!tpu.dma_semaphore, #tpu.memory_space<semaphore_mem>>
        %dma_start3A = arith.constant 0 : i32
        %dma_start3A_25 = tpu.memref_slice %arg8[%run_scoped3A, %dma_start3A] : memref<1x320xi32, #tpu.memory_space<vmem>> -> memref<1x320xi32, #tpu.memory_space<vmem>>
        %dma_start3A_26 = tpu.memref_squeeze %dma_start3A_25 : memref<1x320xi32, #tpu.memory_space<vmem>> -> memref<320xi32, #tpu.memory_space<vmem>>
        %dma_start3A_27 = arith.constant 0 : i32
        %dma_start3A_28 = arith.constant 0 : i32
        %dma_start3A_29 = tpu.memref_slice %arg6[%dma_start3A_27, %dma_start3A_28] : memref<10240x128xf32, #tpu.memory_space<vmem_shared>> -> memref<10240x128xf32, #tpu.memory_space<vmem_shared>>
        tpu.enqueue_indirect_dma source(%arg7 : memref<320x128xf32, #tpu.memory_space<vmem>>) target(%dma_start3A_29 : memref<10240x128xf32, #tpu.memory_space<vmem_shared>>) offsets(%dma_start3A_26 : memref<320xi32, #tpu.memory_space<vmem>>) semaphore(%run_scoped3A_24 : memref<!tpu.dma_semaphore, #tpu.memory_space<semaphore_mem>>) {add = true}
        %dma_wait3A = arith.constant 0 : i32
        %dma_wait3A_30 = tpu.memref_slice %arg8[%run_scoped3A, %dma_wait3A] : memref<1x320xi32, #tpu.memory_space<vmem>> -> memref<1x320xi32, #tpu.memory_space<vmem>>
        %dma_wait3A_31 = tpu.memref_squeeze %dma_wait3A_30 : memref<1x320xi32, #tpu.memory_space<vmem>> -> memref<320xi32, #tpu.memory_space<vmem>>
        %dma_wait3A_32 = arith.constant 0 : i32
        %dma_wait3A_33 = arith.constant 0 : i32
        %dma_wait3A_34 = tpu.memref_slice %arg6[%dma_wait3A_32, %dma_wait3A_33] : memref<10240x128xf32, #tpu.memory_space<vmem_shared>> -> memref<10240x128xf32, #tpu.memory_space<vmem_shared>>
        tpu.wait_indirect_dma semaphore(%run_scoped3A_24 : memref<!tpu.dma_semaphore, #tpu.memory_space<semaphore_mem>>) src(%arg7 : memref<320x128xf32, #tpu.memory_space<vmem>>) dst(%dma_wait3A_34 : memref<10240x128xf32, #tpu.memory_space<vmem_shared>>)
        tpu.yield
      }) : () -> ()
    }
    %scan3A_8 = arith.constant 16 : i32
    %barrier3A_9 = arith.constant 0 : index
    tpu.barrier barrier_id(%barrier3A_9)
    %mul3A_10 = arith.constant 640 : i32
    %mul3A_11 = arith.muli %arg1, %mul3A_10 : i32
    %mul3A_12 = arith.constant 640 : i32
    %mul3A_13 = arith.muli %arg1, %mul3A_12 : i32
    "tpu.region"() ({
      %run_scoped3A = tpu.sem_alloc : memref<!tpu.dma_semaphore, #tpu.memory_space<semaphore_mem>>
      %dma_start3A = arith.constant 0 : i32
      %dma_start3A_14 = arith.constant 0 : i32
      %dma_start3A_15 = tpu.memref_slice %arg5[%arg0, %dma_start3A, %dma_start3A_14] : memref<2x10240x128xf32, #tpu.memory_space<hbm>> -> memref<1x10240x128xf32, #tpu.memory_space<hbm>>
      %dma_start3A_16 = tpu.memref_squeeze %dma_start3A_15 : memref<1x10240x128xf32, #tpu.memory_space<hbm>> -> memref<10240x128xf32, #tpu.memory_space<hbm>>
      %dma_start3A_17 = arith.constant 0 : i32
      %dma_start3A_18 = tpu.memref_slice %dma_start3A_16[%mul3A_13, %dma_start3A_17] : memref<10240x128xf32, #tpu.memory_space<hbm>> -> memref<640x128xf32, #tpu.memory_space<hbm>>
      %dma_start3A_19 = arith.constant 0 : i32
      %dma_start3A_20 = tpu.memref_slice %arg6[%mul3A_11, %dma_start3A_19] : memref<10240x128xf32, #tpu.memory_space<vmem_shared>> -> memref<640x128xf32, #tpu.memory_space<vmem_shared>>
      tpu.enqueue_dma source(%dma_start3A_20 : memref<640x128xf32, #tpu.memory_space<vmem_shared>>) target(%dma_start3A_18 : memref<640x128xf32, #tpu.memory_space<hbm>>) target_semaphore(%run_scoped3A : memref<!tpu.dma_semaphore, #tpu.memory_space<semaphore_mem>>)
      %dma_wait3A = arith.constant 0 : i32
      %dma_wait3A_21 = arith.constant 0 : i32
      %dma_wait3A_22 = tpu.memref_slice %arg5[%arg0, %dma_wait3A, %dma_wait3A_21] : memref<2x10240x128xf32, #tpu.memory_space<hbm>> -> memref<1x10240x128xf32, #tpu.memory_space<hbm>>
      %dma_wait3A_23 = tpu.memref_squeeze %dma_wait3A_22 : memref<1x10240x128xf32, #tpu.memory_space<hbm>> -> memref<10240x128xf32, #tpu.memory_space<hbm>>
      %dma_wait3A_24 = arith.constant 0 : i32
      %dma_wait3A_25 = tpu.memref_slice %dma_wait3A_23[%mul3A_13, %dma_wait3A_24] : memref<10240x128xf32, #tpu.memory_space<hbm>> -> memref<640x128xf32, #tpu.memory_space<hbm>>
      %dma_wait3A_26 = arith.constant 0 : i32
      %dma_wait3A_27 = tpu.memref_slice %arg6[%mul3A_11, %dma_wait3A_26] : memref<10240x128xf32, #tpu.memory_space<vmem_shared>> -> memref<640x128xf32, #tpu.memory_space<vmem_shared>>
      tpu.wait_dma2 semaphore(%run_scoped3A : memref<!tpu.dma_semaphore, #tpu.memory_space<semaphore_mem>>) src(%dma_wait3A_27 : memref<640x128xf32, #tpu.memory_space<vmem_shared>>) dst(%dma_wait3A_25 : memref<640x128xf32, #tpu.memory_space<hbm>>)
      tpu.yield
    }) : () -> ()
    return
  }
}

#map = affine_map<(d0, d1) -> (0, 0)>
module attributes {stable_mosaic.version = 14 : i64} {
  func.func @k(%arg0: i32, %arg1: i32, %arg2: memref<10240x128xf32, #tpu.memory_space<hbm>>, %arg3: memref<10240x128xf32, #tpu.memory_space<hbm>>, %arg4: memref<1x163840xi32, #tpu.memory_space<hbm>>, %arg5: memref<163840x128xf32, #tpu.memory_space<hbm>>) attributes {dimension_semantics = [#tpu.dimension_semantics<core_parallel>, #tpu.dimension_semantics<subcore_parallel>], iteration_bounds = array<i64: 2, 16>, scalar_prefetch = 0 : i64, scratch_operands = 0 : i64, tpu.core_type = #tpu.core_type<sc_vector_subcore>, window_params = [{transform_indices = #map}, {transform_indices = #map}, {transform_indices = #map}, {transform_indices = #map}]} {
    %mul3A = arith.constant 1 : i32
    %mul3A_0 = arith.muli %arg1, %mul3A : i32
    %add3A = arith.constant 0 : i32
    %add3A_1 = arith.addi %add3A, %mul3A_0 : i32
    %mul3A_2 = arith.constant 16 : i32
    %mul3A_3 = arith.muli %arg0, %mul3A_2 : i32
    %add3A_4 = arith.addi %add3A_1, %mul3A_3 : i32
    %mul3A_5 = arith.constant 20 : i32
    %mul3A_6 = arith.muli %add3A_4, %mul3A_5 : i32
    "tpu.region"() ({
      %run_scoped3A = memref.alloca() : memref<2x1x256xi32, #tpu.memory_space<vmem>>
      %run_scoped3A_7 = tpu.sem_alloc : memref<2x!tpu.dma_semaphore, #tpu.memory_space<semaphore_mem>>
      %run_scoped3A_8 = memref.alloca() : memref<2x256x128xf32, #tpu.memory_space<vmem>>
      %run_scoped3A_9 = tpu.sem_alloc : memref<2x!tpu.dma_semaphore, #tpu.memory_space<semaphore_mem>>
      %add3A_10 = arith.constant 0 : i32
      %add3A_11 = arith.addi %add3A_10, %mul3A_6 : i32
      %select_n3A = arith.constant true
      %select_n3A_12 = arith.constant 0 : i32
      %select_n3A_13 = arith.constant -1 : i32
      %select_n3A_14 = arith.select %select_n3A, %select_n3A_13, %select_n3A_12 : i32
      %eq3A = arith.constant -1 : i32
      %eq3A_15 = arith.cmpi eq, %select_n3A_14, %eq3A : i32
      %select_n3A_16 = arith.constant 19 : i32
      %select_n3A_17 = arith.select %eq3A_15, %select_n3A_16, %select_n3A_14 : i32
      %add3A_18 = arith.addi %select_n3A_17, %mul3A_6 : i32
      %select_n3A_19 = arith.constant true
      %select_n3A_20 = arith.constant 0 : i32
      %select_n3A_21 = arith.constant 1 : i32
      %select_n3A_22 = arith.select %select_n3A_19, %select_n3A_21, %select_n3A_20 : i32
      %eq3A_23 = arith.constant 20 : i32
      %eq3A_24 = arith.cmpi eq, %select_n3A_22, %eq3A_23 : i32
      %select_n3A_25 = arith.constant 0 : i32
      %select_n3A_26 = arith.select %eq3A_24, %select_n3A_25, %select_n3A_22 : i32
      %add3A_27 = arith.addi %select_n3A_26, %mul3A_6 : i32
      %add3A_28 = arith.constant 1 : i32
      %add3A_29 = arith.addi %select_n3A_26, %add3A_28 : i32
      %select_n3A_30 = arith.constant true
      %select_n3A_31 = arith.select %select_n3A_30, %add3A_29, %select_n3A_26 : i32
      %eq3A_32 = arith.constant 20 : i32
      %eq3A_33 = arith.cmpi eq, %select_n3A_31, %eq3A_32 : i32
      %select_n3A_34 = arith.constant 0 : i32
      %select_n3A_35 = arith.select %eq3A_33, %select_n3A_34, %select_n3A_31 : i32
      %add3A_36 = arith.addi %select_n3A_35, %mul3A_6 : i32
      "tpu.trace_start"() <{level = 10 : i32, message = "ep_initialize_0"}> : () -> ()
      %rem3A = arith.constant 0 : i32
      %rem3A_37 = arith.constant 2 : i32
      %rem3A_38 = arith.remui %rem3A, %rem3A_37 : i32
      %mul3A_39 = arith.constant 256 : i32
      %mul3A_40 = arith.muli %mul3A_39, %add3A_11 : i32
      %dma_start3A = arith.constant 0 : i32
      %dma_start3A_41 = arith.constant 0 : i32
      %dma_start3A_42 = tpu.memref_slice %run_scoped3A[%rem3A_38, %dma_start3A, %dma_start3A_41] : memref<2x1x256xi32, #tpu.memory_space<vmem>> -> memref<1x1x256xi32, #tpu.memory_space<vmem>>
      %dma_start3A_43 = tpu.memref_squeeze %dma_start3A_42 : memref<1x1x256xi32, #tpu.memory_space<vmem>> -> memref<1x256xi32, #tpu.memory_space<vmem>>
      %dma_start3A_44 = arith.constant 0 : i32
      %dma_start3A_45 = tpu.memref_slice %arg4[%dma_start3A_44, %mul3A_40] : memref<1x163840xi32, #tpu.memory_space<hbm>> -> memref<1x256xi32, #tpu.memory_space<hbm>>
      %dma_start3A_46 = tpu.memref_slice %run_scoped3A_7[%rem3A_38] : memref<2x!tpu.dma_semaphore, #tpu.memory_space<semaphore_mem>> -> memref<1x!tpu.dma_semaphore, #tpu.memory_space<semaphore_mem>>
      %dma_start3A_47 = tpu.memref_squeeze %dma_start3A_46 : memref<1x!tpu.dma_semaphore, #tpu.memory_space<semaphore_mem>> -> memref<!tpu.dma_semaphore, #tpu.memory_space<semaphore_mem>>
      %dma_start3A_48 = arith.constant 0 : i32
      %dma_start3A_49 = arith.constant 0 : i32
      %dma_start3A_50 = tpu.memref_slice %run_scoped3A[%rem3A_38, %dma_start3A_48, %dma_start3A_49] : memref<2x1x256xi32, #tpu.memory_space<vmem>> -> memref<1x1x256xi32, #tpu.memory_space<vmem>>
      %dma_start3A_51 = tpu.memref_squeeze %dma_start3A_50 : memref<1x1x256xi32, #tpu.memory_space<vmem>> -> memref<1x256xi32, #tpu.memory_space<vmem>>
      %dma_start3A_52 = arith.constant 0 : i32
      %dma_start3A_53 = tpu.memref_slice %arg4[%dma_start3A_52, %mul3A_40] : memref<1x163840xi32, #tpu.memory_space<hbm>> -> memref<1x256xi32, #tpu.memory_space<hbm>>
      tpu.enqueue_dma source(%dma_start3A_53 : memref<1x256xi32, #tpu.memory_space<hbm>>) target(%dma_start3A_51 : memref<1x256xi32, #tpu.memory_space<vmem>>) target_semaphore(%dma_start3A_47 : memref<!tpu.dma_semaphore, #tpu.memory_space<semaphore_mem>>)
      %add3A_54 = arith.constant 0 : i32
      %add3A_55 = arith.constant 1 : i32
      %add3A_56 = arith.addi %add3A_54, %add3A_55 : i32
      %select_n3A_57 = arith.constant true
      %select_n3A_58 = arith.constant 0 : i32
      %select_n3A_59 = arith.select %select_n3A_57, %add3A_56, %select_n3A_58 : i32
      "tpu.trace_stop"() : () -> ()
      %scan3A = arith.constant 0 : i32
      %scan3A_60 = arith.constant 0 : i32
      %scan3A_61 = arith.constant 0 : i32
      %scan3A_62 = arith.constant 0 : i32
      %scan3A_63 = arith.constant 0 : i32
      %scan3A_64 = arith.constant 20 : i32
      %scan3A_65 = arith.addi %scan3A_63, %scan3A_64 : i32
      %scan3A_66 = arith.constant 1 : i32
      %scan3A_67:5 = scf.for %scan3A_121 = %scan3A_63 to %scan3A_65 step %scan3A_66 iter_args(%scan3A_122 = %select_n3A_59, %scan3A_123 = %scan3A, %scan3A_124 = %scan3A_60, %scan3A_125 = %scan3A_61, %scan3A_126 = %scan3A_62) -> (i32, i32, i32, i32, i32)  : i32 {
        %eq3A_127 = arith.constant 0 : i32
        %eq3A_128 = arith.cmpi eq, %scan3A_121, %eq3A_127 : i32
        %eq3A_129 = arith.constant 19 : i32
        %eq3A_130 = arith.cmpi eq, %scan3A_121, %eq3A_129 : i32
        %add3A_131 = arith.addi %scan3A_126, %mul3A_6 : i32
        %sub3A_132 = arith.constant 1 : i32
        %sub3A_133 = arith.subi %scan3A_126, %sub3A_132 : i32
        %select_n3A_134 = arith.constant true
        %select_n3A_135 = arith.select %select_n3A_134, %sub3A_133, %scan3A_126 : i32
        %eq3A_136 = arith.constant -1 : i32
        %eq3A_137 = arith.cmpi eq, %select_n3A_135, %eq3A_136 : i32
        %select_n3A_138 = arith.constant 19 : i32
        %select_n3A_139 = arith.select %eq3A_137, %select_n3A_138, %select_n3A_135 : i32
        %add3A_140 = arith.addi %select_n3A_139, %mul3A_6 : i32
        %add3A_141 = arith.constant 1 : i32
        %add3A_142 = arith.addi %scan3A_126, %add3A_141 : i32
        %select_n3A_143 = arith.constant true
        %select_n3A_144 = arith.select %select_n3A_143, %add3A_142, %scan3A_126 : i32
        %eq3A_145 = arith.constant 20 : i32
        %eq3A_146 = arith.cmpi eq, %select_n3A_144, %eq3A_145 : i32
        %select_n3A_147 = arith.constant 0 : i32
        %select_n3A_148 = arith.select %eq3A_146, %select_n3A_147, %select_n3A_144 : i32
        %add3A_149 = arith.addi %select_n3A_148, %mul3A_6 : i32
        %add3A_150 = arith.constant 1 : i32
        %add3A_151 = arith.addi %select_n3A_148, %add3A_150 : i32
        %select_n3A_152 = arith.constant true
        %select_n3A_153 = arith.select %select_n3A_152, %add3A_151, %select_n3A_148 : i32
        %eq3A_154 = arith.constant 20 : i32
        %eq3A_155 = arith.cmpi eq, %select_n3A_153, %eq3A_154 : i32
        %select_n3A_156 = arith.constant 0 : i32
        %select_n3A_157 = arith.select %eq3A_155, %select_n3A_156, %select_n3A_153 : i32
        %add3A_158 = arith.addi %select_n3A_157, %mul3A_6 : i32
        %ne3A = arith.cmpi ne, %add3A_131, %add3A_149 : i32
        %or3A = arith.constant false
        %or3A_159 = arith.ori %or3A, %ne3A : i1
        %ge3A = arith.constant 19 : i32
        %ge3A_160 = arith.cmpi sge, %scan3A_121, %ge3A : i32
        %not3A = arith.constant true
        %not3A_161 = arith.xori %ge3A_160, %not3A : i1
        %and3A = arith.andi %or3A_159, %not3A_161 : i1
        %convert_element_type3A = arith.extui %and3A : i1 to i32
        %cond3A = arith.constant 0 : i32
        %cond3A_162 = arith.cmpi ne, %convert_element_type3A, %cond3A : i32
        scf.if %cond3A_162 {
          "tpu.trace_start"() <{level = 10 : i32, message = "ep_copy_in"}> : () -> ()
          %rem3A_265 = arith.constant 2 : i32
          %rem3A_266 = arith.remui %scan3A_122, %rem3A_265 : i32
          %mul3A_267 = arith.constant 256 : i32
          %mul3A_268 = arith.muli %mul3A_267, %add3A_149 : i32
          %dma_start3A_269 = arith.constant 0 : i32
          %dma_start3A_270 = arith.constant 0 : i32
          %dma_start3A_271 = tpu.memref_slice %run_scoped3A[%rem3A_266, %dma_start3A_269, %dma_start3A_270] : memref<2x1x256xi32, #tpu.memory_space<vmem>> -> memref<1x1x256xi32, #tpu.memory_space<vmem>>
          %dma_start3A_272 = tpu.memref_squeeze %dma_start3A_271 : memref<1x1x256xi32, #tpu.memory_space<vmem>> -> memref<1x256xi32, #tpu.memory_space<vmem>>
          %dma_start3A_273 = arith.constant 0 : i32
          %dma_start3A_274 = tpu.memref_slice %arg4[%dma_start3A_273, %mul3A_268] : memref<1x163840xi32, #tpu.memory_space<hbm>> -> memref<1x256xi32, #tpu.memory_space<hbm>>
          %dma_start3A_275 = tpu.memref_slice %run_scoped3A_7[%rem3A_266] : memref<2x!tpu.dma_semaphore, #tpu.memory_space<semaphore_mem>> -> memref<1x!tpu.dma_semaphore, #tpu.memory_space<semaphore_mem>>
          %dma_start3A_276 = tpu.memref_squeeze %dma_start3A_275 : memref<1x!tpu.dma_semaphore, #tpu.memory_space<semaphore_mem>> -> memref<!tpu.dma_semaphore, #tpu.memory_space<semaphore_mem>>
          %dma_start3A_277 = arith.constant 0 : i32
          %dma_start3A_278 = arith.constant 0 : i32
          %dma_start3A_279 = tpu.memref_slice %run_scoped3A[%rem3A_266, %dma_start3A_277, %dma_start3A_278] : memref<2x1x256xi32, #tpu.memory_space<vmem>> -> memref<1x1x256xi32, #tpu.memory_space<vmem>>
          %dma_start3A_280 = tpu.memref_squeeze %dma_start3A_279 : memref<1x1x256xi32, #tpu.memory_space<vmem>> -> memref<1x256xi32, #tpu.memory_space<vmem>>
          %dma_start3A_281 = arith.constant 0 : i32
          %dma_start3A_282 = tpu.memref_slice %arg4[%dma_start3A_281, %mul3A_268] : memref<1x163840xi32, #tpu.memory_space<hbm>> -> memref<1x256xi32, #tpu.memory_space<hbm>>
          tpu.enqueue_dma source(%dma_start3A_282 : memref<1x256xi32, #tpu.memory_space<hbm>>) target(%dma_start3A_280 : memref<1x256xi32, #tpu.memory_space<vmem>>) target_semaphore(%dma_start3A_276 : memref<!tpu.dma_semaphore, #tpu.memory_space<semaphore_mem>>)
          "tpu.trace_stop"() : () -> ()
        } else {
        }
        %and3A_163 = arith.constant true
        %and3A_164 = arith.andi %and3A, %and3A_163 : i1
        %add3A_165 = arith.constant 1 : i32
        %add3A_166 = arith.addi %scan3A_122, %add3A_165 : i32
        %select_n3A_167 = arith.select %and3A_164, %add3A_166, %scan3A_122 : i32
        %ne3A_168 = arith.cmpi ne, %add3A_131, %add3A_149 : i32
        %or3A_169 = arith.constant false
        %or3A_170 = arith.ori %or3A_169, %ne3A_168 : i1
        %or3A_171 = arith.constant false
        %or3A_172 = arith.ori %or3A_170, %or3A_171 : i1
        %ge3A_173 = arith.constant 19 : i32
        %ge3A_174 = arith.cmpi sge, %scan3A_121, %ge3A_173 : i32
        %not3A_175 = arith.constant true
        %not3A_176 = arith.xori %ge3A_174, %not3A_175 : i1
        %and3A_177 = arith.andi %or3A_172, %not3A_176 : i1
        %ne3A_178 = arith.cmpi ne, %add3A_131, %add3A_140 : i32
        %or3A_179 = arith.constant false
        %or3A_180 = arith.ori %or3A_179, %ne3A_178 : i1
        %or3A_181 = arith.ori %or3A_180, %eq3A_128 : i1
        %convert_element_type3A_182 = arith.extui %or3A_181 : i1 to i32
        %cond3A_183 = arith.constant 0 : i32
        %cond3A_184 = arith.cmpi ne, %convert_element_type3A_182, %cond3A_183 : i32
        scf.if %cond3A_184 {
          "tpu.trace_start"() <{level = 10 : i32, message = "ep_wait_in"}> : () -> ()
          %mul3A_265 = arith.constant 256 : i32
          %mul3A_266 = arith.muli %mul3A_265, %add3A_131 : i32
          %rem3A_267 = arith.constant 2 : i32
          %rem3A_268 = arith.remui %scan3A_123, %rem3A_267 : i32
          %dma_wait3A_269 = arith.constant 0 : i32
          %dma_wait3A_270 = arith.constant 0 : i32
          %dma_wait3A_271 = tpu.memref_slice %run_scoped3A[%rem3A_268, %dma_wait3A_269, %dma_wait3A_270] : memref<2x1x256xi32, #tpu.memory_space<vmem>> -> memref<1x1x256xi32, #tpu.memory_space<vmem>>
          %dma_wait3A_272 = tpu.memref_squeeze %dma_wait3A_271 : memref<1x1x256xi32, #tpu.memory_space<vmem>> -> memref<1x256xi32, #tpu.memory_space<vmem>>
          %dma_wait3A_273 = arith.constant 0 : i32
          %dma_wait3A_274 = tpu.memref_slice %arg4[%dma_wait3A_273, %mul3A_266] : memref<1x163840xi32, #tpu.memory_space<hbm>> -> memref<1x256xi32, #tpu.memory_space<hbm>>
          %dma_wait3A_275 = tpu.memref_slice %run_scoped3A_7[%rem3A_268] : memref<2x!tpu.dma_semaphore, #tpu.memory_space<semaphore_mem>> -> memref<1x!tpu.dma_semaphore, #tpu.memory_space<semaphore_mem>>
          %dma_wait3A_276 = tpu.memref_squeeze %dma_wait3A_275 : memref<1x!tpu.dma_semaphore, #tpu.memory_space<semaphore_mem>> -> memref<!tpu.dma_semaphore, #tpu.memory_space<semaphore_mem>>
          %dma_wait3A_277 = arith.constant 0 : i32
          %dma_wait3A_278 = arith.constant 0 : i32
          %dma_wait3A_279 = tpu.memref_slice %run_scoped3A[%rem3A_268, %dma_wait3A_277, %dma_wait3A_278] : memref<2x1x256xi32, #tpu.memory_space<vmem>> -> memref<1x1x256xi32, #tpu.memory_space<vmem>>
          %dma_wait3A_280 = tpu.memref_squeeze %dma_wait3A_279 : memref<1x1x256xi32, #tpu.memory_space<vmem>> -> memref<1x256xi32, #tpu.memory_space<vmem>>
          %dma_wait3A_281 = arith.constant 0 : i32
          %dma_wait3A_282 = tpu.memref_slice %arg4[%dma_wait3A_281, %mul3A_266] : memref<1x163840xi32, #tpu.memory_space<hbm>> -> memref<1x256xi32, #tpu.memory_space<hbm>>
          tpu.wait_dma2 semaphore(%dma_wait3A_276 : memref<!tpu.dma_semaphore, #tpu.memory_space<semaphore_mem>>) src(%dma_wait3A_282 : memref<1x256xi32, #tpu.memory_space<hbm>>) dst(%dma_wait3A_280 : memref<1x256xi32, #tpu.memory_space<vmem>>)
          "tpu.trace_stop"() : () -> ()
        } else {
        }
        %ne3A_185 = arith.cmpi ne, %add3A_131, %add3A_140 : i32
        %or3A_186 = arith.constant false
        %or3A_187 = arith.ori %or3A_186, %ne3A_185 : i1
        %or3A_188 = arith.constant false
        %or3A_189 = arith.ori %or3A_187, %or3A_188 : i1
        %or3A_190 = arith.ori %or3A_189, %eq3A_128 : i1
        %convert_element_type3A_191 = arith.extui %or3A_190 : i1 to i32
        %cond3A_192 = arith.constant 0 : i32
        %cond3A_193 = arith.cmpi ne, %convert_element_type3A_191, %cond3A_192 : i32
        scf.if %cond3A_193 {
        } else {
        }
        %rem3A_194 = arith.constant 2 : i32
        %rem3A_195 = arith.remui %scan3A_123, %rem3A_194 : i32
        %rem3A_196 = arith.constant 2 : i32
        %rem3A_197 = arith.remui %scan3A_124, %rem3A_196 : i32
        %run_scoped3A_198 = arith.constant 0 : i32
        "tpu.trace_start"() <{level = 10 : i32, message = "ep_run_kernel"}> : () -> ()
        "tpu.region"() ({
          %run_scoped3A_265 = tpu.sem_alloc : memref<!tpu.dma_semaphore, #tpu.memory_space<semaphore_mem>>
          %dma_start3A_266 = arith.constant 0 : i32
          %dma_start3A_267 = arith.constant 0 : i32
          %dma_start3A_268 = tpu.memref_slice %run_scoped3A_8[%rem3A_197, %dma_start3A_266, %dma_start3A_267] : memref<2x256x128xf32, #tpu.memory_space<vmem>> -> memref<1x256x128xf32, #tpu.memory_space<vmem>>
          %dma_start3A_269 = tpu.memref_squeeze %dma_start3A_268 : memref<1x256x128xf32, #tpu.memory_space<vmem>> -> memref<256x128xf32, #tpu.memory_space<vmem>>
          %dma_start3A_270 = arith.constant 0 : i32
          %dma_start3A_271 = arith.constant 0 : i32
          %dma_start3A_272 = tpu.memref_slice %run_scoped3A[%rem3A_195, %dma_start3A_270, %dma_start3A_271] : memref<2x1x256xi32, #tpu.memory_space<vmem>> -> memref<1x1x256xi32, #tpu.memory_space<vmem>>
          %dma_start3A_273 = tpu.memref_squeeze %dma_start3A_272 : memref<1x1x256xi32, #tpu.memory_space<vmem>> -> memref<1x256xi32, #tpu.memory_space<vmem>>
          %dma_start3A_274 = arith.constant 0 : i32
          %dma_start3A_275 = tpu.memref_slice %dma_start3A_273[%run_scoped3A_198, %dma_start3A_274] : memref<1x256xi32, #tpu.memory_space<vmem>> -> memref<1x256xi32, #tpu.memory_space<vmem>>
          %dma_start3A_276 = tpu.memref_squeeze %dma_start3A_275 : memref<1x256xi32, #tpu.memory_space<vmem>> -> memref<256xi32, #tpu.memory_space<vmem>>
          %dma_start3A_277 = arith.constant 0 : i32
          %dma_start3A_278 = arith.constant 0 : i32
          %dma_start3A_279 = tpu.memref_slice %arg2[%dma_start3A_277, %dma_start3A_278] : memref<10240x128xf32, #tpu.memory_space<hbm>> -> memref<10240x128xf32, #tpu.memory_space<hbm>>
          tpu.enqueue_indirect_dma source(%dma_start3A_279 : memref<10240x128xf32, #tpu.memory_space<hbm>>) target(%dma_start3A_269 : memref<256x128xf32, #tpu.memory_space<vmem>>) offsets(%dma_start3A_276 : memref<256xi32, #tpu.memory_space<vmem>>) semaphore(%run_scoped3A_265 : memref<!tpu.dma_semaphore, #tpu.memory_space<semaphore_mem>>)
          %dma_wait3A_280 = arith.constant 0 : i32
          %dma_wait3A_281 = arith.constant 0 : i32
          %dma_wait3A_282 = tpu.memref_slice %run_scoped3A_8[%rem3A_197, %dma_wait3A_280, %dma_wait3A_281] : memref<2x256x128xf32, #tpu.memory_space<vmem>> -> memref<1x256x128xf32, #tpu.memory_space<vmem>>
          %dma_wait3A_283 = tpu.memref_squeeze %dma_wait3A_282 : memref<1x256x128xf32, #tpu.memory_space<vmem>> -> memref<256x128xf32, #tpu.memory_space<vmem>>
          %dma_wait3A_284 = arith.constant 0 : i32
          %dma_wait3A_285 = arith.constant 0 : i32
          %dma_wait3A_286 = tpu.memref_slice %run_scoped3A[%rem3A_195, %dma_wait3A_284, %dma_wait3A_285] : memref<2x1x256xi32, #tpu.memory_space<vmem>> -> memref<1x1x256xi32, #tpu.memory_space<vmem>>
          %dma_wait3A_287 = tpu.memref_squeeze %dma_wait3A_286 : memref<1x1x256xi32, #tpu.memory_space<vmem>> -> memref<1x256xi32, #tpu.memory_space<vmem>>
          %dma_wait3A_288 = arith.constant 0 : i32
          %dma_wait3A_289 = tpu.memref_slice %dma_wait3A_287[%run_scoped3A_198, %dma_wait3A_288] : memref<1x256xi32, #tpu.memory_space<vmem>> -> memref<1x256xi32, #tpu.memory_space<vmem>>
          %dma_wait3A_290 = tpu.memref_squeeze %dma_wait3A_289 : memref<1x256xi32, #tpu.memory_space<vmem>> -> memref<256xi32, #tpu.memory_space<vmem>>
          %dma_wait3A_291 = arith.constant 0 : i32
          %dma_wait3A_292 = arith.constant 0 : i32
          %dma_wait3A_293 = tpu.memref_slice %arg2[%dma_wait3A_291, %dma_wait3A_292] : memref<10240x128xf32, #tpu.memory_space<hbm>> -> memref<10240x128xf32, #tpu.memory_space<hbm>>
          tpu.wait_indirect_dma semaphore(%run_scoped3A_265 : memref<!tpu.dma_semaphore, #tpu.memory_space<semaphore_mem>>) src(%dma_wait3A_293 : memref<10240x128xf32, #tpu.memory_space<hbm>>) dst(%dma_wait3A_283 : memref<256x128xf32, #tpu.memory_space<vmem>>)
          tpu.yield
        }) : () -> ()
        %run_scoped3A_199 = arith.constant 0 : i32
        "tpu.region"() ({
          %run_scoped3A_265 = tpu.sem_alloc : memref<!tpu.dma_semaphore, #tpu.memory_space<semaphore_mem>>
          %dma_start3A_266 = arith.constant 0 : i32
          %dma_start3A_267 = arith.constant 0 : i32
          %dma_start3A_268 = tpu.memref_slice %run_scoped3A_8[%rem3A_197, %dma_start3A_266, %dma_start3A_267] : memref<2x256x128xf32, #tpu.memory_space<vmem>> -> memref<1x256x128xf32, #tpu.memory_space<vmem>>
          %dma_start3A_269 = tpu.memref_squeeze %dma_start3A_268 : memref<1x256x128xf32, #tpu.memory_space<vmem>> -> memref<256x128xf32, #tpu.memory_space<vmem>>
          %dma_start3A_270 = arith.constant 0 : i32
          %dma_start3A_271 = arith.constant 0 : i32
          %dma_start3A_272 = tpu.memref_slice %run_scoped3A[%rem3A_195, %dma_start3A_270, %dma_start3A_271] : memref<2x1x256xi32, #tpu.memory_space<vmem>> -> memref<1x1x256xi32, #tpu.memory_space<vmem>>
          %dma_start3A_273 = tpu.memref_squeeze %dma_start3A_272 : memref<1x1x256xi32, #tpu.memory_space<vmem>> -> memref<1x256xi32, #tpu.memory_space<vmem>>
          %dma_start3A_274 = arith.constant 0 : i32
          %dma_start3A_275 = tpu.memref_slice %dma_start3A_273[%run_scoped3A_199, %dma_start3A_274] : memref<1x256xi32, #tpu.memory_space<vmem>> -> memref<1x256xi32, #tpu.memory_space<vmem>>
          %dma_start3A_276 = tpu.memref_squeeze %dma_start3A_275 : memref<1x256xi32, #tpu.memory_space<vmem>> -> memref<256xi32, #tpu.memory_space<vmem>>
          %dma_start3A_277 = arith.constant 0 : i32
          %dma_start3A_278 = arith.constant 0 : i32
          %dma_start3A_279 = tpu.memref_slice %arg3[%dma_start3A_277, %dma_start3A_278] : memref<10240x128xf32, #tpu.memory_space<hbm>> -> memref<10240x128xf32, #tpu.memory_space<hbm>>
          tpu.enqueue_indirect_dma source(%dma_start3A_279 : memref<10240x128xf32, #tpu.memory_space<hbm>>) target(%dma_start3A_269 : memref<256x128xf32, #tpu.memory_space<vmem>>) offsets(%dma_start3A_276 : memref<256xi32, #tpu.memory_space<vmem>>) semaphore(%run_scoped3A_265 : memref<!tpu.dma_semaphore, #tpu.memory_space<semaphore_mem>>) {add = true}
          %dma_wait3A_280 = arith.constant 0 : i32
          %dma_wait3A_281 = arith.constant 0 : i32
          %dma_wait3A_282 = tpu.memref_slice %run_scoped3A_8[%rem3A_197, %dma_wait3A_280, %dma_wait3A_281] : memref<2x256x128xf32, #tpu.memory_space<vmem>> -> memref<1x256x128xf32, #tpu.memory_space<vmem>>
          %dma_wait3A_283 = tpu.memref_squeeze %dma_wait3A_282 : memref<1x256x128xf32, #tpu.memory_space<vmem>> -> memref<256x128xf32, #tpu.memory_space<vmem>>
          %dma_wait3A_284 = arith.constant 0 : i32
          %dma_wait3A_285 = arith.constant 0 : i32
          %dma_wait3A_286 = tpu.memref_slice %run_scoped3A[%rem3A_195, %dma_wait3A_284, %dma_wait3A_285] : memref<2x1x256xi32, #tpu.memory_space<vmem>> -> memref<1x1x256xi32, #tpu.memory_space<vmem>>
          %dma_wait3A_287 = tpu.memref_squeeze %dma_wait3A_286 : memref<1x1x256xi32, #tpu.memory_space<vmem>> -> memref<1x256xi32, #tpu.memory_space<vmem>>
          %dma_wait3A_288 = arith.constant 0 : i32
          %dma_wait3A_289 = tpu.memref_slice %dma_wait3A_287[%run_scoped3A_199, %dma_wait3A_288] : memref<1x256xi32, #tpu.memory_space<vmem>> -> memref<1x256xi32, #tpu.memory_space<vmem>>
          %dma_wait3A_290 = tpu.memref_squeeze %dma_wait3A_289 : memref<1x256xi32, #tpu.memory_space<vmem>> -> memref<256xi32, #tpu.memory_space<vmem>>
          %dma_wait3A_291 = arith.constant 0 : i32
          %dma_wait3A_292 = arith.constant 0 : i32
          %dma_wait3A_293 = tpu.memref_slice %arg3[%dma_wait3A_291, %dma_wait3A_292] : memref<10240x128xf32, #tpu.memory_space<hbm>> -> memref<10240x128xf32, #tpu.memory_space<hbm>>
          tpu.wait_indirect_dma semaphore(%run_scoped3A_265 : memref<!tpu.dma_semaphore, #tpu.memory_space<semaphore_mem>>) src(%dma_wait3A_293 : memref<10240x128xf32, #tpu.memory_space<hbm>>) dst(%dma_wait3A_283 : memref<256x128xf32, #tpu.memory_space<vmem>>)
          tpu.yield
        }) : () -> ()
        "tpu.trace_stop"() : () -> ()
        %ne3A_200 = arith.cmpi ne, %add3A_131, %add3A_149 : i32
        %or3A_201 = arith.constant false
        %or3A_202 = arith.ori %or3A_201, %ne3A_200 : i1
        %or3A_203 = arith.ori %or3A_202, %eq3A_130 : i1
        %convert_element_type3A_204 = arith.extui %or3A_203 : i1 to i32
        %cond3A_205 = arith.constant 0 : i32
        %cond3A_206 = arith.cmpi ne, %convert_element_type3A_204, %cond3A_205 : i32
        scf.if %cond3A_206 {
        } else {
        }
        %and3A_207 = arith.constant false
        %and3A_208 = arith.andi %or3A_203, %and3A_207 : i1
        %ne3A_209 = arith.cmpi ne, %add3A_131, %add3A_149 : i32
        %or3A_210 = arith.constant false
        %or3A_211 = arith.ori %or3A_210, %ne3A_209 : i1
        %or3A_212 = arith.constant false
        %or3A_213 = arith.ori %or3A_211, %or3A_212 : i1
        %or3A_214 = arith.ori %or3A_213, %eq3A_130 : i1
        %convert_element_type3A_215 = arith.extui %or3A_214 : i1 to i32
        %cond3A_216 = arith.constant 0 : i32
        %cond3A_217 = arith.cmpi ne, %convert_element_type3A_215, %cond3A_216 : i32
        scf.if %cond3A_217 {
          "tpu.trace_start"() <{level = 10 : i32, message = "ep_copy_out"}> : () -> ()
          %rem3A_265 = arith.constant 2 : i32
          %rem3A_266 = arith.remui %scan3A_124, %rem3A_265 : i32
          %mul3A_267 = arith.constant 256 : i32
          %mul3A_268 = arith.muli %mul3A_267, %add3A_131 : i32
          %dma_start3A_269 = arith.constant 0 : i32
          %dma_start3A_270 = arith.constant 0 : i32
          %dma_start3A_271 = tpu.memref_slice %run_scoped3A_8[%rem3A_266, %dma_start3A_269, %dma_start3A_270] : memref<2x256x128xf32, #tpu.memory_space<vmem>> -> memref<1x256x128xf32, #tpu.memory_space<vmem>>
          %dma_start3A_272 = tpu.memref_squeeze %dma_start3A_271 : memref<1x256x128xf32, #tpu.memory_space<vmem>> -> memref<256x128xf32, #tpu.memory_space<vmem>>
          %dma_start3A_273 = arith.constant 0 : i32
          %dma_start3A_274 = tpu.memref_slice %arg5[%mul3A_268, %dma_start3A_273] : memref<163840x128xf32, #tpu.memory_space<hbm>> -> memref<256x128xf32, #tpu.memory_space<hbm>>
          %dma_start3A_275 = tpu.memref_slice %run_scoped3A_9[%rem3A_266] : memref<2x!tpu.dma_semaphore, #tpu.memory_space<semaphore_mem>> -> memref<1x!tpu.dma_semaphore, #tpu.memory_space<semaphore_mem>>
          %dma_start3A_276 = tpu.memref_squeeze %dma_start3A_275 : memref<1x!tpu.dma_semaphore, #tpu.memory_space<semaphore_mem>> -> memref<!tpu.dma_semaphore, #tpu.memory_space<semaphore_mem>>
          %dma_start3A_277 = arith.constant 0 : i32
          %dma_start3A_278 = tpu.memref_slice %arg5[%mul3A_268, %dma_start3A_277] : memref<163840x128xf32, #tpu.memory_space<hbm>> -> memref<256x128xf32, #tpu.memory_space<hbm>>
          %dma_start3A_279 = arith.constant 0 : i32
          %dma_start3A_280 = arith.constant 0 : i32
          %dma_start3A_281 = tpu.memref_slice %run_scoped3A_8[%rem3A_266, %dma_start3A_279, %dma_start3A_280] : memref<2x256x128xf32, #tpu.memory_space<vmem>> -> memref<1x256x128xf32, #tpu.memory_space<vmem>>
          %dma_start3A_282 = tpu.memref_squeeze %dma_start3A_281 : memref<1x256x128xf32, #tpu.memory_space<vmem>> -> memref<256x128xf32, #tpu.memory_space<vmem>>
          tpu.enqueue_dma source(%dma_start3A_282 : memref<256x128xf32, #tpu.memory_space<vmem>>) target(%dma_start3A_278 : memref<256x128xf32, #tpu.memory_space<hbm>>) target_semaphore(%dma_start3A_276 : memref<!tpu.dma_semaphore, #tpu.memory_space<semaphore_mem>>)
          "tpu.trace_stop"() : () -> ()
        } else {
        }
        %and3A_218 = arith.constant true
        %and3A_219 = arith.andi %or3A_214, %and3A_218 : i1
        %add3A_220 = arith.constant 1 : i32
        %add3A_221 = arith.addi %scan3A_124, %add3A_220 : i32
        %select_n3A_222 = arith.select %and3A_219, %add3A_221, %scan3A_124 : i32
        %ne3A_223 = arith.cmpi ne, %add3A_131, %add3A_140 : i32
        %or3A_224 = arith.constant false
        %or3A_225 = arith.ori %or3A_224, %ne3A_223 : i1
        %not3A_226 = arith.constant true
        %not3A_227 = arith.xori %eq3A_128, %not3A_226 : i1
        %and3A_228 = arith.andi %or3A_225, %not3A_227 : i1
        %convert_element_type3A_229 = arith.extui %and3A_228 : i1 to i32
        %cond3A_230 = arith.constant 0 : i32
        %cond3A_231 = arith.cmpi ne, %convert_element_type3A_229, %cond3A_230 : i32
        scf.if %cond3A_231 {
        } else {
        }
        %and3A_232 = arith.constant false
        %and3A_233 = arith.andi %and3A_228, %and3A_232 : i1
        %ne3A_234 = arith.cmpi ne, %add3A_131, %add3A_140 : i32
        %or3A_235 = arith.constant false
        %or3A_236 = arith.ori %or3A_235, %ne3A_234 : i1
        %or3A_237 = arith.constant false
        %or3A_238 = arith.ori %or3A_236, %or3A_237 : i1
        %not3A_239 = arith.constant true
        %not3A_240 = arith.xori %eq3A_128, %not3A_239 : i1
        %and3A_241 = arith.andi %or3A_238, %not3A_240 : i1
        %convert_element_type3A_242 = arith.extui %and3A_241 : i1 to i32
        %cond3A_243 = arith.constant 0 : i32
        %cond3A_244 = arith.cmpi ne, %convert_element_type3A_242, %cond3A_243 : i32
        scf.if %cond3A_244 {
          "tpu.trace_start"() <{level = 10 : i32, message = "ep_wait_out"}> : () -> ()
          %rem3A_265 = arith.constant 2 : i32
          %rem3A_266 = arith.remui %scan3A_125, %rem3A_265 : i32
          %mul3A_267 = arith.constant 256 : i32
          %mul3A_268 = arith.muli %mul3A_267, %add3A_140 : i32
          %dma_wait3A_269 = arith.constant 0 : i32
          %dma_wait3A_270 = arith.constant 0 : i32
          %dma_wait3A_271 = tpu.memref_slice %run_scoped3A_8[%rem3A_266, %dma_wait3A_269, %dma_wait3A_270] : memref<2x256x128xf32, #tpu.memory_space<vmem>> -> memref<1x256x128xf32, #tpu.memory_space<vmem>>
          %dma_wait3A_272 = tpu.memref_squeeze %dma_wait3A_271 : memref<1x256x128xf32, #tpu.memory_space<vmem>> -> memref<256x128xf32, #tpu.memory_space<vmem>>
          %dma_wait3A_273 = arith.constant 0 : i32
          %dma_wait3A_274 = tpu.memref_slice %arg5[%mul3A_268, %dma_wait3A_273] : memref<163840x128xf32, #tpu.memory_space<hbm>> -> memref<256x128xf32, #tpu.memory_space<hbm>>
          %dma_wait3A_275 = tpu.memref_slice %run_scoped3A_9[%rem3A_266] : memref<2x!tpu.dma_semaphore, #tpu.memory_space<semaphore_mem>> -> memref<1x!tpu.dma_semaphore, #tpu.memory_space<semaphore_mem>>
          %dma_wait3A_276 = tpu.memref_squeeze %dma_wait3A_275 : memref<1x!tpu.dma_semaphore, #tpu.memory_space<semaphore_mem>> -> memref<!tpu.dma_semaphore, #tpu.memory_space<semaphore_mem>>
          %dma_wait3A_277 = arith.constant 0 : i32
          %dma_wait3A_278 = tpu.memref_slice %arg5[%mul3A_268, %dma_wait3A_277] : memref<163840x128xf32, #tpu.memory_space<hbm>> -> memref<256x128xf32, #tpu.memory_space<hbm>>
          %dma_wait3A_279 = arith.constant 0 : i32
          %dma_wait3A_280 = arith.constant 0 : i32
          %dma_wait3A_281 = tpu.memref_slice %run_scoped3A_8[%rem3A_266, %dma_wait3A_279, %dma_wait3A_280] : memref<2x256x128xf32, #tpu.memory_space<vmem>> -> memref<1x256x128xf32, #tpu.memory_space<vmem>>
          %dma_wait3A_282 = tpu.memref_squeeze %dma_wait3A_281 : memref<1x256x128xf32, #tpu.memory_space<vmem>> -> memref<256x128xf32, #tpu.memory_space<vmem>>
          tpu.wait_dma2 semaphore(%dma_wait3A_276 : memref<!tpu.dma_semaphore, #tpu.memory_space<semaphore_mem>>) src(%dma_wait3A_282 : memref<256x128xf32, #tpu.memory_space<vmem>>) dst(%dma_wait3A_278 : memref<256x128xf32, #tpu.memory_space<hbm>>)
          "tpu.trace_stop"() : () -> ()
        } else {
        }
        %and3A_245 = arith.constant true
        %and3A_246 = arith.andi %and3A_241, %and3A_245 : i1
        %add3A_247 = arith.constant 1 : i32
        %add3A_248 = arith.addi %scan3A_125, %add3A_247 : i32
        %select_n3A_249 = arith.select %and3A_246, %add3A_248, %scan3A_125 : i32
        %ne3A_250 = arith.cmpi ne, %add3A_131, %add3A_149 : i32
        %or3A_251 = arith.constant false
        %or3A_252 = arith.ori %or3A_251, %ne3A_250 : i1
        %or3A_253 = arith.ori %or3A_252, %eq3A_130 : i1
        %add3A_254 = arith.constant 1 : i32
        %add3A_255 = arith.addi %scan3A_123, %add3A_254 : i32
        %select_n3A_256 = arith.select %or3A_253, %add3A_255, %scan3A_123 : i32
        %add3A_257 = arith.constant 1 : i32
        %add3A_258 = arith.addi %scan3A_126, %add3A_257 : i32
        %select_n3A_259 = arith.constant true
        %select_n3A_260 = arith.select %select_n3A_259, %add3A_258, %scan3A_126 : i32
        %eq3A_261 = arith.constant 20 : i32
        %eq3A_262 = arith.cmpi eq, %select_n3A_260, %eq3A_261 : i32
        %select_n3A_263 = arith.constant 0 : i32
        %select_n3A_264 = arith.select %eq3A_262, %select_n3A_263, %select_n3A_260 : i32
        scf.yield %select_n3A_167, %select_n3A_256, %select_n3A_222, %select_n3A_249, %select_n3A_264 : i32, i32, i32, i32, i32
      }
      %scan3A_68 = arith.constant 20 : i32
      %sub3A = arith.constant 1 : i32
      %sub3A_69 = arith.subi %scan3A_67#4, %sub3A : i32
      %select_n3A_70 = arith.constant true
      %select_n3A_71 = arith.select %select_n3A_70, %sub3A_69, %scan3A_67#4 : i32
      %eq3A_72 = arith.constant -1 : i32
      %eq3A_73 = arith.cmpi eq, %select_n3A_71, %eq3A_72 : i32
      %select_n3A_74 = arith.constant 19 : i32
      %select_n3A_75 = arith.select %eq3A_73, %select_n3A_74, %select_n3A_71 : i32
      %add3A_76 = arith.addi %select_n3A_75, %mul3A_6 : i32
      %sub3A_77 = arith.constant 1 : i32
      %sub3A_78 = arith.subi %select_n3A_75, %sub3A_77 : i32
      %select_n3A_79 = arith.constant true
      %select_n3A_80 = arith.select %select_n3A_79, %sub3A_78, %select_n3A_75 : i32
      %eq3A_81 = arith.constant -1 : i32
      %eq3A_82 = arith.cmpi eq, %select_n3A_80, %eq3A_81 : i32
      %select_n3A_83 = arith.constant 19 : i32
      %select_n3A_84 = arith.select %eq3A_82, %select_n3A_83, %select_n3A_80 : i32
      %add3A_85 = arith.addi %select_n3A_84, %mul3A_6 : i32
      %add3A_86 = arith.constant 1 : i32
      %add3A_87 = arith.addi %select_n3A_75, %add3A_86 : i32
      %select_n3A_88 = arith.constant true
      %select_n3A_89 = arith.select %select_n3A_88, %add3A_87, %select_n3A_75 : i32
      %eq3A_90 = arith.constant 20 : i32
      %eq3A_91 = arith.cmpi eq, %select_n3A_89, %eq3A_90 : i32
      %select_n3A_92 = arith.constant 0 : i32
      %select_n3A_93 = arith.select %eq3A_91, %select_n3A_92, %select_n3A_89 : i32
      %add3A_94 = arith.addi %select_n3A_93, %mul3A_6 : i32
      %add3A_95 = arith.constant 1 : i32
      %add3A_96 = arith.addi %select_n3A_93, %add3A_95 : i32
      %select_n3A_97 = arith.constant true
      %select_n3A_98 = arith.select %select_n3A_97, %add3A_96, %select_n3A_93 : i32
      %eq3A_99 = arith.constant 20 : i32
      %eq3A_100 = arith.cmpi eq, %select_n3A_98, %eq3A_99 : i32
      %select_n3A_101 = arith.constant 0 : i32
      %select_n3A_102 = arith.select %eq3A_100, %select_n3A_101, %select_n3A_98 : i32
      %add3A_103 = arith.addi %select_n3A_102, %mul3A_6 : i32
      "tpu.trace_start"() <{level = 10 : i32, message = "ep_finalize"}> : () -> ()
      %rem3A_104 = arith.constant 2 : i32
      %rem3A_105 = arith.remui %scan3A_67#3, %rem3A_104 : i32
      %mul3A_106 = arith.constant 256 : i32
      %mul3A_107 = arith.muli %mul3A_106, %add3A_76 : i32
      %dma_wait3A = arith.constant 0 : i32
      %dma_wait3A_108 = arith.constant 0 : i32
      %dma_wait3A_109 = tpu.memref_slice %run_scoped3A_8[%rem3A_105, %dma_wait3A, %dma_wait3A_108] : memref<2x256x128xf32, #tpu.memory_space<vmem>> -> memref<1x256x128xf32, #tpu.memory_space<vmem>>
      %dma_wait3A_110 = tpu.memref_squeeze %dma_wait3A_109 : memref<1x256x128xf32, #tpu.memory_space<vmem>> -> memref<256x128xf32, #tpu.memory_space<vmem>>
      %dma_wait3A_111 = arith.constant 0 : i32
      %dma_wait3A_112 = tpu.memref_slice %arg5[%mul3A_107, %dma_wait3A_111] : memref<163840x128xf32, #tpu.memory_space<hbm>> -> memref<256x128xf32, #tpu.memory_space<hbm>>
      %dma_wait3A_113 = tpu.memref_slice %run_scoped3A_9[%rem3A_105] : memref<2x!tpu.dma_semaphore, #tpu.memory_space<semaphore_mem>> -> memref<1x!tpu.dma_semaphore, #tpu.memory_space<semaphore_mem>>
      %dma_wait3A_114 = tpu.memref_squeeze %dma_wait3A_113 : memref<1x!tpu.dma_semaphore, #tpu.memory_space<semaphore_mem>> -> memref<!tpu.dma_semaphore, #tpu.memory_space<semaphore_mem>>
      %dma_wait3A_115 = arith.constant 0 : i32
      %dma_wait3A_116 = tpu.memref_slice %arg5[%mul3A_107, %dma_wait3A_115] : memref<163840x128xf32, #tpu.memory_space<hbm>> -> memref<256x128xf32, #tpu.memory_space<hbm>>
      %dma_wait3A_117 = arith.constant 0 : i32
      %dma_wait3A_118 = arith.constant 0 : i32
      %dma_wait3A_119 = tpu.memref_slice %run_scoped3A_8[%rem3A_105, %dma_wait3A_117, %dma_wait3A_118] : memref<2x256x128xf32, #tpu.memory_space<vmem>> -> memref<1x256x128xf32, #tpu.memory_space<vmem>>
      %dma_wait3A_120 = tpu.memref_squeeze %dma_wait3A_119 : memref<1x256x128xf32, #tpu.memory_space<vmem>> -> memref<256x128xf32, #tpu.memory_space<vmem>>
      tpu.wait_dma2 semaphore(%dma_wait3A_114 : memref<!tpu.dma_semaphore, #tpu.memory_space<semaphore_mem>>) src(%dma_wait3A_120 : memref<256x128xf32, #tpu.memory_space<vmem>>) dst(%dma_wait3A_116 : memref<256x128xf32, #tpu.memory_space<hbm>>)
      "tpu.trace_stop"() : () -> ()
      tpu.yield
    }) : () -> ()
    return
  }
}

#map = affine_map<(d0, d1) -> (0, 0)>
#map1 = affine_map<(d0, d1) -> (0, 0, 0)>
module attributes {stable_mosaic.version = 14 : i64} {
  func.func @k(%arg0: i32, %arg1: i32, %arg2: memref<163840x128xf32, #tpu.memory_space<hbm>>, %arg3: memref<512x1x320xi32, #tpu.memory_space<hbm>>, %arg4: memref<10240x128xf32, #tpu.memory_space<hbm>>, %arg5: memref<2x10240x128xf32, #tpu.memory_space<hbm>>, %arg6: memref<10240x128xf32, #tpu.memory_space<vmem_shared>>, %arg7: memref<320x128xf32, #tpu.memory_space<vmem>>, %arg8: memref<1x320xi32, #tpu.memory_space<vmem>>) attributes {dimension_semantics = [#tpu.dimension_semantics<core_parallel>, #tpu.dimension_semantics<subcore_parallel>], iteration_bounds = array<i64: 2, 16>, scalar_prefetch = 0 : i64, scratch_operands = 3 : i64, tpu.core_type = #tpu.core_type<sc_vector_subcore>, window_params = [{transform_indices = #map}, {transform_indices = #map1}, {transform_indices = #map}, {transform_indices = #map1}]} {
    %mul3A = arith.constant 640 : i32
    %mul3A_0 = arith.muli %arg1, %mul3A : i32
    %mul3A_1 = arith.constant 640 : i32
    %mul3A_2 = arith.muli %arg1, %mul3A_1 : i32
    "tpu.region"() ({
      %run_scoped3A = tpu.sem_alloc : memref<!tpu.dma_semaphore, #tpu.memory_space<semaphore_mem>>
      %dma_start3A = arith.constant 0 : i32
      %dma_start3A_14 = tpu.memref_slice %arg6[%mul3A_2, %dma_start3A] : memref<10240x128xf32, #tpu.memory_space<vmem_shared>> -> memref<640x128xf32, #tpu.memory_space<vmem_shared>>
      %dma_start3A_15 = arith.constant 0 : i32
      %dma_start3A_16 = tpu.memref_slice %arg4[%mul3A_0, %dma_start3A_15] : memref<10240x128xf32, #tpu.memory_space<hbm>> -> memref<640x128xf32, #tpu.memory_space<hbm>>
      tpu.enqueue_dma source(%dma_start3A_16 : memref<640x128xf32, #tpu.memory_space<hbm>>) target(%dma_start3A_14 : memref<640x128xf32, #tpu.memory_space<vmem_shared>>) target_semaphore(%run_scoped3A : memref<!tpu.dma_semaphore, #tpu.memory_space<semaphore_mem>>)
      %dma_wait3A = arith.constant 0 : i32
      %dma_wait3A_17 = tpu.memref_slice %arg6[%mul3A_2, %dma_wait3A] : memref<10240x128xf32, #tpu.memory_space<vmem_shared>> -> memref<640x128xf32, #tpu.memory_space<vmem_shared>>
      %dma_wait3A_18 = arith.constant 0 : i32
      %dma_wait3A_19 = tpu.memref_slice %arg4[%mul3A_0, %dma_wait3A_18] : memref<10240x128xf32, #tpu.memory_space<hbm>> -> memref<640x128xf32, #tpu.memory_space<hbm>>
      tpu.wait_dma2 semaphore(%run_scoped3A : memref<!tpu.dma_semaphore, #tpu.memory_space<semaphore_mem>>) src(%dma_wait3A_19 : memref<640x128xf32, #tpu.memory_space<hbm>>) dst(%dma_wait3A_17 : memref<640x128xf32, #tpu.memory_space<vmem_shared>>)
      tpu.yield
    }) : () -> ()
    %barrier3A = arith.constant 0 : index
    tpu.barrier barrier_id(%barrier3A)
    %mul3A_3 = arith.constant 16 : i32
    %mul3A_4 = arith.muli %arg0, %mul3A_3 : i32
    %add3A = arith.addi %mul3A_4, %arg1 : i32
    %scan3A = arith.constant 0 : i32
    %scan3A_5 = arith.constant 16 : i32
    %scan3A_6 = arith.addi %scan3A, %scan3A_5 : i32
    %scan3A_7 = arith.constant 1 : i32
    scf.for %scan3A_14 = %scan3A to %scan3A_6 step %scan3A_7  : i32 {
      %mul3A_15 = arith.constant 1 : i32
      %mul3A_16 = arith.muli %scan3A_14, %mul3A_15 : i32
      %add3A_17 = arith.constant 0 : i32
      %add3A_18 = arith.addi %add3A_17, %mul3A_16 : i32
      %mul3A_19 = arith.constant 16 : i32
      %mul3A_20 = arith.muli %add3A, %mul3A_19 : i32
      %add3A_21 = arith.addi %mul3A_20, %add3A_18 : i32
      "tpu.region"() ({
        %run_scoped3A_24 = tpu.sem_alloc : memref<!tpu.dma_semaphore, #tpu.memory_space<semaphore_mem>>
        %dma_start3A = arith.constant 0 : i32
        %dma_start3A_25 = arith.constant 0 : i32
        %dma_start3A_26 = tpu.memref_slice %arg3[%add3A_21, %dma_start3A, %dma_start3A_25] : memref<512x1x320xi32, #tpu.memory_space<hbm>> -> memref<1x1x320xi32, #tpu.memory_space<hbm>>
        %dma_start3A_27 = tpu.memref_squeeze %dma_start3A_26 : memref<1x1x320xi32, #tpu.memory_space<hbm>> -> memref<1x320xi32, #tpu.memory_space<hbm>>
        %dma_start3A_28 = arith.constant 0 : i32
        %dma_start3A_29 = arith.constant 0 : i32
        %dma_start3A_30 = tpu.memref_slice %arg3[%add3A_21, %dma_start3A_28, %dma_start3A_29] : memref<512x1x320xi32, #tpu.memory_space<hbm>> -> memref<1x1x320xi32, #tpu.memory_space<hbm>>
        %dma_start3A_31 = tpu.memref_squeeze %dma_start3A_30 : memref<1x1x320xi32, #tpu.memory_space<hbm>> -> memref<1x320xi32, #tpu.memory_space<hbm>>
        tpu.enqueue_dma source(%dma_start3A_31 : memref<1x320xi32, #tpu.memory_space<hbm>>) target(%arg8 : memref<1x320xi32, #tpu.memory_space<vmem>>) target_semaphore(%run_scoped3A_24 : memref<!tpu.dma_semaphore, #tpu.memory_space<semaphore_mem>>)
        %dma_wait3A = arith.constant 0 : i32
        %dma_wait3A_32 = arith.constant 0 : i32
        %dma_wait3A_33 = tpu.memref_slice %arg3[%add3A_21, %dma_wait3A, %dma_wait3A_32] : memref<512x1x320xi32, #tpu.memory_space<hbm>> -> memref<1x1x320xi32, #tpu.memory_space<hbm>>
        %dma_wait3A_34 = tpu.memref_squeeze %dma_wait3A_33 : memref<1x1x320xi32, #tpu.memory_space<hbm>> -> memref<1x320xi32, #tpu.memory_space<hbm>>
        %dma_wait3A_35 = arith.constant 0 : i32
        %dma_wait3A_36 = arith.constant 0 : i32
        %dma_wait3A_37 = tpu.memref_slice %arg3[%add3A_21, %dma_wait3A_35, %dma_wait3A_36] : memref<512x1x320xi32, #tpu.memory_space<hbm>> -> memref<1x1x320xi32, #tpu.memory_space<hbm>>
        %dma_wait3A_38 = tpu.memref_squeeze %dma_wait3A_37 : memref<1x1x320xi32, #tpu.memory_space<hbm>> -> memref<1x320xi32, #tpu.memory_space<hbm>>
        tpu.wait_dma2 semaphore(%run_scoped3A_24 : memref<!tpu.dma_semaphore, #tpu.memory_space<semaphore_mem>>) src(%dma_wait3A_38 : memref<1x320xi32, #tpu.memory_space<hbm>>) dst(%arg8 : memref<1x320xi32, #tpu.memory_space<vmem>>)
        tpu.yield
      }) : () -> ()
      %mul3A_22 = arith.constant 320 : i32
      %mul3A_23 = arith.muli %add3A_21, %mul3A_22 : i32
      "tpu.region"() ({
        %run_scoped3A_24 = tpu.sem_alloc : memref<!tpu.dma_semaphore, #tpu.memory_space<semaphore_mem>>
        %dma_start3A = arith.constant 0 : i32
        %dma_start3A_25 = tpu.memref_slice %arg2[%mul3A_23, %dma_start3A] : memref<163840x128xf32, #tpu.memory_space<hbm>> -> memref<320x128xf32, #tpu.memory_space<hbm>>
        %dma_start3A_26 = arith.constant 0 : i32
        %dma_start3A_27 = tpu.memref_slice %arg2[%mul3A_23, %dma_start3A_26] : memref<163840x128xf32, #tpu.memory_space<hbm>> -> memref<320x128xf32, #tpu.memory_space<hbm>>
        tpu.enqueue_dma source(%dma_start3A_27 : memref<320x128xf32, #tpu.memory_space<hbm>>) target(%arg7 : memref<320x128xf32, #tpu.memory_space<vmem>>) target_semaphore(%run_scoped3A_24 : memref<!tpu.dma_semaphore, #tpu.memory_space<semaphore_mem>>)
        %dma_wait3A = arith.constant 0 : i32
        %dma_wait3A_28 = tpu.memref_slice %arg2[%mul3A_23, %dma_wait3A] : memref<163840x128xf32, #tpu.memory_space<hbm>> -> memref<320x128xf32, #tpu.memory_space<hbm>>
        %dma_wait3A_29 = arith.constant 0 : i32
        %dma_wait3A_30 = tpu.memref_slice %arg2[%mul3A_23, %dma_wait3A_29] : memref<163840x128xf32, #tpu.memory_space<hbm>> -> memref<320x128xf32, #tpu.memory_space<hbm>>
        tpu.wait_dma2 semaphore(%run_scoped3A_24 : memref<!tpu.dma_semaphore, #tpu.memory_space<semaphore_mem>>) src(%dma_wait3A_30 : memref<320x128xf32, #tpu.memory_space<hbm>>) dst(%arg7 : memref<320x128xf32, #tpu.memory_space<vmem>>)
        tpu.yield
      }) : () -> ()
      %run_scoped3A = arith.constant 0 : i32
      "tpu.region"() ({
        %run_scoped3A_24 = tpu.sem_alloc : memref<!tpu.dma_semaphore, #tpu.memory_space<semaphore_mem>>
        %dma_start3A = arith.constant 0 : i32
        %dma_start3A_25 = tpu.memref_slice %arg8[%run_scoped3A, %dma_start3A] : memref<1x320xi32, #tpu.memory_space<vmem>> -> memref<1x320xi32, #tpu.memory_space<vmem>>
        %dma_start3A_26 = tpu.memref_squeeze %dma_start3A_25 : memref<1x320xi32, #tpu.memory_space<vmem>> -> memref<320xi32, #tpu.memory_space<vmem>>
        %dma_start3A_27 = arith.constant 0 : i32
        %dma_start3A_28 = arith.constant 0 : i32
        %dma_start3A_29 = tpu.memref_slice %arg6[%dma_start3A_27, %dma_start3A_28] : memref<10240x128xf32, #tpu.memory_space<vmem_shared>> -> memref<10240x128xf32, #tpu.memory_space<vmem_shared>>
        tpu.enqueue_indirect_dma source(%arg7 : memref<320x128xf32, #tpu.memory_space<vmem>>) target(%dma_start3A_29 : memref<10240x128xf32, #tpu.memory_space<vmem_shared>>) offsets(%dma_start3A_26 : memref<320xi32, #tpu.memory_space<vmem>>) semaphore(%run_scoped3A_24 : memref<!tpu.dma_semaphore, #tpu.memory_space<semaphore_mem>>) {add = true}
        %dma_wait3A = arith.constant 0 : i32
        %dma_wait3A_30 = tpu.memref_slice %arg8[%run_scoped3A, %dma_wait3A] : memref<1x320xi32, #tpu.memory_space<vmem>> -> memref<1x320xi32, #tpu.memory_space<vmem>>
        %dma_wait3A_31 = tpu.memref_squeeze %dma_wait3A_30 : memref<1x320xi32, #tpu.memory_space<vmem>> -> memref<320xi32, #tpu.memory_space<vmem>>
        %dma_wait3A_32 = arith.constant 0 : i32
        %dma_wait3A_33 = arith.constant 0 : i32
        %dma_wait3A_34 = tpu.memref_slice %arg6[%dma_wait3A_32, %dma_wait3A_33] : memref<10240x128xf32, #tpu.memory_space<vmem_shared>> -> memref<10240x128xf32, #tpu.memory_space<vmem_shared>>
        tpu.wait_indirect_dma semaphore(%run_scoped3A_24 : memref<!tpu.dma_semaphore, #tpu.memory_space<semaphore_mem>>) src(%arg7 : memref<320x128xf32, #tpu.memory_space<vmem>>) dst(%dma_wait3A_34 : memref<10240x128xf32, #tpu.memory_space<vmem_shared>>)
        tpu.yield
      }) : () -> ()
    }
    %scan3A_8 = arith.constant 16 : i32
    %barrier3A_9 = arith.constant 0 : index
    tpu.barrier barrier_id(%barrier3A_9)
    %mul3A_10 = arith.constant 640 : i32
    %mul3A_11 = arith.muli %arg1, %mul3A_10 : i32
    %mul3A_12 = arith.constant 640 : i32
    %mul3A_13 = arith.muli %arg1, %mul3A_12 : i32
    "tpu.region"() ({
      %run_scoped3A = tpu.sem_alloc : memref<!tpu.dma_semaphore, #tpu.memory_space<semaphore_mem>>
      %dma_start3A = arith.constant 0 : i32
      %dma_start3A_14 = arith.constant 0 : i32
      %dma_start3A_15 = tpu.memref_slice %arg5[%arg0, %dma_start3A, %dma_start3A_14] : memref<2x10240x128xf32, #tpu.memory_space<hbm>> -> memref<1x10240x128xf32, #tpu.memory_space<hbm>>
      %dma_start3A_16 = tpu.memref_squeeze %dma_start3A_15 : memref<1x10240x128xf32, #tpu.memory_space<hbm>> -> memref<10240x128xf32, #tpu.memory_space<hbm>>
      %dma_start3A_17 = arith.constant 0 : i32
      %dma_start3A_18 = tpu.memref_slice %dma_start3A_16[%mul3A_13, %dma_start3A_17] : memref<10240x128xf32, #tpu.memory_space<hbm>> -> memref<640x128xf32, #tpu.memory_space<hbm>>
      %dma_start3A_19 = arith.constant 0 : i32
      %dma_start3A_20 = tpu.memref_slice %arg6[%mul3A_11, %dma_start3A_19] : memref<10240x128xf32, #tpu.memory_space<vmem_shared>> -> memref<640x128xf32, #tpu.memory_space<vmem_shared>>
      tpu.enqueue_dma source(%dma_start3A_20 : memref<640x128xf32, #tpu.memory_space<vmem_shared>>) target(%dma_start3A_18 : memref<640x128xf32, #tpu.memory_space<hbm>>) target_semaphore(%run_scoped3A : memref<!tpu.dma_semaphore, #tpu.memory_space<semaphore_mem>>)
      %dma_wait3A = arith.constant 0 : i32
      %dma_wait3A_21 = arith.constant 0 : i32
      %dma_wait3A_22 = tpu.memref_slice %arg5[%arg0, %dma_wait3A, %dma_wait3A_21] : memref<2x10240x128xf32, #tpu.memory_space<hbm>> -> memref<1x10240x128xf32, #tpu.memory_space<hbm>>
      %dma_wait3A_23 = tpu.memref_squeeze %dma_wait3A_22 : memref<1x10240x128xf32, #tpu.memory_space<hbm>> -> memref<10240x128xf32, #tpu.memory_space<hbm>>
      %dma_wait3A_24 = arith.constant 0 : i32
      %dma_wait3A_25 = tpu.memref_slice %dma_wait3A_23[%mul3A_13, %dma_wait3A_24] : memref<10240x128xf32, #tpu.memory_space<hbm>> -> memref<640x128xf32, #tpu.memory_space<hbm>>
      %dma_wait3A_26 = arith.constant 0 : i32
      %dma_wait3A_27 = tpu.memref_slice %arg6[%mul3A_11, %dma_wait3A_26] : memref<10240x128xf32, #tpu.memory_space<vmem_shared>> -> memref<640x128xf32, #tpu.memory_space<vmem_shared>>
      tpu.wait_dma2 semaphore(%run_scoped3A : memref<!tpu.dma_semaphore, #tpu.memory_space<semaphore_mem>>) src(%dma_wait3A_27 : memref<640x128xf32, #tpu.memory_space<vmem_shared>>) dst(%dma_wait3A_25 : memref<640x128xf32, #tpu.memory_space<hbm>>)
      tpu.yield
    }) : () -> ()
    return
  }
}

#map = affine_map<(d0, d1) -> (0, 0)>
module attributes {stable_mosaic.version = 14 : i64} {
  func.func @k(%arg0: i32, %arg1: i32, %arg2: memref<10240x128xf32, #tpu.memory_space<hbm>>, %arg3: memref<10240x128xf32, #tpu.memory_space<hbm>>, %arg4: memref<1x163840xi32, #tpu.memory_space<hbm>>, %arg5: memref<163840x128xf32, #tpu.memory_space<hbm>>) attributes {dimension_semantics = [#tpu.dimension_semantics<core_parallel>, #tpu.dimension_semantics<subcore_parallel>], iteration_bounds = array<i64: 2, 16>, scalar_prefetch = 0 : i64, scratch_operands = 0 : i64, tpu.core_type = #tpu.core_type<sc_vector_subcore>, window_params = [{transform_indices = #map}, {transform_indices = #map}, {transform_indices = #map}, {transform_indices = #map}]} {
    %mul3A = arith.constant 1 : i32
    %mul3A_0 = arith.muli %arg1, %mul3A : i32
    %add3A = arith.constant 0 : i32
    %add3A_1 = arith.addi %add3A, %mul3A_0 : i32
    %mul3A_2 = arith.constant 16 : i32
    %mul3A_3 = arith.muli %arg0, %mul3A_2 : i32
    %add3A_4 = arith.addi %add3A_1, %mul3A_3 : i32
    %mul3A_5 = arith.constant 20 : i32
    %mul3A_6 = arith.muli %add3A_4, %mul3A_5 : i32
    "tpu.region"() ({
      %run_scoped3A = memref.alloca() : memref<2x1x256xi32, #tpu.memory_space<vmem>>
      %run_scoped3A_7 = tpu.sem_alloc : memref<2x!tpu.dma_semaphore, #tpu.memory_space<semaphore_mem>>
      %run_scoped3A_8 = memref.alloca() : memref<2x256x128xf32, #tpu.memory_space<vmem>>
      %run_scoped3A_9 = tpu.sem_alloc : memref<2x!tpu.dma_semaphore, #tpu.memory_space<semaphore_mem>>
      %add3A_10 = arith.constant 0 : i32
      %add3A_11 = arith.addi %add3A_10, %mul3A_6 : i32
      %select_n3A = arith.constant true
      %select_n3A_12 = arith.constant 0 : i32
      %select_n3A_13 = arith.constant -1 : i32
      %select_n3A_14 = arith.select %select_n3A, %select_n3A_13, %select_n3A_12 : i32
      %eq3A = arith.constant -1 : i32
      %eq3A_15 = arith.cmpi eq, %select_n3A_14, %eq3A : i32
      %select_n3A_16 = arith.constant 19 : i32
      %select_n3A_17 = arith.select %eq3A_15, %select_n3A_16, %select_n3A_14 : i32
      %add3A_18 = arith.addi %select_n3A_17, %mul3A_6 : i32
      %select_n3A_19 = arith.constant true
      %select_n3A_20 = arith.constant 0 : i32
      %select_n3A_21 = arith.constant 1 : i32
      %select_n3A_22 = arith.select %select_n3A_19, %select_n3A_21, %select_n3A_20 : i32
      %eq3A_23 = arith.constant 20 : i32
      %eq3A_24 = arith.cmpi eq, %select_n3A_22, %eq3A_23 : i32
      %select_n3A_25 = arith.constant 0 : i32
      %select_n3A_26 = arith.select %eq3A_24, %select_n3A_25, %select_n3A_22 : i32
      %add3A_27 = arith.addi %select_n3A_26, %mul3A_6 : i32
      %add3A_28 = arith.constant 1 : i32
      %add3A_29 = arith.addi %select_n3A_26, %add3A_28 : i32
      %select_n3A_30 = arith.constant true
      %select_n3A_31 = arith.select %select_n3A_30, %add3A_29, %select_n3A_26 : i32
      %eq3A_32 = arith.constant 20 : i32
      %eq3A_33 = arith.cmpi eq, %select_n3A_31, %eq3A_32 : i32
      %select_n3A_34 = arith.constant 0 : i32
      %select_n3A_35 = arith.select %eq3A_33, %select_n3A_34, %select_n3A_31 : i32
      %add3A_36 = arith.addi %select_n3A_35, %mul3A_6 : i32
      "tpu.trace_start"() <{level = 10 : i32, message = "ep_initialize_0"}> : () -> ()
      %rem3A = arith.constant 0 : i32
      %rem3A_37 = arith.constant 2 : i32
      %rem3A_38 = arith.remui %rem3A, %rem3A_37 : i32
      %mul3A_39 = arith.constant 256 : i32
      %mul3A_40 = arith.muli %mul3A_39, %add3A_11 : i32
      %dma_start3A = arith.constant 0 : i32
      %dma_start3A_41 = arith.constant 0 : i32
      %dma_start3A_42 = tpu.memref_slice %run_scoped3A[%rem3A_38, %dma_start3A, %dma_start3A_41] : memref<2x1x256xi32, #tpu.memory_space<vmem>> -> memref<1x1x256xi32, #tpu.memory_space<vmem>>
      %dma_start3A_43 = tpu.memref_squeeze %dma_start3A_42 : memref<1x1x256xi32, #tpu.memory_space<vmem>> -> memref<1x256xi32, #tpu.memory_space<vmem>>
      %dma_start3A_44 = arith.constant 0 : i32
      %dma_start3A_45 = tpu.memref_slice %arg4[%dma_start3A_44, %mul3A_40] : memref<1x163840xi32, #tpu.memory_space<hbm>> -> memref<1x256xi32, #tpu.memory_space<hbm>>
      %dma_start3A_46 = tpu.memref_slice %run_scoped3A_7[%rem3A_38] : memref<2x!tpu.dma_semaphore, #tpu.memory_space<semaphore_mem>> -> memref<1x!tpu.dma_semaphore, #tpu.memory_space<semaphore_mem>>
      %dma_start3A_47 = tpu.memref_squeeze %dma_start3A_46 : memref<1x!tpu.dma_semaphore, #tpu.memory_space<semaphore_mem>> -> memref<!tpu.dma_semaphore, #tpu.memory_space<semaphore_mem>>
      %dma_start3A_48 = arith.constant 0 : i32
      %dma_start3A_49 = arith.constant 0 : i32
      %dma_start3A_50 = tpu.memref_slice %run_scoped3A[%rem3A_38, %dma_start3A_48, %dma_start3A_49] : memref<2x1x256xi32, #tpu.memory_space<vmem>> -> memref<1x1x256xi32, #tpu.memory_space<vmem>>
      %dma_start3A_51 = tpu.memref_squeeze %dma_start3A_50 : memref<1x1x256xi32, #tpu.memory_space<vmem>> -> memref<1x256xi32, #tpu.memory_space<vmem>>
      %dma_start3A_52 = arith.constant 0 : i32
      %dma_start3A_53 = tpu.memref_slice %arg4[%dma_start3A_52, %mul3A_40] : memref<1x163840xi32, #tpu.memory_space<hbm>> -> memref<1x256xi32, #tpu.memory_space<hbm>>
      tpu.enqueue_dma source(%dma_start3A_53 : memref<1x256xi32, #tpu.memory_space<hbm>>) target(%dma_start3A_51 : memref<1x256xi32, #tpu.memory_space<vmem>>) target_semaphore(%dma_start3A_47 : memref<!tpu.dma_semaphore, #tpu.memory_space<semaphore_mem>>)
      %add3A_54 = arith.constant 0 : i32
      %add3A_55 = arith.constant 1 : i32
      %add3A_56 = arith.addi %add3A_54, %add3A_55 : i32
      %select_n3A_57 = arith.constant true
      %select_n3A_58 = arith.constant 0 : i32
      %select_n3A_59 = arith.select %select_n3A_57, %add3A_56, %select_n3A_58 : i32
      "tpu.trace_stop"() : () -> ()
      %scan3A = arith.constant 0 : i32
      %scan3A_60 = arith.constant 0 : i32
      %scan3A_61 = arith.constant 0 : i32
      %scan3A_62 = arith.constant 0 : i32
      %scan3A_63 = arith.constant 0 : i32
      %scan3A_64 = arith.constant 20 : i32
      %scan3A_65 = arith.addi %scan3A_63, %scan3A_64 : i32
      %scan3A_66 = arith.constant 1 : i32
      %scan3A_67:5 = scf.for %scan3A_121 = %scan3A_63 to %scan3A_65 step %scan3A_66 iter_args(%scan3A_122 = %select_n3A_59, %scan3A_123 = %scan3A, %scan3A_124 = %scan3A_60, %scan3A_125 = %scan3A_61, %scan3A_126 = %scan3A_62) -> (i32, i32, i32, i32, i32)  : i32 {
        %eq3A_127 = arith.constant 0 : i32
        %eq3A_128 = arith.cmpi eq, %scan3A_121, %eq3A_127 : i32
        %eq3A_129 = arith.constant 19 : i32
        %eq3A_130 = arith.cmpi eq, %scan3A_121, %eq3A_129 : i32
        %add3A_131 = arith.addi %scan3A_126, %mul3A_6 : i32
        %sub3A_132 = arith.constant 1 : i32
        %sub3A_133 = arith.subi %scan3A_126, %sub3A_132 : i32
        %select_n3A_134 = arith.constant true
        %select_n3A_135 = arith.select %select_n3A_134, %sub3A_133, %scan3A_126 : i32
        %eq3A_136 = arith.constant -1 : i32
        %eq3A_137 = arith.cmpi eq, %select_n3A_135, %eq3A_136 : i32
        %select_n3A_138 = arith.constant 19 : i32
        %select_n3A_139 = arith.select %eq3A_137, %select_n3A_138, %select_n3A_135 : i32
        %add3A_140 = arith.addi %select_n3A_139, %mul3A_6 : i32
        %add3A_141 = arith.constant 1 : i32
        %add3A_142 = arith.addi %scan3A_126, %add3A_141 : i32
        %select_n3A_143 = arith.constant true
        %select_n3A_144 = arith.select %select_n3A_143, %add3A_142, %scan3A_126 : i32
        %eq3A_145 = arith.constant 20 : i32
        %eq3A_146 = arith.cmpi eq, %select_n3A_144, %eq3A_145 : i32
        %select_n3A_147 = arith.constant 0 : i32
        %select_n3A_148 = arith.select %eq3A_146, %select_n3A_147, %select_n3A_144 : i32
        %add3A_149 = arith.addi %select_n3A_148, %mul3A_6 : i32
        %add3A_150 = arith.constant 1 : i32
        %add3A_151 = arith.addi %select_n3A_148, %add3A_150 : i32
        %select_n3A_152 = arith.constant true
        %select_n3A_153 = arith.select %select_n3A_152, %add3A_151, %select_n3A_148 : i32
        %eq3A_154 = arith.constant 20 : i32
        %eq3A_155 = arith.cmpi eq, %select_n3A_153, %eq3A_154 : i32
        %select_n3A_156 = arith.constant 0 : i32
        %select_n3A_157 = arith.select %eq3A_155, %select_n3A_156, %select_n3A_153 : i32
        %add3A_158 = arith.addi %select_n3A_157, %mul3A_6 : i32
        %ne3A = arith.cmpi ne, %add3A_131, %add3A_149 : i32
        %or3A = arith.constant false
        %or3A_159 = arith.ori %or3A, %ne3A : i1
        %ge3A = arith.constant 19 : i32
        %ge3A_160 = arith.cmpi sge, %scan3A_121, %ge3A : i32
        %not3A = arith.constant true
        %not3A_161 = arith.xori %ge3A_160, %not3A : i1
        %and3A = arith.andi %or3A_159, %not3A_161 : i1
        %convert_element_type3A = arith.extui %and3A : i1 to i32
        %cond3A = arith.constant 0 : i32
        %cond3A_162 = arith.cmpi ne, %convert_element_type3A, %cond3A : i32
        scf.if %cond3A_162 {
          "tpu.trace_start"() <{level = 10 : i32, message = "ep_copy_in"}> : () -> ()
          %rem3A_265 = arith.constant 2 : i32
          %rem3A_266 = arith.remui %scan3A_122, %rem3A_265 : i32
          %mul3A_267 = arith.constant 256 : i32
          %mul3A_268 = arith.muli %mul3A_267, %add3A_149 : i32
          %dma_start3A_269 = arith.constant 0 : i32
          %dma_start3A_270 = arith.constant 0 : i32
          %dma_start3A_271 = tpu.memref_slice %run_scoped3A[%rem3A_266, %dma_start3A_269, %dma_start3A_270] : memref<2x1x256xi32, #tpu.memory_space<vmem>> -> memref<1x1x256xi32, #tpu.memory_space<vmem>>
          %dma_start3A_272 = tpu.memref_squeeze %dma_start3A_271 : memref<1x1x256xi32, #tpu.memory_space<vmem>> -> memref<1x256xi32, #tpu.memory_space<vmem>>
          %dma_start3A_273 = arith.constant 0 : i32
          %dma_start3A_274 = tpu.memref_slice %arg4[%dma_start3A_273, %mul3A_268] : memref<1x163840xi32, #tpu.memory_space<hbm>> -> memref<1x256xi32, #tpu.memory_space<hbm>>
          %dma_start3A_275 = tpu.memref_slice %run_scoped3A_7[%rem3A_266] : memref<2x!tpu.dma_semaphore, #tpu.memory_space<semaphore_mem>> -> memref<1x!tpu.dma_semaphore, #tpu.memory_space<semaphore_mem>>
          %dma_start3A_276 = tpu.memref_squeeze %dma_start3A_275 : memref<1x!tpu.dma_semaphore, #tpu.memory_space<semaphore_mem>> -> memref<!tpu.dma_semaphore, #tpu.memory_space<semaphore_mem>>
          %dma_start3A_277 = arith.constant 0 : i32
          %dma_start3A_278 = arith.constant 0 : i32
          %dma_start3A_279 = tpu.memref_slice %run_scoped3A[%rem3A_266, %dma_start3A_277, %dma_start3A_278] : memref<2x1x256xi32, #tpu.memory_space<vmem>> -> memref<1x1x256xi32, #tpu.memory_space<vmem>>
          %dma_start3A_280 = tpu.memref_squeeze %dma_start3A_279 : memref<1x1x256xi32, #tpu.memory_space<vmem>> -> memref<1x256xi32, #tpu.memory_space<vmem>>
          %dma_start3A_281 = arith.constant 0 : i32
          %dma_start3A_282 = tpu.memref_slice %arg4[%dma_start3A_281, %mul3A_268] : memref<1x163840xi32, #tpu.memory_space<hbm>> -> memref<1x256xi32, #tpu.memory_space<hbm>>
          tpu.enqueue_dma source(%dma_start3A_282 : memref<1x256xi32, #tpu.memory_space<hbm>>) target(%dma_start3A_280 : memref<1x256xi32, #tpu.memory_space<vmem>>) target_semaphore(%dma_start3A_276 : memref<!tpu.dma_semaphore, #tpu.memory_space<semaphore_mem>>)
          "tpu.trace_stop"() : () -> ()
        } else {
        }
        %and3A_163 = arith.constant true
        %and3A_164 = arith.andi %and3A, %and3A_163 : i1
        %add3A_165 = arith.constant 1 : i32
        %add3A_166 = arith.addi %scan3A_122, %add3A_165 : i32
        %select_n3A_167 = arith.select %and3A_164, %add3A_166, %scan3A_122 : i32
        %ne3A_168 = arith.cmpi ne, %add3A_131, %add3A_149 : i32
        %or3A_169 = arith.constant false
        %or3A_170 = arith.ori %or3A_169, %ne3A_168 : i1
        %or3A_171 = arith.constant false
        %or3A_172 = arith.ori %or3A_170, %or3A_171 : i1
        %ge3A_173 = arith.constant 19 : i32
        %ge3A_174 = arith.cmpi sge, %scan3A_121, %ge3A_173 : i32
        %not3A_175 = arith.constant true
        %not3A_176 = arith.xori %ge3A_174, %not3A_175 : i1
        %and3A_177 = arith.andi %or3A_172, %not3A_176 : i1
        %ne3A_178 = arith.cmpi ne, %add3A_131, %add3A_140 : i32
        %or3A_179 = arith.constant false
        %or3A_180 = arith.ori %or3A_179, %ne3A_178 : i1
        %or3A_181 = arith.ori %or3A_180, %eq3A_128 : i1
        %convert_element_type3A_182 = arith.extui %or3A_181 : i1 to i32
        %cond3A_183 = arith.constant 0 : i32
        %cond3A_184 = arith.cmpi ne, %convert_element_type3A_182, %cond3A_183 : i32
        scf.if %cond3A_184 {
          "tpu.trace_start"() <{level = 10 : i32, message = "ep_wait_in"}> : () -> ()
          %mul3A_265 = arith.constant 256 : i32
          %mul3A_266 = arith.muli %mul3A_265, %add3A_131 : i32
          %rem3A_267 = arith.constant 2 : i32
          %rem3A_268 = arith.remui %scan3A_123, %rem3A_267 : i32
          %dma_wait3A_269 = arith.constant 0 : i32
          %dma_wait3A_270 = arith.constant 0 : i32
          %dma_wait3A_271 = tpu.memref_slice %run_scoped3A[%rem3A_268, %dma_wait3A_269, %dma_wait3A_270] : memref<2x1x256xi32, #tpu.memory_space<vmem>> -> memref<1x1x256xi32, #tpu.memory_space<vmem>>
          %dma_wait3A_272 = tpu.memref_squeeze %dma_wait3A_271 : memref<1x1x256xi32, #tpu.memory_space<vmem>> -> memref<1x256xi32, #tpu.memory_space<vmem>>
          %dma_wait3A_273 = arith.constant 0 : i32
          %dma_wait3A_274 = tpu.memref_slice %arg4[%dma_wait3A_273, %mul3A_266] : memref<1x163840xi32, #tpu.memory_space<hbm>> -> memref<1x256xi32, #tpu.memory_space<hbm>>
          %dma_wait3A_275 = tpu.memref_slice %run_scoped3A_7[%rem3A_268] : memref<2x!tpu.dma_semaphore, #tpu.memory_space<semaphore_mem>> -> memref<1x!tpu.dma_semaphore, #tpu.memory_space<semaphore_mem>>
          %dma_wait3A_276 = tpu.memref_squeeze %dma_wait3A_275 : memref<1x!tpu.dma_semaphore, #tpu.memory_space<semaphore_mem>> -> memref<!tpu.dma_semaphore, #tpu.memory_space<semaphore_mem>>
          %dma_wait3A_277 = arith.constant 0 : i32
          %dma_wait3A_278 = arith.constant 0 : i32
          %dma_wait3A_279 = tpu.memref_slice %run_scoped3A[%rem3A_268, %dma_wait3A_277, %dma_wait3A_278] : memref<2x1x256xi32, #tpu.memory_space<vmem>> -> memref<1x1x256xi32, #tpu.memory_space<vmem>>
          %dma_wait3A_280 = tpu.memref_squeeze %dma_wait3A_279 : memref<1x1x256xi32, #tpu.memory_space<vmem>> -> memref<1x256xi32, #tpu.memory_space<vmem>>
          %dma_wait3A_281 = arith.constant 0 : i32
          %dma_wait3A_282 = tpu.memref_slice %arg4[%dma_wait3A_281, %mul3A_266] : memref<1x163840xi32, #tpu.memory_space<hbm>> -> memref<1x256xi32, #tpu.memory_space<hbm>>
          tpu.wait_dma2 semaphore(%dma_wait3A_276 : memref<!tpu.dma_semaphore, #tpu.memory_space<semaphore_mem>>) src(%dma_wait3A_282 : memref<1x256xi32, #tpu.memory_space<hbm>>) dst(%dma_wait3A_280 : memref<1x256xi32, #tpu.memory_space<vmem>>)
          "tpu.trace_stop"() : () -> ()
        } else {
        }
        %ne3A_185 = arith.cmpi ne, %add3A_131, %add3A_140 : i32
        %or3A_186 = arith.constant false
        %or3A_187 = arith.ori %or3A_186, %ne3A_185 : i1
        %or3A_188 = arith.constant false
        %or3A_189 = arith.ori %or3A_187, %or3A_188 : i1
        %or3A_190 = arith.ori %or3A_189, %eq3A_128 : i1
        %convert_element_type3A_191 = arith.extui %or3A_190 : i1 to i32
        %cond3A_192 = arith.constant 0 : i32
        %cond3A_193 = arith.cmpi ne, %convert_element_type3A_191, %cond3A_192 : i32
        scf.if %cond3A_193 {
        } else {
        }
        %rem3A_194 = arith.constant 2 : i32
        %rem3A_195 = arith.remui %scan3A_123, %rem3A_194 : i32
        %rem3A_196 = arith.constant 2 : i32
        %rem3A_197 = arith.remui %scan3A_124, %rem3A_196 : i32
        %run_scoped3A_198 = arith.constant 0 : i32
        "tpu.trace_start"() <{level = 10 : i32, message = "ep_run_kernel"}> : () -> ()
        "tpu.region"() ({
          %run_scoped3A_265 = tpu.sem_alloc : memref<!tpu.dma_semaphore, #tpu.memory_space<semaphore_mem>>
          %dma_start3A_266 = arith.constant 0 : i32
          %dma_start3A_267 = arith.constant 0 : i32
          %dma_start3A_268 = tpu.memref_slice %run_scoped3A_8[%rem3A_197, %dma_start3A_266, %dma_start3A_267] : memref<2x256x128xf32, #tpu.memory_space<vmem>> -> memref<1x256x128xf32, #tpu.memory_space<vmem>>
          %dma_start3A_269 = tpu.memref_squeeze %dma_start3A_268 : memref<1x256x128xf32, #tpu.memory_space<vmem>> -> memref<256x128xf32, #tpu.memory_space<vmem>>
          %dma_start3A_270 = arith.constant 0 : i32
          %dma_start3A_271 = arith.constant 0 : i32
          %dma_start3A_272 = tpu.memref_slice %run_scoped3A[%rem3A_195, %dma_start3A_270, %dma_start3A_271] : memref<2x1x256xi32, #tpu.memory_space<vmem>> -> memref<1x1x256xi32, #tpu.memory_space<vmem>>
          %dma_start3A_273 = tpu.memref_squeeze %dma_start3A_272 : memref<1x1x256xi32, #tpu.memory_space<vmem>> -> memref<1x256xi32, #tpu.memory_space<vmem>>
          %dma_start3A_274 = arith.constant 0 : i32
          %dma_start3A_275 = tpu.memref_slice %dma_start3A_273[%run_scoped3A_198, %dma_start3A_274] : memref<1x256xi32, #tpu.memory_space<vmem>> -> memref<1x256xi32, #tpu.memory_space<vmem>>
          %dma_start3A_276 = tpu.memref_squeeze %dma_start3A_275 : memref<1x256xi32, #tpu.memory_space<vmem>> -> memref<256xi32, #tpu.memory_space<vmem>>
          %dma_start3A_277 = arith.constant 0 : i32
          %dma_start3A_278 = arith.constant 0 : i32
          %dma_start3A_279 = tpu.memref_slice %arg2[%dma_start3A_277, %dma_start3A_278] : memref<10240x128xf32, #tpu.memory_space<hbm>> -> memref<10240x128xf32, #tpu.memory_space<hbm>>
          tpu.enqueue_indirect_dma source(%dma_start3A_279 : memref<10240x128xf32, #tpu.memory_space<hbm>>) target(%dma_start3A_269 : memref<256x128xf32, #tpu.memory_space<vmem>>) offsets(%dma_start3A_276 : memref<256xi32, #tpu.memory_space<vmem>>) semaphore(%run_scoped3A_265 : memref<!tpu.dma_semaphore, #tpu.memory_space<semaphore_mem>>)
          %dma_wait3A_280 = arith.constant 0 : i32
          %dma_wait3A_281 = arith.constant 0 : i32
          %dma_wait3A_282 = tpu.memref_slice %run_scoped3A_8[%rem3A_197, %dma_wait3A_280, %dma_wait3A_281] : memref<2x256x128xf32, #tpu.memory_space<vmem>> -> memref<1x256x128xf32, #tpu.memory_space<vmem>>
          %dma_wait3A_283 = tpu.memref_squeeze %dma_wait3A_282 : memref<1x256x128xf32, #tpu.memory_space<vmem>> -> memref<256x128xf32, #tpu.memory_space<vmem>>
          %dma_wait3A_284 = arith.constant 0 : i32
          %dma_wait3A_285 = arith.constant 0 : i32
          %dma_wait3A_286 = tpu.memref_slice %run_scoped3A[%rem3A_195, %dma_wait3A_284, %dma_wait3A_285] : memref<2x1x256xi32, #tpu.memory_space<vmem>> -> memref<1x1x256xi32, #tpu.memory_space<vmem>>
          %dma_wait3A_287 = tpu.memref_squeeze %dma_wait3A_286 : memref<1x1x256xi32, #tpu.memory_space<vmem>> -> memref<1x256xi32, #tpu.memory_space<vmem>>
          %dma_wait3A_288 = arith.constant 0 : i32
          %dma_wait3A_289 = tpu.memref_slice %dma_wait3A_287[%run_scoped3A_198, %dma_wait3A_288] : memref<1x256xi32, #tpu.memory_space<vmem>> -> memref<1x256xi32, #tpu.memory_space<vmem>>
          %dma_wait3A_290 = tpu.memref_squeeze %dma_wait3A_289 : memref<1x256xi32, #tpu.memory_space<vmem>> -> memref<256xi32, #tpu.memory_space<vmem>>
          %dma_wait3A_291 = arith.constant 0 : i32
          %dma_wait3A_292 = arith.constant 0 : i32
          %dma_wait3A_293 = tpu.memref_slice %arg2[%dma_wait3A_291, %dma_wait3A_292] : memref<10240x128xf32, #tpu.memory_space<hbm>> -> memref<10240x128xf32, #tpu.memory_space<hbm>>
          tpu.wait_indirect_dma semaphore(%run_scoped3A_265 : memref<!tpu.dma_semaphore, #tpu.memory_space<semaphore_mem>>) src(%dma_wait3A_293 : memref<10240x128xf32, #tpu.memory_space<hbm>>) dst(%dma_wait3A_283 : memref<256x128xf32, #tpu.memory_space<vmem>>)
          tpu.yield
        }) : () -> ()
        %run_scoped3A_199 = arith.constant 0 : i32
        "tpu.region"() ({
          %run_scoped3A_265 = tpu.sem_alloc : memref<!tpu.dma_semaphore, #tpu.memory_space<semaphore_mem>>
          %dma_start3A_266 = arith.constant 0 : i32
          %dma_start3A_267 = arith.constant 0 : i32
          %dma_start3A_268 = tpu.memref_slice %run_scoped3A_8[%rem3A_197, %dma_start3A_266, %dma_start3A_267] : memref<2x256x128xf32, #tpu.memory_space<vmem>> -> memref<1x256x128xf32, #tpu.memory_space<vmem>>
          %dma_start3A_269 = tpu.memref_squeeze %dma_start3A_268 : memref<1x256x128xf32, #tpu.memory_space<vmem>> -> memref<256x128xf32, #tpu.memory_space<vmem>>
          %dma_start3A_270 = arith.constant 0 : i32
          %dma_start3A_271 = arith.constant 0 : i32
          %dma_start3A_272 = tpu.memref_slice %run_scoped3A[%rem3A_195, %dma_start3A_270, %dma_start3A_271] : memref<2x1x256xi32, #tpu.memory_space<vmem>> -> memref<1x1x256xi32, #tpu.memory_space<vmem>>
          %dma_start3A_273 = tpu.memref_squeeze %dma_start3A_272 : memref<1x1x256xi32, #tpu.memory_space<vmem>> -> memref<1x256xi32, #tpu.memory_space<vmem>>
          %dma_start3A_274 = arith.constant 0 : i32
          %dma_start3A_275 = tpu.memref_slice %dma_start3A_273[%run_scoped3A_199, %dma_start3A_274] : memref<1x256xi32, #tpu.memory_space<vmem>> -> memref<1x256xi32, #tpu.memory_space<vmem>>
          %dma_start3A_276 = tpu.memref_squeeze %dma_start3A_275 : memref<1x256xi32, #tpu.memory_space<vmem>> -> memref<256xi32, #tpu.memory_space<vmem>>
          %dma_start3A_277 = arith.constant 0 : i32
          %dma_start3A_278 = arith.constant 0 : i32
          %dma_start3A_279 = tpu.memref_slice %arg3[%dma_start3A_277, %dma_start3A_278] : memref<10240x128xf32, #tpu.memory_space<hbm>> -> memref<10240x128xf32, #tpu.memory_space<hbm>>
          tpu.enqueue_indirect_dma source(%dma_start3A_279 : memref<10240x128xf32, #tpu.memory_space<hbm>>) target(%dma_start3A_269 : memref<256x128xf32, #tpu.memory_space<vmem>>) offsets(%dma_start3A_276 : memref<256xi32, #tpu.memory_space<vmem>>) semaphore(%run_scoped3A_265 : memref<!tpu.dma_semaphore, #tpu.memory_space<semaphore_mem>>) {add = true}
          %dma_wait3A_280 = arith.constant 0 : i32
          %dma_wait3A_281 = arith.constant 0 : i32
          %dma_wait3A_282 = tpu.memref_slice %run_scoped3A_8[%rem3A_197, %dma_wait3A_280, %dma_wait3A_281] : memref<2x256x128xf32, #tpu.memory_space<vmem>> -> memref<1x256x128xf32, #tpu.memory_space<vmem>>
          %dma_wait3A_283 = tpu.memref_squeeze %dma_wait3A_282 : memref<1x256x128xf32, #tpu.memory_space<vmem>> -> memref<256x128xf32, #tpu.memory_space<vmem>>
          %dma_wait3A_284 = arith.constant 0 : i32
          %dma_wait3A_285 = arith.constant 0 : i32
          %dma_wait3A_286 = tpu.memref_slice %run_scoped3A[%rem3A_195, %dma_wait3A_284, %dma_wait3A_285] : memref<2x1x256xi32, #tpu.memory_space<vmem>> -> memref<1x1x256xi32, #tpu.memory_space<vmem>>
          %dma_wait3A_287 = tpu.memref_squeeze %dma_wait3A_286 : memref<1x1x256xi32, #tpu.memory_space<vmem>> -> memref<1x256xi32, #tpu.memory_space<vmem>>
          %dma_wait3A_288 = arith.constant 0 : i32
          %dma_wait3A_289 = tpu.memref_slice %dma_wait3A_287[%run_scoped3A_199, %dma_wait3A_288] : memref<1x256xi32, #tpu.memory_space<vmem>> -> memref<1x256xi32, #tpu.memory_space<vmem>>
          %dma_wait3A_290 = tpu.memref_squeeze %dma_wait3A_289 : memref<1x256xi32, #tpu.memory_space<vmem>> -> memref<256xi32, #tpu.memory_space<vmem>>
          %dma_wait3A_291 = arith.constant 0 : i32
          %dma_wait3A_292 = arith.constant 0 : i32
          %dma_wait3A_293 = tpu.memref_slice %arg3[%dma_wait3A_291, %dma_wait3A_292] : memref<10240x128xf32, #tpu.memory_space<hbm>> -> memref<10240x128xf32, #tpu.memory_space<hbm>>
          tpu.wait_indirect_dma semaphore(%run_scoped3A_265 : memref<!tpu.dma_semaphore, #tpu.memory_space<semaphore_mem>>) src(%dma_wait3A_293 : memref<10240x128xf32, #tpu.memory_space<hbm>>) dst(%dma_wait3A_283 : memref<256x128xf32, #tpu.memory_space<vmem>>)
          tpu.yield
        }) : () -> ()
        "tpu.trace_stop"() : () -> ()
        %ne3A_200 = arith.cmpi ne, %add3A_131, %add3A_149 : i32
        %or3A_201 = arith.constant false
        %or3A_202 = arith.ori %or3A_201, %ne3A_200 : i1
        %or3A_203 = arith.ori %or3A_202, %eq3A_130 : i1
        %convert_element_type3A_204 = arith.extui %or3A_203 : i1 to i32
        %cond3A_205 = arith.constant 0 : i32
        %cond3A_206 = arith.cmpi ne, %convert_element_type3A_204, %cond3A_205 : i32
        scf.if %cond3A_206 {
        } else {
        }
        %and3A_207 = arith.constant false
        %and3A_208 = arith.andi %or3A_203, %and3A_207 : i1
        %ne3A_209 = arith.cmpi ne, %add3A_131, %add3A_149 : i32
        %or3A_210 = arith.constant false
        %or3A_211 = arith.ori %or3A_210, %ne3A_209 : i1
        %or3A_212 = arith.constant false
        %or3A_213 = arith.ori %or3A_211, %or3A_212 : i1
        %or3A_214 = arith.ori %or3A_213, %eq3A_130 : i1
        %convert_element_type3A_215 = arith.extui %or3A_214 : i1 to i32
        %cond3A_216 = arith.constant 0 : i32
        %cond3A_217 = arith.cmpi ne, %convert_element_type3A_215, %cond3A_216 : i32
        scf.if %cond3A_217 {
          "tpu.trace_start"() <{level = 10 : i32, message = "ep_copy_out"}> : () -> ()
          %rem3A_265 = arith.constant 2 : i32
          %rem3A_266 = arith.remui %scan3A_124, %rem3A_265 : i32
          %mul3A_267 = arith.constant 256 : i32
          %mul3A_268 = arith.muli %mul3A_267, %add3A_131 : i32
          %dma_start3A_269 = arith.constant 0 : i32
          %dma_start3A_270 = arith.constant 0 : i32
          %dma_start3A_271 = tpu.memref_slice %run_scoped3A_8[%rem3A_266, %dma_start3A_269, %dma_start3A_270] : memref<2x256x128xf32, #tpu.memory_space<vmem>> -> memref<1x256x128xf32, #tpu.memory_space<vmem>>
          %dma_start3A_272 = tpu.memref_squeeze %dma_start3A_271 : memref<1x256x128xf32, #tpu.memory_space<vmem>> -> memref<256x128xf32, #tpu.memory_space<vmem>>
          %dma_start3A_273 = arith.constant 0 : i32
          %dma_start3A_274 = tpu.memref_slice %arg5[%mul3A_268, %dma_start3A_273] : memref<163840x128xf32, #tpu.memory_space<hbm>> -> memref<256x128xf32, #tpu.memory_space<hbm>>
          %dma_start3A_275 = tpu.memref_slice %run_scoped3A_9[%rem3A_266] : memref<2x!tpu.dma_semaphore, #tpu.memory_space<semaphore_mem>> -> memref<1x!tpu.dma_semaphore, #tpu.memory_space<semaphore_mem>>
          %dma_start3A_276 = tpu.memref_squeeze %dma_start3A_275 : memref<1x!tpu.dma_semaphore, #tpu.memory_space<semaphore_mem>> -> memref<!tpu.dma_semaphore, #tpu.memory_space<semaphore_mem>>
          %dma_start3A_277 = arith.constant 0 : i32
          %dma_start3A_278 = tpu.memref_slice %arg5[%mul3A_268, %dma_start3A_277] : memref<163840x128xf32, #tpu.memory_space<hbm>> -> memref<256x128xf32, #tpu.memory_space<hbm>>
          %dma_start3A_279 = arith.constant 0 : i32
          %dma_start3A_280 = arith.constant 0 : i32
          %dma_start3A_281 = tpu.memref_slice %run_scoped3A_8[%rem3A_266, %dma_start3A_279, %dma_start3A_280] : memref<2x256x128xf32, #tpu.memory_space<vmem>> -> memref<1x256x128xf32, #tpu.memory_space<vmem>>
          %dma_start3A_282 = tpu.memref_squeeze %dma_start3A_281 : memref<1x256x128xf32, #tpu.memory_space<vmem>> -> memref<256x128xf32, #tpu.memory_space<vmem>>
          tpu.enqueue_dma source(%dma_start3A_282 : memref<256x128xf32, #tpu.memory_space<vmem>>) target(%dma_start3A_278 : memref<256x128xf32, #tpu.memory_space<hbm>>) target_semaphore(%dma_start3A_276 : memref<!tpu.dma_semaphore, #tpu.memory_space<semaphore_mem>>)
          "tpu.trace_stop"() : () -> ()
        } else {
        }
        %and3A_218 = arith.constant true
        %and3A_219 = arith.andi %or3A_214, %and3A_218 : i1
        %add3A_220 = arith.constant 1 : i32
        %add3A_221 = arith.addi %scan3A_124, %add3A_220 : i32
        %select_n3A_222 = arith.select %and3A_219, %add3A_221, %scan3A_124 : i32
        %ne3A_223 = arith.cmpi ne, %add3A_131, %add3A_140 : i32
        %or3A_224 = arith.constant false
        %or3A_225 = arith.ori %or3A_224, %ne3A_223 : i1
        %not3A_226 = arith.constant true
        %not3A_227 = arith.xori %eq3A_128, %not3A_226 : i1
        %and3A_228 = arith.andi %or3A_225, %not3A_227 : i1
        %convert_element_type3A_229 = arith.extui %and3A_228 : i1 to i32
        %cond3A_230 = arith.constant 0 : i32
        %cond3A_231 = arith.cmpi ne, %convert_element_type3A_229, %cond3A_230 : i32
        scf.if %cond3A_231 {
        } else {
        }
        %and3A_232 = arith.constant false
        %and3A_233 = arith.andi %and3A_228, %and3A_232 : i1
        %ne3A_234 = arith.cmpi ne, %add3A_131, %add3A_140 : i32
        %or3A_235 = arith.constant false
        %or3A_236 = arith.ori %or3A_235, %ne3A_234 : i1
        %or3A_237 = arith.constant false
        %or3A_238 = arith.ori %or3A_236, %or3A_237 : i1
        %not3A_239 = arith.constant true
        %not3A_240 = arith.xori %eq3A_128, %not3A_239 : i1
        %and3A_241 = arith.andi %or3A_238, %not3A_240 : i1
        %convert_element_type3A_242 = arith.extui %and3A_241 : i1 to i32
        %cond3A_243 = arith.constant 0 : i32
        %cond3A_244 = arith.cmpi ne, %convert_element_type3A_242, %cond3A_243 : i32
        scf.if %cond3A_244 {
          "tpu.trace_start"() <{level = 10 : i32, message = "ep_wait_out"}> : () -> ()
          %rem3A_265 = arith.constant 2 : i32
          %rem3A_266 = arith.remui %scan3A_125, %rem3A_265 : i32
          %mul3A_267 = arith.constant 256 : i32
          %mul3A_268 = arith.muli %mul3A_267, %add3A_140 : i32
          %dma_wait3A_269 = arith.constant 0 : i32
          %dma_wait3A_270 = arith.constant 0 : i32
          %dma_wait3A_271 = tpu.memref_slice %run_scoped3A_8[%rem3A_266, %dma_wait3A_269, %dma_wait3A_270] : memref<2x256x128xf32, #tpu.memory_space<vmem>> -> memref<1x256x128xf32, #tpu.memory_space<vmem>>
          %dma_wait3A_272 = tpu.memref_squeeze %dma_wait3A_271 : memref<1x256x128xf32, #tpu.memory_space<vmem>> -> memref<256x128xf32, #tpu.memory_space<vmem>>
          %dma_wait3A_273 = arith.constant 0 : i32
          %dma_wait3A_274 = tpu.memref_slice %arg5[%mul3A_268, %dma_wait3A_273] : memref<163840x128xf32, #tpu.memory_space<hbm>> -> memref<256x128xf32, #tpu.memory_space<hbm>>
          %dma_wait3A_275 = tpu.memref_slice %run_scoped3A_9[%rem3A_266] : memref<2x!tpu.dma_semaphore, #tpu.memory_space<semaphore_mem>> -> memref<1x!tpu.dma_semaphore, #tpu.memory_space<semaphore_mem>>
          %dma_wait3A_276 = tpu.memref_squeeze %dma_wait3A_275 : memref<1x!tpu.dma_semaphore, #tpu.memory_space<semaphore_mem>> -> memref<!tpu.dma_semaphore, #tpu.memory_space<semaphore_mem>>
          %dma_wait3A_277 = arith.constant 0 : i32
          %dma_wait3A_278 = tpu.memref_slice %arg5[%mul3A_268, %dma_wait3A_277] : memref<163840x128xf32, #tpu.memory_space<hbm>> -> memref<256x128xf32, #tpu.memory_space<hbm>>
          %dma_wait3A_279 = arith.constant 0 : i32
          %dma_wait3A_280 = arith.constant 0 : i32
          %dma_wait3A_281 = tpu.memref_slice %run_scoped3A_8[%rem3A_266, %dma_wait3A_279, %dma_wait3A_280] : memref<2x256x128xf32, #tpu.memory_space<vmem>> -> memref<1x256x128xf32, #tpu.memory_space<vmem>>
          %dma_wait3A_282 = tpu.memref_squeeze %dma_wait3A_281 : memref<1x256x128xf32, #tpu.memory_space<vmem>> -> memref<256x128xf32, #tpu.memory_space<vmem>>
          tpu.wait_dma2 semaphore(%dma_wait3A_276 : memref<!tpu.dma_semaphore, #tpu.memory_space<semaphore_mem>>) src(%dma_wait3A_282 : memref<256x128xf32, #tpu.memory_space<vmem>>) dst(%dma_wait3A_278 : memref<256x128xf32, #tpu.memory_space<hbm>>)
          "tpu.trace_stop"() : () -> ()
        } else {
        }
        %and3A_245 = arith.constant true
        %and3A_246 = arith.andi %and3A_241, %and3A_245 : i1
        %add3A_247 = arith.constant 1 : i32
        %add3A_248 = arith.addi %scan3A_125, %add3A_247 : i32
        %select_n3A_249 = arith.select %and3A_246, %add3A_248, %scan3A_125 : i32
        %ne3A_250 = arith.cmpi ne, %add3A_131, %add3A_149 : i32
        %or3A_251 = arith.constant false
        %or3A_252 = arith.ori %or3A_251, %ne3A_250 : i1
        %or3A_253 = arith.ori %or3A_252, %eq3A_130 : i1
        %add3A_254 = arith.constant 1 : i32
        %add3A_255 = arith.addi %scan3A_123, %add3A_254 : i32
        %select_n3A_256 = arith.select %or3A_253, %add3A_255, %scan3A_123 : i32
        %add3A_257 = arith.constant 1 : i32
        %add3A_258 = arith.addi %scan3A_126, %add3A_257 : i32
        %select_n3A_259 = arith.constant true
        %select_n3A_260 = arith.select %select_n3A_259, %add3A_258, %scan3A_126 : i32
        %eq3A_261 = arith.constant 20 : i32
        %eq3A_262 = arith.cmpi eq, %select_n3A_260, %eq3A_261 : i32
        %select_n3A_263 = arith.constant 0 : i32
        %select_n3A_264 = arith.select %eq3A_262, %select_n3A_263, %select_n3A_260 : i32
        scf.yield %select_n3A_167, %select_n3A_256, %select_n3A_222, %select_n3A_249, %select_n3A_264 : i32, i32, i32, i32, i32
      }
      %scan3A_68 = arith.constant 20 : i32
      %sub3A = arith.constant 1 : i32
      %sub3A_69 = arith.subi %scan3A_67#4, %sub3A : i32
      %select_n3A_70 = arith.constant true
      %select_n3A_71 = arith.select %select_n3A_70, %sub3A_69, %scan3A_67#4 : i32
      %eq3A_72 = arith.constant -1 : i32
      %eq3A_73 = arith.cmpi eq, %select_n3A_71, %eq3A_72 : i32
      %select_n3A_74 = arith.constant 19 : i32
      %select_n3A_75 = arith.select %eq3A_73, %select_n3A_74, %select_n3A_71 : i32
      %add3A_76 = arith.addi %select_n3A_75, %mul3A_6 : i32
      %sub3A_77 = arith.constant 1 : i32
      %sub3A_78 = arith.subi %select_n3A_75, %sub3A_77 : i32
      %select_n3A_79 = arith.constant true
      %select_n3A_80 = arith.select %select_n3A_79, %sub3A_78, %select_n3A_75 : i32
      %eq3A_81 = arith.constant -1 : i32
      %eq3A_82 = arith.cmpi eq, %select_n3A_80, %eq3A_81 : i32
      %select_n3A_83 = arith.constant 19 : i32
      %select_n3A_84 = arith.select %eq3A_82, %select_n3A_83, %select_n3A_80 : i32
      %add3A_85 = arith.addi %select_n3A_84, %mul3A_6 : i32
      %add3A_86 = arith.constant 1 : i32
      %add3A_87 = arith.addi %select_n3A_75, %add3A_86 : i32
      %select_n3A_88 = arith.constant true
      %select_n3A_89 = arith.select %select_n3A_88, %add3A_87, %select_n3A_75 : i32
      %eq3A_90 = arith.constant 20 : i32
      %eq3A_91 = arith.cmpi eq, %select_n3A_89, %eq3A_90 : i32
      %select_n3A_92 = arith.constant 0 : i32
      %select_n3A_93 = arith.select %eq3A_91, %select_n3A_92, %select_n3A_89 : i32
      %add3A_94 = arith.addi %select_n3A_93, %mul3A_6 : i32
      %add3A_95 = arith.constant 1 : i32
      %add3A_96 = arith.addi %select_n3A_93, %add3A_95 : i32
      %select_n3A_97 = arith.constant true
      %select_n3A_98 = arith.select %select_n3A_97, %add3A_96, %select_n3A_93 : i32
      %eq3A_99 = arith.constant 20 : i32
      %eq3A_100 = arith.cmpi eq, %select_n3A_98, %eq3A_99 : i32
      %select_n3A_101 = arith.constant 0 : i32
      %select_n3A_102 = arith.select %eq3A_100, %select_n3A_101, %select_n3A_98 : i32
      %add3A_103 = arith.addi %select_n3A_102, %mul3A_6 : i32
      "tpu.trace_start"() <{level = 10 : i32, message = "ep_finalize"}> : () -> ()
      %rem3A_104 = arith.constant 2 : i32
      %rem3A_105 = arith.remui %scan3A_67#3, %rem3A_104 : i32
      %mul3A_106 = arith.constant 256 : i32
      %mul3A_107 = arith.muli %mul3A_106, %add3A_76 : i32
      %dma_wait3A = arith.constant 0 : i32
      %dma_wait3A_108 = arith.constant 0 : i32
      %dma_wait3A_109 = tpu.memref_slice %run_scoped3A_8[%rem3A_105, %dma_wait3A, %dma_wait3A_108] : memref<2x256x128xf32, #tpu.memory_space<vmem>> -> memref<1x256x128xf32, #tpu.memory_space<vmem>>
      %dma_wait3A_110 = tpu.memref_squeeze %dma_wait3A_109 : memref<1x256x128xf32, #tpu.memory_space<vmem>> -> memref<256x128xf32, #tpu.memory_space<vmem>>
      %dma_wait3A_111 = arith.constant 0 : i32
      %dma_wait3A_112 = tpu.memref_slice %arg5[%mul3A_107, %dma_wait3A_111] : memref<163840x128xf32, #tpu.memory_space<hbm>> -> memref<256x128xf32, #tpu.memory_space<hbm>>
      %dma_wait3A_113 = tpu.memref_slice %run_scoped3A_9[%rem3A_105] : memref<2x!tpu.dma_semaphore, #tpu.memory_space<semaphore_mem>> -> memref<1x!tpu.dma_semaphore, #tpu.memory_space<semaphore_mem>>
      %dma_wait3A_114 = tpu.memref_squeeze %dma_wait3A_113 : memref<1x!tpu.dma_semaphore, #tpu.memory_space<semaphore_mem>> -> memref<!tpu.dma_semaphore, #tpu.memory_space<semaphore_mem>>
      %dma_wait3A_115 = arith.constant 0 : i32
      %dma_wait3A_116 = tpu.memref_slice %arg5[%mul3A_107, %dma_wait3A_115] : memref<163840x128xf32, #tpu.memory_space<hbm>> -> memref<256x128xf32, #tpu.memory_space<hbm>>
      %dma_wait3A_117 = arith.constant 0 : i32
      %dma_wait3A_118 = arith.constant 0 : i32
      %dma_wait3A_119 = tpu.memref_slice %run_scoped3A_8[%rem3A_105, %dma_wait3A_117, %dma_wait3A_118] : memref<2x256x128xf32, #tpu.memory_space<vmem>> -> memref<1x256x128xf32, #tpu.memory_space<vmem>>
      %dma_wait3A_120 = tpu.memref_squeeze %dma_wait3A_119 : memref<1x256x128xf32, #tpu.memory_space<vmem>> -> memref<256x128xf32, #tpu.memory_space<vmem>>
      tpu.wait_dma2 semaphore(%dma_wait3A_114 : memref<!tpu.dma_semaphore, #tpu.memory_space<semaphore_mem>>) src(%dma_wait3A_120 : memref<256x128xf32, #tpu.memory_space<vmem>>) dst(%dma_wait3A_116 : memref<256x128xf32, #tpu.memory_space<hbm>>)
      "tpu.trace_stop"() : () -> ()
      tpu.yield
    }) : () -> ()
    return
  }
}

#map = affine_map<(d0, d1) -> (0, 0)>
#map1 = affine_map<(d0, d1) -> (0, 0, 0)>
module attributes {stable_mosaic.version = 14 : i64} {
  func.func @k(%arg0: i32, %arg1: i32, %arg2: memref<163840x128xf32, #tpu.memory_space<hbm>>, %arg3: memref<512x1x320xi32, #tpu.memory_space<hbm>>, %arg4: memref<10240x128xf32, #tpu.memory_space<hbm>>, %arg5: memref<2x10240x128xf32, #tpu.memory_space<hbm>>, %arg6: memref<10240x128xf32, #tpu.memory_space<vmem_shared>>, %arg7: memref<320x128xf32, #tpu.memory_space<vmem>>, %arg8: memref<1x320xi32, #tpu.memory_space<vmem>>) attributes {dimension_semantics = [#tpu.dimension_semantics<core_parallel>, #tpu.dimension_semantics<subcore_parallel>], iteration_bounds = array<i64: 2, 16>, scalar_prefetch = 0 : i64, scratch_operands = 3 : i64, tpu.core_type = #tpu.core_type<sc_vector_subcore>, window_params = [{transform_indices = #map}, {transform_indices = #map1}, {transform_indices = #map}, {transform_indices = #map1}]} {
    %mul3A = arith.constant 640 : i32
    %mul3A_0 = arith.muli %arg1, %mul3A : i32
    %mul3A_1 = arith.constant 640 : i32
    %mul3A_2 = arith.muli %arg1, %mul3A_1 : i32
    "tpu.region"() ({
      %run_scoped3A = tpu.sem_alloc : memref<!tpu.dma_semaphore, #tpu.memory_space<semaphore_mem>>
      %dma_start3A = arith.constant 0 : i32
      %dma_start3A_14 = tpu.memref_slice %arg6[%mul3A_2, %dma_start3A] : memref<10240x128xf32, #tpu.memory_space<vmem_shared>> -> memref<640x128xf32, #tpu.memory_space<vmem_shared>>
      %dma_start3A_15 = arith.constant 0 : i32
      %dma_start3A_16 = tpu.memref_slice %arg4[%mul3A_0, %dma_start3A_15] : memref<10240x128xf32, #tpu.memory_space<hbm>> -> memref<640x128xf32, #tpu.memory_space<hbm>>
      tpu.enqueue_dma source(%dma_start3A_16 : memref<640x128xf32, #tpu.memory_space<hbm>>) target(%dma_start3A_14 : memref<640x128xf32, #tpu.memory_space<vmem_shared>>) target_semaphore(%run_scoped3A : memref<!tpu.dma_semaphore, #tpu.memory_space<semaphore_mem>>)
      %dma_wait3A = arith.constant 0 : i32
      %dma_wait3A_17 = tpu.memref_slice %arg6[%mul3A_2, %dma_wait3A] : memref<10240x128xf32, #tpu.memory_space<vmem_shared>> -> memref<640x128xf32, #tpu.memory_space<vmem_shared>>
      %dma_wait3A_18 = arith.constant 0 : i32
      %dma_wait3A_19 = tpu.memref_slice %arg4[%mul3A_0, %dma_wait3A_18] : memref<10240x128xf32, #tpu.memory_space<hbm>> -> memref<640x128xf32, #tpu.memory_space<hbm>>
      tpu.wait_dma2 semaphore(%run_scoped3A : memref<!tpu.dma_semaphore, #tpu.memory_space<semaphore_mem>>) src(%dma_wait3A_19 : memref<640x128xf32, #tpu.memory_space<hbm>>) dst(%dma_wait3A_17 : memref<640x128xf32, #tpu.memory_space<vmem_shared>>)
      tpu.yield
    }) : () -> ()
    %barrier3A = arith.constant 0 : index
    tpu.barrier barrier_id(%barrier3A)
    %mul3A_3 = arith.constant 16 : i32
    %mul3A_4 = arith.muli %arg0, %mul3A_3 : i32
    %add3A = arith.addi %mul3A_4, %arg1 : i32
    %scan3A = arith.constant 0 : i32
    %scan3A_5 = arith.constant 16 : i32
    %scan3A_6 = arith.addi %scan3A, %scan3A_5 : i32
    %scan3A_7 = arith.constant 1 : i32
    scf.for %scan3A_14 = %scan3A to %scan3A_6 step %scan3A_7  : i32 {
      %mul3A_15 = arith.constant 1 : i32
      %mul3A_16 = arith.muli %scan3A_14, %mul3A_15 : i32
      %add3A_17 = arith.constant 0 : i32
      %add3A_18 = arith.addi %add3A_17, %mul3A_16 : i32
      %mul3A_19 = arith.constant 16 : i32
      %mul3A_20 = arith.muli %add3A, %mul3A_19 : i32
      %add3A_21 = arith.addi %mul3A_20, %add3A_18 : i32
      "tpu.region"() ({
        %run_scoped3A_24 = tpu.sem_alloc : memref<!tpu.dma_semaphore, #tpu.memory_space<semaphore_mem>>
        %dma_start3A = arith.constant 0 : i32
        %dma_start3A_25 = arith.constant 0 : i32
        %dma_start3A_26 = tpu.memref_slice %arg3[%add3A_21, %dma_start3A, %dma_start3A_25] : memref<512x1x320xi32, #tpu.memory_space<hbm>> -> memref<1x1x320xi32, #tpu.memory_space<hbm>>
        %dma_start3A_27 = tpu.memref_squeeze %dma_start3A_26 : memref<1x1x320xi32, #tpu.memory_space<hbm>> -> memref<1x320xi32, #tpu.memory_space<hbm>>
        %dma_start3A_28 = arith.constant 0 : i32
        %dma_start3A_29 = arith.constant 0 : i32
        %dma_start3A_30 = tpu.memref_slice %arg3[%add3A_21, %dma_start3A_28, %dma_start3A_29] : memref<512x1x320xi32, #tpu.memory_space<hbm>> -> memref<1x1x320xi32, #tpu.memory_space<hbm>>
        %dma_start3A_31 = tpu.memref_squeeze %dma_start3A_30 : memref<1x1x320xi32, #tpu.memory_space<hbm>> -> memref<1x320xi32, #tpu.memory_space<hbm>>
        tpu.enqueue_dma source(%dma_start3A_31 : memref<1x320xi32, #tpu.memory_space<hbm>>) target(%arg8 : memref<1x320xi32, #tpu.memory_space<vmem>>) target_semaphore(%run_scoped3A_24 : memref<!tpu.dma_semaphore, #tpu.memory_space<semaphore_mem>>)
        %dma_wait3A = arith.constant 0 : i32
        %dma_wait3A_32 = arith.constant 0 : i32
        %dma_wait3A_33 = tpu.memref_slice %arg3[%add3A_21, %dma_wait3A, %dma_wait3A_32] : memref<512x1x320xi32, #tpu.memory_space<hbm>> -> memref<1x1x320xi32, #tpu.memory_space<hbm>>
        %dma_wait3A_34 = tpu.memref_squeeze %dma_wait3A_33 : memref<1x1x320xi32, #tpu.memory_space<hbm>> -> memref<1x320xi32, #tpu.memory_space<hbm>>
        %dma_wait3A_35 = arith.constant 0 : i32
        %dma_wait3A_36 = arith.constant 0 : i32
        %dma_wait3A_37 = tpu.memref_slice %arg3[%add3A_21, %dma_wait3A_35, %dma_wait3A_36] : memref<512x1x320xi32, #tpu.memory_space<hbm>> -> memref<1x1x320xi32, #tpu.memory_space<hbm>>
        %dma_wait3A_38 = tpu.memref_squeeze %dma_wait3A_37 : memref<1x1x320xi32, #tpu.memory_space<hbm>> -> memref<1x320xi32, #tpu.memory_space<hbm>>
        tpu.wait_dma2 semaphore(%run_scoped3A_24 : memref<!tpu.dma_semaphore, #tpu.memory_space<semaphore_mem>>) src(%dma_wait3A_38 : memref<1x320xi32, #tpu.memory_space<hbm>>) dst(%arg8 : memref<1x320xi32, #tpu.memory_space<vmem>>)
        tpu.yield
      }) : () -> ()
      %mul3A_22 = arith.constant 320 : i32
      %mul3A_23 = arith.muli %add3A_21, %mul3A_22 : i32
      "tpu.region"() ({
        %run_scoped3A_24 = tpu.sem_alloc : memref<!tpu.dma_semaphore, #tpu.memory_space<semaphore_mem>>
        %dma_start3A = arith.constant 0 : i32
        %dma_start3A_25 = tpu.memref_slice %arg2[%mul3A_23, %dma_start3A] : memref<163840x128xf32, #tpu.memory_space<hbm>> -> memref<320x128xf32, #tpu.memory_space<hbm>>
        %dma_start3A_26 = arith.constant 0 : i32
        %dma_start3A_27 = tpu.memref_slice %arg2[%mul3A_23, %dma_start3A_26] : memref<163840x128xf32, #tpu.memory_space<hbm>> -> memref<320x128xf32, #tpu.memory_space<hbm>>
        tpu.enqueue_dma source(%dma_start3A_27 : memref<320x128xf32, #tpu.memory_space<hbm>>) target(%arg7 : memref<320x128xf32, #tpu.memory_space<vmem>>) target_semaphore(%run_scoped3A_24 : memref<!tpu.dma_semaphore, #tpu.memory_space<semaphore_mem>>)
        %dma_wait3A = arith.constant 0 : i32
        %dma_wait3A_28 = tpu.memref_slice %arg2[%mul3A_23, %dma_wait3A] : memref<163840x128xf32, #tpu.memory_space<hbm>> -> memref<320x128xf32, #tpu.memory_space<hbm>>
        %dma_wait3A_29 = arith.constant 0 : i32
        %dma_wait3A_30 = tpu.memref_slice %arg2[%mul3A_23, %dma_wait3A_29] : memref<163840x128xf32, #tpu.memory_space<hbm>> -> memref<320x128xf32, #tpu.memory_space<hbm>>
        tpu.wait_dma2 semaphore(%run_scoped3A_24 : memref<!tpu.dma_semaphore, #tpu.memory_space<semaphore_mem>>) src(%dma_wait3A_30 : memref<320x128xf32, #tpu.memory_space<hbm>>) dst(%arg7 : memref<320x128xf32, #tpu.memory_space<vmem>>)
        tpu.yield
      }) : () -> ()
      %run_scoped3A = arith.constant 0 : i32
      "tpu.region"() ({
        %run_scoped3A_24 = tpu.sem_alloc : memref<!tpu.dma_semaphore, #tpu.memory_space<semaphore_mem>>
        %dma_start3A = arith.constant 0 : i32
        %dma_start3A_25 = tpu.memref_slice %arg8[%run_scoped3A, %dma_start3A] : memref<1x320xi32, #tpu.memory_space<vmem>> -> memref<1x320xi32, #tpu.memory_space<vmem>>
        %dma_start3A_26 = tpu.memref_squeeze %dma_start3A_25 : memref<1x320xi32, #tpu.memory_space<vmem>> -> memref<320xi32, #tpu.memory_space<vmem>>
        %dma_start3A_27 = arith.constant 0 : i32
        %dma_start3A_28 = arith.constant 0 : i32
        %dma_start3A_29 = tpu.memref_slice %arg6[%dma_start3A_27, %dma_start3A_28] : memref<10240x128xf32, #tpu.memory_space<vmem_shared>> -> memref<10240x128xf32, #tpu.memory_space<vmem_shared>>
        tpu.enqueue_indirect_dma source(%arg7 : memref<320x128xf32, #tpu.memory_space<vmem>>) target(%dma_start3A_29 : memref<10240x128xf32, #tpu.memory_space<vmem_shared>>) offsets(%dma_start3A_26 : memref<320xi32, #tpu.memory_space<vmem>>) semaphore(%run_scoped3A_24 : memref<!tpu.dma_semaphore, #tpu.memory_space<semaphore_mem>>) {add = true}
        %dma_wait3A = arith.constant 0 : i32
        %dma_wait3A_30 = tpu.memref_slice %arg8[%run_scoped3A, %dma_wait3A] : memref<1x320xi32, #tpu.memory_space<vmem>> -> memref<1x320xi32, #tpu.memory_space<vmem>>
        %dma_wait3A_31 = tpu.memref_squeeze %dma_wait3A_30 : memref<1x320xi32, #tpu.memory_space<vmem>> -> memref<320xi32, #tpu.memory_space<vmem>>
        %dma_wait3A_32 = arith.constant 0 : i32
        %dma_wait3A_33 = arith.constant 0 : i32
        %dma_wait3A_34 = tpu.memref_slice %arg6[%dma_wait3A_32, %dma_wait3A_33] : memref<10240x128xf32, #tpu.memory_space<vmem_shared>> -> memref<10240x128xf32, #tpu.memory_space<vmem_shared>>
        tpu.wait_indirect_dma semaphore(%run_scoped3A_24 : memref<!tpu.dma_semaphore, #tpu.memory_space<semaphore_mem>>) src(%arg7 : memref<320x128xf32, #tpu.memory_space<vmem>>) dst(%dma_wait3A_34 : memref<10240x128xf32, #tpu.memory_space<vmem_shared>>)
        tpu.yield
      }) : () -> ()
    }
    %scan3A_8 = arith.constant 16 : i32
    %barrier3A_9 = arith.constant 0 : index
    tpu.barrier barrier_id(%barrier3A_9)
    %mul3A_10 = arith.constant 640 : i32
    %mul3A_11 = arith.muli %arg1, %mul3A_10 : i32
    %mul3A_12 = arith.constant 640 : i32
    %mul3A_13 = arith.muli %arg1, %mul3A_12 : i32
    "tpu.region"() ({
      %run_scoped3A = tpu.sem_alloc : memref<!tpu.dma_semaphore, #tpu.memory_space<semaphore_mem>>
      %dma_start3A = arith.constant 0 : i32
      %dma_start3A_14 = arith.constant 0 : i32
      %dma_start3A_15 = tpu.memref_slice %arg5[%arg0, %dma_start3A, %dma_start3A_14] : memref<2x10240x128xf32, #tpu.memory_space<hbm>> -> memref<1x10240x128xf32, #tpu.memory_space<hbm>>
      %dma_start3A_16 = tpu.memref_squeeze %dma_start3A_15 : memref<1x10240x128xf32, #tpu.memory_space<hbm>> -> memref<10240x128xf32, #tpu.memory_space<hbm>>
      %dma_start3A_17 = arith.constant 0 : i32
      %dma_start3A_18 = tpu.memref_slice %dma_start3A_16[%mul3A_13, %dma_start3A_17] : memref<10240x128xf32, #tpu.memory_space<hbm>> -> memref<640x128xf32, #tpu.memory_space<hbm>>
      %dma_start3A_19 = arith.constant 0 : i32
      %dma_start3A_20 = tpu.memref_slice %arg6[%mul3A_11, %dma_start3A_19] : memref<10240x128xf32, #tpu.memory_space<vmem_shared>> -> memref<640x128xf32, #tpu.memory_space<vmem_shared>>
      tpu.enqueue_dma source(%dma_start3A_20 : memref<640x128xf32, #tpu.memory_space<vmem_shared>>) target(%dma_start3A_18 : memref<640x128xf32, #tpu.memory_space<hbm>>) target_semaphore(%run_scoped3A : memref<!tpu.dma_semaphore, #tpu.memory_space<semaphore_mem>>)
      %dma_wait3A = arith.constant 0 : i32
      %dma_wait3A_21 = arith.constant 0 : i32
      %dma_wait3A_22 = tpu.memref_slice %arg5[%arg0, %dma_wait3A, %dma_wait3A_21] : memref<2x10240x128xf32, #tpu.memory_space<hbm>> -> memref<1x10240x128xf32, #tpu.memory_space<hbm>>
      %dma_wait3A_23 = tpu.memref_squeeze %dma_wait3A_22 : memref<1x10240x128xf32, #tpu.memory_space<hbm>> -> memref<10240x128xf32, #tpu.memory_space<hbm>>
      %dma_wait3A_24 = arith.constant 0 : i32
      %dma_wait3A_25 = tpu.memref_slice %dma_wait3A_23[%mul3A_13, %dma_wait3A_24] : memref<10240x128xf32, #tpu.memory_space<hbm>> -> memref<640x128xf32, #tpu.memory_space<hbm>>
      %dma_wait3A_26 = arith.constant 0 : i32
      %dma_wait3A_27 = tpu.memref_slice %arg6[%mul3A_11, %dma_wait3A_26] : memref<10240x128xf32, #tpu.memory_space<vmem_shared>> -> memref<640x128xf32, #tpu.memory_space<vmem_shared>>
      tpu.wait_dma2 semaphore(%run_scoped3A : memref<!tpu.dma_semaphore, #tpu.memory_space<semaphore_mem>>) src(%dma_wait3A_27 : memref<640x128xf32, #tpu.memory_space<vmem_shared>>) dst(%dma_wait3A_25 : memref<640x128xf32, #tpu.memory_space<hbm>>)
      tpu.yield
    }) : () -> ()
    return
  }
}

#map = affine_map<(d0, d1) -> (0, 0)>
module attributes {stable_mosaic.version = 14 : i64} {
  func.func @k(%arg0: i32, %arg1: i32, %arg2: memref<10240x128xf32, #tpu.memory_space<hbm>>, %arg3: memref<10240x128xf32, #tpu.memory_space<hbm>>, %arg4: memref<1x163840xi32, #tpu.memory_space<hbm>>, %arg5: memref<163840x128xf32, #tpu.memory_space<hbm>>) attributes {dimension_semantics = [#tpu.dimension_semantics<core_parallel>, #tpu.dimension_semantics<subcore_parallel>], iteration_bounds = array<i64: 2, 16>, scalar_prefetch = 0 : i64, scratch_operands = 0 : i64, tpu.core_type = #tpu.core_type<sc_vector_subcore>, window_params = [{transform_indices = #map}, {transform_indices = #map}, {transform_indices = #map}, {transform_indices = #map}]} {
    %mul3A = arith.constant 1 : i32
    %mul3A_0 = arith.muli %arg1, %mul3A : i32
    %add3A = arith.constant 0 : i32
    %add3A_1 = arith.addi %add3A, %mul3A_0 : i32
    %mul3A_2 = arith.constant 16 : i32
    %mul3A_3 = arith.muli %arg0, %mul3A_2 : i32
    %add3A_4 = arith.addi %add3A_1, %mul3A_3 : i32
    %mul3A_5 = arith.constant 20 : i32
    %mul3A_6 = arith.muli %add3A_4, %mul3A_5 : i32
    "tpu.region"() ({
      %run_scoped3A = memref.alloca() : memref<2x1x256xi32, #tpu.memory_space<vmem>>
      %run_scoped3A_7 = tpu.sem_alloc : memref<2x!tpu.dma_semaphore, #tpu.memory_space<semaphore_mem>>
      %run_scoped3A_8 = memref.alloca() : memref<2x256x128xf32, #tpu.memory_space<vmem>>
      %run_scoped3A_9 = tpu.sem_alloc : memref<2x!tpu.dma_semaphore, #tpu.memory_space<semaphore_mem>>
      %add3A_10 = arith.constant 0 : i32
      %add3A_11 = arith.addi %add3A_10, %mul3A_6 : i32
      %select_n3A = arith.constant true
      %select_n3A_12 = arith.constant 0 : i32
      %select_n3A_13 = arith.constant -1 : i32
      %select_n3A_14 = arith.select %select_n3A, %select_n3A_13, %select_n3A_12 : i32
      %eq3A = arith.constant -1 : i32
      %eq3A_15 = arith.cmpi eq, %select_n3A_14, %eq3A : i32
      %select_n3A_16 = arith.constant 19 : i32
      %select_n3A_17 = arith.select %eq3A_15, %select_n3A_16, %select_n3A_14 : i32
      %add3A_18 = arith.addi %select_n3A_17, %mul3A_6 : i32
      %select_n3A_19 = arith.constant true
      %select_n3A_20 = arith.constant 0 : i32
      %select_n3A_21 = arith.constant 1 : i32
      %select_n3A_22 = arith.select %select_n3A_19, %select_n3A_21, %select_n3A_20 : i32
      %eq3A_23 = arith.constant 20 : i32
      %eq3A_24 = arith.cmpi eq, %select_n3A_22, %eq3A_23 : i32
      %select_n3A_25 = arith.constant 0 : i32
      %select_n3A_26 = arith.select %eq3A_24, %select_n3A_25, %select_n3A_22 : i32
      %add3A_27 = arith.addi %select_n3A_26, %mul3A_6 : i32
      %add3A_28 = arith.constant 1 : i32
      %add3A_29 = arith.addi %select_n3A_26, %add3A_28 : i32
      %select_n3A_30 = arith.constant true
      %select_n3A_31 = arith.select %select_n3A_30, %add3A_29, %select_n3A_26 : i32
      %eq3A_32 = arith.constant 20 : i32
      %eq3A_33 = arith.cmpi eq, %select_n3A_31, %eq3A_32 : i32
      %select_n3A_34 = arith.constant 0 : i32
      %select_n3A_35 = arith.select %eq3A_33, %select_n3A_34, %select_n3A_31 : i32
      %add3A_36 = arith.addi %select_n3A_35, %mul3A_6 : i32
      "tpu.trace_start"() <{level = 10 : i32, message = "ep_initialize_0"}> : () -> ()
      %rem3A = arith.constant 0 : i32
      %rem3A_37 = arith.constant 2 : i32
      %rem3A_38 = arith.remui %rem3A, %rem3A_37 : i32
      %mul3A_39 = arith.constant 256 : i32
      %mul3A_40 = arith.muli %mul3A_39, %add3A_11 : i32
      %dma_start3A = arith.constant 0 : i32
      %dma_start3A_41 = arith.constant 0 : i32
      %dma_start3A_42 = tpu.memref_slice %run_scoped3A[%rem3A_38, %dma_start3A, %dma_start3A_41] : memref<2x1x256xi32, #tpu.memory_space<vmem>> -> memref<1x1x256xi32, #tpu.memory_space<vmem>>
      %dma_start3A_43 = tpu.memref_squeeze %dma_start3A_42 : memref<1x1x256xi32, #tpu.memory_space<vmem>> -> memref<1x256xi32, #tpu.memory_space<vmem>>
      %dma_start3A_44 = arith.constant 0 : i32
      %dma_start3A_45 = tpu.memref_slice %arg4[%dma_start3A_44, %mul3A_40] : memref<1x163840xi32, #tpu.memory_space<hbm>> -> memref<1x256xi32, #tpu.memory_space<hbm>>
      %dma_start3A_46 = tpu.memref_slice %run_scoped3A_7[%rem3A_38] : memref<2x!tpu.dma_semaphore, #tpu.memory_space<semaphore_mem>> -> memref<1x!tpu.dma_semaphore, #tpu.memory_space<semaphore_mem>>
      %dma_start3A_47 = tpu.memref_squeeze %dma_start3A_46 : memref<1x!tpu.dma_semaphore, #tpu.memory_space<semaphore_mem>> -> memref<!tpu.dma_semaphore, #tpu.memory_space<semaphore_mem>>
      %dma_start3A_48 = arith.constant 0 : i32
      %dma_start3A_49 = arith.constant 0 : i32
      %dma_start3A_50 = tpu.memref_slice %run_scoped3A[%rem3A_38, %dma_start3A_48, %dma_start3A_49] : memref<2x1x256xi32, #tpu.memory_space<vmem>> -> memref<1x1x256xi32, #tpu.memory_space<vmem>>
      %dma_start3A_51 = tpu.memref_squeeze %dma_start3A_50 : memref<1x1x256xi32, #tpu.memory_space<vmem>> -> memref<1x256xi32, #tpu.memory_space<vmem>>
      %dma_start3A_52 = arith.constant 0 : i32
      %dma_start3A_53 = tpu.memref_slice %arg4[%dma_start3A_52, %mul3A_40] : memref<1x163840xi32, #tpu.memory_space<hbm>> -> memref<1x256xi32, #tpu.memory_space<hbm>>
      tpu.enqueue_dma source(%dma_start3A_53 : memref<1x256xi32, #tpu.memory_space<hbm>>) target(%dma_start3A_51 : memref<1x256xi32, #tpu.memory_space<vmem>>) target_semaphore(%dma_start3A_47 : memref<!tpu.dma_semaphore, #tpu.memory_space<semaphore_mem>>)
      %add3A_54 = arith.constant 0 : i32
      %add3A_55 = arith.constant 1 : i32
      %add3A_56 = arith.addi %add3A_54, %add3A_55 : i32
      %select_n3A_57 = arith.constant true
      %select_n3A_58 = arith.constant 0 : i32
      %select_n3A_59 = arith.select %select_n3A_57, %add3A_56, %select_n3A_58 : i32
      "tpu.trace_stop"() : () -> ()
      %scan3A = arith.constant 0 : i32
      %scan3A_60 = arith.constant 0 : i32
      %scan3A_61 = arith.constant 0 : i32
      %scan3A_62 = arith.constant 0 : i32
      %scan3A_63 = arith.constant 0 : i32
      %scan3A_64 = arith.constant 20 : i32
      %scan3A_65 = arith.addi %scan3A_63, %scan3A_64 : i32
      %scan3A_66 = arith.constant 1 : i32
      %scan3A_67:5 = scf.for %scan3A_121 = %scan3A_63 to %scan3A_65 step %scan3A_66 iter_args(%scan3A_122 = %select_n3A_59, %scan3A_123 = %scan3A, %scan3A_124 = %scan3A_60, %scan3A_125 = %scan3A_61, %scan3A_126 = %scan3A_62) -> (i32, i32, i32, i32, i32)  : i32 {
        %eq3A_127 = arith.constant 0 : i32
        %eq3A_128 = arith.cmpi eq, %scan3A_121, %eq3A_127 : i32
        %eq3A_129 = arith.constant 19 : i32
        %eq3A_130 = arith.cmpi eq, %scan3A_121, %eq3A_129 : i32
        %add3A_131 = arith.addi %scan3A_126, %mul3A_6 : i32
        %sub3A_132 = arith.constant 1 : i32
        %sub3A_133 = arith.subi %scan3A_126, %sub3A_132 : i32
        %select_n3A_134 = arith.constant true
        %select_n3A_135 = arith.select %select_n3A_134, %sub3A_133, %scan3A_126 : i32
        %eq3A_136 = arith.constant -1 : i32
        %eq3A_137 = arith.cmpi eq, %select_n3A_135, %eq3A_136 : i32
        %select_n3A_138 = arith.constant 19 : i32
        %select_n3A_139 = arith.select %eq3A_137, %select_n3A_138, %select_n3A_135 : i32
        %add3A_140 = arith.addi %select_n3A_139, %mul3A_6 : i32
        %add3A_141 = arith.constant 1 : i32
        %add3A_142 = arith.addi %scan3A_126, %add3A_141 : i32
        %select_n3A_143 = arith.constant true
        %select_n3A_144 = arith.select %select_n3A_143, %add3A_142, %scan3A_126 : i32
        %eq3A_145 = arith.constant 20 : i32
        %eq3A_146 = arith.cmpi eq, %select_n3A_144, %eq3A_145 : i32
        %select_n3A_147 = arith.constant 0 : i32
        %select_n3A_148 = arith.select %eq3A_146, %select_n3A_147, %select_n3A_144 : i32
        %add3A_149 = arith.addi %select_n3A_148, %mul3A_6 : i32
        %add3A_150 = arith.constant 1 : i32
        %add3A_151 = arith.addi %select_n3A_148, %add3A_150 : i32
        %select_n3A_152 = arith.constant true
        %select_n3A_153 = arith.select %select_n3A_152, %add3A_151, %select_n3A_148 : i32
        %eq3A_154 = arith.constant 20 : i32
        %eq3A_155 = arith.cmpi eq, %select_n3A_153, %eq3A_154 : i32
        %select_n3A_156 = arith.constant 0 : i32
        %select_n3A_157 = arith.select %eq3A_155, %select_n3A_156, %select_n3A_153 : i32
        %add3A_158 = arith.addi %select_n3A_157, %mul3A_6 : i32
        %ne3A = arith.cmpi ne, %add3A_131, %add3A_149 : i32
        %or3A = arith.constant false
        %or3A_159 = arith.ori %or3A, %ne3A : i1
        %ge3A = arith.constant 19 : i32
        %ge3A_160 = arith.cmpi sge, %scan3A_121, %ge3A : i32
        %not3A = arith.constant true
        %not3A_161 = arith.xori %ge3A_160, %not3A : i1
        %and3A = arith.andi %or3A_159, %not3A_161 : i1
        %convert_element_type3A = arith.extui %and3A : i1 to i32
        %cond3A = arith.constant 0 : i32
        %cond3A_162 = arith.cmpi ne, %convert_element_type3A, %cond3A : i32
        scf.if %cond3A_162 {
          "tpu.trace_start"() <{level = 10 : i32, message = "ep_copy_in"}> : () -> ()
          %rem3A_265 = arith.constant 2 : i32
          %rem3A_266 = arith.remui %scan3A_122, %rem3A_265 : i32
          %mul3A_267 = arith.constant 256 : i32
          %mul3A_268 = arith.muli %mul3A_267, %add3A_149 : i32
          %dma_start3A_269 = arith.constant 0 : i32
          %dma_start3A_270 = arith.constant 0 : i32
          %dma_start3A_271 = tpu.memref_slice %run_scoped3A[%rem3A_266, %dma_start3A_269, %dma_start3A_270] : memref<2x1x256xi32, #tpu.memory_space<vmem>> -> memref<1x1x256xi32, #tpu.memory_space<vmem>>
          %dma_start3A_272 = tpu.memref_squeeze %dma_start3A_271 : memref<1x1x256xi32, #tpu.memory_space<vmem>> -> memref<1x256xi32, #tpu.memory_space<vmem>>
          %dma_start3A_273 = arith.constant 0 : i32
          %dma_start3A_274 = tpu.memref_slice %arg4[%dma_start3A_273, %mul3A_268] : memref<1x163840xi32, #tpu.memory_space<hbm>> -> memref<1x256xi32, #tpu.memory_space<hbm>>
          %dma_start3A_275 = tpu.memref_slice %run_scoped3A_7[%rem3A_266] : memref<2x!tpu.dma_semaphore, #tpu.memory_space<semaphore_mem>> -> memref<1x!tpu.dma_semaphore, #tpu.memory_space<semaphore_mem>>
          %dma_start3A_276 = tpu.memref_squeeze %dma_start3A_275 : memref<1x!tpu.dma_semaphore, #tpu.memory_space<semaphore_mem>> -> memref<!tpu.dma_semaphore, #tpu.memory_space<semaphore_mem>>
          %dma_start3A_277 = arith.constant 0 : i32
          %dma_start3A_278 = arith.constant 0 : i32
          %dma_start3A_279 = tpu.memref_slice %run_scoped3A[%rem3A_266, %dma_start3A_277, %dma_start3A_278] : memref<2x1x256xi32, #tpu.memory_space<vmem>> -> memref<1x1x256xi32, #tpu.memory_space<vmem>>
          %dma_start3A_280 = tpu.memref_squeeze %dma_start3A_279 : memref<1x1x256xi32, #tpu.memory_space<vmem>> -> memref<1x256xi32, #tpu.memory_space<vmem>>
          %dma_start3A_281 = arith.constant 0 : i32
          %dma_start3A_282 = tpu.memref_slice %arg4[%dma_start3A_281, %mul3A_268] : memref<1x163840xi32, #tpu.memory_space<hbm>> -> memref<1x256xi32, #tpu.memory_space<hbm>>
          tpu.enqueue_dma source(%dma_start3A_282 : memref<1x256xi32, #tpu.memory_space<hbm>>) target(%dma_start3A_280 : memref<1x256xi32, #tpu.memory_space<vmem>>) target_semaphore(%dma_start3A_276 : memref<!tpu.dma_semaphore, #tpu.memory_space<semaphore_mem>>)
          "tpu.trace_stop"() : () -> ()
        } else {
        }
        %and3A_163 = arith.constant true
        %and3A_164 = arith.andi %and3A, %and3A_163 : i1
        %add3A_165 = arith.constant 1 : i32
        %add3A_166 = arith.addi %scan3A_122, %add3A_165 : i32
        %select_n3A_167 = arith.select %and3A_164, %add3A_166, %scan3A_122 : i32
        %ne3A_168 = arith.cmpi ne, %add3A_131, %add3A_149 : i32
        %or3A_169 = arith.constant false
        %or3A_170 = arith.ori %or3A_169, %ne3A_168 : i1
        %or3A_171 = arith.constant false
        %or3A_172 = arith.ori %or3A_170, %or3A_171 : i1
        %ge3A_173 = arith.constant 19 : i32
        %ge3A_174 = arith.cmpi sge, %scan3A_121, %ge3A_173 : i32
        %not3A_175 = arith.constant true
        %not3A_176 = arith.xori %ge3A_174, %not3A_175 : i1
        %and3A_177 = arith.andi %or3A_172, %not3A_176 : i1
        %ne3A_178 = arith.cmpi ne, %add3A_131, %add3A_140 : i32
        %or3A_179 = arith.constant false
        %or3A_180 = arith.ori %or3A_179, %ne3A_178 : i1
        %or3A_181 = arith.ori %or3A_180, %eq3A_128 : i1
        %convert_element_type3A_182 = arith.extui %or3A_181 : i1 to i32
        %cond3A_183 = arith.constant 0 : i32
        %cond3A_184 = arith.cmpi ne, %convert_element_type3A_182, %cond3A_183 : i32
        scf.if %cond3A_184 {
          "tpu.trace_start"() <{level = 10 : i32, message = "ep_wait_in"}> : () -> ()
          %mul3A_265 = arith.constant 256 : i32
          %mul3A_266 = arith.muli %mul3A_265, %add3A_131 : i32
          %rem3A_267 = arith.constant 2 : i32
          %rem3A_268 = arith.remui %scan3A_123, %rem3A_267 : i32
          %dma_wait3A_269 = arith.constant 0 : i32
          %dma_wait3A_270 = arith.constant 0 : i32
          %dma_wait3A_271 = tpu.memref_slice %run_scoped3A[%rem3A_268, %dma_wait3A_269, %dma_wait3A_270] : memref<2x1x256xi32, #tpu.memory_space<vmem>> -> memref<1x1x256xi32, #tpu.memory_space<vmem>>
          %dma_wait3A_272 = tpu.memref_squeeze %dma_wait3A_271 : memref<1x1x256xi32, #tpu.memory_space<vmem>> -> memref<1x256xi32, #tpu.memory_space<vmem>>
          %dma_wait3A_273 = arith.constant 0 : i32
          %dma_wait3A_274 = tpu.memref_slice %arg4[%dma_wait3A_273, %mul3A_266] : memref<1x163840xi32, #tpu.memory_space<hbm>> -> memref<1x256xi32, #tpu.memory_space<hbm>>
          %dma_wait3A_275 = tpu.memref_slice %run_scoped3A_7[%rem3A_268] : memref<2x!tpu.dma_semaphore, #tpu.memory_space<semaphore_mem>> -> memref<1x!tpu.dma_semaphore, #tpu.memory_space<semaphore_mem>>
          %dma_wait3A_276 = tpu.memref_squeeze %dma_wait3A_275 : memref<1x!tpu.dma_semaphore, #tpu.memory_space<semaphore_mem>> -> memref<!tpu.dma_semaphore, #tpu.memory_space<semaphore_mem>>
          %dma_wait3A_277 = arith.constant 0 : i32
          %dma_wait3A_278 = arith.constant 0 : i32
          %dma_wait3A_279 = tpu.memref_slice %run_scoped3A[%rem3A_268, %dma_wait3A_277, %dma_wait3A_278] : memref<2x1x256xi32, #tpu.memory_space<vmem>> -> memref<1x1x256xi32, #tpu.memory_space<vmem>>
          %dma_wait3A_280 = tpu.memref_squeeze %dma_wait3A_279 : memref<1x1x256xi32, #tpu.memory_space<vmem>> -> memref<1x256xi32, #tpu.memory_space<vmem>>
          %dma_wait3A_281 = arith.constant 0 : i32
          %dma_wait3A_282 = tpu.memref_slice %arg4[%dma_wait3A_281, %mul3A_266] : memref<1x163840xi32, #tpu.memory_space<hbm>> -> memref<1x256xi32, #tpu.memory_space<hbm>>
          tpu.wait_dma2 semaphore(%dma_wait3A_276 : memref<!tpu.dma_semaphore, #tpu.memory_space<semaphore_mem>>) src(%dma_wait3A_282 : memref<1x256xi32, #tpu.memory_space<hbm>>) dst(%dma_wait3A_280 : memref<1x256xi32, #tpu.memory_space<vmem>>)
          "tpu.trace_stop"() : () -> ()
        } else {
        }
        %ne3A_185 = arith.cmpi ne, %add3A_131, %add3A_140 : i32
        %or3A_186 = arith.constant false
        %or3A_187 = arith.ori %or3A_186, %ne3A_185 : i1
        %or3A_188 = arith.constant false
        %or3A_189 = arith.ori %or3A_187, %or3A_188 : i1
        %or3A_190 = arith.ori %or3A_189, %eq3A_128 : i1
        %convert_element_type3A_191 = arith.extui %or3A_190 : i1 to i32
        %cond3A_192 = arith.constant 0 : i32
        %cond3A_193 = arith.cmpi ne, %convert_element_type3A_191, %cond3A_192 : i32
        scf.if %cond3A_193 {
        } else {
        }
        %rem3A_194 = arith.constant 2 : i32
        %rem3A_195 = arith.remui %scan3A_123, %rem3A_194 : i32
        %rem3A_196 = arith.constant 2 : i32
        %rem3A_197 = arith.remui %scan3A_124, %rem3A_196 : i32
        %run_scoped3A_198 = arith.constant 0 : i32
        "tpu.trace_start"() <{level = 10 : i32, message = "ep_run_kernel"}> : () -> ()
        "tpu.region"() ({
          %run_scoped3A_265 = tpu.sem_alloc : memref<!tpu.dma_semaphore, #tpu.memory_space<semaphore_mem>>
          %dma_start3A_266 = arith.constant 0 : i32
          %dma_start3A_267 = arith.constant 0 : i32
          %dma_start3A_268 = tpu.memref_slice %run_scoped3A_8[%rem3A_197, %dma_start3A_266, %dma_start3A_267] : memref<2x256x128xf32, #tpu.memory_space<vmem>> -> memref<1x256x128xf32, #tpu.memory_space<vmem>>
          %dma_start3A_269 = tpu.memref_squeeze %dma_start3A_268 : memref<1x256x128xf32, #tpu.memory_space<vmem>> -> memref<256x128xf32, #tpu.memory_space<vmem>>
          %dma_start3A_270 = arith.constant 0 : i32
          %dma_start3A_271 = arith.constant 0 : i32
          %dma_start3A_272 = tpu.memref_slice %run_scoped3A[%rem3A_195, %dma_start3A_270, %dma_start3A_271] : memref<2x1x256xi32, #tpu.memory_space<vmem>> -> memref<1x1x256xi32, #tpu.memory_space<vmem>>
          %dma_start3A_273 = tpu.memref_squeeze %dma_start3A_272 : memref<1x1x256xi32, #tpu.memory_space<vmem>> -> memref<1x256xi32, #tpu.memory_space<vmem>>
          %dma_start3A_274 = arith.constant 0 : i32
          %dma_start3A_275 = tpu.memref_slice %dma_start3A_273[%run_scoped3A_198, %dma_start3A_274] : memref<1x256xi32, #tpu.memory_space<vmem>> -> memref<1x256xi32, #tpu.memory_space<vmem>>
          %dma_start3A_276 = tpu.memref_squeeze %dma_start3A_275 : memref<1x256xi32, #tpu.memory_space<vmem>> -> memref<256xi32, #tpu.memory_space<vmem>>
          %dma_start3A_277 = arith.constant 0 : i32
          %dma_start3A_278 = arith.constant 0 : i32
          %dma_start3A_279 = tpu.memref_slice %arg2[%dma_start3A_277, %dma_start3A_278] : memref<10240x128xf32, #tpu.memory_space<hbm>> -> memref<10240x128xf32, #tpu.memory_space<hbm>>
          tpu.enqueue_indirect_dma source(%dma_start3A_279 : memref<10240x128xf32, #tpu.memory_space<hbm>>) target(%dma_start3A_269 : memref<256x128xf32, #tpu.memory_space<vmem>>) offsets(%dma_start3A_276 : memref<256xi32, #tpu.memory_space<vmem>>) semaphore(%run_scoped3A_265 : memref<!tpu.dma_semaphore, #tpu.memory_space<semaphore_mem>>)
          %dma_wait3A_280 = arith.constant 0 : i32
          %dma_wait3A_281 = arith.constant 0 : i32
          %dma_wait3A_282 = tpu.memref_slice %run_scoped3A_8[%rem3A_197, %dma_wait3A_280, %dma_wait3A_281] : memref<2x256x128xf32, #tpu.memory_space<vmem>> -> memref<1x256x128xf32, #tpu.memory_space<vmem>>
          %dma_wait3A_283 = tpu.memref_squeeze %dma_wait3A_282 : memref<1x256x128xf32, #tpu.memory_space<vmem>> -> memref<256x128xf32, #tpu.memory_space<vmem>>
          %dma_wait3A_284 = arith.constant 0 : i32
          %dma_wait3A_285 = arith.constant 0 : i32
          %dma_wait3A_286 = tpu.memref_slice %run_scoped3A[%rem3A_195, %dma_wait3A_284, %dma_wait3A_285] : memref<2x1x256xi32, #tpu.memory_space<vmem>> -> memref<1x1x256xi32, #tpu.memory_space<vmem>>
          %dma_wait3A_287 = tpu.memref_squeeze %dma_wait3A_286 : memref<1x1x256xi32, #tpu.memory_space<vmem>> -> memref<1x256xi32, #tpu.memory_space<vmem>>
          %dma_wait3A_288 = arith.constant 0 : i32
          %dma_wait3A_289 = tpu.memref_slice %dma_wait3A_287[%run_scoped3A_198, %dma_wait3A_288] : memref<1x256xi32, #tpu.memory_space<vmem>> -> memref<1x256xi32, #tpu.memory_space<vmem>>
          %dma_wait3A_290 = tpu.memref_squeeze %dma_wait3A_289 : memref<1x256xi32, #tpu.memory_space<vmem>> -> memref<256xi32, #tpu.memory_space<vmem>>
          %dma_wait3A_291 = arith.constant 0 : i32
          %dma_wait3A_292 = arith.constant 0 : i32
          %dma_wait3A_293 = tpu.memref_slice %arg2[%dma_wait3A_291, %dma_wait3A_292] : memref<10240x128xf32, #tpu.memory_space<hbm>> -> memref<10240x128xf32, #tpu.memory_space<hbm>>
          tpu.wait_indirect_dma semaphore(%run_scoped3A_265 : memref<!tpu.dma_semaphore, #tpu.memory_space<semaphore_mem>>) src(%dma_wait3A_293 : memref<10240x128xf32, #tpu.memory_space<hbm>>) dst(%dma_wait3A_283 : memref<256x128xf32, #tpu.memory_space<vmem>>)
          tpu.yield
        }) : () -> ()
        %run_scoped3A_199 = arith.constant 0 : i32
        "tpu.region"() ({
          %run_scoped3A_265 = tpu.sem_alloc : memref<!tpu.dma_semaphore, #tpu.memory_space<semaphore_mem>>
          %dma_start3A_266 = arith.constant 0 : i32
          %dma_start3A_267 = arith.constant 0 : i32
          %dma_start3A_268 = tpu.memref_slice %run_scoped3A_8[%rem3A_197, %dma_start3A_266, %dma_start3A_267] : memref<2x256x128xf32, #tpu.memory_space<vmem>> -> memref<1x256x128xf32, #tpu.memory_space<vmem>>
          %dma_start3A_269 = tpu.memref_squeeze %dma_start3A_268 : memref<1x256x128xf32, #tpu.memory_space<vmem>> -> memref<256x128xf32, #tpu.memory_space<vmem>>
          %dma_start3A_270 = arith.constant 0 : i32
          %dma_start3A_271 = arith.constant 0 : i32
          %dma_start3A_272 = tpu.memref_slice %run_scoped3A[%rem3A_195, %dma_start3A_270, %dma_start3A_271] : memref<2x1x256xi32, #tpu.memory_space<vmem>> -> memref<1x1x256xi32, #tpu.memory_space<vmem>>
          %dma_start3A_273 = tpu.memref_squeeze %dma_start3A_272 : memref<1x1x256xi32, #tpu.memory_space<vmem>> -> memref<1x256xi32, #tpu.memory_space<vmem>>
          %dma_start3A_274 = arith.constant 0 : i32
          %dma_start3A_275 = tpu.memref_slice %dma_start3A_273[%run_scoped3A_199, %dma_start3A_274] : memref<1x256xi32, #tpu.memory_space<vmem>> -> memref<1x256xi32, #tpu.memory_space<vmem>>
          %dma_start3A_276 = tpu.memref_squeeze %dma_start3A_275 : memref<1x256xi32, #tpu.memory_space<vmem>> -> memref<256xi32, #tpu.memory_space<vmem>>
          %dma_start3A_277 = arith.constant 0 : i32
          %dma_start3A_278 = arith.constant 0 : i32
          %dma_start3A_279 = tpu.memref_slice %arg3[%dma_start3A_277, %dma_start3A_278] : memref<10240x128xf32, #tpu.memory_space<hbm>> -> memref<10240x128xf32, #tpu.memory_space<hbm>>
          tpu.enqueue_indirect_dma source(%dma_start3A_279 : memref<10240x128xf32, #tpu.memory_space<hbm>>) target(%dma_start3A_269 : memref<256x128xf32, #tpu.memory_space<vmem>>) offsets(%dma_start3A_276 : memref<256xi32, #tpu.memory_space<vmem>>) semaphore(%run_scoped3A_265 : memref<!tpu.dma_semaphore, #tpu.memory_space<semaphore_mem>>) {add = true}
          %dma_wait3A_280 = arith.constant 0 : i32
          %dma_wait3A_281 = arith.constant 0 : i32
          %dma_wait3A_282 = tpu.memref_slice %run_scoped3A_8[%rem3A_197, %dma_wait3A_280, %dma_wait3A_281] : memref<2x256x128xf32, #tpu.memory_space<vmem>> -> memref<1x256x128xf32, #tpu.memory_space<vmem>>
          %dma_wait3A_283 = tpu.memref_squeeze %dma_wait3A_282 : memref<1x256x128xf32, #tpu.memory_space<vmem>> -> memref<256x128xf32, #tpu.memory_space<vmem>>
          %dma_wait3A_284 = arith.constant 0 : i32
          %dma_wait3A_285 = arith.constant 0 : i32
          %dma_wait3A_286 = tpu.memref_slice %run_scoped3A[%rem3A_195, %dma_wait3A_284, %dma_wait3A_285] : memref<2x1x256xi32, #tpu.memory_space<vmem>> -> memref<1x1x256xi32, #tpu.memory_space<vmem>>
          %dma_wait3A_287 = tpu.memref_squeeze %dma_wait3A_286 : memref<1x1x256xi32, #tpu.memory_space<vmem>> -> memref<1x256xi32, #tpu.memory_space<vmem>>
          %dma_wait3A_288 = arith.constant 0 : i32
          %dma_wait3A_289 = tpu.memref_slice %dma_wait3A_287[%run_scoped3A_199, %dma_wait3A_288] : memref<1x256xi32, #tpu.memory_space<vmem>> -> memref<1x256xi32, #tpu.memory_space<vmem>>
          %dma_wait3A_290 = tpu.memref_squeeze %dma_wait3A_289 : memref<1x256xi32, #tpu.memory_space<vmem>> -> memref<256xi32, #tpu.memory_space<vmem>>
          %dma_wait3A_291 = arith.constant 0 : i32
          %dma_wait3A_292 = arith.constant 0 : i32
          %dma_wait3A_293 = tpu.memref_slice %arg3[%dma_wait3A_291, %dma_wait3A_292] : memref<10240x128xf32, #tpu.memory_space<hbm>> -> memref<10240x128xf32, #tpu.memory_space<hbm>>
          tpu.wait_indirect_dma semaphore(%run_scoped3A_265 : memref<!tpu.dma_semaphore, #tpu.memory_space<semaphore_mem>>) src(%dma_wait3A_293 : memref<10240x128xf32, #tpu.memory_space<hbm>>) dst(%dma_wait3A_283 : memref<256x128xf32, #tpu.memory_space<vmem>>)
          tpu.yield
        }) : () -> ()
        "tpu.trace_stop"() : () -> ()
        %ne3A_200 = arith.cmpi ne, %add3A_131, %add3A_149 : i32
        %or3A_201 = arith.constant false
        %or3A_202 = arith.ori %or3A_201, %ne3A_200 : i1
        %or3A_203 = arith.ori %or3A_202, %eq3A_130 : i1
        %convert_element_type3A_204 = arith.extui %or3A_203 : i1 to i32
        %cond3A_205 = arith.constant 0 : i32
        %cond3A_206 = arith.cmpi ne, %convert_element_type3A_204, %cond3A_205 : i32
        scf.if %cond3A_206 {
        } else {
        }
        %and3A_207 = arith.constant false
        %and3A_208 = arith.andi %or3A_203, %and3A_207 : i1
        %ne3A_209 = arith.cmpi ne, %add3A_131, %add3A_149 : i32
        %or3A_210 = arith.constant false
        %or3A_211 = arith.ori %or3A_210, %ne3A_209 : i1
        %or3A_212 = arith.constant false
        %or3A_213 = arith.ori %or3A_211, %or3A_212 : i1
        %or3A_214 = arith.ori %or3A_213, %eq3A_130 : i1
        %convert_element_type3A_215 = arith.extui %or3A_214 : i1 to i32
        %cond3A_216 = arith.constant 0 : i32
        %cond3A_217 = arith.cmpi ne, %convert_element_type3A_215, %cond3A_216 : i32
        scf.if %cond3A_217 {
          "tpu.trace_start"() <{level = 10 : i32, message = "ep_copy_out"}> : () -> ()
          %rem3A_265 = arith.constant 2 : i32
          %rem3A_266 = arith.remui %scan3A_124, %rem3A_265 : i32
          %mul3A_267 = arith.constant 256 : i32
          %mul3A_268 = arith.muli %mul3A_267, %add3A_131 : i32
          %dma_start3A_269 = arith.constant 0 : i32
          %dma_start3A_270 = arith.constant 0 : i32
          %dma_start3A_271 = tpu.memref_slice %run_scoped3A_8[%rem3A_266, %dma_start3A_269, %dma_start3A_270] : memref<2x256x128xf32, #tpu.memory_space<vmem>> -> memref<1x256x128xf32, #tpu.memory_space<vmem>>
          %dma_start3A_272 = tpu.memref_squeeze %dma_start3A_271 : memref<1x256x128xf32, #tpu.memory_space<vmem>> -> memref<256x128xf32, #tpu.memory_space<vmem>>
          %dma_start3A_273 = arith.constant 0 : i32
          %dma_start3A_274 = tpu.memref_slice %arg5[%mul3A_268, %dma_start3A_273] : memref<163840x128xf32, #tpu.memory_space<hbm>> -> memref<256x128xf32, #tpu.memory_space<hbm>>
          %dma_start3A_275 = tpu.memref_slice %run_scoped3A_9[%rem3A_266] : memref<2x!tpu.dma_semaphore, #tpu.memory_space<semaphore_mem>> -> memref<1x!tpu.dma_semaphore, #tpu.memory_space<semaphore_mem>>
          %dma_start3A_276 = tpu.memref_squeeze %dma_start3A_275 : memref<1x!tpu.dma_semaphore, #tpu.memory_space<semaphore_mem>> -> memref<!tpu.dma_semaphore, #tpu.memory_space<semaphore_mem>>
          %dma_start3A_277 = arith.constant 0 : i32
          %dma_start3A_278 = tpu.memref_slice %arg5[%mul3A_268, %dma_start3A_277] : memref<163840x128xf32, #tpu.memory_space<hbm>> -> memref<256x128xf32, #tpu.memory_space<hbm>>
          %dma_start3A_279 = arith.constant 0 : i32
          %dma_start3A_280 = arith.constant 0 : i32
          %dma_start3A_281 = tpu.memref_slice %run_scoped3A_8[%rem3A_266, %dma_start3A_279, %dma_start3A_280] : memref<2x256x128xf32, #tpu.memory_space<vmem>> -> memref<1x256x128xf32, #tpu.memory_space<vmem>>
          %dma_start3A_282 = tpu.memref_squeeze %dma_start3A_281 : memref<1x256x128xf32, #tpu.memory_space<vmem>> -> memref<256x128xf32, #tpu.memory_space<vmem>>
          tpu.enqueue_dma source(%dma_start3A_282 : memref<256x128xf32, #tpu.memory_space<vmem>>) target(%dma_start3A_278 : memref<256x128xf32, #tpu.memory_space<hbm>>) target_semaphore(%dma_start3A_276 : memref<!tpu.dma_semaphore, #tpu.memory_space<semaphore_mem>>)
          "tpu.trace_stop"() : () -> ()
        } else {
        }
        %and3A_218 = arith.constant true
        %and3A_219 = arith.andi %or3A_214, %and3A_218 : i1
        %add3A_220 = arith.constant 1 : i32
        %add3A_221 = arith.addi %scan3A_124, %add3A_220 : i32
        %select_n3A_222 = arith.select %and3A_219, %add3A_221, %scan3A_124 : i32
        %ne3A_223 = arith.cmpi ne, %add3A_131, %add3A_140 : i32
        %or3A_224 = arith.constant false
        %or3A_225 = arith.ori %or3A_224, %ne3A_223 : i1
        %not3A_226 = arith.constant true
        %not3A_227 = arith.xori %eq3A_128, %not3A_226 : i1
        %and3A_228 = arith.andi %or3A_225, %not3A_227 : i1
        %convert_element_type3A_229 = arith.extui %and3A_228 : i1 to i32
        %cond3A_230 = arith.constant 0 : i32
        %cond3A_231 = arith.cmpi ne, %convert_element_type3A_229, %cond3A_230 : i32
        scf.if %cond3A_231 {
        } else {
        }
        %and3A_232 = arith.constant false
        %and3A_233 = arith.andi %and3A_228, %and3A_232 : i1
        %ne3A_234 = arith.cmpi ne, %add3A_131, %add3A_140 : i32
        %or3A_235 = arith.constant false
        %or3A_236 = arith.ori %or3A_235, %ne3A_234 : i1
        %or3A_237 = arith.constant false
        %or3A_238 = arith.ori %or3A_236, %or3A_237 : i1
        %not3A_239 = arith.constant true
        %not3A_240 = arith.xori %eq3A_128, %not3A_239 : i1
        %and3A_241 = arith.andi %or3A_238, %not3A_240 : i1
        %convert_element_type3A_242 = arith.extui %and3A_241 : i1 to i32
        %cond3A_243 = arith.constant 0 : i32
        %cond3A_244 = arith.cmpi ne, %convert_element_type3A_242, %cond3A_243 : i32
        scf.if %cond3A_244 {
          "tpu.trace_start"() <{level = 10 : i32, message = "ep_wait_out"}> : () -> ()
          %rem3A_265 = arith.constant 2 : i32
          %rem3A_266 = arith.remui %scan3A_125, %rem3A_265 : i32
          %mul3A_267 = arith.constant 256 : i32
          %mul3A_268 = arith.muli %mul3A_267, %add3A_140 : i32
          %dma_wait3A_269 = arith.constant 0 : i32
          %dma_wait3A_270 = arith.constant 0 : i32
          %dma_wait3A_271 = tpu.memref_slice %run_scoped3A_8[%rem3A_266, %dma_wait3A_269, %dma_wait3A_270] : memref<2x256x128xf32, #tpu.memory_space<vmem>> -> memref<1x256x128xf32, #tpu.memory_space<vmem>>
          %dma_wait3A_272 = tpu.memref_squeeze %dma_wait3A_271 : memref<1x256x128xf32, #tpu.memory_space<vmem>> -> memref<256x128xf32, #tpu.memory_space<vmem>>
          %dma_wait3A_273 = arith.constant 0 : i32
          %dma_wait3A_274 = tpu.memref_slice %arg5[%mul3A_268, %dma_wait3A_273] : memref<163840x128xf32, #tpu.memory_space<hbm>> -> memref<256x128xf32, #tpu.memory_space<hbm>>
          %dma_wait3A_275 = tpu.memref_slice %run_scoped3A_9[%rem3A_266] : memref<2x!tpu.dma_semaphore, #tpu.memory_space<semaphore_mem>> -> memref<1x!tpu.dma_semaphore, #tpu.memory_space<semaphore_mem>>
          %dma_wait3A_276 = tpu.memref_squeeze %dma_wait3A_275 : memref<1x!tpu.dma_semaphore, #tpu.memory_space<semaphore_mem>> -> memref<!tpu.dma_semaphore, #tpu.memory_space<semaphore_mem>>
          %dma_wait3A_277 = arith.constant 0 : i32
          %dma_wait3A_278 = tpu.memref_slice %arg5[%mul3A_268, %dma_wait3A_277] : memref<163840x128xf32, #tpu.memory_space<hbm>> -> memref<256x128xf32, #tpu.memory_space<hbm>>
          %dma_wait3A_279 = arith.constant 0 : i32
          %dma_wait3A_280 = arith.constant 0 : i32
          %dma_wait3A_281 = tpu.memref_slice %run_scoped3A_8[%rem3A_266, %dma_wait3A_279, %dma_wait3A_280] : memref<2x256x128xf32, #tpu.memory_space<vmem>> -> memref<1x256x128xf32, #tpu.memory_space<vmem>>
          %dma_wait3A_282 = tpu.memref_squeeze %dma_wait3A_281 : memref<1x256x128xf32, #tpu.memory_space<vmem>> -> memref<256x128xf32, #tpu.memory_space<vmem>>
          tpu.wait_dma2 semaphore(%dma_wait3A_276 : memref<!tpu.dma_semaphore, #tpu.memory_space<semaphore_mem>>) src(%dma_wait3A_282 : memref<256x128xf32, #tpu.memory_space<vmem>>) dst(%dma_wait3A_278 : memref<256x128xf32, #tpu.memory_space<hbm>>)
          "tpu.trace_stop"() : () -> ()
        } else {
        }
        %and3A_245 = arith.constant true
        %and3A_246 = arith.andi %and3A_241, %and3A_245 : i1
        %add3A_247 = arith.constant 1 : i32
        %add3A_248 = arith.addi %scan3A_125, %add3A_247 : i32
        %select_n3A_249 = arith.select %and3A_246, %add3A_248, %scan3A_125 : i32
        %ne3A_250 = arith.cmpi ne, %add3A_131, %add3A_149 : i32
        %or3A_251 = arith.constant false
        %or3A_252 = arith.ori %or3A_251, %ne3A_250 : i1
        %or3A_253 = arith.ori %or3A_252, %eq3A_130 : i1
        %add3A_254 = arith.constant 1 : i32
        %add3A_255 = arith.addi %scan3A_123, %add3A_254 : i32
        %select_n3A_256 = arith.select %or3A_253, %add3A_255, %scan3A_123 : i32
        %add3A_257 = arith.constant 1 : i32
        %add3A_258 = arith.addi %scan3A_126, %add3A_257 : i32
        %select_n3A_259 = arith.constant true
        %select_n3A_260 = arith.select %select_n3A_259, %add3A_258, %scan3A_126 : i32
        %eq3A_261 = arith.constant 20 : i32
        %eq3A_262 = arith.cmpi eq, %select_n3A_260, %eq3A_261 : i32
        %select_n3A_263 = arith.constant 0 : i32
        %select_n3A_264 = arith.select %eq3A_262, %select_n3A_263, %select_n3A_260 : i32
        scf.yield %select_n3A_167, %select_n3A_256, %select_n3A_222, %select_n3A_249, %select_n3A_264 : i32, i32, i32, i32, i32
      }
      %scan3A_68 = arith.constant 20 : i32
      %sub3A = arith.constant 1 : i32
      %sub3A_69 = arith.subi %scan3A_67#4, %sub3A : i32
      %select_n3A_70 = arith.constant true
      %select_n3A_71 = arith.select %select_n3A_70, %sub3A_69, %scan3A_67#4 : i32
      %eq3A_72 = arith.constant -1 : i32
      %eq3A_73 = arith.cmpi eq, %select_n3A_71, %eq3A_72 : i32
      %select_n3A_74 = arith.constant 19 : i32
      %select_n3A_75 = arith.select %eq3A_73, %select_n3A_74, %select_n3A_71 : i32
      %add3A_76 = arith.addi %select_n3A_75, %mul3A_6 : i32
      %sub3A_77 = arith.constant 1 : i32
      %sub3A_78 = arith.subi %select_n3A_75, %sub3A_77 : i32
      %select_n3A_79 = arith.constant true
      %select_n3A_80 = arith.select %select_n3A_79, %sub3A_78, %select_n3A_75 : i32
      %eq3A_81 = arith.constant -1 : i32
      %eq3A_82 = arith.cmpi eq, %select_n3A_80, %eq3A_81 : i32
      %select_n3A_83 = arith.constant 19 : i32
      %select_n3A_84 = arith.select %eq3A_82, %select_n3A_83, %select_n3A_80 : i32
      %add3A_85 = arith.addi %select_n3A_84, %mul3A_6 : i32
      %add3A_86 = arith.constant 1 : i32
      %add3A_87 = arith.addi %select_n3A_75, %add3A_86 : i32
      %select_n3A_88 = arith.constant true
      %select_n3A_89 = arith.select %select_n3A_88, %add3A_87, %select_n3A_75 : i32
      %eq3A_90 = arith.constant 20 : i32
      %eq3A_91 = arith.cmpi eq, %select_n3A_89, %eq3A_90 : i32
      %select_n3A_92 = arith.constant 0 : i32
      %select_n3A_93 = arith.select %eq3A_91, %select_n3A_92, %select_n3A_89 : i32
      %add3A_94 = arith.addi %select_n3A_93, %mul3A_6 : i32
      %add3A_95 = arith.constant 1 : i32
      %add3A_96 = arith.addi %select_n3A_93, %add3A_95 : i32
      %select_n3A_97 = arith.constant true
      %select_n3A_98 = arith.select %select_n3A_97, %add3A_96, %select_n3A_93 : i32
      %eq3A_99 = arith.constant 20 : i32
      %eq3A_100 = arith.cmpi eq, %select_n3A_98, %eq3A_99 : i32
      %select_n3A_101 = arith.constant 0 : i32
      %select_n3A_102 = arith.select %eq3A_100, %select_n3A_101, %select_n3A_98 : i32
      %add3A_103 = arith.addi %select_n3A_102, %mul3A_6 : i32
      "tpu.trace_start"() <{level = 10 : i32, message = "ep_finalize"}> : () -> ()
      %rem3A_104 = arith.constant 2 : i32
      %rem3A_105 = arith.remui %scan3A_67#3, %rem3A_104 : i32
      %mul3A_106 = arith.constant 256 : i32
      %mul3A_107 = arith.muli %mul3A_106, %add3A_76 : i32
      %dma_wait3A = arith.constant 0 : i32
      %dma_wait3A_108 = arith.constant 0 : i32
      %dma_wait3A_109 = tpu.memref_slice %run_scoped3A_8[%rem3A_105, %dma_wait3A, %dma_wait3A_108] : memref<2x256x128xf32, #tpu.memory_space<vmem>> -> memref<1x256x128xf32, #tpu.memory_space<vmem>>
      %dma_wait3A_110 = tpu.memref_squeeze %dma_wait3A_109 : memref<1x256x128xf32, #tpu.memory_space<vmem>> -> memref<256x128xf32, #tpu.memory_space<vmem>>
      %dma_wait3A_111 = arith.constant 0 : i32
      %dma_wait3A_112 = tpu.memref_slice %arg5[%mul3A_107, %dma_wait3A_111] : memref<163840x128xf32, #tpu.memory_space<hbm>> -> memref<256x128xf32, #tpu.memory_space<hbm>>
      %dma_wait3A_113 = tpu.memref_slice %run_scoped3A_9[%rem3A_105] : memref<2x!tpu.dma_semaphore, #tpu.memory_space<semaphore_mem>> -> memref<1x!tpu.dma_semaphore, #tpu.memory_space<semaphore_mem>>
      %dma_wait3A_114 = tpu.memref_squeeze %dma_wait3A_113 : memref<1x!tpu.dma_semaphore, #tpu.memory_space<semaphore_mem>> -> memref<!tpu.dma_semaphore, #tpu.memory_space<semaphore_mem>>
      %dma_wait3A_115 = arith.constant 0 : i32
      %dma_wait3A_116 = tpu.memref_slice %arg5[%mul3A_107, %dma_wait3A_115] : memref<163840x128xf32, #tpu.memory_space<hbm>> -> memref<256x128xf32, #tpu.memory_space<hbm>>
      %dma_wait3A_117 = arith.constant 0 : i32
      %dma_wait3A_118 = arith.constant 0 : i32
      %dma_wait3A_119 = tpu.memref_slice %run_scoped3A_8[%rem3A_105, %dma_wait3A_117, %dma_wait3A_118] : memref<2x256x128xf32, #tpu.memory_space<vmem>> -> memref<1x256x128xf32, #tpu.memory_space<vmem>>
      %dma_wait3A_120 = tpu.memref_squeeze %dma_wait3A_119 : memref<1x256x128xf32, #tpu.memory_space<vmem>> -> memref<256x128xf32, #tpu.memory_space<vmem>>
      tpu.wait_dma2 semaphore(%dma_wait3A_114 : memref<!tpu.dma_semaphore, #tpu.memory_space<semaphore_mem>>) src(%dma_wait3A_120 : memref<256x128xf32, #tpu.memory_space<vmem>>) dst(%dma_wait3A_116 : memref<256x128xf32, #tpu.memory_space<hbm>>)
      "tpu.trace_stop"() : () -> ()
      tpu.yield
    }) : () -> ()
    return
  }
}

#map = affine_map<(d0, d1) -> (0, 0)>
#map1 = affine_map<(d0, d1) -> (0, 0, 0)>
module attributes {stable_mosaic.version = 14 : i64} {
  func.func @k(%arg0: i32, %arg1: i32, %arg2: memref<163840x128xf32, #tpu.memory_space<hbm>>, %arg3: memref<512x1x320xi32, #tpu.memory_space<hbm>>, %arg4: memref<10240x128xf32, #tpu.memory_space<hbm>>, %arg5: memref<2x10240x128xf32, #tpu.memory_space<hbm>>, %arg6: memref<10240x128xf32, #tpu.memory_space<vmem_shared>>, %arg7: memref<320x128xf32, #tpu.memory_space<vmem>>, %arg8: memref<1x320xi32, #tpu.memory_space<vmem>>) attributes {dimension_semantics = [#tpu.dimension_semantics<core_parallel>, #tpu.dimension_semantics<subcore_parallel>], iteration_bounds = array<i64: 2, 16>, scalar_prefetch = 0 : i64, scratch_operands = 3 : i64, tpu.core_type = #tpu.core_type<sc_vector_subcore>, window_params = [{transform_indices = #map}, {transform_indices = #map1}, {transform_indices = #map}, {transform_indices = #map1}]} {
    %mul3A = arith.constant 640 : i32
    %mul3A_0 = arith.muli %arg1, %mul3A : i32
    %mul3A_1 = arith.constant 640 : i32
    %mul3A_2 = arith.muli %arg1, %mul3A_1 : i32
    "tpu.region"() ({
      %run_scoped3A = tpu.sem_alloc : memref<!tpu.dma_semaphore, #tpu.memory_space<semaphore_mem>>
      %dma_start3A = arith.constant 0 : i32
      %dma_start3A_14 = tpu.memref_slice %arg6[%mul3A_2, %dma_start3A] : memref<10240x128xf32, #tpu.memory_space<vmem_shared>> -> memref<640x128xf32, #tpu.memory_space<vmem_shared>>
      %dma_start3A_15 = arith.constant 0 : i32
      %dma_start3A_16 = tpu.memref_slice %arg4[%mul3A_0, %dma_start3A_15] : memref<10240x128xf32, #tpu.memory_space<hbm>> -> memref<640x128xf32, #tpu.memory_space<hbm>>
      tpu.enqueue_dma source(%dma_start3A_16 : memref<640x128xf32, #tpu.memory_space<hbm>>) target(%dma_start3A_14 : memref<640x128xf32, #tpu.memory_space<vmem_shared>>) target_semaphore(%run_scoped3A : memref<!tpu.dma_semaphore, #tpu.memory_space<semaphore_mem>>)
      %dma_wait3A = arith.constant 0 : i32
      %dma_wait3A_17 = tpu.memref_slice %arg6[%mul3A_2, %dma_wait3A] : memref<10240x128xf32, #tpu.memory_space<vmem_shared>> -> memref<640x128xf32, #tpu.memory_space<vmem_shared>>
      %dma_wait3A_18 = arith.constant 0 : i32
      %dma_wait3A_19 = tpu.memref_slice %arg4[%mul3A_0, %dma_wait3A_18] : memref<10240x128xf32, #tpu.memory_space<hbm>> -> memref<640x128xf32, #tpu.memory_space<hbm>>
      tpu.wait_dma2 semaphore(%run_scoped3A : memref<!tpu.dma_semaphore, #tpu.memory_space<semaphore_mem>>) src(%dma_wait3A_19 : memref<640x128xf32, #tpu.memory_space<hbm>>) dst(%dma_wait3A_17 : memref<640x128xf32, #tpu.memory_space<vmem_shared>>)
      tpu.yield
    }) : () -> ()
    %barrier3A = arith.constant 0 : index
    tpu.barrier barrier_id(%barrier3A)
    %mul3A_3 = arith.constant 16 : i32
    %mul3A_4 = arith.muli %arg0, %mul3A_3 : i32
    %add3A = arith.addi %mul3A_4, %arg1 : i32
    %scan3A = arith.constant 0 : i32
    %scan3A_5 = arith.constant 16 : i32
    %scan3A_6 = arith.addi %scan3A, %scan3A_5 : i32
    %scan3A_7 = arith.constant 1 : i32
    scf.for %scan3A_14 = %scan3A to %scan3A_6 step %scan3A_7  : i32 {
      %mul3A_15 = arith.constant 1 : i32
      %mul3A_16 = arith.muli %scan3A_14, %mul3A_15 : i32
      %add3A_17 = arith.constant 0 : i32
      %add3A_18 = arith.addi %add3A_17, %mul3A_16 : i32
      %mul3A_19 = arith.constant 16 : i32
      %mul3A_20 = arith.muli %add3A, %mul3A_19 : i32
      %add3A_21 = arith.addi %mul3A_20, %add3A_18 : i32
      "tpu.region"() ({
        %run_scoped3A_24 = tpu.sem_alloc : memref<!tpu.dma_semaphore, #tpu.memory_space<semaphore_mem>>
        %dma_start3A = arith.constant 0 : i32
        %dma_start3A_25 = arith.constant 0 : i32
        %dma_start3A_26 = tpu.memref_slice %arg3[%add3A_21, %dma_start3A, %dma_start3A_25] : memref<512x1x320xi32, #tpu.memory_space<hbm>> -> memref<1x1x320xi32, #tpu.memory_space<hbm>>
        %dma_start3A_27 = tpu.memref_squeeze %dma_start3A_26 : memref<1x1x320xi32, #tpu.memory_space<hbm>> -> memref<1x320xi32, #tpu.memory_space<hbm>>
        %dma_start3A_28 = arith.constant 0 : i32
        %dma_start3A_29 = arith.constant 0 : i32
        %dma_start3A_30 = tpu.memref_slice %arg3[%add3A_21, %dma_start3A_28, %dma_start3A_29] : memref<512x1x320xi32, #tpu.memory_space<hbm>> -> memref<1x1x320xi32, #tpu.memory_space<hbm>>
        %dma_start3A_31 = tpu.memref_squeeze %dma_start3A_30 : memref<1x1x320xi32, #tpu.memory_space<hbm>> -> memref<1x320xi32, #tpu.memory_space<hbm>>
        tpu.enqueue_dma source(%dma_start3A_31 : memref<1x320xi32, #tpu.memory_space<hbm>>) target(%arg8 : memref<1x320xi32, #tpu.memory_space<vmem>>) target_semaphore(%run_scoped3A_24 : memref<!tpu.dma_semaphore, #tpu.memory_space<semaphore_mem>>)
        %dma_wait3A = arith.constant 0 : i32
        %dma_wait3A_32 = arith.constant 0 : i32
        %dma_wait3A_33 = tpu.memref_slice %arg3[%add3A_21, %dma_wait3A, %dma_wait3A_32] : memref<512x1x320xi32, #tpu.memory_space<hbm>> -> memref<1x1x320xi32, #tpu.memory_space<hbm>>
        %dma_wait3A_34 = tpu.memref_squeeze %dma_wait3A_33 : memref<1x1x320xi32, #tpu.memory_space<hbm>> -> memref<1x320xi32, #tpu.memory_space<hbm>>
        %dma_wait3A_35 = arith.constant 0 : i32
        %dma_wait3A_36 = arith.constant 0 : i32
        %dma_wait3A_37 = tpu.memref_slice %arg3[%add3A_21, %dma_wait3A_35, %dma_wait3A_36] : memref<512x1x320xi32, #tpu.memory_space<hbm>> -> memref<1x1x320xi32, #tpu.memory_space<hbm>>
        %dma_wait3A_38 = tpu.memref_squeeze %dma_wait3A_37 : memref<1x1x320xi32, #tpu.memory_space<hbm>> -> memref<1x320xi32, #tpu.memory_space<hbm>>
        tpu.wait_dma2 semaphore(%run_scoped3A_24 : memref<!tpu.dma_semaphore, #tpu.memory_space<semaphore_mem>>) src(%dma_wait3A_38 : memref<1x320xi32, #tpu.memory_space<hbm>>) dst(%arg8 : memref<1x320xi32, #tpu.memory_space<vmem>>)
        tpu.yield
      }) : () -> ()
      %mul3A_22 = arith.constant 320 : i32
      %mul3A_23 = arith.muli %add3A_21, %mul3A_22 : i32
      "tpu.region"() ({
        %run_scoped3A_24 = tpu.sem_alloc : memref<!tpu.dma_semaphore, #tpu.memory_space<semaphore_mem>>
        %dma_start3A = arith.constant 0 : i32
        %dma_start3A_25 = tpu.memref_slice %arg2[%mul3A_23, %dma_start3A] : memref<163840x128xf32, #tpu.memory_space<hbm>> -> memref<320x128xf32, #tpu.memory_space<hbm>>
        %dma_start3A_26 = arith.constant 0 : i32
        %dma_start3A_27 = tpu.memref_slice %arg2[%mul3A_23, %dma_start3A_26] : memref<163840x128xf32, #tpu.memory_space<hbm>> -> memref<320x128xf32, #tpu.memory_space<hbm>>
        tpu.enqueue_dma source(%dma_start3A_27 : memref<320x128xf32, #tpu.memory_space<hbm>>) target(%arg7 : memref<320x128xf32, #tpu.memory_space<vmem>>) target_semaphore(%run_scoped3A_24 : memref<!tpu.dma_semaphore, #tpu.memory_space<semaphore_mem>>)
        %dma_wait3A = arith.constant 0 : i32
        %dma_wait3A_28 = tpu.memref_slice %arg2[%mul3A_23, %dma_wait3A] : memref<163840x128xf32, #tpu.memory_space<hbm>> -> memref<320x128xf32, #tpu.memory_space<hbm>>
        %dma_wait3A_29 = arith.constant 0 : i32
        %dma_wait3A_30 = tpu.memref_slice %arg2[%mul3A_23, %dma_wait3A_29] : memref<163840x128xf32, #tpu.memory_space<hbm>> -> memref<320x128xf32, #tpu.memory_space<hbm>>
        tpu.wait_dma2 semaphore(%run_scoped3A_24 : memref<!tpu.dma_semaphore, #tpu.memory_space<semaphore_mem>>) src(%dma_wait3A_30 : memref<320x128xf32, #tpu.memory_space<hbm>>) dst(%arg7 : memref<320x128xf32, #tpu.memory_space<vmem>>)
        tpu.yield
      }) : () -> ()
      %run_scoped3A = arith.constant 0 : i32
      "tpu.region"() ({
        %run_scoped3A_24 = tpu.sem_alloc : memref<!tpu.dma_semaphore, #tpu.memory_space<semaphore_mem>>
        %dma_start3A = arith.constant 0 : i32
        %dma_start3A_25 = tpu.memref_slice %arg8[%run_scoped3A, %dma_start3A] : memref<1x320xi32, #tpu.memory_space<vmem>> -> memref<1x320xi32, #tpu.memory_space<vmem>>
        %dma_start3A_26 = tpu.memref_squeeze %dma_start3A_25 : memref<1x320xi32, #tpu.memory_space<vmem>> -> memref<320xi32, #tpu.memory_space<vmem>>
        %dma_start3A_27 = arith.constant 0 : i32
        %dma_start3A_28 = arith.constant 0 : i32
        %dma_start3A_29 = tpu.memref_slice %arg6[%dma_start3A_27, %dma_start3A_28] : memref<10240x128xf32, #tpu.memory_space<vmem_shared>> -> memref<10240x128xf32, #tpu.memory_space<vmem_shared>>
        tpu.enqueue_indirect_dma source(%arg7 : memref<320x128xf32, #tpu.memory_space<vmem>>) target(%dma_start3A_29 : memref<10240x128xf32, #tpu.memory_space<vmem_shared>>) offsets(%dma_start3A_26 : memref<320xi32, #tpu.memory_space<vmem>>) semaphore(%run_scoped3A_24 : memref<!tpu.dma_semaphore, #tpu.memory_space<semaphore_mem>>) {add = true}
        %dma_wait3A = arith.constant 0 : i32
        %dma_wait3A_30 = tpu.memref_slice %arg8[%run_scoped3A, %dma_wait3A] : memref<1x320xi32, #tpu.memory_space<vmem>> -> memref<1x320xi32, #tpu.memory_space<vmem>>
        %dma_wait3A_31 = tpu.memref_squeeze %dma_wait3A_30 : memref<1x320xi32, #tpu.memory_space<vmem>> -> memref<320xi32, #tpu.memory_space<vmem>>
        %dma_wait3A_32 = arith.constant 0 : i32
        %dma_wait3A_33 = arith.constant 0 : i32
        %dma_wait3A_34 = tpu.memref_slice %arg6[%dma_wait3A_32, %dma_wait3A_33] : memref<10240x128xf32, #tpu.memory_space<vmem_shared>> -> memref<10240x128xf32, #tpu.memory_space<vmem_shared>>
        tpu.wait_indirect_dma semaphore(%run_scoped3A_24 : memref<!tpu.dma_semaphore, #tpu.memory_space<semaphore_mem>>) src(%arg7 : memref<320x128xf32, #tpu.memory_space<vmem>>) dst(%dma_wait3A_34 : memref<10240x128xf32, #tpu.memory_space<vmem_shared>>)
        tpu.yield
      }) : () -> ()
    }
    %scan3A_8 = arith.constant 16 : i32
    %barrier3A_9 = arith.constant 0 : index
    tpu.barrier barrier_id(%barrier3A_9)
    %mul3A_10 = arith.constant 640 : i32
    %mul3A_11 = arith.muli %arg1, %mul3A_10 : i32
    %mul3A_12 = arith.constant 640 : i32
    %mul3A_13 = arith.muli %arg1, %mul3A_12 : i32
    "tpu.region"() ({
      %run_scoped3A = tpu.sem_alloc : memref<!tpu.dma_semaphore, #tpu.memory_space<semaphore_mem>>
      %dma_start3A = arith.constant 0 : i32
      %dma_start3A_14 = arith.constant 0 : i32
      %dma_start3A_15 = tpu.memref_slice %arg5[%arg0, %dma_start3A, %dma_start3A_14] : memref<2x10240x128xf32, #tpu.memory_space<hbm>> -> memref<1x10240x128xf32, #tpu.memory_space<hbm>>
      %dma_start3A_16 = tpu.memref_squeeze %dma_start3A_15 : memref<1x10240x128xf32, #tpu.memory_space<hbm>> -> memref<10240x128xf32, #tpu.memory_space<hbm>>
      %dma_start3A_17 = arith.constant 0 : i32
      %dma_start3A_18 = tpu.memref_slice %dma_start3A_16[%mul3A_13, %dma_start3A_17] : memref<10240x128xf32, #tpu.memory_space<hbm>> -> memref<640x128xf32, #tpu.memory_space<hbm>>
      %dma_start3A_19 = arith.constant 0 : i32
      %dma_start3A_20 = tpu.memref_slice %arg6[%mul3A_11, %dma_start3A_19] : memref<10240x128xf32, #tpu.memory_space<vmem_shared>> -> memref<640x128xf32, #tpu.memory_space<vmem_shared>>
      tpu.enqueue_dma source(%dma_start3A_20 : memref<640x128xf32, #tpu.memory_space<vmem_shared>>) target(%dma_start3A_18 : memref<640x128xf32, #tpu.memory_space<hbm>>) target_semaphore(%run_scoped3A : memref<!tpu.dma_semaphore, #tpu.memory_space<semaphore_mem>>)
      %dma_wait3A = arith.constant 0 : i32
      %dma_wait3A_21 = arith.constant 0 : i32
      %dma_wait3A_22 = tpu.memref_slice %arg5[%arg0, %dma_wait3A, %dma_wait3A_21] : memref<2x10240x128xf32, #tpu.memory_space<hbm>> -> memref<1x10240x128xf32, #tpu.memory_space<hbm>>
      %dma_wait3A_23 = tpu.memref_squeeze %dma_wait3A_22 : memref<1x10240x128xf32, #tpu.memory_space<hbm>> -> memref<10240x128xf32, #tpu.memory_space<hbm>>
      %dma_wait3A_24 = arith.constant 0 : i32
      %dma_wait3A_25 = tpu.memref_slice %dma_wait3A_23[%mul3A_13, %dma_wait3A_24] : memref<10240x128xf32, #tpu.memory_space<hbm>> -> memref<640x128xf32, #tpu.memory_space<hbm>>
      %dma_wait3A_26 = arith.constant 0 : i32
      %dma_wait3A_27 = tpu.memref_slice %arg6[%mul3A_11, %dma_wait3A_26] : memref<10240x128xf32, #tpu.memory_space<vmem_shared>> -> memref<640x128xf32, #tpu.memory_space<vmem_shared>>
      tpu.wait_dma2 semaphore(%run_scoped3A : memref<!tpu.dma_semaphore, #tpu.memory_space<semaphore_mem>>) src(%dma_wait3A_27 : memref<640x128xf32, #tpu.memory_space<vmem_shared>>) dst(%dma_wait3A_25 : memref<640x128xf32, #tpu.memory_space<hbm>>)
      tpu.yield
    }) : () -> ()
    return
  }
}

module attributes {stable_mosaic.version = 14 : i64} {
  func.func @_h_body(%arg0: i32, %arg1: memref<2048x1xi32, #tpu.memory_space<vmem>>, %arg2: memref<128x128xf32, #tpu.memory_space<vmem>>, %arg3: memref<2048x128xf32, #tpu.memory_space<vmem>>) attributes {dimension_semantics = [#tpu.dimension_semantics<arbitrary>], iteration_bounds = array<i64: 5>, scalar_prefetch = 0 : i64, scratch_operands = 0 : i64, tpu.core_type = #tpu.core_type<tc>, window_params = [{transform_indices = @transform_0, window_bounds = array<i64: 2048, 1>}, {pipeline_mode = #tpu.pipeline_mode<synchronous>, transform_indices = @transform_1, window_bounds = array<i64: 128, 128>}, {transform_indices = @transform_2, window_bounds = array<i64: 2048, 128>}]} {
    %get3A = arith.constant 0 : index
    %get3A_0 = arith.constant 0 : index
    %get3A_1 = vector.load %arg1[%get3A, %get3A_0] : memref<2048x1xi32, #tpu.memory_space<vmem>>, vector<2048x1xi32>
    %iota3A = tpu.iota {dimensions = array<i32: 1>} : vector<2048x128xi32>
    %eq3A = vector.broadcast %get3A_1 : vector<2048x1xi32> to vector<2048x128xi32>
    %eq3A_2 = arith.cmpi eq, %iota3A, %eq3A : vector<2048x128xi32>
    %convert_element_type3A = arith.extui %eq3A_2 : vector<2048x128xi1> to vector<2048x128xi32>
    %convert_element_type3A_3 = arith.sitofp %convert_element_type3A : vector<2048x128xi32> to vector<2048x128xf32>
    %get3A_4 = arith.constant 0 : index
    %get3A_5 = arith.constant 0 : index
    %get3A_6 = vector.load %arg2[%get3A_4, %get3A_5] : memref<128x128xf32, #tpu.memory_space<vmem>>, vector<128x128xf32>
    %dot_general3A = arith.constant dense<0.000000e+00> : vector<2048x128xf32>
    %dot_general3A_7 = tpu.matmul %convert_element_type3A_3, %get3A_6, %dot_general3A {dimension_numbers = #tpu.dot_dimension_numbers<[1], [0], [0], [1], [0, 0, 1, 1], [], []>, transpose_lhs_hint = false} : vector<2048x128xf32>, vector<128x128xf32>, vector<2048x128xf32> -> vector<2048x128xf32>
    %swap3A = arith.constant 0 : index
    %swap3A_8 = arith.constant 0 : index
    %swap3A_9 = vector.load %arg3[%swap3A, %swap3A_8] : memref<2048x128xf32, #tpu.memory_space<vmem>>, vector<2048x128xf32>
    tpu.vector_store %arg3[%swap3A, %swap3A_8], %dot_general3A_7 {strides = array<i32>} : memref<2048x128xf32, #tpu.memory_space<vmem>>, vector<2048x128xf32>,
    return
  }
  func.func @transform_0(%arg0: i32) -> (i32, i32) {
    %c0_i32 = arith.constant 0 : i32
    %c0_i32_0 = arith.constant 0 : i32
    return %arg0, %c0_i32 : i32, i32
  }
  func.func @transform_1(%arg0: i32) -> (i32, i32) {
    %c0_i32 = arith.constant 0 : i32
    %c0_i32_0 = arith.constant 0 : i32
    %c0_i32_1 = arith.constant 0 : i32
    return %c0_i32, %c0_i32_0 : i32, i32
  }
  func.func @transform_2(%arg0: i32) -> (i32, i32) {
    %c0_i32 = arith.constant 0 : i32
    %c0_i32_0 = arith.constant 0 : i32
    return %arg0, %c0_i32 : i32, i32
  }
}

module attributes {stable_mosaic.version = 14 : i64} {
  func.func @_embed_body(%arg0: i32, %arg1: memref<2048x128xf32, #tpu.memory_space<vmem>>, %arg2: memref<2048x128xf32, #tpu.memory_space<vmem>>, %arg3: memref<2048x1xf32, #tpu.memory_space<vmem>>, %arg4: memref<128x128xf32, #tpu.memory_space<vmem>>, %arg5: memref<128x128xf32, #tpu.memory_space<vmem>>, %arg6: memref<16x128xf32, #tpu.memory_space<vmem>>, %arg7: memref<1x128xf32, #tpu.memory_space<vmem>>, %arg8: memref<2048x128xf32, #tpu.memory_space<vmem>>) attributes {dimension_semantics = [#tpu.dimension_semantics<arbitrary>], iteration_bounds = array<i64: 80>, scalar_prefetch = 0 : i64, scratch_operands = 0 : i64, tpu.core_type = #tpu.core_type<tc>, window_params = [{transform_indices = @transform_0, window_bounds = array<i64: 2048, 128>}, {transform_indices = @transform_1, window_bounds = array<i64: 2048, 128>}, {transform_indices = @transform_2, window_bounds = array<i64: 2048, 1>}, {pipeline_mode = #tpu.pipeline_mode<synchronous>, transform_indices = @transform_3, window_bounds = array<i64: 128, 128>}, {pipeline_mode = #tpu.pipeline_mode<synchronous>, transform_indices = @transform_4, window_bounds = array<i64: 128, 128>}, {pipeline_mode = #tpu.pipeline_mode<synchronous>, transform_indices = @transform_5, window_bounds = array<i64: 16, 128>}, {pipeline_mode = #tpu.pipeline_mode<synchronous>, transform_indices = @transform_6, window_bounds = array<i64: 1, 128>}, {transform_indices = @transform_7, window_bounds = array<i64: 2048, 128>}]} {
    %get3A = arith.constant 0 : index
    %get3A_0 = arith.constant 0 : index
    %get3A_1 = vector.load %arg3[%get3A, %get3A_0] : memref<2048x1xf32, #tpu.memory_space<vmem>>, vector<2048x1xf32>
    %add3A = arith.constant 1.000000e-03 : f32
    %add3A_2 = vector.broadcast %add3A : f32 to vector<2048x1xf32>
    %add3A_3 = arith.addf %get3A_1, %add3A_2 : vector<2048x1xf32>
    %iota3A = tpu.iota {dimensions = array<i32: 1>} : vector<2048x32xi32>
    %add3A_4 = arith.constant 1 : i32
    %add3A_5 = vector.broadcast %add3A_4 : i32 to vector<2048x32xi32>
    %add3A_6 = arith.addi %iota3A, %add3A_5 : vector<2048x32xi32>
    %convert_element_type3A = arith.sitofp %add3A_6 : vector<2048x32xi32> to vector<2048x32xf32>
    %lt3A = arith.constant 16 : i32
    %lt3A_7 = vector.broadcast %lt3A : i32 to vector<2048x32xi32>
    %lt3A_8 = arith.cmpi slt, %iota3A, %lt3A_7 : vector<2048x32xi32>
    %eq3A = arith.constant 16 : i32
    %eq3A_9 = vector.broadcast %eq3A : i32 to vector<2048x32xi32>
    %eq3A_10 = arith.cmpi eq, %iota3A, %eq3A_9 : vector<2048x32xi32>
    %jit3A = arith.constant 1.000000e+00 : f32
    %jit3A_11 = arith.constant 0.000000e+00 : f32
    %broadcast_in_dim3A = vector.broadcast %jit3A : f32 to vector<2048x32xf32>
    %broadcast_in_dim3A_12 = vector.broadcast %jit3A_11 : f32 to vector<2048x32xf32>
    %select_n3A = arith.select %eq3A_10, %broadcast_in_dim3A, %broadcast_in_dim3A_12 : vector<2048x32xi1>, vector<2048x32xf32>
    %select_n3A_13 = arith.select %lt3A_8, %convert_element_type3A, %select_n3A : vector<2048x32xi1>, vector<2048x32xf32>
    %mul3A = arith.constant 3.14159274 : f32
    %mul3A_14 = vector.broadcast %mul3A : f32 to vector<2048x32xf32>
    %mul3A_15 = arith.mulf %select_n3A_13, %mul3A_14 : vector<2048x32xf32>
    %mul3A_16 = vector.broadcast %add3A_3 : vector<2048x1xf32> to vector<2048x32xf32>
    %mul3A_17 = arith.mulf %mul3A_15, %mul3A_16 : vector<2048x32xf32>
    %div3A = arith.constant 5.000000e-01 : f32
    %div3A_18 = vector.broadcast %div3A : f32 to vector<2048x32xf32>
    %div3A_19 = arith.divf %mul3A_17, %div3A_18 : vector<2048x32xf32>
    %eq3A_20 = arith.constant 16 : i32
    %eq3A_21 = vector.broadcast %eq3A_20 : i32 to vector<2048x32xi32>
    %eq3A_22 = arith.cmpi eq, %iota3A, %eq3A_21 : vector<2048x32xi32>
    %convert_element_type3A_23 = arith.extui %eq3A_22 : vector<2048x32xi1> to vector<2048x32xi32>
    %mul3A_24 = arith.constant 0.636619746 : f32
    %mul3A_25 = vector.broadcast %mul3A_24 : f32 to vector<2048x32xf32>
    %mul3A_26 = arith.mulf %div3A_19, %mul3A_25 : vector<2048x32xf32>
    %round3A = math.roundeven %mul3A_26 : vector<2048x32xf32>
    %mul3A_27 = arith.constant 1.57078552 : f32
    %mul3A_28 = vector.broadcast %mul3A_27 : f32 to vector<2048x32xf32>
    %mul3A_29 = arith.mulf %round3A, %mul3A_28 : vector<2048x32xf32>
    %sub3A = arith.subf %div3A_19, %mul3A_29 : vector<2048x32xf32>
    %mul3A_30 = arith.constant 1.08043341E-5 : f32
    %mul3A_31 = vector.broadcast %mul3A_30 : f32 to vector<2048x32xf32>
    %mul3A_32 = arith.mulf %round3A, %mul3A_31 : vector<2048x32xf32>
    %sub3A_33 = arith.subf %sub3A, %mul3A_32 : vector<2048x32xf32>
    %mul3A_34 = arith.mulf %sub3A_33, %sub3A_33 : vector<2048x32xf32>
    %mul3A_35 = arith.constant 2.75573188E-6 : f32
    %mul3A_36 = vector.broadcast %mul3A_35 : f32 to vector<2048x32xf32>
    %mul3A_37 = arith.mulf %mul3A_34, %mul3A_36 : vector<2048x32xf32>
    %add3A_38 = arith.constant -1.98412701E-4 : f32
    %add3A_39 = vector.broadcast %add3A_38 : f32 to vector<2048x32xf32>
    %add3A_40 = arith.addf %add3A_39, %mul3A_37 : vector<2048x32xf32>
    %mul3A_41 = arith.mulf %mul3A_34, %add3A_40 : vector<2048x32xf32>
    %add3A_42 = arith.constant 0.00833333377 : f32
    %add3A_43 = vector.broadcast %add3A_42 : f32 to vector<2048x32xf32>
    %add3A_44 = arith.addf %add3A_43, %mul3A_41 : vector<2048x32xf32>
    %mul3A_45 = arith.mulf %mul3A_34, %add3A_44 : vector<2048x32xf32>
    %add3A_46 = arith.constant -0.166666672 : f32
    %add3A_47 = vector.broadcast %add3A_46 : f32 to vector<2048x32xf32>
    %add3A_48 = arith.addf %add3A_47, %mul3A_45 : vector<2048x32xf32>
    %mul3A_49 = arith.mulf %mul3A_34, %add3A_48 : vector<2048x32xf32>
    %add3A_50 = arith.constant 1.000000e+00 : f32
    %add3A_51 = vector.broadcast %add3A_50 : f32 to vector<2048x32xf32>
    %add3A_52 = arith.addf %add3A_51, %mul3A_49 : vector<2048x32xf32>
    %mul3A_53 = arith.mulf %sub3A_33, %add3A_52 : vector<2048x32xf32>
    %mul3A_54 = arith.constant 2.48015876E-5 : f32
    %mul3A_55 = vector.broadcast %mul3A_54 : f32 to vector<2048x32xf32>
    %mul3A_56 = arith.mulf %mul3A_34, %mul3A_55 : vector<2048x32xf32>
    %add3A_57 = arith.constant -0.00138888892 : f32
    %add3A_58 = vector.broadcast %add3A_57 : f32 to vector<2048x32xf32>
    %add3A_59 = arith.addf %add3A_58, %mul3A_56 : vector<2048x32xf32>
    %mul3A_60 = arith.mulf %mul3A_34, %add3A_59 : vector<2048x32xf32>
    %add3A_61 = arith.constant 0.0416666679 : f32
    %add3A_62 = vector.broadcast %add3A_61 : f32 to vector<2048x32xf32>
    %add3A_63 = arith.addf %add3A_62, %mul3A_60 : vector<2048x32xf32>
    %mul3A_64 = arith.mulf %mul3A_34, %add3A_63 : vector<2048x32xf32>
    %add3A_65 = arith.constant -5.000000e-01 : f32
    %add3A_66 = vector.broadcast %add3A_65 : f32 to vector<2048x32xf32>
    %add3A_67 = arith.addf %add3A_66, %mul3A_64 : vector<2048x32xf32>
    %mul3A_68 = arith.mulf %mul3A_34, %add3A_67 : vector<2048x32xf32>
    %add3A_69 = arith.constant 1.000000e+00 : f32
    %add3A_70 = vector.broadcast %add3A_69 : f32 to vector<2048x32xf32>
    %add3A_71 = arith.addf %add3A_70, %mul3A_68 : vector<2048x32xf32>
    %convert_element_type3A_72 = arith.fptosi %round3A : vector<2048x32xf32> to vector<2048x32xi32>
    %add3A_73 = arith.addi %convert_element_type3A_72, %convert_element_type3A_23 : vector<2048x32xi32>
    %and3A = arith.constant 3 : i32
    %and3A_74 = vector.broadcast %and3A : i32 to vector<2048x32xi32>
    %and3A_75 = arith.andi %add3A_73, %and3A_74 : vector<2048x32xi32>
    %eq3A_76 = arith.constant 0 : i32
    %eq3A_77 = vector.broadcast %eq3A_76 : i32 to vector<2048x32xi32>
    %eq3A_78 = arith.cmpi eq, %and3A_75, %eq3A_77 : vector<2048x32xi32>
    %eq3A_79 = arith.constant 1 : i32
    %eq3A_80 = vector.broadcast %eq3A_79 : i32 to vector<2048x32xi32>
    %eq3A_81 = arith.cmpi eq, %and3A_75, %eq3A_80 : vector<2048x32xi32>
    %eq3A_82 = arith.constant 2 : i32
    %eq3A_83 = vector.broadcast %eq3A_82 : i32 to vector<2048x32xi32>
    %eq3A_84 = arith.cmpi eq, %and3A_75, %eq3A_83 : vector<2048x32xi32>
    %neg3A = arith.constant 0.000000e+00 : f32
    %neg3A_85 = vector.broadcast %neg3A : f32 to vector<2048x32xf32>
    %neg3A_86 = arith.subf %neg3A_85, %mul3A_53 : vector<2048x32xf32>
    %neg3A_87 = arith.constant 0.000000e+00 : f32
    %neg3A_88 = vector.broadcast %neg3A_87 : f32 to vector<2048x32xf32>
    %neg3A_89 = arith.subf %neg3A_88, %add3A_71 : vector<2048x32xf32>
    %select_n3A_90 = arith.select %eq3A_84, %neg3A_86, %neg3A_89 : vector<2048x32xi1>, vector<2048x32xf32>
    %select_n3A_91 = arith.select %eq3A_81, %add3A_71, %select_n3A_90 : vector<2048x32xi1>, vector<2048x32xf32>
    %select_n3A_92 = arith.select %eq3A_78, %mul3A_53, %select_n3A_91 : vector<2048x32xi1>, vector<2048x32xf32>
    %slice3A = vector.extract_strided_slice %select_n3A_92 {offsets = [0, 0], sizes = [2048, 16], strides = [1, 1]} : vector<2048x32xf32> to vector<2048x16xf32>
    %slice3A_93 = vector.extract_strided_slice %select_n3A_92 {offsets = [0, 16], sizes = [2048, 1], strides = [1, 1]} : vector<2048x32xf32> to vector<2048x1xf32>
    %add3A_94 = arith.constant 1.000000e+00 : f32
    %add3A_95 = vector.broadcast %add3A_94 : f32 to vector<2048x1xf32>
    %add3A_96 = arith.addf %slice3A_93, %add3A_95 : vector<2048x1xf32>
    %mul3A_97 = arith.constant 5.000000e-01 : f32
    %mul3A_98 = vector.broadcast %mul3A_97 : f32 to vector<2048x1xf32>
    %mul3A_99 = arith.mulf %mul3A_98, %add3A_96 : vector<2048x1xf32>
    %lt3A_100 = arith.constant 5.000000e-01 : f32
    %lt3A_101 = vector.broadcast %lt3A_100 : f32 to vector<2048x1xf32>
    %lt3A_102 = arith.cmpf olt, %add3A_3, %lt3A_101 : vector<2048x1xf32>
    %convert_element_type3A_103 = arith.extui %lt3A_102 : vector<2048x1xi1> to vector<2048x1xi32>
    %convert_element_type3A_104 = arith.sitofp %convert_element_type3A_103 : vector<2048x1xi32> to vector<2048x1xf32>
    %mul3A_105 = arith.mulf %mul3A_99, %convert_element_type3A_104 : vector<2048x1xf32>
    %mul3A_106 = arith.constant 2.000000e+00 : f32
    %mul3A_107 = vector.broadcast %mul3A_106 : f32 to vector<2048x1xf32>
    %mul3A_108 = arith.mulf %mul3A_107, %mul3A_105 : vector<2048x1xf32>
    %div3A_109 = arith.divf %mul3A_108, %add3A_3 : vector<2048x1xf32>
    %mul3A_110 = vector.broadcast %div3A_109 : vector<2048x1xf32> to vector<2048x16xf32>
    %mul3A_111 = arith.mulf %slice3A, %mul3A_110 : vector<2048x16xf32>
    %get3A_112 = arith.constant 0 : index
    %get3A_113 = arith.constant 0 : index
    %get3A_114 = vector.load %arg1[%get3A_112, %get3A_113] : memref<2048x128xf32, #tpu.memory_space<vmem>>, vector<2048x128xf32>
    %get3A_115 = arith.constant 0 : index
    %get3A_116 = arith.constant 0 : index
    %get3A_117 = vector.load %arg4[%get3A_115, %get3A_116] : memref<128x128xf32, #tpu.memory_space<vmem>>, vector<128x128xf32>
    %dot_general3A = arith.constant dense<0.000000e+00> : vector<2048x128xf32>
    %dot_general3A_118 = tpu.matmul %get3A_114, %get3A_117, %dot_general3A {dimension_numbers = #tpu.dot_dimension_numbers<[1], [0], [0], [1], [0, 0, 1, 1], [], []>, transpose_lhs_hint = false} : vector<2048x128xf32>, vector<128x128xf32>, vector<2048x128xf32> -> vector<2048x128xf32>
    %get3A_119 = arith.constant 0 : index
    %get3A_120 = arith.constant 0 : index
    %get3A_121 = vector.load %arg2[%get3A_119, %get3A_120] : memref<2048x128xf32, #tpu.memory_space<vmem>>, vector<2048x128xf32>
    %get3A_122 = arith.constant 0 : index
    %get3A_123 = arith.constant 0 : index
    %get3A_124 = vector.load %arg5[%get3A_122, %get3A_123] : memref<128x128xf32, #tpu.memory_space<vmem>>, vector<128x128xf32>
    %dot_general3A_125 = arith.constant dense<0.000000e+00> : vector<2048x128xf32>
    %dot_general3A_126 = tpu.matmul %get3A_121, %get3A_124, %dot_general3A_125 {dimension_numbers = #tpu.dot_dimension_numbers<[1], [0], [0], [1], [0, 0, 1, 1], [], []>, transpose_lhs_hint = false} : vector<2048x128xf32>, vector<128x128xf32>, vector<2048x128xf32> -> vector<2048x128xf32>
    %add3A_127 = arith.addf %dot_general3A_118, %dot_general3A_126 : vector<2048x128xf32>
    %get3A_128 = arith.constant 0 : index
    %get3A_129 = arith.constant 0 : index
    %get3A_130 = vector.load %arg6[%get3A_128, %get3A_129] : memref<16x128xf32, #tpu.memory_space<vmem>>, vector<16x128xf32>
    %dot_general3A_131 = arith.constant dense<0.000000e+00> : vector<2048x128xf32>
    %dot_general3A_132 = tpu.matmul %mul3A_111, %get3A_130, %dot_general3A_131 {dimension_numbers = #tpu.dot_dimension_numbers<[1], [0], [0], [1], [0, 0, 1, 1], [], []>, transpose_lhs_hint = false} : vector<2048x16xf32>, vector<16x128xf32>, vector<2048x128xf32> -> vector<2048x128xf32>
    %add3A_133 = arith.addf %add3A_127, %dot_general3A_132 : vector<2048x128xf32>
    %get3A_134 = arith.constant 0 : index
    %get3A_135 = arith.constant 0 : index
    %get3A_136 = vector.load %arg7[%get3A_134, %get3A_135] : memref<1x128xf32, #tpu.memory_space<vmem>>, vector<1x128xf32>
    %add3A_137 = vector.broadcast %get3A_136 : vector<1x128xf32> to vector<2048x128xf32>
    %add3A_138 = arith.addf %add3A_133, %add3A_137 : vector<2048x128xf32>
    %logistic3A = arith.negf %add3A_138 : vector<2048x128xf32>
    %logistic3A_139 = math.exp %logistic3A : vector<2048x128xf32>
    %logistic3A_140 = arith.constant 1.000000e+00 : f32
    %logistic3A_141 = vector.broadcast %logistic3A_140 : f32 to vector<2048x128xf32>
    %logistic3A_142 = arith.addf %logistic3A_141, %logistic3A_139 : vector<2048x128xf32>
    %logistic3A_143 = arith.divf %logistic3A_141, %logistic3A_142 : vector<2048x128xf32>
    %mul3A_144 = arith.mulf %add3A_138, %logistic3A_143 : vector<2048x128xf32>
    %swap3A = arith.constant 0 : index
    %swap3A_145 = arith.constant 0 : index
    %swap3A_146 = vector.load %arg8[%swap3A, %swap3A_145] : memref<2048x128xf32, #tpu.memory_space<vmem>>, vector<2048x128xf32>
    tpu.vector_store %arg8[%swap3A, %swap3A_145], %mul3A_144 {strides = array<i32>} : memref<2048x128xf32, #tpu.memory_space<vmem>>, vector<2048x128xf32>,
    return
  }
  func.func @transform_0(%arg0: i32) -> (i32, i32) {
    %c0_i32 = arith.constant 0 : i32
    %c0_i32_0 = arith.constant 0 : i32
    return %arg0, %c0_i32 : i32, i32
  }
  func.func @transform_1(%arg0: i32) -> (i32, i32) {
    %add3A = arith.constant 80 : i32
    %add3A_0 = arith.addi %arg0, %add3A : i32
    %c0_i32 = arith.constant 0 : i32
    %c0_i32_1 = arith.constant 0 : i32
    return %add3A_0, %c0_i32 : i32, i32
  }
  func.func @transform_2(%arg0: i32) -> (i32, i32) {
    %c0_i32 = arith.constant 0 : i32
    %c0_i32_0 = arith.constant 0 : i32
    return %arg0, %c0_i32 : i32, i32
  }
  func.func @transform_3(%arg0: i32) -> (i32, i32) {
    %c0_i32 = arith.constant 0 : i32
    %c0_i32_0 = arith.constant 0 : i32
    %c0_i32_1 = arith.constant 0 : i32
    return %c0_i32, %c0_i32_0 : i32, i32
  }
  func.func @transform_4(%arg0: i32) -> (i32, i32) {
    %c0_i32 = arith.constant 0 : i32
    %c0_i32_0 = arith.constant 0 : i32
    %c0_i32_1 = arith.constant 0 : i32
    return %c0_i32, %c0_i32_0 : i32, i32
  }
  func.func @transform_5(%arg0: i32) -> (i32, i32) {
    %c0_i32 = arith.constant 0 : i32
    %c0_i32_0 = arith.constant 0 : i32
    %c0_i32_1 = arith.constant 0 : i32
    return %c0_i32, %c0_i32_0 : i32, i32
  }
  func.func @transform_6(%arg0: i32) -> (i32, i32) {
    %c0_i32 = arith.constant 0 : i32
    %c0_i32_0 = arith.constant 0 : i32
    %c0_i32_1 = arith.constant 0 : i32
    return %c0_i32, %c0_i32_0 : i32, i32
  }
  func.func @transform_7(%arg0: i32) -> (i32, i32) {
    %c0_i32 = arith.constant 0 : i32
    %c0_i32_0 = arith.constant 0 : i32
    return %arg0, %c0_i32 : i32, i32
  }
}

module attributes {stable_mosaic.version = 14 : i64} {
  func.func @_msg_first_body(%arg0: i32, %arg1: memref<2048x128xf32, #tpu.memory_space<vmem>>, %arg2: memref<2048x1xf32, #tpu.memory_space<vmem>>, %arg3: memref<16x128xf32, #tpu.memory_space<vmem>>, %arg4: memref<128x128xf32, #tpu.memory_space<vmem>>, %arg5: memref<2048x128xf32, #tpu.memory_space<vmem>>) attributes {dimension_semantics = [#tpu.dimension_semantics<arbitrary>], iteration_bounds = array<i64: 80>, scalar_prefetch = 0 : i64, scratch_operands = 0 : i64, tpu.core_type = #tpu.core_type<tc>, window_params = [{transform_indices = @transform_0, window_bounds = array<i64: 2048, 128>}, {transform_indices = @transform_1, window_bounds = array<i64: 2048, 1>}, {pipeline_mode = #tpu.pipeline_mode<synchronous>, transform_indices = @transform_2, window_bounds = array<i64: 16, 128>}, {pipeline_mode = #tpu.pipeline_mode<synchronous>, transform_indices = @transform_3, window_bounds = array<i64: 128, 128>}, {transform_indices = @transform_4, window_bounds = array<i64: 2048, 128>}]} {
    %get3A = arith.constant 0 : index
    %get3A_0 = arith.constant 0 : index
    %get3A_1 = vector.load %arg2[%get3A, %get3A_0] : memref<2048x1xf32, #tpu.memory_space<vmem>>, vector<2048x1xf32>
    %add3A = arith.constant 1.000000e-03 : f32
    %add3A_2 = vector.broadcast %add3A : f32 to vector<2048x1xf32>
    %add3A_3 = arith.addf %get3A_1, %add3A_2 : vector<2048x1xf32>
    %iota3A = tpu.iota {dimensions = array<i32: 1>} : vector<2048x32xi32>
    %add3A_4 = arith.constant 1 : i32
    %add3A_5 = vector.broadcast %add3A_4 : i32 to vector<2048x32xi32>
    %add3A_6 = arith.addi %iota3A, %add3A_5 : vector<2048x32xi32>
    %convert_element_type3A = arith.sitofp %add3A_6 : vector<2048x32xi32> to vector<2048x32xf32>
    %lt3A = arith.constant 16 : i32
    %lt3A_7 = vector.broadcast %lt3A : i32 to vector<2048x32xi32>
    %lt3A_8 = arith.cmpi slt, %iota3A, %lt3A_7 : vector<2048x32xi32>
    %eq3A = arith.constant 16 : i32
    %eq3A_9 = vector.broadcast %eq3A : i32 to vector<2048x32xi32>
    %eq3A_10 = arith.cmpi eq, %iota3A, %eq3A_9 : vector<2048x32xi32>
    %jit3A = arith.constant 1.000000e+00 : f32
    %jit3A_11 = arith.constant 0.000000e+00 : f32
    %broadcast_in_dim3A = vector.broadcast %jit3A : f32 to vector<2048x32xf32>
    %broadcast_in_dim3A_12 = vector.broadcast %jit3A_11 : f32 to vector<2048x32xf32>
    %select_n3A = arith.select %eq3A_10, %broadcast_in_dim3A, %broadcast_in_dim3A_12 : vector<2048x32xi1>, vector<2048x32xf32>
    %select_n3A_13 = arith.select %lt3A_8, %convert_element_type3A, %select_n3A : vector<2048x32xi1>, vector<2048x32xf32>
    %mul3A = arith.constant 3.14159274 : f32
    %mul3A_14 = vector.broadcast %mul3A : f32 to vector<2048x32xf32>
    %mul3A_15 = arith.mulf %select_n3A_13, %mul3A_14 : vector<2048x32xf32>
    %mul3A_16 = vector.broadcast %add3A_3 : vector<2048x1xf32> to vector<2048x32xf32>
    %mul3A_17 = arith.mulf %mul3A_15, %mul3A_16 : vector<2048x32xf32>
    %div3A = arith.constant 5.000000e-01 : f32
    %div3A_18 = vector.broadcast %div3A : f32 to vector<2048x32xf32>
    %div3A_19 = arith.divf %mul3A_17, %div3A_18 : vector<2048x32xf32>
    %eq3A_20 = arith.constant 16 : i32
    %eq3A_21 = vector.broadcast %eq3A_20 : i32 to vector<2048x32xi32>
    %eq3A_22 = arith.cmpi eq, %iota3A, %eq3A_21 : vector<2048x32xi32>
    %convert_element_type3A_23 = arith.extui %eq3A_22 : vector<2048x32xi1> to vector<2048x32xi32>
    %mul3A_24 = arith.constant 0.636619746 : f32
    %mul3A_25 = vector.broadcast %mul3A_24 : f32 to vector<2048x32xf32>
    %mul3A_26 = arith.mulf %div3A_19, %mul3A_25 : vector<2048x32xf32>
    %round3A = math.roundeven %mul3A_26 : vector<2048x32xf32>
    %mul3A_27 = arith.constant 1.57078552 : f32
    %mul3A_28 = vector.broadcast %mul3A_27 : f32 to vector<2048x32xf32>
    %mul3A_29 = arith.mulf %round3A, %mul3A_28 : vector<2048x32xf32>
    %sub3A = arith.subf %div3A_19, %mul3A_29 : vector<2048x32xf32>
    %mul3A_30 = arith.constant 1.08043341E-5 : f32
    %mul3A_31 = vector.broadcast %mul3A_30 : f32 to vector<2048x32xf32>
    %mul3A_32 = arith.mulf %round3A, %mul3A_31 : vector<2048x32xf32>
    %sub3A_33 = arith.subf %sub3A, %mul3A_32 : vector<2048x32xf32>
    %mul3A_34 = arith.mulf %sub3A_33, %sub3A_33 : vector<2048x32xf32>
    %mul3A_35 = arith.constant 2.75573188E-6 : f32
    %mul3A_36 = vector.broadcast %mul3A_35 : f32 to vector<2048x32xf32>
    %mul3A_37 = arith.mulf %mul3A_34, %mul3A_36 : vector<2048x32xf32>
    %add3A_38 = arith.constant -1.98412701E-4 : f32
    %add3A_39 = vector.broadcast %add3A_38 : f32 to vector<2048x32xf32>
    %add3A_40 = arith.addf %add3A_39, %mul3A_37 : vector<2048x32xf32>
    %mul3A_41 = arith.mulf %mul3A_34, %add3A_40 : vector<2048x32xf32>
    %add3A_42 = arith.constant 0.00833333377 : f32
    %add3A_43 = vector.broadcast %add3A_42 : f32 to vector<2048x32xf32>
    %add3A_44 = arith.addf %add3A_43, %mul3A_41 : vector<2048x32xf32>
    %mul3A_45 = arith.mulf %mul3A_34, %add3A_44 : vector<2048x32xf32>
    %add3A_46 = arith.constant -0.166666672 : f32
    %add3A_47 = vector.broadcast %add3A_46 : f32 to vector<2048x32xf32>
    %add3A_48 = arith.addf %add3A_47, %mul3A_45 : vector<2048x32xf32>
    %mul3A_49 = arith.mulf %mul3A_34, %add3A_48 : vector<2048x32xf32>
    %add3A_50 = arith.constant 1.000000e+00 : f32
    %add3A_51 = vector.broadcast %add3A_50 : f32 to vector<2048x32xf32>
    %add3A_52 = arith.addf %add3A_51, %mul3A_49 : vector<2048x32xf32>
    %mul3A_53 = arith.mulf %sub3A_33, %add3A_52 : vector<2048x32xf32>
    %mul3A_54 = arith.constant 2.48015876E-5 : f32
    %mul3A_55 = vector.broadcast %mul3A_54 : f32 to vector<2048x32xf32>
    %mul3A_56 = arith.mulf %mul3A_34, %mul3A_55 : vector<2048x32xf32>
    %add3A_57 = arith.constant -0.00138888892 : f32
    %add3A_58 = vector.broadcast %add3A_57 : f32 to vector<2048x32xf32>
    %add3A_59 = arith.addf %add3A_58, %mul3A_56 : vector<2048x32xf32>
    %mul3A_60 = arith.mulf %mul3A_34, %add3A_59 : vector<2048x32xf32>
    %add3A_61 = arith.constant 0.0416666679 : f32
    %add3A_62 = vector.broadcast %add3A_61 : f32 to vector<2048x32xf32>
    %add3A_63 = arith.addf %add3A_62, %mul3A_60 : vector<2048x32xf32>
    %mul3A_64 = arith.mulf %mul3A_34, %add3A_63 : vector<2048x32xf32>
    %add3A_65 = arith.constant -5.000000e-01 : f32
    %add3A_66 = vector.broadcast %add3A_65 : f32 to vector<2048x32xf32>
    %add3A_67 = arith.addf %add3A_66, %mul3A_64 : vector<2048x32xf32>
    %mul3A_68 = arith.mulf %mul3A_34, %add3A_67 : vector<2048x32xf32>
    %add3A_69 = arith.constant 1.000000e+00 : f32
    %add3A_70 = vector.broadcast %add3A_69 : f32 to vector<2048x32xf32>
    %add3A_71 = arith.addf %add3A_70, %mul3A_68 : vector<2048x32xf32>
    %convert_element_type3A_72 = arith.fptosi %round3A : vector<2048x32xf32> to vector<2048x32xi32>
    %add3A_73 = arith.addi %convert_element_type3A_72, %convert_element_type3A_23 : vector<2048x32xi32>
    %and3A = arith.constant 3 : i32
    %and3A_74 = vector.broadcast %and3A : i32 to vector<2048x32xi32>
    %and3A_75 = arith.andi %add3A_73, %and3A_74 : vector<2048x32xi32>
    %eq3A_76 = arith.constant 0 : i32
    %eq3A_77 = vector.broadcast %eq3A_76 : i32 to vector<2048x32xi32>
    %eq3A_78 = arith.cmpi eq, %and3A_75, %eq3A_77 : vector<2048x32xi32>
    %eq3A_79 = arith.constant 1 : i32
    %eq3A_80 = vector.broadcast %eq3A_79 : i32 to vector<2048x32xi32>
    %eq3A_81 = arith.cmpi eq, %and3A_75, %eq3A_80 : vector<2048x32xi32>
    %eq3A_82 = arith.constant 2 : i32
    %eq3A_83 = vector.broadcast %eq3A_82 : i32 to vector<2048x32xi32>
    %eq3A_84 = arith.cmpi eq, %and3A_75, %eq3A_83 : vector<2048x32xi32>
    %neg3A = arith.constant 0.000000e+00 : f32
    %neg3A_85 = vector.broadcast %neg3A : f32 to vector<2048x32xf32>
    %neg3A_86 = arith.subf %neg3A_85, %mul3A_53 : vector<2048x32xf32>
    %neg3A_87 = arith.constant 0.000000e+00 : f32
    %neg3A_88 = vector.broadcast %neg3A_87 : f32 to vector<2048x32xf32>
    %neg3A_89 = arith.subf %neg3A_88, %add3A_71 : vector<2048x32xf32>
    %select_n3A_90 = arith.select %eq3A_84, %neg3A_86, %neg3A_89 : vector<2048x32xi1>, vector<2048x32xf32>
    %select_n3A_91 = arith.select %eq3A_81, %add3A_71, %select_n3A_90 : vector<2048x32xi1>, vector<2048x32xf32>
    %select_n3A_92 = arith.select %eq3A_78, %mul3A_53, %select_n3A_91 : vector<2048x32xi1>, vector<2048x32xf32>
    %slice3A = vector.extract_strided_slice %select_n3A_92 {offsets = [0, 0], sizes = [2048, 16], strides = [1, 1]} : vector<2048x32xf32> to vector<2048x16xf32>
    %slice3A_93 = vector.extract_strided_slice %select_n3A_92 {offsets = [0, 16], sizes = [2048, 1], strides = [1, 1]} : vector<2048x32xf32> to vector<2048x1xf32>
    %add3A_94 = arith.constant 1.000000e+00 : f32
    %add3A_95 = vector.broadcast %add3A_94 : f32 to vector<2048x1xf32>
    %add3A_96 = arith.addf %slice3A_93, %add3A_95 : vector<2048x1xf32>
    %mul3A_97 = arith.constant 5.000000e-01 : f32
    %mul3A_98 = vector.broadcast %mul3A_97 : f32 to vector<2048x1xf32>
    %mul3A_99 = arith.mulf %mul3A_98, %add3A_96 : vector<2048x1xf32>
    %lt3A_100 = arith.constant 5.000000e-01 : f32
    %lt3A_101 = vector.broadcast %lt3A_100 : f32 to vector<2048x1xf32>
    %lt3A_102 = arith.cmpf olt, %add3A_3, %lt3A_101 : vector<2048x1xf32>
    %convert_element_type3A_103 = arith.extui %lt3A_102 : vector<2048x1xi1> to vector<2048x1xi32>
    %convert_element_type3A_104 = arith.sitofp %convert_element_type3A_103 : vector<2048x1xi32> to vector<2048x1xf32>
    %mul3A_105 = arith.mulf %mul3A_99, %convert_element_type3A_104 : vector<2048x1xf32>
    %mul3A_106 = arith.constant 2.000000e+00 : f32
    %mul3A_107 = vector.broadcast %mul3A_106 : f32 to vector<2048x1xf32>
    %mul3A_108 = arith.mulf %mul3A_107, %mul3A_105 : vector<2048x1xf32>
    %div3A_109 = arith.divf %mul3A_108, %add3A_3 : vector<2048x1xf32>
    %mul3A_110 = vector.broadcast %div3A_109 : vector<2048x1xf32> to vector<2048x16xf32>
    %mul3A_111 = arith.mulf %slice3A, %mul3A_110 : vector<2048x16xf32>
    %get3A_112 = arith.constant 0 : index
    %get3A_113 = arith.constant 0 : index
    %get3A_114 = vector.load %arg3[%get3A_112, %get3A_113] : memref<16x128xf32, #tpu.memory_space<vmem>>, vector<16x128xf32>
    %dot_general3A = arith.constant dense<0.000000e+00> : vector<2048x128xf32>
    %dot_general3A_115 = tpu.matmul %mul3A_111, %get3A_114, %dot_general3A {dimension_numbers = #tpu.dot_dimension_numbers<[1], [0], [0], [1], [0, 0, 1, 1], [], []>, transpose_lhs_hint = false} : vector<2048x16xf32>, vector<16x128xf32>, vector<2048x128xf32> -> vector<2048x128xf32>
    %get3A_116 = arith.constant 0 : index
    %get3A_117 = arith.constant 0 : index
    %get3A_118 = vector.load %arg1[%get3A_116, %get3A_117] : memref<2048x128xf32, #tpu.memory_space<vmem>>, vector<2048x128xf32>
    %mul3A_119 = arith.mulf %get3A_118, %dot_general3A_115 : vector<2048x128xf32>
    %get3A_120 = arith.constant 0 : index
    %get3A_121 = arith.constant 0 : index
    %get3A_122 = vector.load %arg4[%get3A_120, %get3A_121] : memref<128x128xf32, #tpu.memory_space<vmem>>, vector<128x128xf32>
    %dot_general3A_123 = arith.constant dense<0.000000e+00> : vector<2048x128xf32>
    %dot_general3A_124 = tpu.matmul %mul3A_119, %get3A_122, %dot_general3A_123 {dimension_numbers = #tpu.dot_dimension_numbers<[1], [0], [0], [1], [0, 0, 1, 1], [], []>, transpose_lhs_hint = false} : vector<2048x128xf32>, vector<128x128xf32>, vector<2048x128xf32> -> vector<2048x128xf32>
    %logistic3A = arith.negf %dot_general3A_124 : vector<2048x128xf32>
    %logistic3A_125 = math.exp %logistic3A : vector<2048x128xf32>
    %logistic3A_126 = arith.constant 1.000000e+00 : f32
    %logistic3A_127 = vector.broadcast %logistic3A_126 : f32 to vector<2048x128xf32>
    %logistic3A_128 = arith.addf %logistic3A_127, %logistic3A_125 : vector<2048x128xf32>
    %logistic3A_129 = arith.divf %logistic3A_127, %logistic3A_128 : vector<2048x128xf32>
    %mul3A_130 = arith.mulf %dot_general3A_124, %logistic3A_129 : vector<2048x128xf32>
    %swap3A = arith.constant 0 : index
    %swap3A_131 = arith.constant 0 : index
    %swap3A_132 = vector.load %arg5[%swap3A, %swap3A_131] : memref<2048x128xf32, #tpu.memory_space<vmem>>, vector<2048x128xf32>
    tpu.vector_store %arg5[%swap3A, %swap3A_131], %mul3A_130 {strides = array<i32>} : memref<2048x128xf32, #tpu.memory_space<vmem>>, vector<2048x128xf32>,
    return
  }
  func.func @transform_0(%arg0: i32) -> (i32, i32) {
    %c0_i32 = arith.constant 0 : i32
    %c0_i32_0 = arith.constant 0 : i32
    return %arg0, %c0_i32 : i32, i32
  }
  func.func @transform_1(%arg0: i32) -> (i32, i32) {
    %c0_i32 = arith.constant 0 : i32
    %c0_i32_0 = arith.constant 0 : i32
    return %arg0, %c0_i32 : i32, i32
  }
  func.func @transform_2(%arg0: i32) -> (i32, i32) {
    %c0_i32 = arith.constant 0 : i32
    %c0_i32_0 = arith.constant 0 : i32
    %c0_i32_1 = arith.constant 0 : i32
    return %c0_i32, %c0_i32_0 : i32, i32
  }
  func.func @transform_3(%arg0: i32) -> (i32, i32) {
    %c0_i32 = arith.constant 0 : i32
    %c0_i32_0 = arith.constant 0 : i32
    %c0_i32_1 = arith.constant 0 : i32
    return %c0_i32, %c0_i32_0 : i32, i32
  }
  func.func @transform_4(%arg0: i32) -> (i32, i32) {
    %c0_i32 = arith.constant 0 : i32
    %c0_i32_0 = arith.constant 0 : i32
    return %arg0, %c0_i32 : i32, i32
  }
}

module attributes {stable_mosaic.version = 14 : i64} {
  func.func @_msg_body(%arg0: i32, %arg1: memref<2048x128xf32, #tpu.memory_space<vmem>>, %arg2: memref<2048x128xf32, #tpu.memory_space<vmem>>, %arg3: memref<2048x1xf32, #tpu.memory_space<vmem>>, %arg4: memref<16x128xf32, #tpu.memory_space<vmem>>, %arg5: memref<128x128xf32, #tpu.memory_space<vmem>>, %arg6: memref<2048x128xf32, #tpu.memory_space<vmem>>, %arg7: memref<2048x128xf32, #tpu.memory_space<vmem>>) attributes {dimension_semantics = [#tpu.dimension_semantics<arbitrary>], iteration_bounds = array<i64: 80>, scalar_prefetch = 0 : i64, scratch_operands = 0 : i64, tpu.core_type = #tpu.core_type<tc>, window_params = [{transform_indices = @transform_0, window_bounds = array<i64: 2048, 128>}, {transform_indices = @transform_1, window_bounds = array<i64: 2048, 128>}, {transform_indices = @transform_2, window_bounds = array<i64: 2048, 1>}, {pipeline_mode = #tpu.pipeline_mode<synchronous>, transform_indices = @transform_3, window_bounds = array<i64: 16, 128>}, {pipeline_mode = #tpu.pipeline_mode<synchronous>, transform_indices = @transform_4, window_bounds = array<i64: 128, 128>}, {transform_indices = @transform_5, window_bounds = array<i64: 2048, 128>}, {transform_indices = @transform_6, window_bounds = array<i64: 2048, 128>}]} {
    %get3A = arith.constant 0 : index
    %get3A_0 = arith.constant 0 : index
    %get3A_1 = vector.load %arg1[%get3A, %get3A_0] : memref<2048x128xf32, #tpu.memory_space<vmem>>, vector<2048x128xf32>
    %get3A_2 = arith.constant 0 : index
    %get3A_3 = arith.constant 0 : index
    %get3A_4 = vector.load %arg2[%get3A_2, %get3A_3] : memref<2048x128xf32, #tpu.memory_space<vmem>>, vector<2048x128xf32>
    %add3A = arith.addf %get3A_1, %get3A_4 : vector<2048x128xf32>
    %get3A_5 = arith.constant 0 : index
    %get3A_6 = arith.constant 0 : index
    %get3A_7 = vector.load %arg3[%get3A_5, %get3A_6] : memref<2048x1xf32, #tpu.memory_space<vmem>>, vector<2048x1xf32>
    %add3A_8 = arith.constant 1.000000e-03 : f32
    %add3A_9 = vector.broadcast %add3A_8 : f32 to vector<2048x1xf32>
    %add3A_10 = arith.addf %get3A_7, %add3A_9 : vector<2048x1xf32>
    %iota3A = tpu.iota {dimensions = array<i32: 1>} : vector<2048x32xi32>
    %add3A_11 = arith.constant 1 : i32
    %add3A_12 = vector.broadcast %add3A_11 : i32 to vector<2048x32xi32>
    %add3A_13 = arith.addi %iota3A, %add3A_12 : vector<2048x32xi32>
    %convert_element_type3A = arith.sitofp %add3A_13 : vector<2048x32xi32> to vector<2048x32xf32>
    %lt3A = arith.constant 16 : i32
    %lt3A_14 = vector.broadcast %lt3A : i32 to vector<2048x32xi32>
    %lt3A_15 = arith.cmpi slt, %iota3A, %lt3A_14 : vector<2048x32xi32>
    %eq3A = arith.constant 16 : i32
    %eq3A_16 = vector.broadcast %eq3A : i32 to vector<2048x32xi32>
    %eq3A_17 = arith.cmpi eq, %iota3A, %eq3A_16 : vector<2048x32xi32>
    %jit3A = arith.constant 1.000000e+00 : f32
    %jit3A_18 = arith.constant 0.000000e+00 : f32
    %broadcast_in_dim3A = vector.broadcast %jit3A : f32 to vector<2048x32xf32>
    %broadcast_in_dim3A_19 = vector.broadcast %jit3A_18 : f32 to vector<2048x32xf32>
    %select_n3A = arith.select %eq3A_17, %broadcast_in_dim3A, %broadcast_in_dim3A_19 : vector<2048x32xi1>, vector<2048x32xf32>
    %select_n3A_20 = arith.select %lt3A_15, %convert_element_type3A, %select_n3A : vector<2048x32xi1>, vector<2048x32xf32>
    %mul3A = arith.constant 3.14159274 : f32
    %mul3A_21 = vector.broadcast %mul3A : f32 to vector<2048x32xf32>
    %mul3A_22 = arith.mulf %select_n3A_20, %mul3A_21 : vector<2048x32xf32>
    %mul3A_23 = vector.broadcast %add3A_10 : vector<2048x1xf32> to vector<2048x32xf32>
    %mul3A_24 = arith.mulf %mul3A_22, %mul3A_23 : vector<2048x32xf32>
    %div3A = arith.constant 5.000000e-01 : f32
    %div3A_25 = vector.broadcast %div3A : f32 to vector<2048x32xf32>
    %div3A_26 = arith.divf %mul3A_24, %div3A_25 : vector<2048x32xf32>
    %eq3A_27 = arith.constant 16 : i32
    %eq3A_28 = vector.broadcast %eq3A_27 : i32 to vector<2048x32xi32>
    %eq3A_29 = arith.cmpi eq, %iota3A, %eq3A_28 : vector<2048x32xi32>
    %convert_element_type3A_30 = arith.extui %eq3A_29 : vector<2048x32xi1> to vector<2048x32xi32>
    %mul3A_31 = arith.constant 0.636619746 : f32
    %mul3A_32 = vector.broadcast %mul3A_31 : f32 to vector<2048x32xf32>
    %mul3A_33 = arith.mulf %div3A_26, %mul3A_32 : vector<2048x32xf32>
    %round3A = math.roundeven %mul3A_33 : vector<2048x32xf32>
    %mul3A_34 = arith.constant 1.57078552 : f32
    %mul3A_35 = vector.broadcast %mul3A_34 : f32 to vector<2048x32xf32>
    %mul3A_36 = arith.mulf %round3A, %mul3A_35 : vector<2048x32xf32>
    %sub3A = arith.subf %div3A_26, %mul3A_36 : vector<2048x32xf32>
    %mul3A_37 = arith.constant 1.08043341E-5 : f32
    %mul3A_38 = vector.broadcast %mul3A_37 : f32 to vector<2048x32xf32>
    %mul3A_39 = arith.mulf %round3A, %mul3A_38 : vector<2048x32xf32>
    %sub3A_40 = arith.subf %sub3A, %mul3A_39 : vector<2048x32xf32>
    %mul3A_41 = arith.mulf %sub3A_40, %sub3A_40 : vector<2048x32xf32>
    %mul3A_42 = arith.constant 2.75573188E-6 : f32
    %mul3A_43 = vector.broadcast %mul3A_42 : f32 to vector<2048x32xf32>
    %mul3A_44 = arith.mulf %mul3A_41, %mul3A_43 : vector<2048x32xf32>
    %add3A_45 = arith.constant -1.98412701E-4 : f32
    %add3A_46 = vector.broadcast %add3A_45 : f32 to vector<2048x32xf32>
    %add3A_47 = arith.addf %add3A_46, %mul3A_44 : vector<2048x32xf32>
    %mul3A_48 = arith.mulf %mul3A_41, %add3A_47 : vector<2048x32xf32>
    %add3A_49 = arith.constant 0.00833333377 : f32
    %add3A_50 = vector.broadcast %add3A_49 : f32 to vector<2048x32xf32>
    %add3A_51 = arith.addf %add3A_50, %mul3A_48 : vector<2048x32xf32>
    %mul3A_52 = arith.mulf %mul3A_41, %add3A_51 : vector<2048x32xf32>
    %add3A_53 = arith.constant -0.166666672 : f32
    %add3A_54 = vector.broadcast %add3A_53 : f32 to vector<2048x32xf32>
    %add3A_55 = arith.addf %add3A_54, %mul3A_52 : vector<2048x32xf32>
    %mul3A_56 = arith.mulf %mul3A_41, %add3A_55 : vector<2048x32xf32>
    %add3A_57 = arith.constant 1.000000e+00 : f32
    %add3A_58 = vector.broadcast %add3A_57 : f32 to vector<2048x32xf32>
    %add3A_59 = arith.addf %add3A_58, %mul3A_56 : vector<2048x32xf32>
    %mul3A_60 = arith.mulf %sub3A_40, %add3A_59 : vector<2048x32xf32>
    %mul3A_61 = arith.constant 2.48015876E-5 : f32
    %mul3A_62 = vector.broadcast %mul3A_61 : f32 to vector<2048x32xf32>
    %mul3A_63 = arith.mulf %mul3A_41, %mul3A_62 : vector<2048x32xf32>
    %add3A_64 = arith.constant -0.00138888892 : f32
    %add3A_65 = vector.broadcast %add3A_64 : f32 to vector<2048x32xf32>
    %add3A_66 = arith.addf %add3A_65, %mul3A_63 : vector<2048x32xf32>
    %mul3A_67 = arith.mulf %mul3A_41, %add3A_66 : vector<2048x32xf32>
    %add3A_68 = arith.constant 0.0416666679 : f32
    %add3A_69 = vector.broadcast %add3A_68 : f32 to vector<2048x32xf32>
    %add3A_70 = arith.addf %add3A_69, %mul3A_67 : vector<2048x32xf32>
    %mul3A_71 = arith.mulf %mul3A_41, %add3A_70 : vector<2048x32xf32>
    %add3A_72 = arith.constant -5.000000e-01 : f32
    %add3A_73 = vector.broadcast %add3A_72 : f32 to vector<2048x32xf32>
    %add3A_74 = arith.addf %add3A_73, %mul3A_71 : vector<2048x32xf32>
    %mul3A_75 = arith.mulf %mul3A_41, %add3A_74 : vector<2048x32xf32>
    %add3A_76 = arith.constant 1.000000e+00 : f32
    %add3A_77 = vector.broadcast %add3A_76 : f32 to vector<2048x32xf32>
    %add3A_78 = arith.addf %add3A_77, %mul3A_75 : vector<2048x32xf32>
    %convert_element_type3A_79 = arith.fptosi %round3A : vector<2048x32xf32> to vector<2048x32xi32>
    %add3A_80 = arith.addi %convert_element_type3A_79, %convert_element_type3A_30 : vector<2048x32xi32>
    %and3A = arith.constant 3 : i32
    %and3A_81 = vector.broadcast %and3A : i32 to vector<2048x32xi32>
    %and3A_82 = arith.andi %add3A_80, %and3A_81 : vector<2048x32xi32>
    %eq3A_83 = arith.constant 0 : i32
    %eq3A_84 = vector.broadcast %eq3A_83 : i32 to vector<2048x32xi32>
    %eq3A_85 = arith.cmpi eq, %and3A_82, %eq3A_84 : vector<2048x32xi32>
    %eq3A_86 = arith.constant 1 : i32
    %eq3A_87 = vector.broadcast %eq3A_86 : i32 to vector<2048x32xi32>
    %eq3A_88 = arith.cmpi eq, %and3A_82, %eq3A_87 : vector<2048x32xi32>
    %eq3A_89 = arith.constant 2 : i32
    %eq3A_90 = vector.broadcast %eq3A_89 : i32 to vector<2048x32xi32>
    %eq3A_91 = arith.cmpi eq, %and3A_82, %eq3A_90 : vector<2048x32xi32>
    %neg3A = arith.constant 0.000000e+00 : f32
    %neg3A_92 = vector.broadcast %neg3A : f32 to vector<2048x32xf32>
    %neg3A_93 = arith.subf %neg3A_92, %mul3A_60 : vector<2048x32xf32>
    %neg3A_94 = arith.constant 0.000000e+00 : f32
    %neg3A_95 = vector.broadcast %neg3A_94 : f32 to vector<2048x32xf32>
    %neg3A_96 = arith.subf %neg3A_95, %add3A_78 : vector<2048x32xf32>
    %select_n3A_97 = arith.select %eq3A_91, %neg3A_93, %neg3A_96 : vector<2048x32xi1>, vector<2048x32xf32>
    %select_n3A_98 = arith.select %eq3A_88, %add3A_78, %select_n3A_97 : vector<2048x32xi1>, vector<2048x32xf32>
    %select_n3A_99 = arith.select %eq3A_85, %mul3A_60, %select_n3A_98 : vector<2048x32xi1>, vector<2048x32xf32>
    %slice3A = vector.extract_strided_slice %select_n3A_99 {offsets = [0, 0], sizes = [2048, 16], strides = [1, 1]} : vector<2048x32xf32> to vector<2048x16xf32>
    %slice3A_100 = vector.extract_strided_slice %select_n3A_99 {offsets = [0, 16], sizes = [2048, 1], strides = [1, 1]} : vector<2048x32xf32> to vector<2048x1xf32>
    %add3A_101 = arith.constant 1.000000e+00 : f32
    %add3A_102 = vector.broadcast %add3A_101 : f32 to vector<2048x1xf32>
    %add3A_103 = arith.addf %slice3A_100, %add3A_102 : vector<2048x1xf32>
    %mul3A_104 = arith.constant 5.000000e-01 : f32
    %mul3A_105 = vector.broadcast %mul3A_104 : f32 to vector<2048x1xf32>
    %mul3A_106 = arith.mulf %mul3A_105, %add3A_103 : vector<2048x1xf32>
    %lt3A_107 = arith.constant 5.000000e-01 : f32
    %lt3A_108 = vector.broadcast %lt3A_107 : f32 to vector<2048x1xf32>
    %lt3A_109 = arith.cmpf olt, %add3A_10, %lt3A_108 : vector<2048x1xf32>
    %convert_element_type3A_110 = arith.extui %lt3A_109 : vector<2048x1xi1> to vector<2048x1xi32>
    %convert_element_type3A_111 = arith.sitofp %convert_element_type3A_110 : vector<2048x1xi32> to vector<2048x1xf32>
    %mul3A_112 = arith.mulf %mul3A_106, %convert_element_type3A_111 : vector<2048x1xf32>
    %mul3A_113 = arith.constant 2.000000e+00 : f32
    %mul3A_114 = vector.broadcast %mul3A_113 : f32 to vector<2048x1xf32>
    %mul3A_115 = arith.mulf %mul3A_114, %mul3A_112 : vector<2048x1xf32>
    %div3A_116 = arith.divf %mul3A_115, %add3A_10 : vector<2048x1xf32>
    %mul3A_117 = vector.broadcast %div3A_116 : vector<2048x1xf32> to vector<2048x16xf32>
    %mul3A_118 = arith.mulf %slice3A, %mul3A_117 : vector<2048x16xf32>
    %get3A_119 = arith.constant 0 : index
    %get3A_120 = arith.constant 0 : index
    %get3A_121 = vector.load %arg4[%get3A_119, %get3A_120] : memref<16x128xf32, #tpu.memory_space<vmem>>, vector<16x128xf32>
    %dot_general3A = arith.constant dense<0.000000e+00> : vector<2048x128xf32>
    %dot_general3A_122 = tpu.matmul %mul3A_118, %get3A_121, %dot_general3A {dimension_numbers = #tpu.dot_dimension_numbers<[1], [0], [0], [1], [0, 0, 1, 1], [], []>, transpose_lhs_hint = false} : vector<2048x16xf32>, vector<16x128xf32>, vector<2048x128xf32> -> vector<2048x128xf32>
    %mul3A_123 = arith.mulf %add3A, %dot_general3A_122 : vector<2048x128xf32>
    %get3A_124 = arith.constant 0 : index
    %get3A_125 = arith.constant 0 : index
    %get3A_126 = vector.load %arg5[%get3A_124, %get3A_125] : memref<128x128xf32, #tpu.memory_space<vmem>>, vector<128x128xf32>
    %dot_general3A_127 = arith.constant dense<0.000000e+00> : vector<2048x128xf32>
    %dot_general3A_128 = tpu.matmul %mul3A_123, %get3A_126, %dot_general3A_127 {dimension_numbers = #tpu.dot_dimension_numbers<[1], [0], [0], [1], [0, 0, 1, 1], [], []>, transpose_lhs_hint = false} : vector<2048x128xf32>, vector<128x128xf32>, vector<2048x128xf32> -> vector<2048x128xf32>
    %logistic3A = arith.negf %dot_general3A_128 : vector<2048x128xf32>
    %logistic3A_129 = math.exp %logistic3A : vector<2048x128xf32>
    %logistic3A_130 = arith.constant 1.000000e+00 : f32
    %logistic3A_131 = vector.broadcast %logistic3A_130 : f32 to vector<2048x128xf32>
    %logistic3A_132 = arith.addf %logistic3A_131, %logistic3A_129 : vector<2048x128xf32>
    %logistic3A_133 = arith.divf %logistic3A_131, %logistic3A_132 : vector<2048x128xf32>
    %mul3A_134 = arith.mulf %dot_general3A_128, %logistic3A_133 : vector<2048x128xf32>
    %swap3A = arith.constant 0 : index
    %swap3A_135 = arith.constant 0 : index
    %swap3A_136 = vector.load %arg6[%swap3A, %swap3A_135] : memref<2048x128xf32, #tpu.memory_space<vmem>>, vector<2048x128xf32>
    tpu.vector_store %arg6[%swap3A, %swap3A_135], %mul3A_134 {strides = array<i32>} : memref<2048x128xf32, #tpu.memory_space<vmem>>, vector<2048x128xf32>,
    %swap3A_137 = arith.constant 0 : index
    %swap3A_138 = arith.constant 0 : index
    %swap3A_139 = vector.load %arg7[%swap3A_137, %swap3A_138] : memref<2048x128xf32, #tpu.memory_space<vmem>>, vector<2048x128xf32>
    tpu.vector_store %arg7[%swap3A_137, %swap3A_138], %add3A {strides = array<i32>} : memref<2048x128xf32, #tpu.memory_space<vmem>>, vector<2048x128xf32>,
    return
  }
  func.func @transform_0(%arg0: i32) -> (i32, i32) {
    %c0_i32 = arith.constant 0 : i32
    %c0_i32_0 = arith.constant 0 : i32
    return %arg0, %c0_i32 : i32, i32
  }
  func.func @transform_1(%arg0: i32) -> (i32, i32) {
    %c0_i32 = arith.constant 0 : i32
    %c0_i32_0 = arith.constant 0 : i32
    return %arg0, %c0_i32 : i32, i32
  }
  func.func @transform_2(%arg0: i32) -> (i32, i32) {
    %c0_i32 = arith.constant 0 : i32
    %c0_i32_0 = arith.constant 0 : i32
    return %arg0, %c0_i32 : i32, i32
  }
  func.func @transform_3(%arg0: i32) -> (i32, i32) {
    %c0_i32 = arith.constant 0 : i32
    %c0_i32_0 = arith.constant 0 : i32
    %c0_i32_1 = arith.constant 0 : i32
    return %c0_i32, %c0_i32_0 : i32, i32
  }
  func.func @transform_4(%arg0: i32) -> (i32, i32) {
    %c0_i32 = arith.constant 0 : i32
    %c0_i32_0 = arith.constant 0 : i32
    %c0_i32_1 = arith.constant 0 : i32
    return %c0_i32, %c0_i32_0 : i32, i32
  }
  func.func @transform_5(%arg0: i32) -> (i32, i32) {
    %c0_i32 = arith.constant 0 : i32
    %c0_i32_0 = arith.constant 0 : i32
    return %arg0, %c0_i32 : i32, i32
  }
  func.func @transform_6(%arg0: i32) -> (i32, i32) {
    %c0_i32 = arith.constant 0 : i32
    %c0_i32_0 = arith.constant 0 : i32
    return %arg0, %c0_i32 : i32, i32
  }
}

module attributes {stable_mosaic.version = 14 : i64} {
  func.func @_add_body(%arg0: i32, %arg1: memref<2048x128xf32, #tpu.memory_space<vmem>>, %arg2: memref<2048x128xf32, #tpu.memory_space<vmem>>, %arg3: memref<2048x128xf32, #tpu.memory_space<vmem>>) attributes {dimension_semantics = [#tpu.dimension_semantics<arbitrary>], iteration_bounds = array<i64: 80>, scalar_prefetch = 0 : i64, scratch_operands = 0 : i64, tpu.core_type = #tpu.core_type<tc>, window_params = [{transform_indices = @transform_0, window_bounds = array<i64: 2048, 128>}, {transform_indices = @transform_1, window_bounds = array<i64: 2048, 128>}, {transform_indices = @transform_2, window_bounds = array<i64: 2048, 128>}]} {
    %get3A = arith.constant 0 : index
    %get3A_0 = arith.constant 0 : index
    %get3A_1 = vector.load %arg1[%get3A, %get3A_0] : memref<2048x128xf32, #tpu.memory_space<vmem>>, vector<2048x128xf32>
    %get3A_2 = arith.constant 0 : index
    %get3A_3 = arith.constant 0 : index
    %get3A_4 = vector.load %arg2[%get3A_2, %get3A_3] : memref<2048x128xf32, #tpu.memory_space<vmem>>, vector<2048x128xf32>
    %add3A = arith.addf %get3A_1, %get3A_4 : vector<2048x128xf32>
    %swap3A = arith.constant 0 : index
    %swap3A_5 = arith.constant 0 : index
    %swap3A_6 = vector.load %arg3[%swap3A, %swap3A_5] : memref<2048x128xf32, #tpu.memory_space<vmem>>, vector<2048x128xf32>
    tpu.vector_store %arg3[%swap3A, %swap3A_5], %add3A {strides = array<i32>} : memref<2048x128xf32, #tpu.memory_space<vmem>>, vector<2048x128xf32>,
    return
  }
  func.func @transform_0(%arg0: i32) -> (i32, i32) {
    %c0_i32 = arith.constant 0 : i32
    %c0_i32_0 = arith.constant 0 : i32
    return %arg0, %c0_i32 : i32, i32
  }
  func.func @transform_1(%arg0: i32) -> (i32, i32) {
    %c0_i32 = arith.constant 0 : i32
    %c0_i32_0 = arith.constant 0 : i32
    return %arg0, %c0_i32 : i32, i32
  }
  func.func @transform_2(%arg0: i32) -> (i32, i32) {
    %c0_i32 = arith.constant 0 : i32
    %c0_i32_0 = arith.constant 0 : i32
    return %arg0, %c0_i32 : i32, i32
  }
}

module attributes {stable_mosaic.version = 14 : i64} {
  func.func @_final_body(%arg0: i32, %arg1: memref<2048x128xf32, #tpu.memory_space<vmem>>, %arg2: memref<2048x128xf32, #tpu.memory_space<vmem>>, %arg3: memref<128x16xf32, #tpu.memory_space<vmem>>, %arg4: memref<1x1xf32, #tpu.memory_space<vmem>>, %arg5: memref<2048x1xf32, #tpu.memory_space<vmem>>) attributes {dimension_semantics = [#tpu.dimension_semantics<arbitrary>], iteration_bounds = array<i64: 5>, scalar_prefetch = 0 : i64, scratch_operands = 0 : i64, tpu.core_type = #tpu.core_type<tc>, window_params = [{transform_indices = @transform_0, window_bounds = array<i64: 2048, 128>}, {transform_indices = @transform_1, window_bounds = array<i64: 2048, 128>}, {pipeline_mode = #tpu.pipeline_mode<synchronous>, transform_indices = @transform_2, window_bounds = array<i64: 128, 16>}, {pipeline_mode = #tpu.pipeline_mode<synchronous>, transform_indices = @transform_3, window_bounds = array<i64: 1, 1>}, {transform_indices = @transform_4, window_bounds = array<i64: 2048, 1>}]} {
    %get3A = arith.constant 0 : index
    %get3A_0 = arith.constant 0 : index
    %get3A_1 = vector.load %arg1[%get3A, %get3A_0] : memref<2048x128xf32, #tpu.memory_space<vmem>>, vector<2048x128xf32>
    %get3A_2 = arith.constant 0 : index
    %get3A_3 = arith.constant 0 : index
    %get3A_4 = vector.load %arg2[%get3A_2, %get3A_3] : memref<2048x128xf32, #tpu.memory_space<vmem>>, vector<2048x128xf32>
    %add3A = arith.addf %get3A_1, %get3A_4 : vector<2048x128xf32>
    %get3A_5 = arith.constant 0 : index
    %get3A_6 = arith.constant 0 : index
    %get3A_7 = vector.load %arg3[%get3A_5, %get3A_6] : memref<128x16xf32, #tpu.memory_space<vmem>>, vector<128x16xf32>
    %dot_general3A = arith.constant dense<0.000000e+00> : vector<2048x16xf32>
    %dot_general3A_8 = tpu.matmul %add3A, %get3A_7, %dot_general3A {dimension_numbers = #tpu.dot_dimension_numbers<[1], [0], [0], [1], [0, 0, 1, 1], [], []>, transpose_lhs_hint = false} : vector<2048x128xf32>, vector<128x16xf32>, vector<2048x16xf32> -> vector<2048x16xf32>
    %slice3A = vector.extract_strided_slice %dot_general3A_8 {offsets = [0, 0], sizes = [2048, 1], strides = [1, 1]} : vector<2048x16xf32> to vector<2048x1xf32>
    %get3A_9 = arith.constant 0 : index
    %get3A_10 = arith.constant 0 : index
    %get3A_11 = vector.load %arg4[%get3A_9, %get3A_10] : memref<1x1xf32, #tpu.memory_space<vmem>>, vector<1x1xf32>
    %add3A_12 = vector.broadcast %get3A_11 : vector<1x1xf32> to vector<2048x1xf32>
    %add3A_13 = arith.addf %slice3A, %add3A_12 : vector<2048x1xf32>
    %swap3A = arith.constant 0 : index
    %swap3A_14 = arith.constant 0 : index
    %swap3A_15 = vector.load %arg5[%swap3A, %swap3A_14] : memref<2048x1xf32, #tpu.memory_space<vmem>>, vector<2048x1xf32>
    tpu.vector_store %arg5[%swap3A, %swap3A_14], %add3A_13 {strides = array<i32>} : memref<2048x1xf32, #tpu.memory_space<vmem>>, vector<2048x1xf32>,
    return
  }
  func.func @transform_0(%arg0: i32) -> (i32, i32) {
    %c0_i32 = arith.constant 0 : i32
    %c0_i32_0 = arith.constant 0 : i32
    return %arg0, %c0_i32 : i32, i32
  }
  func.func @transform_1(%arg0: i32) -> (i32, i32) {
    %c0_i32 = arith.constant 0 : i32
    %c0_i32_0 = arith.constant 0 : i32
    return %arg0, %c0_i32 : i32, i32
  }
  func.func @transform_2(%arg0: i32) -> (i32, i32) {
    %c0_i32 = arith.constant 0 : i32
    %c0_i32_0 = arith.constant 0 : i32
    %c0_i32_1 = arith.constant 0 : i32
    return %c0_i32, %c0_i32_0 : i32, i32
  }
  func.func @transform_3(%arg0: i32) -> (i32, i32) {
    %c0_i32 = arith.constant 0 : i32
    %c0_i32_0 = arith.constant 0 : i32
    %c0_i32_1 = arith.constant 0 : i32
    return %c0_i32, %c0_i32_0 : i32, i32
  }
  func.func @transform_4(%arg0: i32) -> (i32, i32) {
    %c0_i32 = arith.constant 0 : i32
    %c0_i32_0 = arith.constant 0 : i32
    return %arg0, %c0_i32 : i32, i32
  }
}

</mosaic_0001>

<sc_bundles>
// kernel: kernel.20.cloned.1.call-start
scs
__scs_entry_jumppad:
0x0: {  	(pc) =	sbr.rel $0x88, $3  }
0x1: {  	(tag) =	ssettag $0x0;
	lr =	simm.s32 $0x1  }
0x2: {  	[smem:$0x3F97] =	sst lr;
	_ =	strace $0xD0000000  }
0x3: {  	_ = 	snop  }
0x4: {  	_ = 	snop  }
0x5: {  	_ = 	snop  }
0x6: {  	_ = 	snop  }
0x7: {  	_ = 	snop  }
__scs_overlays_trampoline_lowered:
0x8: {  	[smem:$0x3FA6] =	sst s0  }
0x9: {  	[smem:$0x3FA7] =	sst s1  }
0xa: {  	[smem:$0x3FA8] =	sst s2  }
0xb: {  	[smem:$0x3FA9] =	sst s3  }
0xc: {  	[smem:$0x3FAA] =	sst s4  }
0xd: {  	[smem:$0x3FAB] =	sst s5  }
0xe: {  	[smem:$0x3FAC] =	sst s6  }
0xf: {  	[smem:$0x3FAD] =	sst s7  }
0x10: {  	[smem:$0x3FAE] =	sst s8  }
0x11: {  	[smem:$0x3FAF] =	sst s9;
	s0 =	simm.s32 @!p0 $0x0  }
0x12: {  	s1 =	sld [smem:$0x3F95];
	s0 =	simm.s32 @p0 $0x1  }
0x13: {  	[smem:$0x3FB0] =	sst s0;
	s0 =	simm.s32 @!p1 $0x0  }
0x14: {  	s2 =	sld [smem:$0x3F94];
	s0 =	simm.s32 @p1 $0x1  }
0x15: {  	[smem:$0x3FB1] =	sst s0;
	s0 =	simm.s32 @!p2 $0x0  }
0x16: {  	s3 =	sld [smem:$0x3FDB];
	s0 =	simm.s32 @p2 $0x1  }
0x17: {  	s4 =	simm.s32 $0x1BF5;
	[smem:$0x3FB3] =	sst s0  }
0x18: {  	s0 =	sld [smem:$0x3F96];
	_ =	swait.ge [sflag:s4], $0x0  }
0x19: {  	s7 =	sld [smem:$0x3F97]  }
0x1a: {  	s8 =	sadd.s32 $0xFFFFE003, lr  }
0x1b: {  	s9 =	sadd.s32 $0xFFFFFEF7, lr;
	s5 =	simm.s32 $0xFFFFFFFF;
	p2 =	slt.u32 s8, $0xFFFFF086  }
0x1c: {  	p1 =	slt.u32 s9, $0xF7A;
	s5 =	simm.s32 @!p2 $0x0  }
0x1d: {  	s5 =	simm.s32 @p1 $0x1;
	p0 =	seq.s32 s7, s2  }
0x1e: {  	s7 =	smul.u32 @!p0 $0xF7A, s2;
	p2 =	seq.s32 @!p0 s5, $0x0  }
0x1f: {  	s9 =	smul.u32 $0xF7A, s1;
	s8 =	simm.s32 @!p0 $0x1BF5;
	p2 =	por !p2, p0  }
0x20: {  	[sflag:s8] =	ssyncset.s32 @!p0 $0xFFFFF086;
	s6 =	sadd.s32 @!p0 s3, s7;
	s7 =	simm.s32 @!p0 $0x108  }
0x21: {  	s3 =	sadd.s32 s3, s9;
	s6 =	sadd.s32 @!p0 $0x88, s6;
	s7 =	simm.s32 @p2 $0x1082  }
0x22: {  	[simem:s7], [sflag:s8] =	dma.local @!p0 [hbm:s6], $0xF7A  }
0x23: {  	s9 =	sor.u32 $0xD0000000, s2;
	s6 =	simm.s32 $0x108;
	_ =	swait.ge @!p0 [sflag:s8], $0x0  }
0x24: {  	s3 =	sadd.s32 $0x88, s3;
	s6 =	simm.s32 @!p1 $0x1082;
	[sflag:s4] =	ssyncset.s32 $0xFFFFF086  }
0x25: {  	[simem:s6], [sflag:s4] =	dma.local [hbm:s3], $0xF7A  }
0x26: {  	[smem:$0x3F97] =	sst s1;
	(tag) =	ssettag s2;
	_ =	strace s9  }
0x27: {  	s1 =	sld [smem:$0x3FA7]  }
0x28: {  	s2 =	sld [smem:$0x3FA8]  }
0x29: {  	s4 =	sld [smem:$0x3FAA]  }
0x2a: {  	p0 =	seq.s32 s5, $0x0;
	s5 =	sld [smem:$0x3FAB]  }
0x2b: {  	s6 =	sld [smem:$0x3FAC]  }
0x2c: {  	s7 =	sld [smem:$0x3FAD]  }
0x2d: {  	s3 =	simm.s32 $0x108;
	s8 =	sld [smem:$0x3FAE]  }
0x2e: {  	s3 =	simm.s32 @!p0 $0x1082;
	s9 =	sld [smem:$0x3FAF]  }
0x2f: {  	lr =	sadd.s32 s0, s3;
	s0 =	sld [smem:$0x3FA6]  }
0x30: {  	s3 =	sld [smem:$0x3FA9]  }
0x31: {  	[smem:$0x3FB2] =	sst s10  }
0x32: {  	s10 =	sld [smem:$0x3FB0];
	_ =	sdelay $0x3  }
0x33: {  	p0 =	seq.s32 s10, $0x1;
	s10 =	sld [smem:$0x3FB2];
	_ =	sdelay $0x3  }
0x34: {  	[smem:$0x3FB2] =	sst s10  }
0x35: {  	s10 =	sld [smem:$0x3FB1];
	_ =	sdelay $0x3  }
0x36: {  	p1 =	seq.s32 s10, $0x1;
	s10 =	sld [smem:$0x3FB2];
	_ =	sdelay $0x3  }
0x37: {  	[smem:$0x3FB2] =	sst s10  }
0x38: {  	s10 =	sld [smem:$0x3FB3]  }
0x39: {  	_ = 	snop;
	(pc) =	sbr.ind lr, $3  }
0x3a: {  	_ = 	snop  }
0x3b: {  	_ = 	snop  }
0x3c: {  	p2 =	seq.s32 s10, $0x1;
	s10 =	sld [smem:$0x3FB2]  }
0x3d: {  	_ =	shalt  }
0x3e: {  	_ =	shalt  }
0x3f: {  	_ =	shalt  }
0x40: {  	_ =	shalt  }
0x41: {  	_ =	shalt  }
0x42: {  	_ =	shalt  }
0x43: {  	_ =	shalt  }
0x44: {  	_ =	shalt  }
0x45: {  	_ =	shalt  }
0x46: {  	_ =	shalt  }
0x47: {  	_ =	shalt  }
0x48: {  	_ =	shalt  }
0x49: {  	_ =	shalt  }
0x4a: {  	_ =	shalt  }
0x4b: {  	_ =	shalt  }
0x4c: {  	_ =	shalt  }
0x4d: {  	_ =	shalt  }
0x4e: {  	_ =	shalt  }
0x4f: {  	_ =	shalt  }
0x50: {  	_ =	shalt  }
0x51: {  	_ =	shalt  }
0x52: {  	_ =	shalt  }
0x53: {  	_ =	shalt  }
0x54: {  	_ =	shalt  }
0x55: {  	_ =	shalt  }
0x56: {  	_ =	shalt  }
0x57: {  	_ =	shalt  }
0x58: {  	_ =	shalt  }
0x59: {  	_ =	shalt  }
0x5a: {  	_ =	shalt  }
0x5b: {  	_ =	shalt  }
0x5c: {  	_ =	shalt  }
0x5d: {  	_ =	shalt  }
0x5e: {  	_ =	shalt  }
0x5f: {  	_ =	shalt  }
0x60: {  	_ =	shalt  }
0x61: {  	_ =	shalt  }
0x62: {  	_ =	shalt  }
0x63: {  	_ =	shalt  }
0x64: {  	_ =	shalt  }
0x65: {  	_ =	shalt  }
0x66: {  	_ =	shalt  }
0x67: {  	_ =	shalt  }
0x68: {  	_ =	shalt  }
0x69: {  	_ =	shalt  }
0x6a: {  	_ =	shalt  }
0x6b: {  	_ =	shalt  }
0x6c: {  	_ =	shalt  }
0x6d: {  	_ =	shalt  }
0x6e: {  	_ =	shalt  }
0x6f: {  	_ =	shalt  }
0x70: {  	_ =	shalt  }
0x71: {  	_ =	shalt  }
0x72: {  	_ =	shalt  }
0x73: {  	_ =	shalt  }
0x74: {  	_ =	shalt  }
0x75: {  	_ =	shalt  }
0x76: {  	_ =	shalt  }
0x77: {  	_ =	shalt  }
0x78: {  	_ =	shalt  }
0x79: {  	_ =	shalt  }
0x7a: {  	_ =	shalt  }
0x7b: {  	_ =	shalt  }
0x7c: {  	_ =	shalt  }
0x7d: {  	_ =	shalt  }
0x7e: {  	_ =	shalt  }
0x7f: {  	_ =	shalt  }
0x80: {  	_ =	shalt  }
0x81: {  	_ =	shalt  }
0x82: {  	_ =	shalt  }
0x83: {  	_ =	shalt  }
0x84: {  	_ =	shalt  }
0x85: {  	_ =	shalt  }
0x86: {  	_ =	shalt  }
0x87: {  	_ =	shalt  }
.Lfunc_end0:
.L_simem_size_0:
called_computation_lowered:
.L_overlay_start_0:
0x88: {  	s2 =	sld [smem:$0x3FD9]  }
0x89: {  	s3 =	sld [smem:$0x3FFE];
	_ =	sdelay $0x1  }
0x8a: {  	s1 =	srdreg.scid  }
0x8b: {  	s0 =	sand.u32 $0x1, s1  }
0x8c: {  	s16 =	sshll.u32 s0, $0xA;
	s2 =	sadd.s32 s3, s2  }
0x8d: {  	s2 =	sadd.s32 s2, s16  }
0x8e: {  	[smem:$0x3FBE] =	sst s2  }
0x8f: {  	_ = 	snop  }
0x90: {  	(tm) =	ssettm $0x1  }
0x91: {  	s17 =	sld [smem:$0x3FFB];
	_ =	sdelay $0x3  }
0x92: {  	_ =	strace s17  }
0x93: {  	s2 =	sld [smem:$0x3FFC];
	_ =	sdelay $0x3  }
0x94: {  	_ =	strace s2  }
0x95: {  	s2 =	sld [smem:$0x3FFD];
	_ =	sdelay $0x3  }
0x96: {  	_ =	strace s2  }
0x97: {  	_ =	strace $0x8FFFFFFF  }
0x98: {  	s18 =	sld [smem:$0x3FDB];
	_ =	sdelay $0x1  }
0x99: {  	s19 =	simm.s32 $_scs_section_size  }
0x9a: {  	s4 =	simm.s32 $_size__tile_overlayer_lowered;
	s5 =	simm.s32 $_tile_overlayer_lowered  }
0x9b: {  	s22 =	simm.s32 $0x1BFF;
	s21 =	sshll.u32 s5, $0x1;
	s2 =	sadd.s32 s19, s18  }
0x9c: {  	s6 =	simm.s32 $0x0;
	s20 =	sshll.u32 s4, $0x1;
	s4 =	sadd.s32 s21, s2  }
0x9d: {  	[timem:s6], [sflag:s22] =	dma.local [hbm:s4], s20  }
0x9e: {  	_ =	swait.ge [sflag:s22], s20  }
0x9f: {  	s3 =	ssub.s32 $0x0, s20;
	[sflag:s22] =	ssyncset.done $0x0  }
0xa0: {  	[sflag:s22] =	ssyncadd.s32 s3;
	_ =	sdelay $0x1  }
0xa1: {  	s23 =	simm.s32 $0x1B8B  }
0xa2: {  	_ =	swait.ge [sflag:s23], $0x1  }
0xa3: {  	[sflag:s23] =	ssyncset.done $0x0  }
0xa4: {  	s25 =	simm.s32 $0x1B8E;
	s24 =	sld [smem:$0x3FFE];
	[sflag:s23] =	ssyncadd.s32 $0xFFFFFFFF  }
0xa5: {  	s26 =	simm.s32 $execute0_lowered;
	[smem:$0x3FD2] =	sst s25  }
0xa6: {  	s4 =	sshll.u32 s26, $0x1;
	_ =	strace $0x80000046;
	[dreg:$0x1] =	wrdreg $0xFFFFFFFF  }
0xa7: {  	s28 =	simm.s32 $_size_execute0_lowered;
	s2 =	sadd.s32 s2, s4;
	[dreg:$0x0] =	wrdreg $0x0  }
0xa8: {  	s4 =	sshll.u32 s28, $0x1;
	[dreg:$0x2] =	wrdreg s2  }
0xa9: {  	[dreg:$0x3] =	wrdreg s4  }
0xaa: {  	[dreg:$0x4] =	wrdreg $0xC0  }
0xab: {  	_ =	task [dreg:s6], $0x5FFFF  }
0xac: {  	[dreg:$0x1] =	wrdreg $0xFFFFFFFF  }
0xad: {  	[dreg:$0x0] =	wrdreg $0x60  }
0xae: {  	[dreg:$0x2] =	wrdreg s24  }
0xaf: {  	[dreg:$0x3] =	wrdreg $0x9  }
0xb0: {  	_ =	task.clear_ibuf [dreg:s6], $0x4FFFF;
	_ =	strace $0x90000046  }
0xb1: {  	s29 =	simm.s32 $0x9;
	_ =	strace $0x8000004F  }
0xb2: {  	_ =	swait.ge [sflag:s29], $0x1  }
0xb3: {  	[sflag:s29] =	ssyncadd.s32 $0xFFFFFFFF  }
0xb4: {  	_ =	strace $0x9000004F  }
0xb5: {  	_ =	sfence  }
0xb6: {  	s30 =	sld [smem:$0x0];
	_ =	sdelay $0x2  }
0xb7: {  	s31 =	sshll.u32 s1, $0xD;
	s1 =	sshrl.u32 s1, $0x2  }
0xb8: {  	s3 =	sand.u32 $0x4000, s31;
	s1 =	sadd.s32 s1, s30  }
0xb9: {  	s0 =	sor.u32 s3, s0;
	s1 =	sshll.u32 s1, $0x11  }
0xba: {  	s0 =	sor.u32 s1, s0  }
0xbb: {  	s0 =	sadd.s32 $0x8F2B, s0  }
0xbc: {  	[sflag:s0] =	ssyncadd.remote.s32 $0x1  }
0xbd: {  	_ =	sfence.sel $0xFFFF  }
0xbe: {  	[dreg:$0x0] =	wrdreg $0xFFFFFFFF;
	(pc) =	sbr.abs _section_cstart, $3  }
0xbf: {  	[dreg:$0x1] =	wrdreg $0xFFFFFFFF  }
0xc0: {  	_ =	task.clear_ibuf [dreg:s6], $0x2FFFF;
	_ =	strace $0x9FFFFFFF  }
0xc1: {  	(tm) =	ssettm $0x7FFFFFFF  }
tec
execute0_lowered:
.L_overlay_start_1:
0x0: {  	(tag) =	ssettag $0x1  }
0x1: {  	s3 =	rddreg [dreg:$0x0]  }
0x2: {  	s0 =	rddreg [dreg:$0x1];
	s1 =	simm.s32 $0x0;
	s2 =	srdreg.scid  }
0x3: {  	s31 =	simm.s32 $0x100;
	s9 =	simm.s32 $0x4;
	s10 =	simm.s32 $0x0  }
0x4: {  	[smem:$0x7FF] =	sst s1;
	s4 =	sand.u32 $0x1, s2;
	s5 =	sadd.s32 $0xF400, s3  }
0x5: {  	s2 =	stileid.u32;
	s29 =	sadd.s32 $0x41400, s3;
	s3 =	sadd.s32 $0x37400, s3  }
0x6: {  	_ =	strace $0x80000047;
	s6 =	sshll.u32 s4, $0x4;
	[dreg:$0x2] =	wrdreg s5  }
0x7: {  	s4 =	ssub.s32 $0x2, s4;
	[dreg:$0x4] =	wrdreg s29;
	s28 =	sor.u32 s2, s6  }
0x8: {  	[dreg:$0x3] =	wrdreg s31;
	s7 =	sshrl.u32 s4, $0x1;
	s8 =	smul.u32 $0x500, s28  }
0x9: {  	s30 =	ssub.s32 s4, s7;
	s4 =	smul.u32 $0x28, s28;
	s7 =	simm.s32 $0x1  }
0xa: {  	s6 =	smax.u32 s30, $0x1;
	s5 =	sadd.s32 s3, s8;
	s8 =	simm.s32 $0x5  }
.LBB2_1:
0xb: {  	_ =	strace $0x80000048;
	s11 =	simm.s32 $0x1;
	p0 =	por $0x0, $0x0  }
0xc: {  	[tilespmem:s1], [sflag:$0x1] =	stream.linear.gather [hbm4b:s5+s1], $0x100, $0x200038;
	[tilespmem:$0x10200] =	vst v63  }
0xd: {  	s11 =	simm.s32 @p0 $0x0  }
0xe: {  	p4 =	por $0x1, $0x1;
	s20 =	sand.u32 $0x1, s1;
	p1 =	sne.s32 s11, $0x0  }
0xf: {  	p2 =	por $0x1, $0x1;
	s18 =	simm.s32 $0x26;
	p0 =	por !p4, !p1  }
0x10: {  	s16 =	simm.s32 $0x0;
	p5 =	por $0x0, $0x0;
	p0 =	por !p0, !p0  }
0x11: {  	s23 =	sadd.s32 $0x0, s4;
	s30 =	sadd.s32 $0x1, s20;
	s12 =	sadd.s32 @p0 s4, s11  }
0x12: {  	_ =	strace $0x90000048;
	s13 =	sand.u32 @p0 $0x1, s7;
	s12 =	sshll.u32 @p0 s12, $0x5  }
0x13: {  	_ =	strace @p0 $0x80000049;
	s15 =	simm.s32 @p0 $0x0;
	s12 =	sand.u32 @p0 $0x1FFFFFE0, s12  }
0x14: {  	s14 =	sshll.u32 @p0 s13, $0x8;
	s13 =	sadd.s32 @p0 $0x1, s13;
	s12 =	sadd.s32 @p0 s3, s12  }
0x15: {  	[tilespmem:s14], [sflag:s13] =	stream.linear.gather @p0 [hbm4b:s12+s15], $0x100, $0x200038;
	[tilespmem:$0x10200] =	vst v63  }
0x16: {  	p3 =	por p2, p2;
	s21 =	sshll.u32 s20, $0xF;
	_ =	strace @p0 $0x90000049  }
0x17: {  	s16 =	sand.u32 $0x100, s16;
	p2 =	por p5, p5;
	_ =	strace $0x8000004A  }
0x18: {  	s17 =	sadd.s32 $0x1, s11;
	s22 =	sor.u32 $0x200, s21;
	_ =	swait.ge [sflag:s30], $0x100  }
0x19: {  	s21 =	simm.s32 $0x1;
	p6 =	por p1, p1;
	[sflag:s30] =	ssyncset.done $0x0  }
0x1a: {  	p1 =	por p3, p3;
	p4 =	por $0x1, $0x1;
	[sflag:s30] =	ssyncadd.s32 $0xFFFFFF00  }
0x1b: {  	s12 =	simm.s32 $0x27;
	s15 =	sand.u32 @!p3 $0x1, s1;
	_ =	strace $0x9000004A  }
0x1c: {  	s13 =	simm.s32 $0x1;
	p3 =	seq.s32 s17, $0x28;
	_ =	strace $0x8000004B  }
0x1d: {  	s13 =	simm.s32 @!p0 $0x0;
	s17 =	simm.s32 @p3 $0x0;
	s19 =	rddreg [dreg:$0x3]  }
0x1e: {  	p0 =	por $0x0, $0x0;
	s14 =	sadd.s32 $0x1, s13;
	s31 =	rddreg [dreg:$0x2]  }
0x1f: {  	[tilespmem:s22], [sflag:$0x5] =	stream.indirect.gather [hbm4b:s31+s19], $0x80, s16, s19, $0x2000b8;
	[tilespmem:$0x10200] =	vst v63  }
0x20: {  	p3 =	sne.s32 s11, s17;
	s21 =	simm.s32 @!p0 $0x0;
	_ =	swait.ge [sflag:s8], $0x8000  }
0x21: {  	p5 =	por !p4, !p3;
	p4 =	por $0x0, $0x0;
	[sflag:s8] =	ssyncset.done $0x0  }
0x22: {  	s13 =	simm.s32 $0x0;
	p6 =	por p4, p6;
	[sflag:s8] =	ssyncadd.s32 $0xFFFF8000  }
0x23: {  	s16 =	simm.s32 $0x0;
	s19 =	simm.s32 $0x0;
	_ =	strace $0x9000004B  }
.LBB2_2:
0x24: {  	_ =	strace @p6 $0x8000004C;
	s13 =	sadd.s32 s21, s13;
	s21 =	smov.u32 s12  }
0x25: {  	s12 =	smov.u32 s18;
	s18 =	sadd.s32 $0xFFFFFFFF, s18;
	p0 =	por p3, p3  }
0x26: {  	s28 =	sshll.u32 @p6 s23, $0xC;
	s20 =	sadd.s32 @p6 $0x3, s20;
	s24 =	simm.s32 @!p0 $0x0  }
0x27: {  	s25 =	rddreg [dreg:$0x4];
	s28 =	sand.u32 @p6 $0x1FFFF000, s28;
	s24 =	simm.s32 @p0 $0x1  }
0x28: {  	s25 =	sadd.s32 @p6 s25, s28;
	s28 =	simm.s32 @p6 $0x0;
	p0 =	sne.s32 s18, $0x0  }
0x29: {  	[hbm4b:s25+s28] =	stream.linear.scatter @p6 [tilespmem:s22], [sflag:s20], $0x8000, $0x200038;
	[tilespmem:$0x10200] =	vst v63  }
0x2a: {  	s20 =	sadd.s32 @!p1 $0x3, s15;
	s15 =	simm.s32 @!p0 $0x0  }
0x2b: {  	s26 =	simm.s32 $0x1;
	[smem:$0x7FC] =	sst s24;
	s15 =	simm.s32 @p0 $0x1  }
0x2c: {  	s26 =	simm.s32 @!p6 $0x0;
	_ =	strace @p6 $0x9000004C;
	[smem:$0x7FD] =	sst s15  }
0x2d: {  	p5 =	por !p5, !p5;
	s19 =	sadd.s32 s26, s19;
	_ =	strace @!p1 $0x8000004D  }
0x2e: {  	s24 =	sand.u32 @!p2 $0x1, s13;
	s22 =	sand.u32 @p5 $0x1, s14;
	_ =	swait.ge @!p1 [sflag:s20], $0x8000  }
0x2f: {  	s15 =	smov.u32 s24;
	s24 =	sadd.s32 @p5 s4, s17;
	[sflag:s20] =	ssyncset.done @!p1 $0x0  }
0x30: {  	s25 =	sshll.u32 @p5 s22, $0x8;
	s24 =	sshll.u32 @p5 s24, $0x5;
	[sflag:s20] =	ssyncadd.s32 @!p1 $0xFFFF8000  }
0x31: {  	s20 =	sadd.s32 @p5 $0x1, s22;
	s22 =	sand.u32 @p5 $0x1FFFFFE0, s24;
	_ =	strace @!p1 $0x9000004D  }
0x32: {  	s24 =	simm.s32 @p5 $0x0;
	s22 =	sadd.s32 @p5 s3, s22;
	_ =	strace @p5 $0x80000049  }
0x33: {  	[tilespmem:s25], [sflag:s20] =	stream.linear.gather @p5 [hbm4b:s22+s24], $0x100, $0x200038;
	[tilespmem:$0x10200] =	vst v63  }
0x34: {  	s16 =	sadd.s32 s26, s16;
	s26 =	sand.u32 $0x1, s19;
	_ =	strace @p5 $0x90000049  }
0x35: {  	s24 =	sadd.s32 $0x1, s26;
	_ =	strace $0x8000004A  }
0x36: {  	_ =	swait.ge [sflag:s24], $0x100  }
0x37: {  	[sflag:s24] =	ssyncset.done $0x0  }
0x38: {  	s20 =	simm.s32 $0x1;
	[sflag:s24] =	ssyncadd.s32 $0xFFFFFF00  }
0x39: {  	s20 =	simm.s32 @!p5 $0x0;
	_ =	strace $0x9000004A  }
0x3a: {  	s14 =	sadd.s32 s20, s14;
	s20 =	sand.u32 $0x1, s16;
	_ =	strace $0x8000004B  }
0x3b: {  	s29 =	sshll.u32 s19, $0x8;
	s25 =	sshll.u32 s20, $0xF;
	s26 =	rddreg [dreg:$0x3]  }
0x3c: {  	s29 =	sand.u32 $0x100, s29;
	s22 =	sor.u32 $0x200, s25;
	s30 =	rddreg [dreg:$0x2]  }
0x3d: {  	[tilespmem:s22], [sflag:$0x5] =	stream.indirect.gather [hbm4b:s30+s26], $0x80, s29, s26, $0x2000b8;
	[tilespmem:$0x10200] =	vst v63  }
0x3e: {  	_ =	swait.ge [sflag:s8], $0x8000  }
0x3f: {  	s31 =	sadd.s32 $0x1, s17;
	[sflag:s8] =	ssyncset.done $0x0  }
0x40: {  	s23 =	sadd.s32 s4, s11;
	s11 =	smov.u32 s17;
	[sflag:s8] =	ssyncadd.s32 $0xFFFF8000  }
0x41: {  	p3 =	seq.s32 s31, $0x28;
	s17 =	smov.u32 s31;
	_ =	strace $0x9000004B  }
0x42: {  	s17 =	simm.s32 @p3 $0x0;
	s31 =	sld [smem:$0x7FD]  }
0x43: {  	p6 =	sne.s32 s12, $0x1;
	p0 =	sne.s32 s21, $0x28;
	p3 =	sne.s32 s11, s17  }
0x44: {  	p5 =	por !p6, !p3;
	p6 =	seq.s32 s21, $0x1;
	s21 =	simm.s32 $0x1  }
0x45: {  	s21 =	simm.s32 @!p0 $0x0;
	p0 =	seq.s32 s31, $0x1  }
.Ltmp0:
0x46: {  	s30 =	sld [smem:$0x7FC];
	(pc) =	sbr.rel @p0 .LBB2_2-.Ltmp0, $4  }
0x47: {  	_ = 	snop  }
0x48: {  	p4 =	seq.s32 s12, $0x28  }
0x49: {  	p1 =	por p2, p2;
	p2 =	por p4, p4;
	p4 =	seq.s32 s30, $0x1  }
0x4a: {  	p6 =	por p6, p4  }
0x4b: {  	_ =	strace @p6 $0x8000004C;
	s23 =	sshll.u32 @p6 s23, $0xC  }
0x4c: {  	s18 =	rddreg [dreg:$0x4];
	s23 =	sand.u32 @p6 $0x1FFFF000, s23  }
0x4d: {  	s20 =	sadd.s32 @p6 $0x3, s20;
	s18 =	sadd.s32 @p6 s18, s23;
	s23 =	simm.s32 @p6 $0x0  }
0x4e: {  	[hbm4b:s18+s23] =	stream.linear.scatter @p6 [tilespmem:s22], [sflag:s20], $0x8000, $0x200038;
	[tilespmem:$0x10200] =	vst v63  }
0x4f: {  	p0 =	por !p5, !p5;
	_ =	strace @p6 $0x9000004C  }
0x50: {  	s15 =	sadd.s32 @!p1 $0x3, s15;
	s17 =	sadd.s32 @p0 s4, s17;
	_ =	strace @!p1 $0x8000004D  }
0x51: {  	s14 =	sand.u32 @p0 $0x1, s14;
	s17 =	sshll.u32 @p0 s17, $0x5;
	_ =	swait.ge @!p1 [sflag:s15], $0x8000  }
0x52: {  	s18 =	simm.s32 $0x1;
	s20 =	sshll.u32 @p0 s14, $0x8;
	[sflag:s15] =	ssyncset.done @!p1 $0x0  }
0x53: {  	s14 =	sadd.s32 @p0 $0x1, s14;
	s18 =	simm.s32 @!p6 $0x0;
	[sflag:s15] =	ssyncadd.s32 @!p1 $0xFFFF8000  }
0x54: {  	s19 =	sadd.s32 s18, s19;
	s15 =	sand.u32 @p0 $0x1FFFFFE0, s17;
	_ =	strace @!p1 $0x9000004D  }
0x55: {  	s17 =	simm.s32 @p0 $0x0;
	s15 =	sadd.s32 @p0 s3, s15;
	_ =	strace @p0 $0x80000049  }
0x56: {  	[tilespmem:s20], [sflag:s14] =	stream.linear.gather @p0 [hbm4b:s15+s17], $0x100, $0x200038;
	[tilespmem:$0x10200] =	vst v63  }
0x57: {  	s25 =	sand.u32 $0x1, s19;
	_ =	strace @p0 $0x90000049  }
0x58: {  	s14 =	sadd.s32 $0x1, s25;
	_ =	strace $0x8000004A  }
0x59: {  	_ =	swait.ge [sflag:s14], $0x100  }
0x5a: {  	[sflag:s14] =	ssyncset.done $0x0  }
0x5b: {  	[sflag:s14] =	ssyncadd.s32 $0xFFFFFF00  }
0x5c: {  	s26 =	sadd.s32 s18, s16;
	_ =	strace $0x9000004A  }
0x5d: {  	s14 =	sand.u32 $0x1, s26;
	_ =	strace $0x8000004B  }
0x5e: {  	s30 =	sshll.u32 s19, $0x8;
	s31 =	sshll.u32 s14, $0xF;
	s28 =	rddreg [dreg:$0x3]  }
0x5f: {  	s17 =	sand.u32 $0x100, s30;
	s18 =	sor.u32 $0x200, s31;
	s29 =	rddreg [dreg:$0x2]  }
0x60: {  	[tilespmem:s18], [sflag:$0x5] =	stream.indirect.gather [hbm4b:s29+s28], $0x80, s17, s28, $0x2000b8;
	[tilespmem:$0x10200] =	vst v63  }
0x61: {  	_ =	swait.ge [sflag:s8], $0x8000  }
0x62: {  	[sflag:s8] =	ssyncset.done $0x0  }
0x63: {  	p5 =	por p3, p3;
	p6 =	seq.s32 s12, $0x1;
	[sflag:s8] =	ssyncadd.s32 $0xFFFF8000  }
0x64: {  	s11 =	sadd.s32 s4, s11;
	p0 =	por p6, p5;
	_ =	strace $0x9000004B  }
0x65: {  	s11 =	sshll.u32 @p0 s11, $0xC;
	_ =	strace @p0 $0x8000004C  }
0x66: {  	s13 =	sadd.s32 s21, s13;
	s11 =	sand.u32 @p0 $0x1FFFF000, s11;
	s12 =	rddreg [dreg:$0x4]  }
0x67: {  	s14 =	sadd.s32 @p0 $0x3, s14;
	s11 =	sadd.s32 @p0 s12, s11;
	s12 =	simm.s32 @p0 $0x0  }
0x68: {  	[hbm4b:s11+s12] =	stream.linear.scatter @p0 [tilespmem:s18], [sflag:s14], $0x8000, $0x200038;
	[tilespmem:$0x10200] =	vst v63  }
0x69: {  	p1 =	por p2, p2;
	s11 =	sand.u32 @!p2 $0x1, s13;
	_ =	strace @p0 $0x9000004C  }
0x6a: {  	s11 =	sadd.s32 @!p1 $0x3, s11;
	_ =	strace @!p1 $0x8000004D  }
0x6b: {  	_ =	swait.ge @!p1 [sflag:s11], $0x8000  }
0x6c: {  	[sflag:s11] =	ssyncset.done @!p1 $0x0  }
0x6d: {  	s10 =	sadd.s32 $0x1, s10;
	[sflag:s11] =	ssyncadd.s32 @!p1 $0xFFFF8000  }
0x6e: {  	p0 =	sne.s32 s10, s6;
	_ =	strace @!p1 $0x9000004D  }
.Ltmp1:
0x6f: {  	_ =	strace $0x8000004E;
	(pc) =	sbr.rel @p0 .LBB2_1-.Ltmp1, $4  }
0x70: {  	_ =	swait.ge [sflag:s9], $0x8000  }
0x71: {  	[sflag:s9] =	ssyncset.done $0x0  }
0x72: {  	[sflag:s9] =	ssyncadd.s32 $0xFFFF8000  }
0x73: {  	_ =	strace $0x9000004E  }
0x74: {  	_ =	sfence.sel $0x180000  }
0x75: {  	[bflag:$0x0] =	sbarrier.arrive $0xFFFF  }
0x76: {  	p0 =	sne.s32 s2, $0x0;
	_ =	strace $0x90000047  }
0x77: {  	s0 =	sadd.s32 @!p0 $0x100000, s0;
	[bflag:$0x2] =	sbarrier.arrive $0xFFFF  }
0x78: {  	[sflag:s0] =	ssyncadd.tile.s32 @!p0 $0x1;
	_ =	shalt  }
.Lfunc_end2:
_tile_overlayer_lowered:
.L_overlay_start_2:
0x79: {  	(tag) =	ssettag $0x2  }
0x7a: {  	s0 =	rddreg [dreg:$0x0];
	s2 =	stileid.u32  }
0x7b: {  	s1 =	rddreg [dreg:$0x1];
	p0 =	sne.s32 s2, $0x0  }
0x7c: {  	s3 =	rddreg [dreg:$0x2];
	[bflag:$0x3] =	sbarrier.arrive $0xFFFF;
	s2 =	simm.s32 @!p0 $0x1C01  }
0x7d: {  	[timem:s3], [sflag:s2] =	dma.local @!p0 [hbm:s0], s1  }
0x7e: {  	s0 =	simm.s32 @!p0 $0x1  }
0x7f: {  	_ =	swait.ge @!p0 [sflag:s0], s1  }
0x80: {  	s1 =	ssub.s32 @!p0 $0x0, s1;
	[sflag:s0] =	ssyncset.done @!p0 $0x0  }
0x81: {  	[sflag:s0] =	ssyncadd.s32 @!p0 s1  }
0x82: {  	[bflag:$0x3] =	sbarrier.arrive $0xFFFF  }
0x83: {  	_ =	shalt  }

// kernel: kernel.23.cloned.1.call-start
scs
__scs_entry_jumppad:
0x0: {  	(pc) =	sbr.rel $0x88, $3  }
0x1: {  	(tag) =	ssettag $0x0;
	lr =	simm.s32 $0x1  }
0x2: {  	[smem:$0x3F97] =	sst lr;
	_ =	strace $0xD0000000  }
0x3: {  	_ = 	snop  }
0x4: {  	_ = 	snop  }
0x5: {  	_ = 	snop  }
0x6: {  	_ = 	snop  }
0x7: {  	_ = 	snop  }
__scs_overlays_trampoline_lowered:
0x8: {  	[smem:$0x3FA6] =	sst s0  }
0x9: {  	[smem:$0x3FA7] =	sst s1  }
0xa: {  	[smem:$0x3FA8] =	sst s2  }
0xb: {  	[smem:$0x3FA9] =	sst s3  }
0xc: {  	[smem:$0x3FAA] =	sst s4  }
0xd: {  	[smem:$0x3FAB] =	sst s5  }
0xe: {  	[smem:$0x3FAC] =	sst s6  }
0xf: {  	[smem:$0x3FAD] =	sst s7  }
0x10: {  	[smem:$0x3FAE] =	sst s8  }
0x11: {  	[smem:$0x3FAF] =	sst s9;
	s0 =	simm.s32 @!p0 $0x0  }
0x12: {  	s1 =	sld [smem:$0x3F95];
	s0 =	simm.s32 @p0 $0x1  }
0x13: {  	[smem:$0x3FB0] =	sst s0;
	s0 =	simm.s32 @!p1 $0x0  }
0x14: {  	s2 =	sld [smem:$0x3F94];
	s0 =	simm.s32 @p1 $0x1  }
0x15: {  	[smem:$0x3FB1] =	sst s0;
	s0 =	simm.s32 @!p2 $0x0  }
0x16: {  	s3 =	sld [smem:$0x3FDB];
	s0 =	simm.s32 @p2 $0x1  }
0x17: {  	s4 =	simm.s32 $0x1BF5;
	[smem:$0x3FB3] =	sst s0  }
0x18: {  	s0 =	sld [smem:$0x3F96];
	_ =	swait.ge [sflag:s4], $0x0  }
0x19: {  	s7 =	sld [smem:$0x3F97]  }
0x1a: {  	s8 =	sadd.s32 $0xFFFFE003, lr  }
0x1b: {  	s9 =	sadd.s32 $0xFFFFFEF7, lr;
	s5 =	simm.s32 $0xFFFFFFFF;
	p2 =	slt.u32 s8, $0xFFFFF086  }
0x1c: {  	p1 =	slt.u32 s9, $0xF7A;
	s5 =	simm.s32 @!p2 $0x0  }
0x1d: {  	s5 =	simm.s32 @p1 $0x1;
	p0 =	seq.s32 s7, s2  }
0x1e: {  	s7 =	smul.u32 @!p0 $0xF7A, s2;
	p2 =	seq.s32 @!p0 s5, $0x0  }
0x1f: {  	s9 =	smul.u32 $0xF7A, s1;
	s8 =	simm.s32 @!p0 $0x1BF5;
	p2 =	por !p2, p0  }
0x20: {  	[sflag:s8] =	ssyncset.s32 @!p0 $0xFFFFF086;
	s6 =	sadd.s32 @!p0 s3, s7;
	s7 =	simm.s32 @!p0 $0x108  }
0x21: {  	s3 =	sadd.s32 s3, s9;
	s6 =	sadd.s32 @!p0 $0x88, s6;
	s7 =	simm.s32 @p2 $0x1082  }
0x22: {  	[simem:s7], [sflag:s8] =	dma.local @!p0 [hbm:s6], $0xF7A  }
0x23: {  	s9 =	sor.u32 $0xD0000000, s2;
	s6 =	simm.s32 $0x108;
	_ =	swait.ge @!p0 [sflag:s8], $0x0  }
0x24: {  	s3 =	sadd.s32 $0x88, s3;
	s6 =	simm.s32 @!p1 $0x1082;
	[sflag:s4] =	ssyncset.s32 $0xFFFFF086  }
0x25: {  	[simem:s6], [sflag:s4] =	dma.local [hbm:s3], $0xF7A  }
0x26: {  	[smem:$0x3F97] =	sst s1;
	(tag) =	ssettag s2;
	_ =	strace s9  }
0x27: {  	s1 =	sld [smem:$0x3FA7]  }
0x28: {  	s2 =	sld [smem:$0x3FA8]  }
0x29: {  	s4 =	sld [smem:$0x3FAA]  }
0x2a: {  	p0 =	seq.s32 s5, $0x0;
	s5 =	sld [smem:$0x3FAB]  }
0x2b: {  	s6 =	sld [smem:$0x3FAC]  }
0x2c: {  	s7 =	sld [smem:$0x3FAD]  }
0x2d: {  	s3 =	simm.s32 $0x108;
	s8 =	sld [smem:$0x3FAE]  }
0x2e: {  	s3 =	simm.s32 @!p0 $0x1082;
	s9 =	sld [smem:$0x3FAF]  }
0x2f: {  	lr =	sadd.s32 s0, s3;
	s0 =	sld [smem:$0x3FA6]  }
0x30: {  	s3 =	sld [smem:$0x3FA9]  }
0x31: {  	[smem:$0x3FB2] =	sst s10  }
0x32: {  	s10 =	sld [smem:$0x3FB0];
	_ =	sdelay $0x3  }
0x33: {  	p0 =	seq.s32 s10, $0x1;
	s10 =	sld [smem:$0x3FB2];
	_ =	sdelay $0x3  }
0x34: {  	[smem:$0x3FB2] =	sst s10  }
0x35: {  	s10 =	sld [smem:$0x3FB1];
	_ =	sdelay $0x3  }
0x36: {  	p1 =	seq.s32 s10, $0x1;
	s10 =	sld [smem:$0x3FB2];
	_ =	sdelay $0x3  }
0x37: {  	[smem:$0x3FB2] =	sst s10  }
0x38: {  	s10 =	sld [smem:$0x3FB3]  }
0x39: {  	_ = 	snop;
	(pc) =	sbr.ind lr, $3  }
0x3a: {  	_ = 	snop  }
0x3b: {  	_ = 	snop  }
0x3c: {  	p2 =	seq.s32 s10, $0x1;
	s10 =	sld [smem:$0x3FB2]  }
0x3d: {  	_ =	shalt  }
0x3e: {  	_ =	shalt  }
0x3f: {  	_ =	shalt  }
0x40: {  	_ =	shalt  }
0x41: {  	_ =	shalt  }
0x42: {  	_ =	shalt  }
0x43: {  	_ =	shalt  }
0x44: {  	_ =	shalt  }
0x45: {  	_ =	shalt  }
0x46: {  	_ =	shalt  }
0x47: {  	_ =	shalt  }
0x48: {  	_ =	shalt  }
0x49: {  	_ =	shalt  }
0x4a: {  	_ =	shalt  }
0x4b: {  	_ =	shalt  }
0x4c: {  	_ =	shalt  }
0x4d: {  	_ =	shalt  }
0x4e: {  	_ =	shalt  }
0x4f: {  	_ =	shalt  }
0x50: {  	_ =	shalt  }
0x51: {  	_ =	shalt  }
0x52: {  	_ =	shalt  }
0x53: {  	_ =	shalt  }
0x54: {  	_ =	shalt  }
0x55: {  	_ =	shalt  }
0x56: {  	_ =	shalt  }
0x57: {  	_ =	shalt  }
0x58: {  	_ =	shalt  }
0x59: {  	_ =	shalt  }
0x5a: {  	_ =	shalt  }
0x5b: {  	_ =	shalt  }
0x5c: {  	_ =	shalt  }
0x5d: {  	_ =	shalt  }
0x5e: {  	_ =	shalt  }
0x5f: {  	_ =	shalt  }
0x60: {  	_ =	shalt  }
0x61: {  	_ =	shalt  }
0x62: {  	_ =	shalt  }
0x63: {  	_ =	shalt  }
0x64: {  	_ =	shalt  }
0x65: {  	_ =	shalt  }
0x66: {  	_ =	shalt  }
0x67: {  	_ =	shalt  }
0x68: {  	_ =	shalt  }
0x69: {  	_ =	shalt  }
0x6a: {  	_ =	shalt  }
0x6b: {  	_ =	shalt  }
0x6c: {  	_ =	shalt  }
0x6d: {  	_ =	shalt  }
0x6e: {  	_ =	shalt  }
0x6f: {  	_ =	shalt  }
0x70: {  	_ =	shalt  }
0x71: {  	_ =	shalt  }
0x72: {  	_ =	shalt  }
0x73: {  	_ =	shalt  }
0x74: {  	_ =	shalt  }
0x75: {  	_ =	shalt  }
0x76: {  	_ =	shalt  }
0x77: {  	_ =	shalt  }
0x78: {  	_ =	shalt  }
0x79: {  	_ =	shalt  }
0x7a: {  	_ =	shalt  }
0x7b: {  	_ =	shalt  }
0x7c: {  	_ =	shalt  }
0x7d: {  	_ =	shalt  }
0x7e: {  	_ =	shalt  }
0x7f: {  	_ =	shalt  }
0x80: {  	_ =	shalt  }
0x81: {  	_ =	shalt  }
0x82: {  	_ =	shalt  }
0x83: {  	_ =	shalt  }
0x84: {  	_ =	shalt  }
0x85: {  	_ =	shalt  }
0x86: {  	_ =	shalt  }
0x87: {  	_ =	shalt  }
.Lfunc_end0:
.L_simem_size_0:
called_computation.1_lowered:
.L_overlay_start_0:
0x88: {  	s2 =	sld [smem:$0x3FD9]  }
0x89: {  	s3 =	sld [smem:$0x3FFE];
	_ =	sdelay $0x1  }
0x8a: {  	s1 =	srdreg.scid  }
0x8b: {  	s0 =	sand.u32 $0x1, s1  }
0x8c: {  	s16 =	sshll.u32 s0, $0xA;
	s2 =	sadd.s32 s3, s2  }
0x8d: {  	s2 =	sadd.s32 s2, s16  }
0x8e: {  	[smem:$0x3FBE] =	sst s2  }
0x8f: {  	_ = 	snop  }
0x90: {  	(tm) =	ssettm $0x1  }
0x91: {  	s17 =	sld [smem:$0x3FFB];
	_ =	sdelay $0x3  }
0x92: {  	_ =	strace s17  }
0x93: {  	s2 =	sld [smem:$0x3FFC];
	_ =	sdelay $0x3  }
0x94: {  	_ =	strace s2  }
0x95: {  	s2 =	sld [smem:$0x3FFD];
	_ =	sdelay $0x3  }
0x96: {  	_ =	strace s2  }
0x97: {  	_ =	strace $0x8FFFFFFF  }
0x98: {  	s18 =	sld [smem:$0x3FDB];
	_ =	sdelay $0x1  }
0x99: {  	s19 =	simm.s32 $_scs_section_size  }
0x9a: {  	s4 =	simm.s32 $_size__tile_overlayer_lowered;
	s5 =	simm.s32 $_tile_overlayer_lowered  }
0x9b: {  	s22 =	simm.s32 $0x1BFF;
	s21 =	sshll.u32 s5, $0x1;
	s2 =	sadd.s32 s19, s18  }
0x9c: {  	s6 =	simm.s32 $0x0;
	s20 =	sshll.u32 s4, $0x1;
	s4 =	sadd.s32 s21, s2  }
0x9d: {  	[timem:s6], [sflag:s22] =	dma.local [hbm:s4], s20  }
0x9e: {  	_ =	swait.ge [sflag:s22], s20  }
0x9f: {  	s3 =	ssub.s32 $0x0, s20;
	[sflag:s22] =	ssyncset.done $0x0  }
0xa0: {  	[sflag:s22] =	ssyncadd.s32 s3;
	_ =	sdelay $0x1  }
0xa1: {  	s23 =	simm.s32 $0x1B8B  }
0xa2: {  	_ =	swait.ge [sflag:s23], $0x1  }
0xa3: {  	[sflag:s23] =	ssyncset.done $0x0  }
0xa4: {  	s25 =	simm.s32 $0x1B8E;
	s24 =	sld [smem:$0x3FFE];
	[sflag:s23] =	ssyncadd.s32 $0xFFFFFFFF  }
0xa5: {  	s26 =	simm.s32 $execute0_lowered;
	[smem:$0x3FD2] =	sst s25  }
0xa6: {  	s4 =	sshll.u32 s26, $0x1;
	_ =	strace $0x80000050;
	[dreg:$0x1] =	wrdreg $0xFFFFFFFF  }
0xa7: {  	s28 =	simm.s32 $_size_execute0_lowered;
	s2 =	sadd.s32 s2, s4;
	[dreg:$0x0] =	wrdreg $0x0  }
0xa8: {  	s4 =	sshll.u32 s28, $0x1;
	[dreg:$0x2] =	wrdreg s2  }
0xa9: {  	[dreg:$0x3] =	wrdreg s4  }
0xaa: {  	[dreg:$0x4] =	wrdreg $0xC0  }
0xab: {  	_ =	task [dreg:s6], $0x5FFFF  }
0xac: {  	[dreg:$0x1] =	wrdreg $0xFFFFFFFF  }
0xad: {  	[dreg:$0x0] =	wrdreg $0x60  }
0xae: {  	[dreg:$0x2] =	wrdreg s24  }
0xaf: {  	[dreg:$0x3] =	wrdreg $0x0  }
0xb0: {  	[dreg:$0x4] =	wrdreg $0x9  }
0xb1: {  	_ =	task.clear_ibuf [dreg:s6], $0x5FFFF;
	_ =	strace $0x90000050  }
0xb2: {  	s29 =	simm.s32 $0x9;
	_ =	strace $0x80000052  }
0xb3: {  	_ =	swait.ge [sflag:s29], $0x1  }
0xb4: {  	[sflag:s29] =	ssyncadd.s32 $0xFFFFFFFF  }
0xb5: {  	_ =	strace $0x90000052  }
0xb6: {  	_ =	sfence  }
0xb7: {  	s30 =	sld [smem:$0x0];
	_ =	sdelay $0x2  }
0xb8: {  	s31 =	sshll.u32 s1, $0xD;
	s1 =	sshrl.u32 s1, $0x2  }
0xb9: {  	s3 =	sand.u32 $0x4000, s31;
	s1 =	sadd.s32 s1, s30  }
0xba: {  	s0 =	sor.u32 s3, s0;
	s1 =	sshll.u32 s1, $0x11  }
0xbb: {  	s0 =	sor.u32 s1, s0  }
0xbc: {  	s0 =	sadd.s32 $0x8F2B, s0  }
0xbd: {  	[sflag:s0] =	ssyncadd.remote.s32 $0x1  }
0xbe: {  	_ =	sfence.sel $0xFFFF  }
0xbf: {  	[dreg:$0x0] =	wrdreg $0xFFFFFFFF;
	(pc) =	sbr.abs _section_cstart, $3  }
0xc0: {  	[dreg:$0x1] =	wrdreg $0xFFFFFFFF  }
0xc1: {  	_ =	task.clear_ibuf [dreg:s6], $0x2FFFF;
	_ =	strace $0x9FFFFFFF  }
0xc2: {  	(tm) =	ssettm $0x7FFFFFFF  }
0xc3: {  	_ =	shalt  }
tec
execute0_lowered:
.L_overlay_start_1:
0x0: {  	(tag) =	ssettag $0x1  }
0x1: {  	s2 =	stileid.u32  }
0x2: {  	s14 =	smul.u32 $0x2800, s2  }
0x3: {  	s4 =	rddreg [dreg:$0x0];
	s9 =	smul.u32 $0x50000, s2  }
0x4: {  	s0 =	srdreg.scid;
	s30 =	smul.u32 $0x300, s2  }
0x5: {  	s1 =	rddreg [dreg:$0x1];
	s5 =	sand.u32 $0x1, s0;
	s12 =	smul.u32 $0x14000, s2  }
0x6: {  	s3 =	simm.s32 $0x0;
	s0 =	rddreg [dreg:$0x2];
	s6 =	smul.u32 $0x140000, s5  }
0x7: {  	[smem:$0x7FF] =	sst s3;
	s7 =	smul.u32 $0x3000, s5  }
0x8: {  	s31 =	sshll.u32 s2, $0x6;
	s26 =	smul.u32 $0x28000, s5;
	s5 =	ssub.s32 $0x2, s5  }
0x9: {  	_ =	strace $0x80000051;
	s10 =	sadd.s32 s14, s4;
	s28 =	sshrl.u32 s5, $0x1  }
0xa: {  	s29 =	sshrl.u32 s9, $0x2;
	s8 =	sadd.s32 s6, s4;
	s7 =	sadd.s32 s7, s4  }
0xb: {  	s6 =	sadd.s32 s26, s4;
	s11 =	ssub.s32 s5, s28;
	s4 =	sadd.s32 $0x547400, s10  }
0xc: {  	s13 =	sadd.s32 s29, s1;
	s5 =	sor.u32 $0x1C01, s31;
	s10 =	simm.s32 $0x1  }
0xd: {  	s15 =	sadd.s32 $0x56F400, s6;
	s6 =	smax.u32 s11, $0x1;
	s7 =	sadd.s32 s30, s7  }
0xe: {  	s8 =	sadd.s32 s12, s8;
	s9 =	sshrl.u32 s13, $0x3;
	s11 =	simm.s32 $0x1E000  }
0xf: {  	s12 =	simm.s32 $0x14000;
	s13 =	simm.s32 $0x140;
	s7 =	sadd.s32 $0x541400, s7  }
0x10: {  	s8 =	sadd.s32 $0xC000, s8;
	s14 =	sadd.s32 s14, s15;
	s15 =	simm.s32 $0x0  }
.LBB2_1:
0x11: {  	[spmem:s9], [sflag:s5] =	dma.local [hbm:s4], $0x2800  }
0x12: {  	_ =	swait.ge [sflag:s10], $0x2800  }
0x13: {  	[sflag:s10] =	ssyncset.done $0x0  }
0x14: {  	[sflag:s10] =	ssyncadd.s32 $0xFFFFD800  }
0x15: {  	s16 =	sadd.s32 $0x0, s7;
	[bflag:$0x0] =	sbarrier.arrive $0xFFFF  }
0x16: {  	[tilespmem:s11], [sflag:$0x1] =	stream.linear.gather [hbm4b:s16+s3], $0x180, $0x38;
	[tilespmem:$0x1E180] =	vst v63  }
0x17: {  	_ =	swait.ge [sflag:s10], $0x180  }
0x18: {  	[sflag:s10] =	ssyncset.done $0x0  }
0x19: {  	[sflag:s10] =	ssyncadd.s32 $0xFFFFFE80  }
0x1a: {  	[tilespmem:s12], [sflag:$0x1] =	stream.linear.gather [hbm4b:s8+s3], $0xA000, $0x38;
	[tilespmem:$0x1E180] =	vst v63  }
0x1b: {  	_ =	swait.ge [sflag:s10], $0xA000  }
0x1c: {  	[sflag:s10] =	ssyncset.done $0x0  }
0x1d: {  	[sflag:s10] =	ssyncadd.s32 $0xFFFF6000  }
0x1e: {  	[spmem:s1] =	stream.indirect.scatter.add.f32 [tilespmem:s12], [sflag:$0x1], $0x80, s11, s13, $0xb8;
	[tilespmem:$0x1E180] =	vst v63  }
0x1f: {  	s17 =	simm.s32 $0x30;
	_ =	swait.ge [sflag:s10], $0xA000  }
0x20: {  	s18 =	simm.s32 $0x60;
	s16 =	sadd.s32 $0x1400, s8;
	[sflag:s10] =	ssyncset.done $0x0  }
.LBB2_2:
0x21: {  	s19 =	sadd.s32 s17, s7  }
0x22: {  	[sflag:s10] =	ssyncadd.s32 $0xFFFF6000;
	s17 =	smov.u32 s18;
	s20 =	sadd.s32 $0x30, s18  }
0x23: {  	[tilespmem:s11], [sflag:$0x1] =	stream.linear.gather [hbm4b:s19+s3], $0x180, $0x38;
	[tilespmem:$0x1E180] =	vst v63  }
0x24: {  	p0 =	sne.s32 s18, $0x2D0;
	_ =	swait.ge [sflag:s10], $0x180  }
0x25: {  	[sflag:s10] =	ssyncset.done $0x0  }
0x26: {  	[sflag:s10] =	ssyncadd.s32 $0xFFFFFE80  }
0x27: {  	[tilespmem:s12], [sflag:$0x1] =	stream.linear.gather [hbm4b:s16+s3], $0xA000, $0x38;
	[tilespmem:$0x1E180] =	vst v63  }
0x28: {  	_ =	swait.ge [sflag:s10], $0xA000  }
.Ltmp0:
0x29: {  	[sflag:s10] =	ssyncset.done $0x0;
	(pc) =	sbr.rel @p0 .LBB2_2-.Ltmp0, $4  }
0x2a: {  	[sflag:s10] =	ssyncadd.s32 $0xFFFF6000  }
0x2b: {  	[spmem:s1] =	stream.indirect.scatter.add.f32 [tilespmem:s12], [sflag:$0x1], $0x80, s11, s13, $0xb8;
	[tilespmem:$0x1E180] =	vst v63  }
0x2c: {  	_ =	swait.ge [sflag:s10], $0xA000  }
0x2d: {  	s18 =	smov.u32 s20;
	s16 =	sadd.s32 $0x1400, s16;
	[sflag:s10] =	ssyncset.done $0x0  }
0x2e: {  	s17 =	sadd.s32 s17, s7;
	[sflag:s10] =	ssyncadd.s32 $0xFFFF6000  }
0x2f: {  	[tilespmem:s11], [sflag:$0x1] =	stream.linear.gather [hbm4b:s17+s3], $0x180, $0x38;
	[tilespmem:$0x1E180] =	vst v63  }
0x30: {  	_ =	swait.ge [sflag:s10], $0x180  }
0x31: {  	[sflag:s10] =	ssyncset.done $0x0  }
0x32: {  	[sflag:s10] =	ssyncadd.s32 $0xFFFFFE80  }
0x33: {  	[tilespmem:s12], [sflag:$0x1] =	stream.linear.gather [hbm4b:s16+s3], $0xA000, $0x38;
	[tilespmem:$0x1E180] =	vst v63  }
0x34: {  	_ =	swait.ge [sflag:s10], $0xA000  }
0x35: {  	[sflag:s10] =	ssyncset.done $0x0  }
0x36: {  	[sflag:s10] =	ssyncadd.s32 $0xFFFF6000  }
0x37: {  	[spmem:s1] =	stream.indirect.scatter.add.f32 [tilespmem:s12], [sflag:$0x1], $0x80, s11, s13, $0xb8;
	[tilespmem:$0x1E180] =	vst v63  }
0x38: {  	_ =	swait.ge [sflag:s10], $0xA000  }
0x39: {  	s15 =	sadd.s32 $0x1, s15;
	[sflag:s10] =	ssyncset.done $0x0  }
0x3a: {  	p0 =	sne.s32 s15, s6;
	[sflag:s10] =	ssyncadd.s32 $0xFFFF6000  }
.Ltmp1:
0x3b: {  	[bflag:$0x0] =	sbarrier.arrive $0xFFFF;
	(pc) =	sbr.rel @p0 .LBB2_1-.Ltmp1, $4  }
0x3c: {  	[hbm:s14], [sflag:s5] =	dma.local [spmem:s9], $0x2800  }
0x3d: {  	_ =	swait.ge [sflag:s10], $0x2800  }
0x3e: {  	[sflag:s10] =	ssyncset.done $0x0  }
0x3f: {  	[sflag:s10] =	ssyncadd.s32 $0xFFFFD800  }
0x40: {  	_ =	sfence.sel $0x180000  }
0x41: {  	[bflag:$0x0] =	sbarrier.arrive $0xFFFF  }
0x42: {  	p0 =	sne.s32 s2, $0x0;
	_ =	strace $0x90000051  }
0x43: {  	s0 =	sadd.s32 @!p0 $0x100000, s0;
	[bflag:$0x2] =	sbarrier.arrive $0xFFFF  }
0x44: {  	[sflag:s0] =	ssyncadd.tile.s32 @!p0 $0x1;
	_ =	shalt  }
.Lfunc_end2:
_tile_overlayer_lowered:
.L_overlay_start_2:
0x45: {  	(tag) =	ssettag $0x2  }
0x46: {  	s0 =	rddreg [dreg:$0x0];
	s2 =	stileid.u32  }
0x47: {  	s1 =	rddreg [dreg:$0x1];
	p0 =	sne.s32 s2, $0x0  }
0x48: {  	s3 =	rddreg [dreg:$0x2];
	[bflag:$0x3] =	sbarrier.arrive $0xFFFF;
	s2 =	simm.s32 @!p0 $0x1C01  }
0x49: {  	[timem:s3], [sflag:s2] =	dma.local @!p0 [hbm:s0], s1  }
0x4a: {  	s0 =	simm.s32 @!p0 $0x1  }
0x4b: {  	_ =	swait.ge @!p0 [sflag:s0], s1  }
0x4c: {  	s1 =	ssub.s32 @!p0 $0x0, s1;
	[sflag:s0] =	ssyncset.done @!p0 $0x0  }
0x4d: {  	[sflag:s0] =	ssyncadd.s32 @!p0 s1  }
0x4e: {  	[bflag:$0x3] =	sbarrier.arrive $0xFFFF  }
0x4f: {  	_ =	shalt  }

// kernel: kernel.26.cloned.1.call-start
scs
__scs_entry_jumppad:
0x0: {  	(pc) =	sbr.rel $0x88, $3  }
0x1: {  	(tag) =	ssettag $0x0;
	lr =	simm.s32 $0x1  }
0x2: {  	[smem:$0x3F97] =	sst lr;
	_ =	strace $0xD0000000  }
0x3: {  	_ = 	snop  }
0x4: {  	_ = 	snop  }
0x5: {  	_ = 	snop  }
0x6: {  	_ = 	snop  }
0x7: {  	_ = 	snop  }
__scs_overlays_trampoline_lowered:
0x8: {  	[smem:$0x3FA6] =	sst s0  }
0x9: {  	[smem:$0x3FA7] =	sst s1  }
0xa: {  	[smem:$0x3FA8] =	sst s2  }
0xb: {  	[smem:$0x3FA9] =	sst s3  }
0xc: {  	[smem:$0x3FAA] =	sst s4  }
0xd: {  	[smem:$0x3FAB] =	sst s5  }
0xe: {  	[smem:$0x3FAC] =	sst s6  }
0xf: {  	[smem:$0x3FAD] =	sst s7  }
0x10: {  	[smem:$0x3FAE] =	sst s8  }
0x11: {  	[smem:$0x3FAF] =	sst s9;
	s0 =	simm.s32 @!p0 $0x0  }
0x12: {  	s1 =	sld [smem:$0x3F95];
	s0 =	simm.s32 @p0 $0x1  }
0x13: {  	[smem:$0x3FB0] =	sst s0;
	s0 =	simm.s32 @!p1 $0x0  }
0x14: {  	s2 =	sld [smem:$0x3F94];
	s0 =	simm.s32 @p1 $0x1  }
0x15: {  	[smem:$0x3FB1] =	sst s0;
	s0 =	simm.s32 @!p2 $0x0  }
0x16: {  	s3 =	sld [smem:$0x3FDB];
	s0 =	simm.s32 @p2 $0x1  }
0x17: {  	s4 =	simm.s32 $0x1BF5;
	[smem:$0x3FB3] =	sst s0  }
0x18: {  	s0 =	sld [smem:$0x3F96];
	_ =	swait.ge [sflag:s4], $0x0  }
0x19: {  	s7 =	sld [smem:$0x3F97]  }
0x1a: {  	s8 =	sadd.s32 $0xFFFFE003, lr  }
0x1b: {  	s9 =	sadd.s32 $0xFFFFFEF7, lr;
	s5 =	simm.s32 $0xFFFFFFFF;
	p2 =	slt.u32 s8, $0xFFFFF086  }
0x1c: {  	p1 =	slt.u32 s9, $0xF7A;
	s5 =	simm.s32 @!p2 $0x0  }
0x1d: {  	s5 =	simm.s32 @p1 $0x1;
	p0 =	seq.s32 s7, s2  }
0x1e: {  	s7 =	smul.u32 @!p0 $0xF7A, s2;
	p2 =	seq.s32 @!p0 s5, $0x0  }
0x1f: {  	s9 =	smul.u32 $0xF7A, s1;
	s8 =	simm.s32 @!p0 $0x1BF5;
	p2 =	por !p2, p0  }
0x20: {  	[sflag:s8] =	ssyncset.s32 @!p0 $0xFFFFF086;
	s6 =	sadd.s32 @!p0 s3, s7;
	s7 =	simm.s32 @!p0 $0x108  }
0x21: {  	s3 =	sadd.s32 s3, s9;
	s6 =	sadd.s32 @!p0 $0x88, s6;
	s7 =	simm.s32 @p2 $0x1082  }
0x22: {  	[simem:s7], [sflag:s8] =	dma.local @!p0 [hbm:s6], $0xF7A  }
0x23: {  	s9 =	sor.u32 $0xD0000000, s2;
	s6 =	simm.s32 $0x108;
	_ =	swait.ge @!p0 [sflag:s8], $0x0  }
0x24: {  	s3 =	sadd.s32 $0x88, s3;
	s6 =	simm.s32 @!p1 $0x1082;
	[sflag:s4] =	ssyncset.s32 $0xFFFFF086  }
0x25: {  	[simem:s6], [sflag:s4] =	dma.local [hbm:s3], $0xF7A  }
0x26: {  	[smem:$0x3F97] =	sst s1;
	(tag) =	ssettag s2;
	_ =	strace s9  }
0x27: {  	s1 =	sld [smem:$0x3FA7]  }
0x28: {  	s2 =	sld [smem:$0x3FA8]  }
0x29: {  	s4 =	sld [smem:$0x3FAA]  }
0x2a: {  	p0 =	seq.s32 s5, $0x0;
	s5 =	sld [smem:$0x3FAB]  }
0x2b: {  	s6 =	sld [smem:$0x3FAC]  }
0x2c: {  	s7 =	sld [smem:$0x3FAD]  }
0x2d: {  	s3 =	simm.s32 $0x108;
	s8 =	sld [smem:$0x3FAE]  }
0x2e: {  	s3 =	simm.s32 @!p0 $0x1082;
	s9 =	sld [smem:$0x3FAF]  }
0x2f: {  	lr =	sadd.s32 s0, s3;
	s0 =	sld [smem:$0x3FA6]  }
0x30: {  	s3 =	sld [smem:$0x3FA9]  }
0x31: {  	[smem:$0x3FB2] =	sst s10  }
0x32: {  	s10 =	sld [smem:$0x3FB0];
	_ =	sdelay $0x3  }
0x33: {  	p0 =	seq.s32 s10, $0x1;
	s10 =	sld [smem:$0x3FB2];
	_ =	sdelay $0x3  }
0x34: {  	[smem:$0x3FB2] =	sst s10  }
0x35: {  	s10 =	sld [smem:$0x3FB1];
	_ =	sdelay $0x3  }
0x36: {  	p1 =	seq.s32 s10, $0x1;
	s10 =	sld [smem:$0x3FB2];
	_ =	sdelay $0x3  }
0x37: {  	[smem:$0x3FB2] =	sst s10  }
0x38: {  	s10 =	sld [smem:$0x3FB3]  }
0x39: {  	_ = 	snop;
	(pc) =	sbr.ind lr, $3  }
0x3a: {  	_ = 	snop  }
0x3b: {  	_ = 	snop  }
0x3c: {  	p2 =	seq.s32 s10, $0x1;
	s10 =	sld [smem:$0x3FB2]  }
0x3d: {  	_ =	shalt  }
0x3e: {  	_ =	shalt  }
0x3f: {  	_ =	shalt  }
0x40: {  	_ =	shalt  }
0x41: {  	_ =	shalt  }
0x42: {  	_ =	shalt  }
0x43: {  	_ =	shalt  }
0x44: {  	_ =	shalt  }
0x45: {  	_ =	shalt  }
0x46: {  	_ =	shalt  }
0x47: {  	_ =	shalt  }
0x48: {  	_ =	shalt  }
0x49: {  	_ =	shalt  }
0x4a: {  	_ =	shalt  }
0x4b: {  	_ =	shalt  }
0x4c: {  	_ =	shalt  }
0x4d: {  	_ =	shalt  }
0x4e: {  	_ =	shalt  }
0x4f: {  	_ =	shalt  }
0x50: {  	_ =	shalt  }
0x51: {  	_ =	shalt  }
0x52: {  	_ =	shalt  }
0x53: {  	_ =	shalt  }
0x54: {  	_ =	shalt  }
0x55: {  	_ =	shalt  }
0x56: {  	_ =	shalt  }
0x57: {  	_ =	shalt  }
0x58: {  	_ =	shalt  }
0x59: {  	_ =	shalt  }
0x5a: {  	_ =	shalt  }
0x5b: {  	_ =	shalt  }
0x5c: {  	_ =	shalt  }
0x5d: {  	_ =	shalt  }
0x5e: {  	_ =	shalt  }
0x5f: {  	_ =	shalt  }
0x60: {  	_ =	shalt  }
0x61: {  	_ =	shalt  }
0x62: {  	_ =	shalt  }
0x63: {  	_ =	shalt  }
0x64: {  	_ =	shalt  }
0x65: {  	_ =	shalt  }
0x66: {  	_ =	shalt  }
0x67: {  	_ =	shalt  }
0x68: {  	_ =	shalt  }
0x69: {  	_ =	shalt  }
0x6a: {  	_ =	shalt  }
0x6b: {  	_ =	shalt  }
0x6c: {  	_ =	shalt  }
0x6d: {  	_ =	shalt  }
0x6e: {  	_ =	shalt  }
0x6f: {  	_ =	shalt  }
0x70: {  	_ =	shalt  }
0x71: {  	_ =	shalt  }
0x72: {  	_ =	shalt  }
0x73: {  	_ =	shalt  }
0x74: {  	_ =	shalt  }
0x75: {  	_ =	shalt  }
0x76: {  	_ =	shalt  }
0x77: {  	_ =	shalt  }
0x78: {  	_ =	shalt  }
0x79: {  	_ =	shalt  }
0x7a: {  	_ =	shalt  }
0x7b: {  	_ =	shalt  }
0x7c: {  	_ =	shalt  }
0x7d: {  	_ =	shalt  }
0x7e: {  	_ =	shalt  }
0x7f: {  	_ =	shalt  }
0x80: {  	_ =	shalt  }
0x81: {  	_ =	shalt  }
0x82: {  	_ =	shalt  }
0x83: {  	_ =	shalt  }
0x84: {  	_ =	shalt  }
0x85: {  	_ =	shalt  }
0x86: {  	_ =	shalt  }
0x87: {  	_ =	shalt  }
.Lfunc_end0:
.L_simem_size_0:
called_computation.2_lowered:
.L_overlay_start_0:
0x88: {  	s2 =	sld [smem:$0x3FD9]  }
0x89: {  	s3 =	sld [smem:$0x3FFE];
	_ =	sdelay $0x1  }
0x8a: {  	s1 =	srdreg.scid  }
0x8b: {  	s0 =	sand.u32 $0x1, s1  }
0x8c: {  	s16 =	sshll.u32 s0, $0xA;
	s2 =	sadd.s32 s3, s2  }
0x8d: {  	s2 =	sadd.s32 s2, s16  }
0x8e: {  	[smem:$0x3FBE] =	sst s2  }
0x8f: {  	_ = 	snop  }
0x90: {  	(tm) =	ssettm $0x1  }
0x91: {  	s17 =	sld [smem:$0x3FFB];
	_ =	sdelay $0x3  }
0x92: {  	_ =	strace s17  }
0x93: {  	s2 =	sld [smem:$0x3FFC];
	_ =	sdelay $0x3  }
0x94: {  	_ =	strace s2  }
0x95: {  	s2 =	sld [smem:$0x3FFD];
	_ =	sdelay $0x3  }
0x96: {  	_ =	strace s2  }
0x97: {  	_ =	strace $0x8FFFFFFF  }
0x98: {  	s18 =	sld [smem:$0x3FDB];
	_ =	sdelay $0x1  }
0x99: {  	s19 =	simm.s32 $_scs_section_size  }
0x9a: {  	s4 =	simm.s32 $_size__tile_overlayer_lowered;
	s5 =	simm.s32 $_tile_overlayer_lowered  }
0x9b: {  	s22 =	simm.s32 $0x1BFF;
	s21 =	sshll.u32 s5, $0x1;
	s2 =	sadd.s32 s19, s18  }
0x9c: {  	s6 =	simm.s32 $0x0;
	s20 =	sshll.u32 s4, $0x1;
	s4 =	sadd.s32 s21, s2  }
0x9d: {  	[timem:s6], [sflag:s22] =	dma.local [hbm:s4], s20  }
0x9e: {  	_ =	swait.ge [sflag:s22], s20  }
0x9f: {  	s3 =	ssub.s32 $0x0, s20;
	[sflag:s22] =	ssyncset.done $0x0  }
0xa0: {  	[sflag:s22] =	ssyncadd.s32 s3;
	_ =	sdelay $0x1  }
0xa1: {  	s23 =	simm.s32 $0x1B8B  }
0xa2: {  	_ =	swait.ge [sflag:s23], $0x1  }
0xa3: {  	[sflag:s23] =	ssyncset.done $0x0  }
0xa4: {  	s25 =	simm.s32 $0x1B8E;
	s24 =	sld [smem:$0x3FFE];
	[sflag:s23] =	ssyncadd.s32 $0xFFFFFFFF  }
0xa5: {  	s26 =	simm.s32 $execute0_lowered;
	[smem:$0x3FD2] =	sst s25  }
0xa6: {  	s4 =	sshll.u32 s26, $0x1;
	_ =	strace $0x80000053;
	[dreg:$0x1] =	wrdreg $0xFFFFFFFF  }
0xa7: {  	s28 =	simm.s32 $_size_execute0_lowered;
	s2 =	sadd.s32 s2, s4;
	[dreg:$0x0] =	wrdreg $0x0  }
0xa8: {  	s4 =	sshll.u32 s28, $0x1;
	[dreg:$0x2] =	wrdreg s2  }
0xa9: {  	[dreg:$0x3] =	wrdreg s4  }
0xaa: {  	[dreg:$0x4] =	wrdreg $0xC0  }
0xab: {  	_ =	task [dreg:s6], $0x5FFFF  }
0xac: {  	[dreg:$0x1] =	wrdreg $0xFFFFFFFF  }
0xad: {  	[dreg:$0x0] =	wrdreg $0x60  }
0xae: {  	[dreg:$0x2] =	wrdreg s24  }
0xaf: {  	[dreg:$0x3] =	wrdreg $0x9  }
0xb0: {  	_ =	task.clear_ibuf [dreg:s6], $0x4FFFF;
	_ =	strace $0x90000053  }
0xb1: {  	s29 =	simm.s32 $0x9;
	_ =	strace $0x8000005C  }
0xb2: {  	_ =	swait.ge [sflag:s29], $0x1  }
0xb3: {  	[sflag:s29] =	ssyncadd.s32 $0xFFFFFFFF  }
0xb4: {  	_ =	strace $0x9000005C  }
0xb5: {  	_ =	sfence  }
0xb6: {  	s30 =	sld [smem:$0x0];
	_ =	sdelay $0x2  }
0xb7: {  	s31 =	sshll.u32 s1, $0xD;
	s1 =	sshrl.u32 s1, $0x2  }
0xb8: {  	s3 =	sand.u32 $0x4000, s31;
	s1 =	sadd.s32 s1, s30  }
0xb9: {  	s0 =	sor.u32 s3, s0;
	s1 =	sshll.u32 s1, $0x11  }
0xba: {  	s0 =	sor.u32 s1, s0  }
0xbb: {  	s0 =	sadd.s32 $0x8F2B, s0  }
0xbc: {  	[sflag:s0] =	ssyncadd.remote.s32 $0x1  }
0xbd: {  	_ =	sfence.sel $0xFFFF  }
0xbe: {  	[dreg:$0x0] =	wrdreg $0xFFFFFFFF;
	(pc) =	sbr.abs _section_cstart, $3  }
0xbf: {  	[dreg:$0x1] =	wrdreg $0xFFFFFFFF  }
0xc0: {  	_ =	task.clear_ibuf [dreg:s6], $0x2FFFF;
	_ =	strace $0x9FFFFFFF  }
0xc1: {  	(tm) =	ssettm $0x7FFFFFFF  }
tec
execute0_lowered:
.L_overlay_start_1:
0x0: {  	(tag) =	ssettag $0x1  }
0x1: {  	s3 =	rddreg [dreg:$0x0]  }
0x2: {  	s1 =	simm.s32 $0x0;
	s4 =	srdreg.scid;
	s8 =	simm.s32 $0x100  }
0x3: {  	s9 =	simm.s32 $0x5;
	s10 =	simm.s32 $0x4;
	[smem:$0x7FF] =	sst s1  }
0x4: {  	s11 =	simm.s32 $0x0;
	s2 =	sadd.s32 $0x5EC400, s3;
	s5 =	sadd.s32 $0x5C4400, s3  }
0x5: {  	s4 =	sand.u32 $0x1, s4;
	s30 =	sadd.s32 $0xC000, s3;
	_ =	strace $0x80000054  }
0x6: {  	[dreg:$0x2] =	wrdreg s2;
	s2 =	stileid.u32;
	s6 =	sshll.u32 s4, $0x4  }
0x7: {  	s3 =	sadd.s32 $0x5BF400, s3;
	s4 =	ssub.s32 $0x2, s4;
	s29 =	sor.u32 s2, s6  }
0x8: {  	[dreg:$0x3] =	wrdreg s5;
	s31 =	sshrl.u32 s4, $0x1;
	s7 =	smul.u32 $0x280, s29  }
0x9: {  	[dreg:$0x4] =	wrdreg s30;
	s6 =	ssub.s32 s4, s31;
	s4 =	smul.u32 $0x14, s29  }
0xa: {  	s6 =	smax.u32 s6, $0x1;
	s5 =	sadd.s32 s3, s7;
	s7 =	simm.s32 $0x1  }
.LBB2_1:
0xb: {  	_ =	strace $0x80000055;
	s12 =	simm.s32 $0x1;
	p0 =	por $0x0, $0x0  }
0xc: {  	[tilespmem:s1], [sflag:$0x1] =	stream.linear.gather [hbm4b:s5+s1], $0x100, $0x200038;
	[tilespmem:$0x10200] =	vst v63  }
0xd: {  	s12 =	simm.s32 @p0 $0x0  }
0xe: {  	p1 =	por $0x1, $0x1;
	p0 =	sne.s32 s12, $0x0  }
0xf: {  	p1 =	por !p1, !p0  }
0x10: {  	s21 =	sand.u32 $0x1, s1;
	p1 =	por !p1, !p1  }
0x11: {  	s26 =	simm.s32 $0x0;
	s20 =	sadd.s32 $0x0, s4;
	s13 =	sadd.s32 @p1 s4, s12  }
0x12: {  	_ =	strace $0x90000055;
	s14 =	sand.u32 @p1 $0x1, s7;
	s13 =	sshll.u32 @p1 s13, $0x5  }
0x13: {  	s15 =	simm.s32 @p1 $0x0;
	_ =	strace @p1 $0x80000056;
	s13 =	sand.u32 @p1 $0x1FFFFFE0, s13  }
0x14: {  	s16 =	sshll.u32 @p1 s14, $0x8;
	s14 =	sadd.s32 @p1 $0x1, s14;
	s13 =	sadd.s32 @p1 s3, s13  }
0x15: {  	[tilespmem:s16], [sflag:s14] =	stream.linear.gather @p1 [hbm4b:s13+s15], $0x100, $0x200038;
	[tilespmem:$0x10200] =	vst v63  }
0x16: {  	p5 =	por $0x0, $0x0;
	p3 =	por $0x0, $0x0;
	_ =	strace @p1 $0x90000056  }
0x17: {  	p6 =	por $0x1, $0x1;
	s24 =	sadd.s32 $0x1, s21;
	_ =	strace $0x80000057  }
0x18: {  	s23 =	simm.s32 $0x1;
	s31 =	sshll.u32 s21, $0xF;
	_ =	swait.ge [sflag:s24], $0x100  }
0x19: {  	s22 =	sor.u32 $0x200, s31;
	s18 =	sadd.s32 $0x1, s12;
	[sflag:s24] =	ssyncset.done $0x0  }
0x1a: {  	p2 =	por p5, p0;
	p0 =	seq.s32 s18, $0x14;
	[sflag:s24] =	ssyncadd.s32 $0xFFFFFF00  }
0x1b: {  	s18 =	simm.s32 @p0 $0x0;
	s29 =	simm.s32 @p2 $0x0;
	_ =	strace $0x90000057  }
0x1c: {  	p0 =	sne.s32 s12, s18;
	s14 =	sand.u32 $0x100, s26;
	_ =	strace $0x80000058  }
0x1d: {  	s13 =	simm.s32 $0x13;
	s16 =	simm.s32 $0x1;
	s25 =	rddreg [dreg:$0x2]  }
0x1e: {  	[tilespmem:s22], [sflag:$0x5] =	stream.indirect.gather [hbm4b:s25+s8], $0x80, s14, s8, $0x2000b8;
	[tilespmem:$0x10200] =	vst v63  }
0x1f: {  	s15 =	simm.s32 $0x12;
	s16 =	simm.s32 @!p1 $0x0;
	_ =	swait.ge [sflag:s9], $0x8000  }
0x20: {  	p1 =	por $0x1, $0x1;
	s19 =	sadd.s32 $0x1, s16;
	[sflag:s9] =	ssyncset.done $0x0  }
0x21: {  	s16 =	simm.s32 $0x0;
	s17 =	rddreg [dreg:$0x3];
	[sflag:s9] =	ssyncadd.s32 $0xFFFF8000  }
0x22: {  	[tilespmem:s22], [sflag:$0x5] =	stream.indirect.gather.add.f32 [hbm:s17], $0x80, s14, s8, $0x2000b8;
	[tilespmem:$0x10200] =	vst v63  }
0x23: {  	s24 =	sshll.u32 @p2 s20, $0xC;
	s20 =	simm.s32 $0x0;
	_ =	swait.ge [sflag:s9], $0x8000  }
0x24: {  	s17 =	simm.s32 $0x1;
	s14 =	sand.u32 @!p1 $0x1, s1;
	[sflag:s9] =	ssyncset.done $0x0  }
0x25: {  	s17 =	simm.s32 @!p3 $0x0;
	p3 =	por !p6, !p0;
	[sflag:s9] =	ssyncadd.s32 $0xFFFF8000  }
0x26: {  	s25 =	sadd.s32 @!p1 $0x3, s14;
	p4 =	por !p3, !p3;
	_ =	strace $0x90000058  }
0x27: {  	s14 =	simm.s32 $0x0;
	s26 =	sand.u32 @p4 $0x1, s19;
	_ =	strace @p2 $0x80000059  }
0x28: {  	s28 =	sadd.s32 @p4 s4, s18;
	s23 =	simm.s32 @!p4 $0x0;
	s30 =	rddreg [dreg:$0x4]  }
.LBB2_2:
0x29: {  	s0 =	sand.u32 @p2 $0x1FFFF000, s24  }
0x2a: {  	s31 =	sshll.u32 @p4 s28, $0x5;
	s21 =	sadd.s32 @p2 $0x3, s21;
	s0 =	sadd.s32 @p2 s30, s0  }
0x2b: {  	[hbm4b:s0+s29] =	stream.linear.scatter @p2 [tilespmem:s22], [sflag:s21], $0x8000, $0x200038;
	[tilespmem:$0x10200] =	vst v63  }
0x2c: {  	s24 =	smov.u32 s13;
	s13 =	smov.u32 s15;
	_ =	strace @p2 $0x90000059  }
0x2d: {  	s28 =	smov.u32 s12;
	s15 =	sadd.s32 $0xFFFFFFFF, s15;
	_ =	strace @!p1 $0x8000005A  }
0x2e: {  	s14 =	sadd.s32 s17, s14;
	s17 =	simm.s32 @p4 $0x0;
	_ =	swait.ge @!p1 [sflag:s25], $0x8000  }
0x2f: {  	s19 =	sadd.s32 s23, s19;
	s30 =	simm.s32 $0x1;
	[sflag:s25] =	ssyncset.done @!p1 $0x0  }
0x30: {  	s12 =	sand.u32 @p4 $0x1FFFFFE0, s31;
	s30 =	simm.s32 @!p2 $0x0;
	[sflag:s25] =	ssyncadd.s32 @!p1 $0xFFFF8000  }
0x31: {  	s0 =	sadd.s32 @p4 s3, s12;
	s22 =	sshll.u32 @p4 s26, $0x8;
	_ =	strace @!p1 $0x9000005A  }
0x32: {  	s20 =	sadd.s32 s30, s20;
	s25 =	sadd.s32 @p4 $0x1, s26;
	_ =	strace @p4 $0x80000056  }
0x33: {  	[tilespmem:s22], [sflag:s25] =	stream.linear.gather @p4 [hbm4b:s0+s17], $0x100, $0x200038;
	[tilespmem:$0x10200] =	vst v63  }
0x34: {  	s23 =	simm.s32 $0x1;
	s31 =	sand.u32 $0x1, s20;
	_ =	strace @p4 $0x90000056  }
0x35: {  	p3 =	sne.s32 s15, $0x0;
	s26 =	sadd.s32 $0x1, s31;
	_ =	strace $0x80000057  }
0x36: {  	p5 =	seq.s32 s24, $0x1;
	s12 =	smov.u32 s18;
	_ =	swait.ge [sflag:s26], $0x100  }
0x37: {  	s18 =	sadd.s32 $0x1, s18;
	s16 =	sadd.s32 s30, s16;
	[sflag:s26] =	ssyncset.done $0x0  }
0x38: {  	p2 =	por p5, p0;
	p0 =	seq.s32 s18, $0x14;
	[sflag:s26] =	ssyncadd.s32 $0xFFFFFF00  }
0x39: {  	s29 =	sshll.u32 s20, $0x8;
	s21 =	sand.u32 $0x1, s16;
	_ =	strace $0x90000057  }
0x3a: {  	s18 =	simm.s32 @p0 $0x0;
	s22 =	sshll.u32 s21, $0xF;
	_ =	strace $0x80000058  }
0x3b: {  	s25 =	sand.u32 $0x100, s29;
	s22 =	sor.u32 $0x200, s22;
	s31 =	rddreg [dreg:$0x2]  }
0x3c: {  	[tilespmem:s22], [sflag:$0x5] =	stream.indirect.gather [hbm4b:s31+s8], $0x80, s25, s8, $0x2000b8;
	[tilespmem:$0x10200] =	vst v63  }
0x3d: {  	p6 =	sne.s32 s13, $0x1;
	p0 =	sne.s32 s12, s18;
	_ =	swait.ge [sflag:s9], $0x8000  }
0x3e: {  	p1 =	seq.s32 s24, $0x14;
	s17 =	simm.s32 $0x1;
	[sflag:s9] =	ssyncset.done $0x0  }
0x3f: {  	p4 =	sne.s32 s24, $0x14;
	s31 =	rddreg [dreg:$0x3];
	[sflag:s9] =	ssyncadd.s32 $0xFFFF8000  }
0x40: {  	[tilespmem:s22], [sflag:$0x5] =	stream.indirect.gather.add.f32 [hbm:s31], $0x80, s25, s8, $0x2000b8;
	[tilespmem:$0x10200] =	vst v63  }
0x41: {  	s0 =	sand.u32 @!p1 $0x1, s14;
	s17 =	simm.s32 @!p4 $0x0;
	_ =	swait.ge [sflag:s9], $0x8000  }
.Ltmp0:
0x42: {  	p4 =	por !p6, !p0;
	[sflag:s9] =	ssyncset.done $0x0;
	(pc) =	sbr.rel @p3 .LBB2_2-.Ltmp0, $4  }
0x43: {  	s29 =	simm.s32 @p2 $0x0;
	p4 =	por !p4, !p4;
	[sflag:s9] =	ssyncadd.s32 $0xFFFF8000  }
0x44: {  	s23 =	simm.s32 @!p4 $0x0;
	s26 =	sadd.s32 s4, s28;
	_ =	strace $0x90000058  }
0x45: {  	s28 =	sadd.s32 @p4 s4, s18;
	s24 =	sshll.u32 @p2 s26, $0xC;
	_ =	strace @p2 $0x80000059  }
0x46: {  	s26 =	sand.u32 @p4 $0x1, s19;
	s25 =	sadd.s32 @!p1 $0x3, s0;
	s30 =	rddreg [dreg:$0x4]  }
0x47: {  	s0 =	sand.u32 @p2 $0x1FFFF000, s24  }
0x48: {  	s15 =	sadd.s32 @p2 $0x3, s21;
	s0 =	sadd.s32 @p2 s30, s0  }
0x49: {  	[hbm4b:s0+s29] =	stream.linear.scatter @p2 [tilespmem:s22], [sflag:s15], $0x8000, $0x200038;
	[tilespmem:$0x10200] =	vst v63  }
0x4a: {  	_ =	strace @p2 $0x90000059  }
0x4b: {  	_ =	strace @!p1 $0x8000005A  }
0x4c: {  	s19 =	simm.s32 @p4 $0x0;
	_ =	swait.ge @!p1 [sflag:s25], $0x8000  }
0x4d: {  	s21 =	sadd.s32 @p4 $0x1, s26;
	s0 =	sshll.u32 @p4 s28, $0x5;
	[sflag:s25] =	ssyncset.done @!p1 $0x0  }
0x4e: {  	s15 =	simm.s32 $0x1;
	s0 =	sand.u32 @p4 $0x1FFFFFE0, s0;
	[sflag:s25] =	ssyncadd.s32 @!p1 $0xFFFF8000  }
0x4f: {  	s15 =	simm.s32 @!p2 $0x0;
	s0 =	sadd.s32 @p4 s3, s0;
	_ =	strace @!p1 $0x9000005A  }
0x50: {  	s18 =	sadd.s32 s15, s20;
	s20 =	sshll.u32 @p4 s26, $0x8;
	_ =	strace @p4 $0x80000056  }
0x51: {  	[tilespmem:s20], [sflag:s21] =	stream.linear.gather @p4 [hbm4b:s0+s19], $0x100, $0x200038;
	[tilespmem:$0x10200] =	vst v63  }
0x52: {  	s25 =	sand.u32 $0x1, s18;
	_ =	strace @p4 $0x90000056  }
0x53: {  	s0 =	sadd.s32 $0x1, s25;
	_ =	strace $0x80000057  }
0x54: {  	_ =	swait.ge [sflag:s0], $0x100  }
0x55: {  	[sflag:s0] =	ssyncset.done $0x0  }
0x56: {  	s26 =	sadd.s32 s15, s16;
	[sflag:s0] =	ssyncadd.s32 $0xFFFFFF00  }
0x57: {  	s0 =	sand.u32 $0x1, s26;
	_ =	strace $0x90000057  }
0x58: {  	s29 =	sshll.u32 s18, $0x8;
	s30 =	sshll.u32 s0, $0xF;
	_ =	strace $0x80000058  }
0x59: {  	s16 =	sand.u32 $0x100, s29;
	s18 =	sor.u32 $0x200, s30;
	s28 =	rddreg [dreg:$0x2]  }
0x5a: {  	[tilespmem:s18], [sflag:$0x5] =	stream.indirect.gather [hbm4b:s28+s8], $0x80, s16, s8, $0x2000b8;
	[tilespmem:$0x10200] =	vst v63  }
0x5b: {  	_ =	swait.ge [sflag:s9], $0x8000  }
0x5c: {  	[sflag:s9] =	ssyncset.done $0x0  }
0x5d: {  	s31 =	rddreg [dreg:$0x3];
	[sflag:s9] =	ssyncadd.s32 $0xFFFF8000  }
0x5e: {  	[tilespmem:s18], [sflag:$0x5] =	stream.indirect.gather.add.f32 [hbm:s31], $0x80, s16, s8, $0x2000b8;
	[tilespmem:$0x10200] =	vst v63  }
0x5f: {  	_ =	swait.ge [sflag:s9], $0x8000  }
0x60: {  	[sflag:s9] =	ssyncset.done $0x0  }
0x61: {  	p6 =	seq.s32 s13, $0x1;
	[sflag:s9] =	ssyncadd.s32 $0xFFFF8000  }
0x62: {  	s12 =	sadd.s32 s4, s12;
	p0 =	por p6, p0;
	_ =	strace $0x90000058  }
0x63: {  	s14 =	sadd.s32 s17, s14;
	s12 =	sshll.u32 @p0 s12, $0xC;
	_ =	strace @p0 $0x80000059  }
0x64: {  	s12 =	sand.u32 @p0 $0x1FFFF000, s12;
	p1 =	seq.s32 s13, $0x14;
	s15 =	rddreg [dreg:$0x4]  }
0x65: {  	s13 =	simm.s32 @p0 $0x0;
	s0 =	sadd.s32 @p0 $0x3, s0;
	s12 =	sadd.s32 @p0 s15, s12  }
0x66: {  	[hbm4b:s12+s13] =	stream.linear.scatter @p0 [tilespmem:s18], [sflag:s0], $0x8000, $0x200038;
	[tilespmem:$0x10200] =	vst v63  }
0x67: {  	s0 =	sand.u32 @!p1 $0x1, s14;
	_ =	strace @p0 $0x90000059  }
0x68: {  	s0 =	sadd.s32 @!p1 $0x3, s0;
	_ =	strace @!p1 $0x8000005A  }
0x69: {  	_ =	swait.ge @!p1 [sflag:s0], $0x8000  }
0x6a: {  	[sflag:s0] =	ssyncset.done @!p1 $0x0  }
0x6b: {  	s11 =	sadd.s32 $0x1, s11;
	[sflag:s0] =	ssyncadd.s32 @!p1 $0xFFFF8000  }
0x6c: {  	p0 =	sne.s32 s11, s6;
	_ =	strace @!p1 $0x9000005A  }
.Ltmp1:
0x6d: {  	_ =	strace $0x8000005B;
	(pc) =	sbr.rel @p0 .LBB2_1-.Ltmp1, $4  }
0x6e: {  	_ =	swait.ge [sflag:s10], $0x8000  }
0x6f: {  	[sflag:s10] =	ssyncset.done $0x0  }
0x70: {  	[sflag:s10] =	ssyncadd.s32 $0xFFFF8000  }
0x71: {  	_ =	strace $0x9000005B  }
0x72: {  	_ =	sfence.sel $0x180000  }
0x73: {  	[bflag:$0x0] =	sbarrier.arrive $0xFFFF  }
0x74: {  	_ =	strace $0x90000054  }
0x75: {  	[bflag:$0x2] =	sbarrier.arrive $0xFFFF  }
0x76: {  	p0 =	sne.s32 s2, $0x0;
	s0 =	rddreg [dreg:$0x1]  }
0x77: {  	s0 =	sadd.s32 @!p0 $0x100000, s0  }
0x78: {  	[sflag:s0] =	ssyncadd.tile.s32 @!p0 $0x1;
	_ =	shalt  }
.Lfunc_end2:
_tile_overlayer_lowered:
.L_overlay_start_2:
0x79: {  	(tag) =	ssettag $0x2  }
0x7a: {  	s0 =	rddreg [dreg:$0x0];
	s2 =	stileid.u32  }
0x7b: {  	s1 =	rddreg [dreg:$0x1];
	p0 =	sne.s32 s2, $0x0  }
0x7c: {  	s3 =	rddreg [dreg:$0x2];
	[bflag:$0x3] =	sbarrier.arrive $0xFFFF;
	s2 =	simm.s32 @!p0 $0x1C01  }
0x7d: {  	[timem:s3], [sflag:s2] =	dma.local @!p0 [hbm:s0], s1  }
0x7e: {  	s0 =	simm.s32 @!p0 $0x1  }
0x7f: {  	_ =	swait.ge @!p0 [sflag:s0], s1  }
0x80: {  	s1 =	ssub.s32 @!p0 $0x0, s1;
	[sflag:s0] =	ssyncset.done @!p0 $0x0  }
0x81: {  	[sflag:s0] =	ssyncadd.s32 @!p0 s1  }
0x82: {  	[bflag:$0x3] =	sbarrier.arrive $0xFFFF  }
0x83: {  	_ =	shalt  }

// kernel: kernel.29.cloned.1.call-start
scs
__scs_entry_jumppad:
0x0: {  	(pc) =	sbr.rel $0x88, $3  }
0x1: {  	(tag) =	ssettag $0x0;
	lr =	simm.s32 $0x1  }
0x2: {  	[smem:$0x3F97] =	sst lr;
	_ =	strace $0xD0000000  }
0x3: {  	_ = 	snop  }
0x4: {  	_ = 	snop  }
0x5: {  	_ = 	snop  }
0x6: {  	_ = 	snop  }
0x7: {  	_ = 	snop  }
__scs_overlays_trampoline_lowered:
0x8: {  	[smem:$0x3FA6] =	sst s0  }
0x9: {  	[smem:$0x3FA7] =	sst s1  }
0xa: {  	[smem:$0x3FA8] =	sst s2  }
0xb: {  	[smem:$0x3FA9] =	sst s3  }
0xc: {  	[smem:$0x3FAA] =	sst s4  }
0xd: {  	[smem:$0x3FAB] =	sst s5  }
0xe: {  	[smem:$0x3FAC] =	sst s6  }
0xf: {  	[smem:$0x3FAD] =	sst s7  }
0x10: {  	[smem:$0x3FAE] =	sst s8  }
0x11: {  	[smem:$0x3FAF] =	sst s9;
	s0 =	simm.s32 @!p0 $0x0  }
0x12: {  	s1 =	sld [smem:$0x3F95];
	s0 =	simm.s32 @p0 $0x1  }
0x13: {  	[smem:$0x3FB0] =	sst s0;
	s0 =	simm.s32 @!p1 $0x0  }
0x14: {  	s2 =	sld [smem:$0x3F94];
	s0 =	simm.s32 @p1 $0x1  }
0x15: {  	[smem:$0x3FB1] =	sst s0;
	s0 =	simm.s32 @!p2 $0x0  }
0x16: {  	s3 =	sld [smem:$0x3FDB];
	s0 =	simm.s32 @p2 $0x1  }
0x17: {  	s4 =	simm.s32 $0x1BF5;
	[smem:$0x3FB3] =	sst s0  }
0x18: {  	s0 =	sld [smem:$0x3F96];
	_ =	swait.ge [sflag:s4], $0x0  }
0x19: {  	s7 =	sld [smem:$0x3F97]  }
0x1a: {  	s8 =	sadd.s32 $0xFFFFE003, lr  }
0x1b: {  	s9 =	sadd.s32 $0xFFFFFEF7, lr;
	s5 =	simm.s32 $0xFFFFFFFF;
	p2 =	slt.u32 s8, $0xFFFFF086  }
0x1c: {  	p1 =	slt.u32 s9, $0xF7A;
	s5 =	simm.s32 @!p2 $0x0  }
0x1d: {  	s5 =	simm.s32 @p1 $0x1;
	p0 =	seq.s32 s7, s2  }
0x1e: {  	s7 =	smul.u32 @!p0 $0xF7A, s2;
	p2 =	seq.s32 @!p0 s5, $0x0  }
0x1f: {  	s9 =	smul.u32 $0xF7A, s1;
	s8 =	simm.s32 @!p0 $0x1BF5;
	p2 =	por !p2, p0  }
0x20: {  	[sflag:s8] =	ssyncset.s32 @!p0 $0xFFFFF086;
	s6 =	sadd.s32 @!p0 s3, s7;
	s7 =	simm.s32 @!p0 $0x108  }
0x21: {  	s3 =	sadd.s32 s3, s9;
	s6 =	sadd.s32 @!p0 $0x88, s6;
	s7 =	simm.s32 @p2 $0x1082  }
0x22: {  	[simem:s7], [sflag:s8] =	dma.local @!p0 [hbm:s6], $0xF7A  }
0x23: {  	s9 =	sor.u32 $0xD0000000, s2;
	s6 =	simm.s32 $0x108;
	_ =	swait.ge @!p0 [sflag:s8], $0x0  }
0x24: {  	s3 =	sadd.s32 $0x88, s3;
	s6 =	simm.s32 @!p1 $0x1082;
	[sflag:s4] =	ssyncset.s32 $0xFFFFF086  }
0x25: {  	[simem:s6], [sflag:s4] =	dma.local [hbm:s3], $0xF7A  }
0x26: {  	[smem:$0x3F97] =	sst s1;
	(tag) =	ssettag s2;
	_ =	strace s9  }
0x27: {  	s1 =	sld [smem:$0x3FA7]  }
0x28: {  	s2 =	sld [smem:$0x3FA8]  }
0x29: {  	s4 =	sld [smem:$0x3FAA]  }
0x2a: {  	p0 =	seq.s32 s5, $0x0;
	s5 =	sld [smem:$0x3FAB]  }
0x2b: {  	s6 =	sld [smem:$0x3FAC]  }
0x2c: {  	s7 =	sld [smem:$0x3FAD]  }
0x2d: {  	s3 =	simm.s32 $0x108;
	s8 =	sld [smem:$0x3FAE]  }
0x2e: {  	s3 =	simm.s32 @!p0 $0x1082;
	s9 =	sld [smem:$0x3FAF]  }
0x2f: {  	lr =	sadd.s32 s0, s3;
	s0 =	sld [smem:$0x3FA6]  }
0x30: {  	s3 =	sld [smem:$0x3FA9]  }
0x31: {  	[smem:$0x3FB2] =	sst s10  }
0x32: {  	s10 =	sld [smem:$0x3FB0];
	_ =	sdelay $0x3  }
0x33: {  	p0 =	seq.s32 s10, $0x1;
	s10 =	sld [smem:$0x3FB2];
	_ =	sdelay $0x3  }
0x34: {  	[smem:$0x3FB2] =	sst s10  }
0x35: {  	s10 =	sld [smem:$0x3FB1];
	_ =	sdelay $0x3  }
0x36: {  	p1 =	seq.s32 s10, $0x1;
	s10 =	sld [smem:$0x3FB2];
	_ =	sdelay $0x3  }
0x37: {  	[smem:$0x3FB2] =	sst s10  }
0x38: {  	s10 =	sld [smem:$0x3FB3]  }
0x39: {  	_ = 	snop;
	(pc) =	sbr.ind lr, $3  }
0x3a: {  	_ = 	snop  }
0x3b: {  	_ = 	snop  }
0x3c: {  	p2 =	seq.s32 s10, $0x1;
	s10 =	sld [smem:$0x3FB2]  }
0x3d: {  	_ =	shalt  }
0x3e: {  	_ =	shalt  }
0x3f: {  	_ =	shalt  }
0x40: {  	_ =	shalt  }
0x41: {  	_ =	shalt  }
0x42: {  	_ =	shalt  }
0x43: {  	_ =	shalt  }
0x44: {  	_ =	shalt  }
0x45: {  	_ =	shalt  }
0x46: {  	_ =	shalt  }
0x47: {  	_ =	shalt  }
0x48: {  	_ =	shalt  }
0x49: {  	_ =	shalt  }
0x4a: {  	_ =	shalt  }
0x4b: {  	_ =	shalt  }
0x4c: {  	_ =	shalt  }
0x4d: {  	_ =	shalt  }
0x4e: {  	_ =	shalt  }
0x4f: {  	_ =	shalt  }
0x50: {  	_ =	shalt  }
0x51: {  	_ =	shalt  }
0x52: {  	_ =	shalt  }
0x53: {  	_ =	shalt  }
0x54: {  	_ =	shalt  }
0x55: {  	_ =	shalt  }
0x56: {  	_ =	shalt  }
0x57: {  	_ =	shalt  }
0x58: {  	_ =	shalt  }
0x59: {  	_ =	shalt  }
0x5a: {  	_ =	shalt  }
0x5b: {  	_ =	shalt  }
0x5c: {  	_ =	shalt  }
0x5d: {  	_ =	shalt  }
0x5e: {  	_ =	shalt  }
0x5f: {  	_ =	shalt  }
0x60: {  	_ =	shalt  }
0x61: {  	_ =	shalt  }
0x62: {  	_ =	shalt  }
0x63: {  	_ =	shalt  }
0x64: {  	_ =	shalt  }
0x65: {  	_ =	shalt  }
0x66: {  	_ =	shalt  }
0x67: {  	_ =	shalt  }
0x68: {  	_ =	shalt  }
0x69: {  	_ =	shalt  }
0x6a: {  	_ =	shalt  }
0x6b: {  	_ =	shalt  }
0x6c: {  	_ =	shalt  }
0x6d: {  	_ =	shalt  }
0x6e: {  	_ =	shalt  }
0x6f: {  	_ =	shalt  }
0x70: {  	_ =	shalt  }
0x71: {  	_ =	shalt  }
0x72: {  	_ =	shalt  }
0x73: {  	_ =	shalt  }
0x74: {  	_ =	shalt  }
0x75: {  	_ =	shalt  }
0x76: {  	_ =	shalt  }
0x77: {  	_ =	shalt  }
0x78: {  	_ =	shalt  }
0x79: {  	_ =	shalt  }
0x7a: {  	_ =	shalt  }
0x7b: {  	_ =	shalt  }
0x7c: {  	_ =	shalt  }
0x7d: {  	_ =	shalt  }
0x7e: {  	_ =	shalt  }
0x7f: {  	_ =	shalt  }
0x80: {  	_ =	shalt  }
0x81: {  	_ =	shalt  }
0x82: {  	_ =	shalt  }
0x83: {  	_ =	shalt  }
0x84: {  	_ =	shalt  }
0x85: {  	_ =	shalt  }
0x86: {  	_ =	shalt  }
0x87: {  	_ =	shalt  }
.Lfunc_end0:
.L_simem_size_0:
called_computation.3_lowered:
.L_overlay_start_0:
0x88: {  	s2 =	sld [smem:$0x3FD9]  }
0x89: {  	s3 =	sld [smem:$0x3FFE];
	_ =	sdelay $0x1  }
0x8a: {  	s1 =	srdreg.scid  }
0x8b: {  	s0 =	sand.u32 $0x1, s1  }
0x8c: {  	s16 =	sshll.u32 s0, $0xA;
	s2 =	sadd.s32 s3, s2  }
0x8d: {  	s2 =	sadd.s32 s2, s16  }
0x8e: {  	[smem:$0x3FBE] =	sst s2  }
0x8f: {  	_ = 	snop  }
0x90: {  	(tm) =	ssettm $0x1  }
0x91: {  	s17 =	sld [smem:$0x3FFB];
	_ =	sdelay $0x3  }
0x92: {  	_ =	strace s17  }
0x93: {  	s2 =	sld [smem:$0x3FFC];
	_ =	sdelay $0x3  }
0x94: {  	_ =	strace s2  }
0x95: {  	s2 =	sld [smem:$0x3FFD];
	_ =	sdelay $0x3  }
0x96: {  	_ =	strace s2  }
0x97: {  	_ =	strace $0x8FFFFFFF  }
0x98: {  	s18 =	sld [smem:$0x3FDB];
	_ =	sdelay $0x1  }
0x99: {  	s19 =	simm.s32 $_scs_section_size  }
0x9a: {  	s4 =	simm.s32 $_size__tile_overlayer_lowered;
	s5 =	simm.s32 $_tile_overlayer_lowered  }
0x9b: {  	s22 =	simm.s32 $0x1BFF;
	s21 =	sshll.u32 s5, $0x1;
	s2 =	sadd.s32 s19, s18  }
0x9c: {  	s6 =	simm.s32 $0x0;
	s20 =	sshll.u32 s4, $0x1;
	s4 =	sadd.s32 s21, s2  }
0x9d: {  	[timem:s6], [sflag:s22] =	dma.local [hbm:s4], s20  }
0x9e: {  	_ =	swait.ge [sflag:s22], s20  }
0x9f: {  	s3 =	ssub.s32 $0x0, s20;
	[sflag:s22] =	ssyncset.done $0x0  }
0xa0: {  	[sflag:s22] =	ssyncadd.s32 s3;
	_ =	sdelay $0x1  }
0xa1: {  	s23 =	simm.s32 $0x1B8B  }
0xa2: {  	_ =	swait.ge [sflag:s23], $0x1  }
0xa3: {  	[sflag:s23] =	ssyncset.done $0x0  }
0xa4: {  	s25 =	simm.s32 $0x1B8E;
	s24 =	sld [smem:$0x3FFE];
	[sflag:s23] =	ssyncadd.s32 $0xFFFFFFFF  }
0xa5: {  	s26 =	simm.s32 $execute0_lowered;
	[smem:$0x3FD2] =	sst s25  }
0xa6: {  	s4 =	sshll.u32 s26, $0x1;
	_ =	strace $0x8000005D;
	[dreg:$0x1] =	wrdreg $0xFFFFFFFF  }
0xa7: {  	s28 =	simm.s32 $_size_execute0_lowered;
	s2 =	sadd.s32 s2, s4;
	[dreg:$0x0] =	wrdreg $0x0  }
0xa8: {  	s4 =	sshll.u32 s28, $0x1;
	[dreg:$0x2] =	wrdreg s2  }
0xa9: {  	[dreg:$0x3] =	wrdreg s4  }
0xaa: {  	[dreg:$0x4] =	wrdreg $0xC0  }
0xab: {  	_ =	task [dreg:s6], $0x5FFFF  }
0xac: {  	[dreg:$0x1] =	wrdreg $0xFFFFFFFF  }
0xad: {  	[dreg:$0x0] =	wrdreg $0x60  }
0xae: {  	[dreg:$0x2] =	wrdreg s24  }
0xaf: {  	[dreg:$0x3] =	wrdreg $0x0  }
0xb0: {  	[dreg:$0x4] =	wrdreg $0x9  }
0xb1: {  	_ =	task.clear_ibuf [dreg:s6], $0x5FFFF;
	_ =	strace $0x9000005D  }
0xb2: {  	s29 =	simm.s32 $0x9;
	_ =	strace $0x8000005F  }
0xb3: {  	_ =	swait.ge [sflag:s29], $0x1  }
0xb4: {  	[sflag:s29] =	ssyncadd.s32 $0xFFFFFFFF  }
0xb5: {  	_ =	strace $0x9000005F  }
0xb6: {  	_ =	sfence  }
0xb7: {  	s30 =	sld [smem:$0x0];
	_ =	sdelay $0x2  }
0xb8: {  	s31 =	sshll.u32 s1, $0xD;
	s1 =	sshrl.u32 s1, $0x2  }
0xb9: {  	s3 =	sand.u32 $0x4000, s31;
	s1 =	sadd.s32 s1, s30  }
0xba: {  	s0 =	sor.u32 s3, s0;
	s1 =	sshll.u32 s1, $0x11  }
0xbb: {  	s0 =	sor.u32 s1, s0  }
0xbc: {  	s0 =	sadd.s32 $0x8F2B, s0  }
0xbd: {  	[sflag:s0] =	ssyncadd.remote.s32 $0x1  }
0xbe: {  	_ =	sfence.sel $0xFFFF  }
0xbf: {  	[dreg:$0x0] =	wrdreg $0xFFFFFFFF;
	(pc) =	sbr.abs _section_cstart, $3  }
0xc0: {  	[dreg:$0x1] =	wrdreg $0xFFFFFFFF  }
0xc1: {  	_ =	task.clear_ibuf [dreg:s6], $0x2FFFF;
	_ =	strace $0x9FFFFFFF  }
0xc2: {  	(tm) =	ssettm $0x7FFFFFFF  }
0xc3: {  	_ =	shalt  }
tec
execute0_lowered:
.L_overlay_start_1:
0x0: {  	(tag) =	ssettag $0x1  }
0x1: {  	s2 =	stileid.u32  }
0x2: {  	s14 =	smul.u32 $0x2800, s2  }
0x3: {  	s4 =	rddreg [dreg:$0x0];
	s9 =	smul.u32 $0x50000, s2  }
0x4: {  	s0 =	srdreg.scid;
	s30 =	smul.u32 $0x300, s2  }
0x5: {  	s1 =	rddreg [dreg:$0x1];
	s5 =	sand.u32 $0x1, s0;
	s12 =	smul.u32 $0x14000, s2  }
0x6: {  	s3 =	simm.s32 $0x0;
	s0 =	rddreg [dreg:$0x2];
	s6 =	smul.u32 $0x140000, s5  }
0x7: {  	[smem:$0x7FF] =	sst s3;
	s7 =	smul.u32 $0x3000, s5  }
0x8: {  	s31 =	sshll.u32 s2, $0x6;
	s26 =	smul.u32 $0x28000, s5;
	s5 =	ssub.s32 $0x2, s5  }
0x9: {  	_ =	strace $0x8000005E;
	s10 =	sadd.s32 s14, s4;
	s28 =	sshrl.u32 s5, $0x1  }
0xa: {  	s29 =	sshrl.u32 s9, $0x2;
	s8 =	sadd.s32 s6, s4;
	s7 =	sadd.s32 s7, s4  }
0xb: {  	s6 =	sadd.s32 s26, s4;
	s11 =	ssub.s32 s5, s28;
	s4 =	sadd.s32 $0x547400, s10  }
0xc: {  	s13 =	sadd.s32 s29, s1;
	s5 =	sor.u32 $0x1C01, s31;
	s10 =	simm.s32 $0x1  }
0xd: {  	s15 =	sadd.s32 $0x56F400, s6;
	s6 =	smax.u32 s11, $0x1;
	s7 =	sadd.s32 s30, s7  }
0xe: {  	s8 =	sadd.s32 s12, s8;
	s9 =	sshrl.u32 s13, $0x3;
	s11 =	simm.s32 $0x1E000  }
0xf: {  	s12 =	simm.s32 $0x14000;
	s13 =	simm.s32 $0x140;
	s7 =	sadd.s32 $0x541400, s7  }
0x10: {  	s8 =	sadd.s32 $0x28C000, s8;
	s14 =	sadd.s32 s14, s15;
	s15 =	simm.s32 $0x0  }
.LBB2_1:
0x11: {  	[spmem:s9], [sflag:s5] =	dma.local [hbm:s4], $0x2800  }
0x12: {  	_ =	swait.ge [sflag:s10], $0x2800  }
0x13: {  	[sflag:s10] =	ssyncset.done $0x0  }
0x14: {  	[sflag:s10] =	ssyncadd.s32 $0xFFFFD800  }
0x15: {  	s16 =	sadd.s32 $0x0, s7;
	[bflag:$0x0] =	sbarrier.arrive $0xFFFF  }
0x16: {  	[tilespmem:s11], [sflag:$0x1] =	stream.linear.gather [hbm4b:s16+s3], $0x180, $0x38;
	[tilespmem:$0x1E180] =	vst v63  }
0x17: {  	_ =	swait.ge [sflag:s10], $0x180  }
0x18: {  	[sflag:s10] =	ssyncset.done $0x0  }
0x19: {  	[sflag:s10] =	ssyncadd.s32 $0xFFFFFE80  }
0x1a: {  	[tilespmem:s12], [sflag:$0x1] =	stream.linear.gather [hbm4b:s8+s3], $0xA000, $0x38;
	[tilespmem:$0x1E180] =	vst v63  }
0x1b: {  	_ =	swait.ge [sflag:s10], $0xA000  }
0x1c: {  	[sflag:s10] =	ssyncset.done $0x0  }
0x1d: {  	[sflag:s10] =	ssyncadd.s32 $0xFFFF6000  }
0x1e: {  	[spmem:s1] =	stream.indirect.scatter.add.f32 [tilespmem:s12], [sflag:$0x1], $0x80, s11, s13, $0xb8;
	[tilespmem:$0x1E180] =	vst v63  }
0x1f: {  	s17 =	simm.s32 $0x30;
	_ =	swait.ge [sflag:s10], $0xA000  }
0x20: {  	s18 =	simm.s32 $0x60;
	s16 =	sadd.s32 $0x1400, s8;
	[sflag:s10] =	ssyncset.done $0x0  }
.LBB2_2:
0x21: {  	s19 =	sadd.s32 s17, s7  }
0x22: {  	[sflag:s10] =	ssyncadd.s32 $0xFFFF6000;
	s17 =	smov.u32 s18;
	s20 =	sadd.s32 $0x30, s18  }
0x23: {  	[tilespmem:s11], [sflag:$0x1] =	stream.linear.gather [hbm4b:s19+s3], $0x180, $0x38;
	[tilespmem:$0x1E180] =	vst v63  }
0x24: {  	p0 =	sne.s32 s18, $0x2D0;
	_ =	swait.ge [sflag:s10], $0x180  }
0x25: {  	[sflag:s10] =	ssyncset.done $0x0  }
0x26: {  	[sflag:s10] =	ssyncadd.s32 $0xFFFFFE80  }
0x27: {  	[tilespmem:s12], [sflag:$0x1] =	stream.linear.gather [hbm4b:s16+s3], $0xA000, $0x38;
	[tilespmem:$0x1E180] =	vst v63  }
0x28: {  	_ =	swait.ge [sflag:s10], $0xA000  }
.Ltmp0:
0x29: {  	[sflag:s10] =	ssyncset.done $0x0;
	(pc) =	sbr.rel @p0 .LBB2_2-.Ltmp0, $4  }
0x2a: {  	[sflag:s10] =	ssyncadd.s32 $0xFFFF6000  }
0x2b: {  	[spmem:s1] =	stream.indirect.scatter.add.f32 [tilespmem:s12], [sflag:$0x1], $0x80, s11, s13, $0xb8;
	[tilespmem:$0x1E180] =	vst v63  }
0x2c: {  	_ =	swait.ge [sflag:s10], $0xA000  }
0x2d: {  	s18 =	smov.u32 s20;
	s16 =	sadd.s32 $0x1400, s16;
	[sflag:s10] =	ssyncset.done $0x0  }
0x2e: {  	s17 =	sadd.s32 s17, s7;
	[sflag:s10] =	ssyncadd.s32 $0xFFFF6000  }
0x2f: {  	[tilespmem:s11], [sflag:$0x1] =	stream.linear.gather [hbm4b:s17+s3], $0x180, $0x38;
	[tilespmem:$0x1E180] =	vst v63  }
0x30: {  	_ =	swait.ge [sflag:s10], $0x180  }
0x31: {  	[sflag:s10] =	ssyncset.done $0x0  }
0x32: {  	[sflag:s10] =	ssyncadd.s32 $0xFFFFFE80  }
0x33: {  	[tilespmem:s12], [sflag:$0x1] =	stream.linear.gather [hbm4b:s16+s3], $0xA000, $0x38;
	[tilespmem:$0x1E180] =	vst v63  }
0x34: {  	_ =	swait.ge [sflag:s10], $0xA000  }
0x35: {  	[sflag:s10] =	ssyncset.done $0x0  }
0x36: {  	[sflag:s10] =	ssyncadd.s32 $0xFFFF6000  }
0x37: {  	[spmem:s1] =	stream.indirect.scatter.add.f32 [tilespmem:s12], [sflag:$0x1], $0x80, s11, s13, $0xb8;
	[tilespmem:$0x1E180] =	vst v63  }
0x38: {  	_ =	swait.ge [sflag:s10], $0xA000  }
0x39: {  	s15 =	sadd.s32 $0x1, s15;
	[sflag:s10] =	ssyncset.done $0x0  }
0x3a: {  	p0 =	sne.s32 s15, s6;
	[sflag:s10] =	ssyncadd.s32 $0xFFFF6000  }
.Ltmp1:
0x3b: {  	[bflag:$0x0] =	sbarrier.arrive $0xFFFF;
	(pc) =	sbr.rel @p0 .LBB2_1-.Ltmp1, $4  }
0x3c: {  	[hbm:s14], [sflag:s5] =	dma.local [spmem:s9], $0x2800  }
0x3d: {  	_ =	swait.ge [sflag:s10], $0x2800  }
0x3e: {  	[sflag:s10] =	ssyncset.done $0x0  }
0x3f: {  	[sflag:s10] =	ssyncadd.s32 $0xFFFFD800  }
0x40: {  	_ =	sfence.sel $0x180000  }
0x41: {  	[bflag:$0x0] =	sbarrier.arrive $0xFFFF  }
0x42: {  	p0 =	sne.s32 s2, $0x0;
	_ =	strace $0x9000005E  }
0x43: {  	s0 =	sadd.s32 @!p0 $0x100000, s0;
	[bflag:$0x2] =	sbarrier.arrive $0xFFFF  }
0x44: {  	[sflag:s0] =	ssyncadd.tile.s32 @!p0 $0x1;
	_ =	shalt  }
.Lfunc_end2:
_tile_overlayer_lowered:
.L_overlay_start_2:
0x45: {  	(tag) =	ssettag $0x2  }
0x46: {  	s0 =	rddreg [dreg:$0x0];
	s2 =	stileid.u32  }
0x47: {  	s1 =	rddreg [dreg:$0x1];
	p0 =	sne.s32 s2, $0x0  }
0x48: {  	s3 =	rddreg [dreg:$0x2];
	[bflag:$0x3] =	sbarrier.arrive $0xFFFF;
	s2 =	simm.s32 @!p0 $0x1C01  }
0x49: {  	[timem:s3], [sflag:s2] =	dma.local @!p0 [hbm:s0], s1  }
0x4a: {  	s0 =	simm.s32 @!p0 $0x1  }
0x4b: {  	_ =	swait.ge @!p0 [sflag:s0], s1  }
0x4c: {  	s1 =	ssub.s32 @!p0 $0x0, s1;
	[sflag:s0] =	ssyncset.done @!p0 $0x0  }
0x4d: {  	[sflag:s0] =	ssyncadd.s32 @!p0 s1  }
0x4e: {  	[bflag:$0x3] =	sbarrier.arrive $0xFFFF  }
0x4f: {  	_ =	shalt  }

// kernel: kernel.32.cloned.1.call-start
scs
__scs_entry_jumppad:
0x0: {  	(pc) =	sbr.rel $0x88, $3  }
0x1: {  	(tag) =	ssettag $0x0;
	lr =	simm.s32 $0x1  }
0x2: {  	[smem:$0x3F97] =	sst lr;
	_ =	strace $0xD0000000  }
0x3: {  	_ = 	snop  }
0x4: {  	_ = 	snop  }
0x5: {  	_ = 	snop  }
0x6: {  	_ = 	snop  }
0x7: {  	_ = 	snop  }
__scs_overlays_trampoline_lowered:
0x8: {  	[smem:$0x3FA6] =	sst s0  }
0x9: {  	[smem:$0x3FA7] =	sst s1  }
0xa: {  	[smem:$0x3FA8] =	sst s2  }
0xb: {  	[smem:$0x3FA9] =	sst s3  }
0xc: {  	[smem:$0x3FAA] =	sst s4  }
0xd: {  	[smem:$0x3FAB] =	sst s5  }
0xe: {  	[smem:$0x3FAC] =	sst s6  }
0xf: {  	[smem:$0x3FAD] =	sst s7  }
0x10: {  	[smem:$0x3FAE] =	sst s8  }
0x11: {  	[smem:$0x3FAF] =	sst s9;
	s0 =	simm.s32 @!p0 $0x0  }
0x12: {  	s1 =	sld [smem:$0x3F95];
	s0 =	simm.s32 @p0 $0x1  }
0x13: {  	[smem:$0x3FB0] =	sst s0;
	s0 =	simm.s32 @!p1 $0x0  }
0x14: {  	s2 =	sld [smem:$0x3F94];
	s0 =	simm.s32 @p1 $0x1  }
0x15: {  	[smem:$0x3FB1] =	sst s0;
	s0 =	simm.s32 @!p2 $0x0  }
0x16: {  	s3 =	sld [smem:$0x3FDB];
	s0 =	simm.s32 @p2 $0x1  }
0x17: {  	s4 =	simm.s32 $0x1BF5;
	[smem:$0x3FB3] =	sst s0  }
0x18: {  	s0 =	sld [smem:$0x3F96];
	_ =	swait.ge [sflag:s4], $0x0  }
0x19: {  	s7 =	sld [smem:$0x3F97]  }
0x1a: {  	s8 =	sadd.s32 $0xFFFFE003, lr  }
0x1b: {  	s9 =	sadd.s32 $0xFFFFFEF7, lr;
	s5 =	simm.s32 $0xFFFFFFFF;
	p2 =	slt.u32 s8, $0xFFFFF086  }
0x1c: {  	p1 =	slt.u32 s9, $0xF7A;
	s5 =	simm.s32 @!p2 $0x0  }
0x1d: {  	s5 =	simm.s32 @p1 $0x1;
	p0 =	seq.s32 s7, s2  }
0x1e: {  	s7 =	smul.u32 @!p0 $0xF7A, s2;
	p2 =	seq.s32 @!p0 s5, $0x0  }
0x1f: {  	s9 =	smul.u32 $0xF7A, s1;
	s8 =	simm.s32 @!p0 $0x1BF5;
	p2 =	por !p2, p0  }
0x20: {  	[sflag:s8] =	ssyncset.s32 @!p0 $0xFFFFF086;
	s6 =	sadd.s32 @!p0 s3, s7;
	s7 =	simm.s32 @!p0 $0x108  }
0x21: {  	s3 =	sadd.s32 s3, s9;
	s6 =	sadd.s32 @!p0 $0x88, s6;
	s7 =	simm.s32 @p2 $0x1082  }
0x22: {  	[simem:s7], [sflag:s8] =	dma.local @!p0 [hbm:s6], $0xF7A  }
0x23: {  	s9 =	sor.u32 $0xD0000000, s2;
	s6 =	simm.s32 $0x108;
	_ =	swait.ge @!p0 [sflag:s8], $0x0  }
0x24: {  	s3 =	sadd.s32 $0x88, s3;
	s6 =	simm.s32 @!p1 $0x1082;
	[sflag:s4] =	ssyncset.s32 $0xFFFFF086  }
0x25: {  	[simem:s6], [sflag:s4] =	dma.local [hbm:s3], $0xF7A  }
0x26: {  	[smem:$0x3F97] =	sst s1;
	(tag) =	ssettag s2;
	_ =	strace s9  }
0x27: {  	s1 =	sld [smem:$0x3FA7]  }
0x28: {  	s2 =	sld [smem:$0x3FA8]  }
0x29: {  	s4 =	sld [smem:$0x3FAA]  }
0x2a: {  	p0 =	seq.s32 s5, $0x0;
	s5 =	sld [smem:$0x3FAB]  }
0x2b: {  	s6 =	sld [smem:$0x3FAC]  }
0x2c: {  	s7 =	sld [smem:$0x3FAD]  }
0x2d: {  	s3 =	simm.s32 $0x108;
	s8 =	sld [smem:$0x3FAE]  }
0x2e: {  	s3 =	simm.s32 @!p0 $0x1082;
	s9 =	sld [smem:$0x3FAF]  }
0x2f: {  	lr =	sadd.s32 s0, s3;
	s0 =	sld [smem:$0x3FA6]  }
0x30: {  	s3 =	sld [smem:$0x3FA9]  }
0x31: {  	[smem:$0x3FB2] =	sst s10  }
0x32: {  	s10 =	sld [smem:$0x3FB0];
	_ =	sdelay $0x3  }
0x33: {  	p0 =	seq.s32 s10, $0x1;
	s10 =	sld [smem:$0x3FB2];
	_ =	sdelay $0x3  }
0x34: {  	[smem:$0x3FB2] =	sst s10  }
0x35: {  	s10 =	sld [smem:$0x3FB1];
	_ =	sdelay $0x3  }
0x36: {  	p1 =	seq.s32 s10, $0x1;
	s10 =	sld [smem:$0x3FB2];
	_ =	sdelay $0x3  }
0x37: {  	[smem:$0x3FB2] =	sst s10  }
0x38: {  	s10 =	sld [smem:$0x3FB3]  }
0x39: {  	_ = 	snop;
	(pc) =	sbr.ind lr, $3  }
0x3a: {  	_ = 	snop  }
0x3b: {  	_ = 	snop  }
0x3c: {  	p2 =	seq.s32 s10, $0x1;
	s10 =	sld [smem:$0x3FB2]  }
0x3d: {  	_ =	shalt  }
0x3e: {  	_ =	shalt  }
0x3f: {  	_ =	shalt  }
0x40: {  	_ =	shalt  }
0x41: {  	_ =	shalt  }
0x42: {  	_ =	shalt  }
0x43: {  	_ =	shalt  }
0x44: {  	_ =	shalt  }
0x45: {  	_ =	shalt  }
0x46: {  	_ =	shalt  }
0x47: {  	_ =	shalt  }
0x48: {  	_ =	shalt  }
0x49: {  	_ =	shalt  }
0x4a: {  	_ =	shalt  }
0x4b: {  	_ =	shalt  }
0x4c: {  	_ =	shalt  }
0x4d: {  	_ =	shalt  }
0x4e: {  	_ =	shalt  }
0x4f: {  	_ =	shalt  }
0x50: {  	_ =	shalt  }
0x51: {  	_ =	shalt  }
0x52: {  	_ =	shalt  }
0x53: {  	_ =	shalt  }
0x54: {  	_ =	shalt  }
0x55: {  	_ =	shalt  }
0x56: {  	_ =	shalt  }
0x57: {  	_ =	shalt  }
0x58: {  	_ =	shalt  }
0x59: {  	_ =	shalt  }
0x5a: {  	_ =	shalt  }
0x5b: {  	_ =	shalt  }
0x5c: {  	_ =	shalt  }
0x5d: {  	_ =	shalt  }
0x5e: {  	_ =	shalt  }
0x5f: {  	_ =	shalt  }
0x60: {  	_ =	shalt  }
0x61: {  	_ =	shalt  }
0x62: {  	_ =	shalt  }
0x63: {  	_ =	shalt  }
0x64: {  	_ =	shalt  }
0x65: {  	_ =	shalt  }
0x66: {  	_ =	shalt  }
0x67: {  	_ =	shalt  }
0x68: {  	_ =	shalt  }
0x69: {  	_ =	shalt  }
0x6a: {  	_ =	shalt  }
0x6b: {  	_ =	shalt  }
0x6c: {  	_ =	shalt  }
0x6d: {  	_ =	shalt  }
0x6e: {  	_ =	shalt  }
0x6f: {  	_ =	shalt  }
0x70: {  	_ =	shalt  }
0x71: {  	_ =	shalt  }
0x72: {  	_ =	shalt  }
0x73: {  	_ =	shalt  }
0x74: {  	_ =	shalt  }
0x75: {  	_ =	shalt  }
0x76: {  	_ =	shalt  }
0x77: {  	_ =	shalt  }
0x78: {  	_ =	shalt  }
0x79: {  	_ =	shalt  }
0x7a: {  	_ =	shalt  }
0x7b: {  	_ =	shalt  }
0x7c: {  	_ =	shalt  }
0x7d: {  	_ =	shalt  }
0x7e: {  	_ =	shalt  }
0x7f: {  	_ =	shalt  }
0x80: {  	_ =	shalt  }
0x81: {  	_ =	shalt  }
0x82: {  	_ =	shalt  }
0x83: {  	_ =	shalt  }
0x84: {  	_ =	shalt  }
0x85: {  	_ =	shalt  }
0x86: {  	_ =	shalt  }
0x87: {  	_ =	shalt  }
.Lfunc_end0:
.L_simem_size_0:
called_computation.4_lowered:
.L_overlay_start_0:
0x88: {  	s2 =	sld [smem:$0x3FD9]  }
0x89: {  	s3 =	sld [smem:$0x3FFE];
	_ =	sdelay $0x1  }
0x8a: {  	s1 =	srdreg.scid  }
0x8b: {  	s0 =	sand.u32 $0x1, s1  }
0x8c: {  	s16 =	sshll.u32 s0, $0xA;
	s2 =	sadd.s32 s3, s2  }
0x8d: {  	s2 =	sadd.s32 s2, s16  }
0x8e: {  	[smem:$0x3FBE] =	sst s2  }
0x8f: {  	_ = 	snop  }
0x90: {  	(tm) =	ssettm $0x1  }
0x91: {  	s17 =	sld [smem:$0x3FFB];
	_ =	sdelay $0x3  }
0x92: {  	_ =	strace s17  }
0x93: {  	s2 =	sld [smem:$0x3FFC];
	_ =	sdelay $0x3  }
0x94: {  	_ =	strace s2  }
0x95: {  	s2 =	sld [smem:$0x3FFD];
	_ =	sdelay $0x3  }
0x96: {  	_ =	strace s2  }
0x97: {  	_ =	strace $0x8FFFFFFF  }
0x98: {  	s18 =	sld [smem:$0x3FDB];
	_ =	sdelay $0x1  }
0x99: {  	s19 =	simm.s32 $_scs_section_size  }
0x9a: {  	s4 =	simm.s32 $_size__tile_overlayer_lowered;
	s5 =	simm.s32 $_tile_overlayer_lowered  }
0x9b: {  	s22 =	simm.s32 $0x1BFF;
	s21 =	sshll.u32 s5, $0x1;
	s2 =	sadd.s32 s19, s18  }
0x9c: {  	s6 =	simm.s32 $0x0;
	s20 =	sshll.u32 s4, $0x1;
	s4 =	sadd.s32 s21, s2  }
0x9d: {  	[timem:s6], [sflag:s22] =	dma.local [hbm:s4], s20  }
0x9e: {  	_ =	swait.ge [sflag:s22], s20  }
0x9f: {  	s3 =	ssub.s32 $0x0, s20;
	[sflag:s22] =	ssyncset.done $0x0  }
0xa0: {  	[sflag:s22] =	ssyncadd.s32 s3;
	_ =	sdelay $0x1  }
0xa1: {  	s23 =	simm.s32 $0x1B8B  }
0xa2: {  	_ =	swait.ge [sflag:s23], $0x1  }
0xa3: {  	[sflag:s23] =	ssyncset.done $0x0  }
0xa4: {  	s25 =	simm.s32 $0x1B8E;
	s24 =	sld [smem:$0x3FFE];
	[sflag:s23] =	ssyncadd.s32 $0xFFFFFFFF  }
0xa5: {  	s26 =	simm.s32 $execute0_lowered;
	[smem:$0x3FD2] =	sst s25  }
0xa6: {  	s4 =	sshll.u32 s26, $0x1;
	_ =	strace $0x80000060;
	[dreg:$0x1] =	wrdreg $0xFFFFFFFF  }
0xa7: {  	s28 =	simm.s32 $_size_execute0_lowered;
	s2 =	sadd.s32 s2, s4;
	[dreg:$0x0] =	wrdreg $0x0  }
0xa8: {  	s4 =	sshll.u32 s28, $0x1;
	[dreg:$0x2] =	wrdreg s2  }
0xa9: {  	[dreg:$0x3] =	wrdreg s4  }
0xaa: {  	[dreg:$0x4] =	wrdreg $0xC0  }
0xab: {  	_ =	task [dreg:s6], $0x5FFFF  }
0xac: {  	[dreg:$0x1] =	wrdreg $0xFFFFFFFF  }
0xad: {  	[dreg:$0x0] =	wrdreg $0x60  }
0xae: {  	[dreg:$0x2] =	wrdreg s24  }
0xaf: {  	[dreg:$0x3] =	wrdreg $0x9  }
0xb0: {  	_ =	task.clear_ibuf [dreg:s6], $0x4FFFF;
	_ =	strace $0x90000060  }
0xb1: {  	s29 =	simm.s32 $0x9;
	_ =	strace $0x80000069  }
0xb2: {  	_ =	swait.ge [sflag:s29], $0x1  }
0xb3: {  	[sflag:s29] =	ssyncadd.s32 $0xFFFFFFFF  }
0xb4: {  	_ =	strace $0x90000069  }
0xb5: {  	_ =	sfence  }
0xb6: {  	s30 =	sld [smem:$0x0];
	_ =	sdelay $0x2  }
0xb7: {  	s31 =	sshll.u32 s1, $0xD;
	s1 =	sshrl.u32 s1, $0x2  }
0xb8: {  	s3 =	sand.u32 $0x4000, s31;
	s1 =	sadd.s32 s1, s30  }
0xb9: {  	s0 =	sor.u32 s3, s0;
	s1 =	sshll.u32 s1, $0x11  }
0xba: {  	s0 =	sor.u32 s1, s0  }
0xbb: {  	s0 =	sadd.s32 $0x8F2B, s0  }
0xbc: {  	[sflag:s0] =	ssyncadd.remote.s32 $0x1  }
0xbd: {  	_ =	sfence.sel $0xFFFF  }
0xbe: {  	[dreg:$0x0] =	wrdreg $0xFFFFFFFF;
	(pc) =	sbr.abs _section_cstart, $3  }
0xbf: {  	[dreg:$0x1] =	wrdreg $0xFFFFFFFF  }
0xc0: {  	_ =	task.clear_ibuf [dreg:s6], $0x2FFFF;
	_ =	strace $0x9FFFFFFF  }
0xc1: {  	(tm) =	ssettm $0x7FFFFFFF  }
tec
execute0_lowered:
.L_overlay_start_1:
0x0: {  	(tag) =	ssettag $0x1  }
0x1: {  	s3 =	rddreg [dreg:$0x0]  }
0x2: {  	s1 =	simm.s32 $0x0;
	s4 =	srdreg.scid;
	s8 =	simm.s32 $0x100  }
0x3: {  	s9 =	simm.s32 $0x5;
	s10 =	simm.s32 $0x4;
	[smem:$0x7FF] =	sst s1  }
0x4: {  	s11 =	simm.s32 $0x0;
	s2 =	sadd.s32 $0x5EC400, s3;
	s5 =	sadd.s32 $0x5C4400, s3  }
0x5: {  	s4 =	sand.u32 $0x1, s4;
	s30 =	sadd.s32 $0xA32400, s3;
	_ =	strace $0x80000061  }
0x6: {  	[dreg:$0x2] =	wrdreg s2;
	s2 =	stileid.u32;
	s6 =	sshll.u32 s4, $0x4  }
0x7: {  	s3 =	sadd.s32 $0x5BF400, s3;
	s4 =	ssub.s32 $0x2, s4;
	s29 =	sor.u32 s2, s6  }
0x8: {  	[dreg:$0x3] =	wrdreg s5;
	s31 =	sshrl.u32 s4, $0x1;
	s7 =	smul.u32 $0x280, s29  }
0x9: {  	[dreg:$0x4] =	wrdreg s30;
	s6 =	ssub.s32 s4, s31;
	s4 =	smul.u32 $0x14, s29  }
0xa: {  	s6 =	smax.u32 s6, $0x1;
	s5 =	sadd.s32 s3, s7;
	s7 =	simm.s32 $0x1  }
.LBB2_1:
0xb: {  	_ =	strace $0x80000062;
	s12 =	simm.s32 $0x1;
	p0 =	por $0x0, $0x0  }
0xc: {  	[tilespmem:s1], [sflag:$0x1] =	stream.linear.gather [hbm4b:s5+s1], $0x100, $0x200038;
	[tilespmem:$0x10200] =	vst v63  }
0xd: {  	s12 =	simm.s32 @p0 $0x0  }
0xe: {  	p1 =	por $0x1, $0x1;
	p0 =	sne.s32 s12, $0x0  }
0xf: {  	p1 =	por !p1, !p0  }
0x10: {  	s21 =	sand.u32 $0x1, s1;
	p1 =	por !p1, !p1  }
0x11: {  	s26 =	simm.s32 $0x0;
	s20 =	sadd.s32 $0x0, s4;
	s13 =	sadd.s32 @p1 s4, s12  }
0x12: {  	_ =	strace $0x90000062;
	s14 =	sand.u32 @p1 $0x1, s7;
	s13 =	sshll.u32 @p1 s13, $0x5  }
0x13: {  	s15 =	simm.s32 @p1 $0x0;
	_ =	strace @p1 $0x80000063;
	s13 =	sand.u32 @p1 $0x1FFFFFE0, s13  }
0x14: {  	s16 =	sshll.u32 @p1 s14, $0x8;
	s14 =	sadd.s32 @p1 $0x1, s14;
	s13 =	sadd.s32 @p1 s3, s13  }
0x15: {  	[tilespmem:s16], [sflag:s14] =	stream.linear.gather @p1 [hbm4b:s13+s15], $0x100, $0x200038;
	[tilespmem:$0x10200] =	vst v63  }
0x16: {  	p5 =	por $0x0, $0x0;
	p3 =	por $0x0, $0x0;
	_ =	strace @p1 $0x90000063  }
0x17: {  	p6 =	por $0x1, $0x1;
	s24 =	sadd.s32 $0x1, s21;
	_ =	strace $0x80000064  }
0x18: {  	s23 =	simm.s32 $0x1;
	s31 =	sshll.u32 s21, $0xF;
	_ =	swait.ge [sflag:s24], $0x100  }
0x19: {  	s22 =	sor.u32 $0x200, s31;
	s18 =	sadd.s32 $0x1, s12;
	[sflag:s24] =	ssyncset.done $0x0  }
0x1a: {  	p2 =	por p5, p0;
	p0 =	seq.s32 s18, $0x14;
	[sflag:s24] =	ssyncadd.s32 $0xFFFFFF00  }
0x1b: {  	s18 =	simm.s32 @p0 $0x0;
	s29 =	simm.s32 @p2 $0x0;
	_ =	strace $0x90000064  }
0x1c: {  	p0 =	sne.s32 s12, s18;
	s14 =	sand.u32 $0x100, s26;
	_ =	strace $0x80000065  }
0x1d: {  	s13 =	simm.s32 $0x13;
	s16 =	simm.s32 $0x1;
	s25 =	rddreg [dreg:$0x2]  }
0x1e: {  	[tilespmem:s22], [sflag:$0x5] =	stream.indirect.gather [hbm4b:s25+s8], $0x80, s14, s8, $0x2000b8;
	[tilespmem:$0x10200] =	vst v63  }
0x1f: {  	s15 =	simm.s32 $0x12;
	s16 =	simm.s32 @!p1 $0x0;
	_ =	swait.ge [sflag:s9], $0x8000  }
0x20: {  	p1 =	por $0x1, $0x1;
	s19 =	sadd.s32 $0x1, s16;
	[sflag:s9] =	ssyncset.done $0x0  }
0x21: {  	s16 =	simm.s32 $0x0;
	s17 =	rddreg [dreg:$0x3];
	[sflag:s9] =	ssyncadd.s32 $0xFFFF8000  }
0x22: {  	[tilespmem:s22], [sflag:$0x5] =	stream.indirect.gather.add.f32 [hbm:s17], $0x80, s14, s8, $0x2000b8;
	[tilespmem:$0x10200] =	vst v63  }
0x23: {  	s24 =	sshll.u32 @p2 s20, $0xC;
	s20 =	simm.s32 $0x0;
	_ =	swait.ge [sflag:s9], $0x8000  }
0x24: {  	s17 =	simm.s32 $0x1;
	s14 =	sand.u32 @!p1 $0x1, s1;
	[sflag:s9] =	ssyncset.done $0x0  }
0x25: {  	s17 =	simm.s32 @!p3 $0x0;
	p3 =	por !p6, !p0;
	[sflag:s9] =	ssyncadd.s32 $0xFFFF8000  }
0x26: {  	s25 =	sadd.s32 @!p1 $0x3, s14;
	p4 =	por !p3, !p3;
	_ =	strace $0x90000065  }
0x27: {  	s14 =	simm.s32 $0x0;
	s26 =	sand.u32 @p4 $0x1, s19;
	_ =	strace @p2 $0x80000066  }
0x28: {  	s28 =	sadd.s32 @p4 s4, s18;
	s23 =	simm.s32 @!p4 $0x0;
	s30 =	rddreg [dreg:$0x4]  }
.LBB2_2:
0x29: {  	s0 =	sand.u32 @p2 $0x1FFFF000, s24  }
0x2a: {  	s31 =	sshll.u32 @p4 s28, $0x5;
	s21 =	sadd.s32 @p2 $0x3, s21;
	s0 =	sadd.s32 @p2 s30, s0  }
0x2b: {  	[hbm4b:s0+s29] =	stream.linear.scatter @p2 [tilespmem:s22], [sflag:s21], $0x8000, $0x200038;
	[tilespmem:$0x10200] =	vst v63  }
0x2c: {  	s24 =	smov.u32 s13;
	s13 =	smov.u32 s15;
	_ =	strace @p2 $0x90000066  }
0x2d: {  	s28 =	smov.u32 s12;
	s15 =	sadd.s32 $0xFFFFFFFF, s15;
	_ =	strace @!p1 $0x80000067  }
0x2e: {  	s14 =	sadd.s32 s17, s14;
	s17 =	simm.s32 @p4 $0x0;
	_ =	swait.ge @!p1 [sflag:s25], $0x8000  }
0x2f: {  	s19 =	sadd.s32 s23, s19;
	s30 =	simm.s32 $0x1;
	[sflag:s25] =	ssyncset.done @!p1 $0x0  }
0x30: {  	s12 =	sand.u32 @p4 $0x1FFFFFE0, s31;
	s30 =	simm.s32 @!p2 $0x0;
	[sflag:s25] =	ssyncadd.s32 @!p1 $0xFFFF8000  }
0x31: {  	s0 =	sadd.s32 @p4 s3, s12;
	s22 =	sshll.u32 @p4 s26, $0x8;
	_ =	strace @!p1 $0x90000067  }
0x32: {  	s20 =	sadd.s32 s30, s20;
	s25 =	sadd.s32 @p4 $0x1, s26;
	_ =	strace @p4 $0x80000063  }
0x33: {  	[tilespmem:s22], [sflag:s25] =	stream.linear.gather @p4 [hbm4b:s0+s17], $0x100, $0x200038;
	[tilespmem:$0x10200] =	vst v63  }
0x34: {  	s23 =	simm.s32 $0x1;
	s31 =	sand.u32 $0x1, s20;
	_ =	strace @p4 $0x90000063  }
0x35: {  	p3 =	sne.s32 s15, $0x0;
	s26 =	sadd.s32 $0x1, s31;
	_ =	strace $0x80000064  }
0x36: {  	p5 =	seq.s32 s24, $0x1;
	s12 =	smov.u32 s18;
	_ =	swait.ge [sflag:s26], $0x100  }
0x37: {  	s18 =	sadd.s32 $0x1, s18;
	s16 =	sadd.s32 s30, s16;
	[sflag:s26] =	ssyncset.done $0x0  }
0x38: {  	p2 =	por p5, p0;
	p0 =	seq.s32 s18, $0x14;
	[sflag:s26] =	ssyncadd.s32 $0xFFFFFF00  }
0x39: {  	s29 =	sshll.u32 s20, $0x8;
	s21 =	sand.u32 $0x1, s16;
	_ =	strace $0x90000064  }
0x3a: {  	s18 =	simm.s32 @p0 $0x0;
	s22 =	sshll.u32 s21, $0xF;
	_ =	strace $0x80000065  }
0x3b: {  	s25 =	sand.u32 $0x100, s29;
	s22 =	sor.u32 $0x200, s22;
	s31 =	rddreg [dreg:$0x2]  }
0x3c: {  	[tilespmem:s22], [sflag:$0x5] =	stream.indirect.gather [hbm4b:s31+s8], $0x80, s25, s8, $0x2000b8;
	[tilespmem:$0x10200] =	vst v63  }
0x3d: {  	p6 =	sne.s32 s13, $0x1;
	p0 =	sne.s32 s12, s18;
	_ =	swait.ge [sflag:s9], $0x8000  }
0x3e: {  	p1 =	seq.s32 s24, $0x14;
	s17 =	simm.s32 $0x1;
	[sflag:s9] =	ssyncset.done $0x0  }
0x3f: {  	p4 =	sne.s32 s24, $0x14;
	s31 =	rddreg [dreg:$0x3];
	[sflag:s9] =	ssyncadd.s32 $0xFFFF8000  }
0x40: {  	[tilespmem:s22], [sflag:$0x5] =	stream.indirect.gather.add.f32 [hbm:s31], $0x80, s25, s8, $0x2000b8;
	[tilespmem:$0x10200] =	vst v63  }
0x41: {  	s0 =	sand.u32 @!p1 $0x1, s14;
	s17 =	simm.s32 @!p4 $0x0;
	_ =	swait.ge [sflag:s9], $0x8000  }
.Ltmp0:
0x42: {  	p4 =	por !p6, !p0;
	[sflag:s9] =	ssyncset.done $0x0;
	(pc) =	sbr.rel @p3 .LBB2_2-.Ltmp0, $4  }
0x43: {  	s29 =	simm.s32 @p2 $0x0;
	p4 =	por !p4, !p4;
	[sflag:s9] =	ssyncadd.s32 $0xFFFF8000  }
0x44: {  	s23 =	simm.s32 @!p4 $0x0;
	s26 =	sadd.s32 s4, s28;
	_ =	strace $0x90000065  }
0x45: {  	s28 =	sadd.s32 @p4 s4, s18;
	s24 =	sshll.u32 @p2 s26, $0xC;
	_ =	strace @p2 $0x80000066  }
0x46: {  	s26 =	sand.u32 @p4 $0x1, s19;
	s25 =	sadd.s32 @!p1 $0x3, s0;
	s30 =	rddreg [dreg:$0x4]  }
0x47: {  	s0 =	sand.u32 @p2 $0x1FFFF000, s24  }
0x48: {  	s15 =	sadd.s32 @p2 $0x3, s21;
	s0 =	sadd.s32 @p2 s30, s0  }
0x49: {  	[hbm4b:s0+s29] =	stream.linear.scatter @p2 [tilespmem:s22], [sflag:s15], $0x8000, $0x200038;
	[tilespmem:$0x10200] =	vst v63  }
0x4a: {  	_ =	strace @p2 $0x90000066  }
0x4b: {  	_ =	strace @!p1 $0x80000067  }
0x4c: {  	s19 =	simm.s32 @p4 $0x0;
	_ =	swait.ge @!p1 [sflag:s25], $0x8000  }
0x4d: {  	s21 =	sadd.s32 @p4 $0x1, s26;
	s0 =	sshll.u32 @p4 s28, $0x5;
	[sflag:s25] =	ssyncset.done @!p1 $0x0  }
0x4e: {  	s15 =	simm.s32 $0x1;
	s0 =	sand.u32 @p4 $0x1FFFFFE0, s0;
	[sflag:s25] =	ssyncadd.s32 @!p1 $0xFFFF8000  }
0x4f: {  	s15 =	simm.s32 @!p2 $0x0;
	s0 =	sadd.s32 @p4 s3, s0;
	_ =	strace @!p1 $0x90000067  }
0x50: {  	s18 =	sadd.s32 s15, s20;
	s20 =	sshll.u32 @p4 s26, $0x8;
	_ =	strace @p4 $0x80000063  }
0x51: {  	[tilespmem:s20], [sflag:s21] =	stream.linear.gather @p4 [hbm4b:s0+s19], $0x100, $0x200038;
	[tilespmem:$0x10200] =	vst v63  }
0x52: {  	s25 =	sand.u32 $0x1, s18;
	_ =	strace @p4 $0x90000063  }
0x53: {  	s0 =	sadd.s32 $0x1, s25;
	_ =	strace $0x80000064  }
0x54: {  	_ =	swait.ge [sflag:s0], $0x100  }
0x55: {  	[sflag:s0] =	ssyncset.done $0x0  }
0x56: {  	s26 =	sadd.s32 s15, s16;
	[sflag:s0] =	ssyncadd.s32 $0xFFFFFF00  }
0x57: {  	s0 =	sand.u32 $0x1, s26;
	_ =	strace $0x90000064  }
0x58: {  	s29 =	sshll.u32 s18, $0x8;
	s30 =	sshll.u32 s0, $0xF;
	_ =	strace $0x80000065  }
0x59: {  	s16 =	sand.u32 $0x100, s29;
	s18 =	sor.u32 $0x200, s30;
	s28 =	rddreg [dreg:$0x2]  }
0x5a: {  	[tilespmem:s18], [sflag:$0x5] =	stream.indirect.gather [hbm4b:s28+s8], $0x80, s16, s8, $0x2000b8;
	[tilespmem:$0x10200] =	vst v63  }
0x5b: {  	_ =	swait.ge [sflag:s9], $0x8000  }
0x5c: {  	[sflag:s9] =	ssyncset.done $0x0  }
0x5d: {  	s31 =	rddreg [dreg:$0x3];
	[sflag:s9] =	ssyncadd.s32 $0xFFFF8000  }
0x5e: {  	[tilespmem:s18], [sflag:$0x5] =	stream.indirect.gather.add.f32 [hbm:s31], $0x80, s16, s8, $0x2000b8;
	[tilespmem:$0x10200] =	vst v63  }
0x5f: {  	_ =	swait.ge [sflag:s9], $0x8000  }
0x60: {  	[sflag:s9] =	ssyncset.done $0x0  }
0x61: {  	p6 =	seq.s32 s13, $0x1;
	[sflag:s9] =	ssyncadd.s32 $0xFFFF8000  }
0x62: {  	s12 =	sadd.s32 s4, s12;
	p0 =	por p6, p0;
	_ =	strace $0x90000065  }
0x63: {  	s14 =	sadd.s32 s17, s14;
	s12 =	sshll.u32 @p0 s12, $0xC;
	_ =	strace @p0 $0x80000066  }
0x64: {  	s12 =	sand.u32 @p0 $0x1FFFF000, s12;
	p1 =	seq.s32 s13, $0x14;
	s15 =	rddreg [dreg:$0x4]  }
0x65: {  	s13 =	simm.s32 @p0 $0x0;
	s0 =	sadd.s32 @p0 $0x3, s0;
	s12 =	sadd.s32 @p0 s15, s12  }
0x66: {  	[hbm4b:s12+s13] =	stream.linear.scatter @p0 [tilespmem:s18], [sflag:s0], $0x8000, $0x200038;
	[tilespmem:$0x10200] =	vst v63  }
0x67: {  	s0 =	sand.u32 @!p1 $0x1, s14;
	_ =	strace @p0 $0x90000066  }
0x68: {  	s0 =	sadd.s32 @!p1 $0x3, s0;
	_ =	strace @!p1 $0x80000067  }
0x69: {  	_ =	swait.ge @!p1 [sflag:s0], $0x8000  }
0x6a: {  	[sflag:s0] =	ssyncset.done @!p1 $0x0  }
0x6b: {  	s11 =	sadd.s32 $0x1, s11;
	[sflag:s0] =	ssyncadd.s32 @!p1 $0xFFFF8000  }
0x6c: {  	p0 =	sne.s32 s11, s6;
	_ =	strace @!p1 $0x90000067  }
.Ltmp1:
0x6d: {  	_ =	strace $0x80000068;
	(pc) =	sbr.rel @p0 .LBB2_1-.Ltmp1, $4  }
0x6e: {  	_ =	swait.ge [sflag:s10], $0x8000  }
0x6f: {  	[sflag:s10] =	ssyncset.done $0x0  }
0x70: {  	[sflag:s10] =	ssyncadd.s32 $0xFFFF8000  }
0x71: {  	_ =	strace $0x90000068  }
0x72: {  	_ =	sfence.sel $0x180000  }
0x73: {  	[bflag:$0x0] =	sbarrier.arrive $0xFFFF  }
0x74: {  	_ =	strace $0x90000061  }
0x75: {  	[bflag:$0x2] =	sbarrier.arrive $0xFFFF  }
0x76: {  	p0 =	sne.s32 s2, $0x0;
	s0 =	rddreg [dreg:$0x1]  }
0x77: {  	s0 =	sadd.s32 @!p0 $0x100000, s0  }
0x78: {  	[sflag:s0] =	ssyncadd.tile.s32 @!p0 $0x1;
	_ =	shalt  }
.Lfunc_end2:
_tile_overlayer_lowered:
.L_overlay_start_2:
0x79: {  	(tag) =	ssettag $0x2  }
0x7a: {  	s0 =	rddreg [dreg:$0x0];
	s2 =	stileid.u32  }
0x7b: {  	s1 =	rddreg [dreg:$0x1];
	p0 =	sne.s32 s2, $0x0  }
0x7c: {  	s3 =	rddreg [dreg:$0x2];
	[bflag:$0x3] =	sbarrier.arrive $0xFFFF;
	s2 =	simm.s32 @!p0 $0x1C01  }
0x7d: {  	[timem:s3], [sflag:s2] =	dma.local @!p0 [hbm:s0], s1  }
0x7e: {  	s0 =	simm.s32 @!p0 $0x1  }
0x7f: {  	_ =	swait.ge @!p0 [sflag:s0], s1  }
0x80: {  	s1 =	ssub.s32 @!p0 $0x0, s1;
	[sflag:s0] =	ssyncset.done @!p0 $0x0  }
0x81: {  	[sflag:s0] =	ssyncadd.s32 @!p0 s1  }
0x82: {  	[bflag:$0x3] =	sbarrier.arrive $0xFFFF  }
0x83: {  	_ =	shalt  }

// kernel: kernel.35.cloned.1.call-start
scs
__scs_entry_jumppad:
0x0: {  	(pc) =	sbr.rel $0x88, $3  }
0x1: {  	(tag) =	ssettag $0x0;
	lr =	simm.s32 $0x1  }
0x2: {  	[smem:$0x3F97] =	sst lr;
	_ =	strace $0xD0000000  }
0x3: {  	_ = 	snop  }
0x4: {  	_ = 	snop  }
0x5: {  	_ = 	snop  }
0x6: {  	_ = 	snop  }
0x7: {  	_ = 	snop  }
__scs_overlays_trampoline_lowered:
0x8: {  	[smem:$0x3FA6] =	sst s0  }
0x9: {  	[smem:$0x3FA7] =	sst s1  }
0xa: {  	[smem:$0x3FA8] =	sst s2  }
0xb: {  	[smem:$0x3FA9] =	sst s3  }
0xc: {  	[smem:$0x3FAA] =	sst s4  }
0xd: {  	[smem:$0x3FAB] =	sst s5  }
0xe: {  	[smem:$0x3FAC] =	sst s6  }
0xf: {  	[smem:$0x3FAD] =	sst s7  }
0x10: {  	[smem:$0x3FAE] =	sst s8  }
0x11: {  	[smem:$0x3FAF] =	sst s9;
	s0 =	simm.s32 @!p0 $0x0  }
0x12: {  	s1 =	sld [smem:$0x3F95];
	s0 =	simm.s32 @p0 $0x1  }
0x13: {  	[smem:$0x3FB0] =	sst s0;
	s0 =	simm.s32 @!p1 $0x0  }
0x14: {  	s2 =	sld [smem:$0x3F94];
	s0 =	simm.s32 @p1 $0x1  }
0x15: {  	[smem:$0x3FB1] =	sst s0;
	s0 =	simm.s32 @!p2 $0x0  }
0x16: {  	s3 =	sld [smem:$0x3FDB];
	s0 =	simm.s32 @p2 $0x1  }
0x17: {  	s4 =	simm.s32 $0x1BF5;
	[smem:$0x3FB3] =	sst s0  }
0x18: {  	s0 =	sld [smem:$0x3F96];
	_ =	swait.ge [sflag:s4], $0x0  }
0x19: {  	s7 =	sld [smem:$0x3F97]  }
0x1a: {  	s8 =	sadd.s32 $0xFFFFE003, lr  }
0x1b: {  	s9 =	sadd.s32 $0xFFFFFEF7, lr;
	s5 =	simm.s32 $0xFFFFFFFF;
	p2 =	slt.u32 s8, $0xFFFFF086  }
0x1c: {  	p1 =	slt.u32 s9, $0xF7A;
	s5 =	simm.s32 @!p2 $0x0  }
0x1d: {  	s5 =	simm.s32 @p1 $0x1;
	p0 =	seq.s32 s7, s2  }
0x1e: {  	s7 =	smul.u32 @!p0 $0xF7A, s2;
	p2 =	seq.s32 @!p0 s5, $0x0  }
0x1f: {  	s9 =	smul.u32 $0xF7A, s1;
	s8 =	simm.s32 @!p0 $0x1BF5;
	p2 =	por !p2, p0  }
0x20: {  	[sflag:s8] =	ssyncset.s32 @!p0 $0xFFFFF086;
	s6 =	sadd.s32 @!p0 s3, s7;
	s7 =	simm.s32 @!p0 $0x108  }
0x21: {  	s3 =	sadd.s32 s3, s9;
	s6 =	sadd.s32 @!p0 $0x88, s6;
	s7 =	simm.s32 @p2 $0x1082  }
0x22: {  	[simem:s7], [sflag:s8] =	dma.local @!p0 [hbm:s6], $0xF7A  }
0x23: {  	s9 =	sor.u32 $0xD0000000, s2;
	s6 =	simm.s32 $0x108;
	_ =	swait.ge @!p0 [sflag:s8], $0x0  }
0x24: {  	s3 =	sadd.s32 $0x88, s3;
	s6 =	simm.s32 @!p1 $0x1082;
	[sflag:s4] =	ssyncset.s32 $0xFFFFF086  }
0x25: {  	[simem:s6], [sflag:s4] =	dma.local [hbm:s3], $0xF7A  }
0x26: {  	[smem:$0x3F97] =	sst s1;
	(tag) =	ssettag s2;
	_ =	strace s9  }
0x27: {  	s1 =	sld [smem:$0x3FA7]  }
0x28: {  	s2 =	sld [smem:$0x3FA8]  }
0x29: {  	s4 =	sld [smem:$0x3FAA]  }
0x2a: {  	p0 =	seq.s32 s5, $0x0;
	s5 =	sld [smem:$0x3FAB]  }
0x2b: {  	s6 =	sld [smem:$0x3FAC]  }
0x2c: {  	s7 =	sld [smem:$0x3FAD]  }
0x2d: {  	s3 =	simm.s32 $0x108;
	s8 =	sld [smem:$0x3FAE]  }
0x2e: {  	s3 =	simm.s32 @!p0 $0x1082;
	s9 =	sld [smem:$0x3FAF]  }
0x2f: {  	lr =	sadd.s32 s0, s3;
	s0 =	sld [smem:$0x3FA6]  }
0x30: {  	s3 =	sld [smem:$0x3FA9]  }
0x31: {  	[smem:$0x3FB2] =	sst s10  }
0x32: {  	s10 =	sld [smem:$0x3FB0];
	_ =	sdelay $0x3  }
0x33: {  	p0 =	seq.s32 s10, $0x1;
	s10 =	sld [smem:$0x3FB2];
	_ =	sdelay $0x3  }
0x34: {  	[smem:$0x3FB2] =	sst s10  }
0x35: {  	s10 =	sld [smem:$0x3FB1];
	_ =	sdelay $0x3  }
0x36: {  	p1 =	seq.s32 s10, $0x1;
	s10 =	sld [smem:$0x3FB2];
	_ =	sdelay $0x3  }
0x37: {  	[smem:$0x3FB2] =	sst s10  }
0x38: {  	s10 =	sld [smem:$0x3FB3]  }
0x39: {  	_ = 	snop;
	(pc) =	sbr.ind lr, $3  }
0x3a: {  	_ = 	snop  }
0x3b: {  	_ = 	snop  }
0x3c: {  	p2 =	seq.s32 s10, $0x1;
	s10 =	sld [smem:$0x3FB2]  }
0x3d: {  	_ =	shalt  }
0x3e: {  	_ =	shalt  }
0x3f: {  	_ =	shalt  }
0x40: {  	_ =	shalt  }
0x41: {  	_ =	shalt  }
0x42: {  	_ =	shalt  }
0x43: {  	_ =	shalt  }
0x44: {  	_ =	shalt  }
0x45: {  	_ =	shalt  }
0x46: {  	_ =	shalt  }
0x47: {  	_ =	shalt  }
0x48: {  	_ =	shalt  }
0x49: {  	_ =	shalt  }
0x4a: {  	_ =	shalt  }
0x4b: {  	_ =	shalt  }
0x4c: {  	_ =	shalt  }
0x4d: {  	_ =	shalt  }
0x4e: {  	_ =	shalt  }
0x4f: {  	_ =	shalt  }
0x50: {  	_ =	shalt  }
0x51: {  	_ =	shalt  }
0x52: {  	_ =	shalt  }
0x53: {  	_ =	shalt  }
0x54: {  	_ =	shalt  }
0x55: {  	_ =	shalt  }
0x56: {  	_ =	shalt  }
0x57: {  	_ =	shalt  }
0x58: {  	_ =	shalt  }
0x59: {  	_ =	shalt  }
0x5a: {  	_ =	shalt  }
0x5b: {  	_ =	shalt  }
0x5c: {  	_ =	shalt  }
0x5d: {  	_ =	shalt  }
0x5e: {  	_ =	shalt  }
0x5f: {  	_ =	shalt  }
0x60: {  	_ =	shalt  }
0x61: {  	_ =	shalt  }
0x62: {  	_ =	shalt  }
0x63: {  	_ =	shalt  }
0x64: {  	_ =	shalt  }
0x65: {  	_ =	shalt  }
0x66: {  	_ =	shalt  }
0x67: {  	_ =	shalt  }
0x68: {  	_ =	shalt  }
0x69: {  	_ =	shalt  }
0x6a: {  	_ =	shalt  }
0x6b: {  	_ =	shalt  }
0x6c: {  	_ =	shalt  }
0x6d: {  	_ =	shalt  }
0x6e: {  	_ =	shalt  }
0x6f: {  	_ =	shalt  }
0x70: {  	_ =	shalt  }
0x71: {  	_ =	shalt  }
0x72: {  	_ =	shalt  }
0x73: {  	_ =	shalt  }
0x74: {  	_ =	shalt  }
0x75: {  	_ =	shalt  }
0x76: {  	_ =	shalt  }
0x77: {  	_ =	shalt  }
0x78: {  	_ =	shalt  }
0x79: {  	_ =	shalt  }
0x7a: {  	_ =	shalt  }
0x7b: {  	_ =	shalt  }
0x7c: {  	_ =	shalt  }
0x7d: {  	_ =	shalt  }
0x7e: {  	_ =	shalt  }
0x7f: {  	_ =	shalt  }
0x80: {  	_ =	shalt  }
0x81: {  	_ =	shalt  }
0x82: {  	_ =	shalt  }
0x83: {  	_ =	shalt  }
0x84: {  	_ =	shalt  }
0x85: {  	_ =	shalt  }
0x86: {  	_ =	shalt  }
0x87: {  	_ =	shalt  }
.Lfunc_end0:
.L_simem_size_0:
called_computation.5_lowered:
.L_overlay_start_0:
0x88: {  	s2 =	sld [smem:$0x3FD9]  }
0x89: {  	s3 =	sld [smem:$0x3FFE];
	_ =	sdelay $0x1  }
0x8a: {  	s1 =	srdreg.scid  }
0x8b: {  	s0 =	sand.u32 $0x1, s1  }
0x8c: {  	s16 =	sshll.u32 s0, $0xA;
	s2 =	sadd.s32 s3, s2  }
0x8d: {  	s2 =	sadd.s32 s2, s16  }
0x8e: {  	[smem:$0x3FBE] =	sst s2  }
0x8f: {  	_ = 	snop  }
0x90: {  	(tm) =	ssettm $0x1  }
0x91: {  	s17 =	sld [smem:$0x3FFB];
	_ =	sdelay $0x3  }
0x92: {  	_ =	strace s17  }
0x93: {  	s2 =	sld [smem:$0x3FFC];
	_ =	sdelay $0x3  }
0x94: {  	_ =	strace s2  }
0x95: {  	s2 =	sld [smem:$0x3FFD];
	_ =	sdelay $0x3  }
0x96: {  	_ =	strace s2  }
0x97: {  	_ =	strace $0x8FFFFFFF  }
0x98: {  	s18 =	sld [smem:$0x3FDB];
	_ =	sdelay $0x1  }
0x99: {  	s19 =	simm.s32 $_scs_section_size  }
0x9a: {  	s4 =	simm.s32 $_size__tile_overlayer_lowered;
	s5 =	simm.s32 $_tile_overlayer_lowered  }
0x9b: {  	s22 =	simm.s32 $0x1BFF;
	s21 =	sshll.u32 s5, $0x1;
	s2 =	sadd.s32 s19, s18  }
0x9c: {  	s6 =	simm.s32 $0x0;
	s20 =	sshll.u32 s4, $0x1;
	s4 =	sadd.s32 s21, s2  }
0x9d: {  	[timem:s6], [sflag:s22] =	dma.local [hbm:s4], s20  }
0x9e: {  	_ =	swait.ge [sflag:s22], s20  }
0x9f: {  	s3 =	ssub.s32 $0x0, s20;
	[sflag:s22] =	ssyncset.done $0x0  }
0xa0: {  	[sflag:s22] =	ssyncadd.s32 s3;
	_ =	sdelay $0x1  }
0xa1: {  	s23 =	simm.s32 $0x1B8B  }
0xa2: {  	_ =	swait.ge [sflag:s23], $0x1  }
0xa3: {  	[sflag:s23] =	ssyncset.done $0x0  }
0xa4: {  	s25 =	simm.s32 $0x1B8E;
	s24 =	sld [smem:$0x3FFE];
	[sflag:s23] =	ssyncadd.s32 $0xFFFFFFFF  }
0xa5: {  	s26 =	simm.s32 $execute0_lowered;
	[smem:$0x3FD2] =	sst s25  }
0xa6: {  	s4 =	sshll.u32 s26, $0x1;
	_ =	strace $0x8000006A;
	[dreg:$0x1] =	wrdreg $0xFFFFFFFF  }
0xa7: {  	s28 =	simm.s32 $_size_execute0_lowered;
	s2 =	sadd.s32 s2, s4;
	[dreg:$0x0] =	wrdreg $0x0  }
0xa8: {  	s4 =	sshll.u32 s28, $0x1;
	[dreg:$0x2] =	wrdreg s2  }
0xa9: {  	[dreg:$0x3] =	wrdreg s4  }
0xaa: {  	[dreg:$0x4] =	wrdreg $0xC0  }
0xab: {  	_ =	task [dreg:s6], $0x5FFFF  }
0xac: {  	[dreg:$0x1] =	wrdreg $0xFFFFFFFF  }
0xad: {  	[dreg:$0x0] =	wrdreg $0x60  }
0xae: {  	[dreg:$0x2] =	wrdreg s24  }
0xaf: {  	[dreg:$0x3] =	wrdreg $0x0  }
0xb0: {  	[dreg:$0x4] =	wrdreg $0x9  }
0xb1: {  	_ =	task.clear_ibuf [dreg:s6], $0x5FFFF;
	_ =	strace $0x9000006A  }
0xb2: {  	s29 =	simm.s32 $0x9;
	_ =	strace $0x8000006C  }
0xb3: {  	_ =	swait.ge [sflag:s29], $0x1  }
0xb4: {  	[sflag:s29] =	ssyncadd.s32 $0xFFFFFFFF  }
0xb5: {  	_ =	strace $0x9000006C  }
0xb6: {  	_ =	sfence  }
0xb7: {  	s30 =	sld [smem:$0x0];
	_ =	sdelay $0x2  }
0xb8: {  	s31 =	sshll.u32 s1, $0xD;
	s1 =	sshrl.u32 s1, $0x2  }
0xb9: {  	s3 =	sand.u32 $0x4000, s31;
	s1 =	sadd.s32 s1, s30  }
0xba: {  	s0 =	sor.u32 s3, s0;
	s1 =	sshll.u32 s1, $0x11  }
0xbb: {  	s0 =	sor.u32 s1, s0  }
0xbc: {  	s0 =	sadd.s32 $0x8F2B, s0  }
0xbd: {  	[sflag:s0] =	ssyncadd.remote.s32 $0x1  }
0xbe: {  	_ =	sfence.sel $0xFFFF  }
0xbf: {  	[dreg:$0x0] =	wrdreg $0xFFFFFFFF;
	(pc) =	sbr.abs _section_cstart, $3  }
0xc0: {  	[dreg:$0x1] =	wrdreg $0xFFFFFFFF  }
0xc1: {  	_ =	task.clear_ibuf [dreg:s6], $0x2FFFF;
	_ =	strace $0x9FFFFFFF  }
0xc2: {  	(tm) =	ssettm $0x7FFFFFFF  }
0xc3: {  	_ =	shalt  }
tec
execute0_lowered:
.L_overlay_start_1:
0x0: {  	(tag) =	ssettag $0x1  }
0x1: {  	s2 =	stileid.u32  }
0x2: {  	s14 =	smul.u32 $0x2800, s2  }
0x3: {  	s4 =	rddreg [dreg:$0x0];
	s9 =	smul.u32 $0x50000, s2  }
0x4: {  	s0 =	srdreg.scid;
	s30 =	smul.u32 $0x300, s2  }
0x5: {  	s1 =	rddreg [dreg:$0x1];
	s5 =	sand.u32 $0x1, s0;
	s12 =	smul.u32 $0x14000, s2  }
0x6: {  	s3 =	simm.s32 $0x0;
	s0 =	rddreg [dreg:$0x2];
	s6 =	smul.u32 $0x140000, s5  }
0x7: {  	[smem:$0x7FF] =	sst s3;
	s7 =	smul.u32 $0x3000, s5  }
0x8: {  	s31 =	sshll.u32 s2, $0x6;
	s26 =	smul.u32 $0x28000, s5;
	s5 =	ssub.s32 $0x2, s5  }
0x9: {  	_ =	strace $0x8000006B;
	s10 =	sadd.s32 s14, s4;
	s28 =	sshrl.u32 s5, $0x1  }
0xa: {  	s29 =	sshrl.u32 s9, $0x2;
	s8 =	sadd.s32 s6, s4;
	s7 =	sadd.s32 s7, s4  }
0xb: {  	s6 =	sadd.s32 s26, s4;
	s11 =	ssub.s32 s5, s28;
	s4 =	sadd.s32 $0x547400, s10  }
0xc: {  	s13 =	sadd.s32 s29, s1;
	s5 =	sor.u32 $0x1C01, s31;
	s10 =	simm.s32 $0x1  }
0xd: {  	s15 =	sadd.s32 $0x56F400, s6;
	s6 =	smax.u32 s11, $0x1;
	s7 =	sadd.s32 s30, s7  }
0xe: {  	s8 =	sadd.s32 s12, s8;
	s9 =	sshrl.u32 s13, $0x3;
	s11 =	simm.s32 $0x1E000  }
0xf: {  	s12 =	simm.s32 $0x14000;
	s13 =	simm.s32 $0x140;
	s7 =	sadd.s32 $0x541400, s7  }
0x10: {  	s8 =	sadd.s32 $0xC000, s8;
	s14 =	sadd.s32 s14, s15;
	s15 =	simm.s32 $0x0  }
.LBB2_1:
0x11: {  	[spmem:s9], [sflag:s5] =	dma.local [hbm:s4], $0x2800  }
0x12: {  	_ =	swait.ge [sflag:s10], $0x2800  }
0x13: {  	[sflag:s10] =	ssyncset.done $0x0  }
0x14: {  	[sflag:s10] =	ssyncadd.s32 $0xFFFFD800  }
0x15: {  	s16 =	sadd.s32 $0x0, s7;
	[bflag:$0x0] =	sbarrier.arrive $0xFFFF  }
0x16: {  	[tilespmem:s11], [sflag:$0x1] =	stream.linear.gather [hbm4b:s16+s3], $0x180, $0x38;
	[tilespmem:$0x1E180] =	vst v63  }
0x17: {  	_ =	swait.ge [sflag:s10], $0x180  }
0x18: {  	[sflag:s10] =	ssyncset.done $0x0  }
0x19: {  	[sflag:s10] =	ssyncadd.s32 $0xFFFFFE80  }
0x1a: {  	[tilespmem:s12], [sflag:$0x1] =	stream.linear.gather [hbm4b:s8+s3], $0xA000, $0x38;
	[tilespmem:$0x1E180] =	vst v63  }
0x1b: {  	_ =	swait.ge [sflag:s10], $0xA000  }
0x1c: {  	[sflag:s10] =	ssyncset.done $0x0  }
0x1d: {  	[sflag:s10] =	ssyncadd.s32 $0xFFFF6000  }
0x1e: {  	[spmem:s1] =	stream.indirect.scatter.add.f32 [tilespmem:s12], [sflag:$0x1], $0x80, s11, s13, $0xb8;
	[tilespmem:$0x1E180] =	vst v63  }
0x1f: {  	s17 =	simm.s32 $0x30;
	_ =	swait.ge [sflag:s10], $0xA000  }
0x20: {  	s18 =	simm.s32 $0x60;
	s16 =	sadd.s32 $0x1400, s8;
	[sflag:s10] =	ssyncset.done $0x0  }
.LBB2_2:
0x21: {  	s19 =	sadd.s32 s17, s7  }
0x22: {  	[sflag:s10] =	ssyncadd.s32 $0xFFFF6000;
	s17 =	smov.u32 s18;
	s20 =	sadd.s32 $0x30, s18  }
0x23: {  	[tilespmem:s11], [sflag:$0x1] =	stream.linear.gather [hbm4b:s19+s3], $0x180, $0x38;
	[tilespmem:$0x1E180] =	vst v63  }
0x24: {  	p0 =	sne.s32 s18, $0x2D0;
	_ =	swait.ge [sflag:s10], $0x180  }
0x25: {  	[sflag:s10] =	ssyncset.done $0x0  }
0x26: {  	[sflag:s10] =	ssyncadd.s32 $0xFFFFFE80  }
0x27: {  	[tilespmem:s12], [sflag:$0x1] =	stream.linear.gather [hbm4b:s16+s3], $0xA000, $0x38;
	[tilespmem:$0x1E180] =	vst v63  }
0x28: {  	_ =	swait.ge [sflag:s10], $0xA000  }
.Ltmp0:
0x29: {  	[sflag:s10] =	ssyncset.done $0x0;
	(pc) =	sbr.rel @p0 .LBB2_2-.Ltmp0, $4  }
0x2a: {  	[sflag:s10] =	ssyncadd.s32 $0xFFFF6000  }
0x2b: {  	[spmem:s1] =	stream.indirect.scatter.add.f32 [tilespmem:s12], [sflag:$0x1], $0x80, s11, s13, $0xb8;
	[tilespmem:$0x1E180] =	vst v63  }
0x2c: {  	_ =	swait.ge [sflag:s10], $0xA000  }
0x2d: {  	s18 =	smov.u32 s20;
	s16 =	sadd.s32 $0x1400, s16;
	[sflag:s10] =	ssyncset.done $0x0  }
0x2e: {  	s17 =	sadd.s32 s17, s7;
	[sflag:s10] =	ssyncadd.s32 $0xFFFF6000  }
0x2f: {  	[tilespmem:s11], [sflag:$0x1] =	stream.linear.gather [hbm4b:s17+s3], $0x180, $0x38;
	[tilespmem:$0x1E180] =	vst v63  }
0x30: {  	_ =	swait.ge [sflag:s10], $0x180  }
0x31: {  	[sflag:s10] =	ssyncset.done $0x0  }
0x32: {  	[sflag:s10] =	ssyncadd.s32 $0xFFFFFE80  }
0x33: {  	[tilespmem:s12], [sflag:$0x1] =	stream.linear.gather [hbm4b:s16+s3], $0xA000, $0x38;
	[tilespmem:$0x1E180] =	vst v63  }
0x34: {  	_ =	swait.ge [sflag:s10], $0xA000  }
0x35: {  	[sflag:s10] =	ssyncset.done $0x0  }
0x36: {  	[sflag:s10] =	ssyncadd.s32 $0xFFFF6000  }
0x37: {  	[spmem:s1] =	stream.indirect.scatter.add.f32 [tilespmem:s12], [sflag:$0x1], $0x80, s11, s13, $0xb8;
	[tilespmem:$0x1E180] =	vst v63  }
0x38: {  	_ =	swait.ge [sflag:s10], $0xA000  }
0x39: {  	s15 =	sadd.s32 $0x1, s15;
	[sflag:s10] =	ssyncset.done $0x0  }
0x3a: {  	p0 =	sne.s32 s15, s6;
	[sflag:s10] =	ssyncadd.s32 $0xFFFF6000  }
.Ltmp1:
0x3b: {  	[bflag:$0x0] =	sbarrier.arrive $0xFFFF;
	(pc) =	sbr.rel @p0 .LBB2_1-.Ltmp1, $4  }
0x3c: {  	[hbm:s14], [sflag:s5] =	dma.local [spmem:s9], $0x2800  }
0x3d: {  	_ =	swait.ge [sflag:s10], $0x2800  }
0x3e: {  	[sflag:s10] =	ssyncset.done $0x0  }
0x3f: {  	[sflag:s10] =	ssyncadd.s32 $0xFFFFD800  }
0x40: {  	_ =	sfence.sel $0x180000  }
0x41: {  	[bflag:$0x0] =	sbarrier.arrive $0xFFFF  }
0x42: {  	p0 =	sne.s32 s2, $0x0;
	_ =	strace $0x9000006B  }
0x43: {  	s0 =	sadd.s32 @!p0 $0x100000, s0;
	[bflag:$0x2] =	sbarrier.arrive $0xFFFF  }
0x44: {  	[sflag:s0] =	ssyncadd.tile.s32 @!p0 $0x1;
	_ =	shalt  }
.Lfunc_end2:
_tile_overlayer_lowered:
.L_overlay_start_2:
0x45: {  	(tag) =	ssettag $0x2  }
0x46: {  	s0 =	rddreg [dreg:$0x0];
	s2 =	stileid.u32  }
0x47: {  	s1 =	rddreg [dreg:$0x1];
	p0 =	sne.s32 s2, $0x0  }
0x48: {  	s3 =	rddreg [dreg:$0x2];
	[bflag:$0x3] =	sbarrier.arrive $0xFFFF;
	s2 =	simm.s32 @!p0 $0x1C01  }
0x49: {  	[timem:s3], [sflag:s2] =	dma.local @!p0 [hbm:s0], s1  }
0x4a: {  	s0 =	simm.s32 @!p0 $0x1  }
0x4b: {  	_ =	swait.ge @!p0 [sflag:s0], s1  }
0x4c: {  	s1 =	ssub.s32 @!p0 $0x0, s1;
	[sflag:s0] =	ssyncset.done @!p0 $0x0  }
0x4d: {  	[sflag:s0] =	ssyncadd.s32 @!p0 s1  }
0x4e: {  	[bflag:$0x3] =	sbarrier.arrive $0xFFFF  }
0x4f: {  	_ =	shalt  }

// kernel: kernel.38.cloned.1.call-start
scs
__scs_entry_jumppad:
0x0: {  	(pc) =	sbr.rel $0x88, $3  }
0x1: {  	(tag) =	ssettag $0x0;
	lr =	simm.s32 $0x1  }
0x2: {  	[smem:$0x3F97] =	sst lr;
	_ =	strace $0xD0000000  }
0x3: {  	_ = 	snop  }
0x4: {  	_ = 	snop  }
0x5: {  	_ = 	snop  }
0x6: {  	_ = 	snop  }
0x7: {  	_ = 	snop  }
__scs_overlays_trampoline_lowered:
0x8: {  	[smem:$0x3FA6] =	sst s0  }
0x9: {  	[smem:$0x3FA7] =	sst s1  }
0xa: {  	[smem:$0x3FA8] =	sst s2  }
0xb: {  	[smem:$0x3FA9] =	sst s3  }
0xc: {  	[smem:$0x3FAA] =	sst s4  }
0xd: {  	[smem:$0x3FAB] =	sst s5  }
0xe: {  	[smem:$0x3FAC] =	sst s6  }
0xf: {  	[smem:$0x3FAD] =	sst s7  }
0x10: {  	[smem:$0x3FAE] =	sst s8  }
0x11: {  	[smem:$0x3FAF] =	sst s9;
	s0 =	simm.s32 @!p0 $0x0  }
0x12: {  	s1 =	sld [smem:$0x3F95];
	s0 =	simm.s32 @p0 $0x1  }
0x13: {  	[smem:$0x3FB0] =	sst s0;
	s0 =	simm.s32 @!p1 $0x0  }
0x14: {  	s2 =	sld [smem:$0x3F94];
	s0 =	simm.s32 @p1 $0x1  }
0x15: {  	[smem:$0x3FB1] =	sst s0;
	s0 =	simm.s32 @!p2 $0x0  }
0x16: {  	s3 =	sld [smem:$0x3FDB];
	s0 =	simm.s32 @p2 $0x1  }
0x17: {  	s4 =	simm.s32 $0x1BF5;
	[smem:$0x3FB3] =	sst s0  }
0x18: {  	s0 =	sld [smem:$0x3F96];
	_ =	swait.ge [sflag:s4], $0x0  }
0x19: {  	s7 =	sld [smem:$0x3F97]  }
0x1a: {  	s8 =	sadd.s32 $0xFFFFE003, lr  }
0x1b: {  	s9 =	sadd.s32 $0xFFFFFEF7, lr;
	s5 =	simm.s32 $0xFFFFFFFF;
	p2 =	slt.u32 s8, $0xFFFFF086  }
0x1c: {  	p1 =	slt.u32 s9, $0xF7A;
	s5 =	simm.s32 @!p2 $0x0  }
0x1d: {  	s5 =	simm.s32 @p1 $0x1;
	p0 =	seq.s32 s7, s2  }
0x1e: {  	s7 =	smul.u32 @!p0 $0xF7A, s2;
	p2 =	seq.s32 @!p0 s5, $0x0  }
0x1f: {  	s9 =	smul.u32 $0xF7A, s1;
	s8 =	simm.s32 @!p0 $0x1BF5;
	p2 =	por !p2, p0  }
0x20: {  	[sflag:s8] =	ssyncset.s32 @!p0 $0xFFFFF086;
	s6 =	sadd.s32 @!p0 s3, s7;
	s7 =	simm.s32 @!p0 $0x108  }
0x21: {  	s3 =	sadd.s32 s3, s9;
	s6 =	sadd.s32 @!p0 $0x88, s6;
	s7 =	simm.s32 @p2 $0x1082  }
0x22: {  	[simem:s7], [sflag:s8] =	dma.local @!p0 [hbm:s6], $0xF7A  }
0x23: {  	s9 =	sor.u32 $0xD0000000, s2;
	s6 =	simm.s32 $0x108;
	_ =	swait.ge @!p0 [sflag:s8], $0x0  }
0x24: {  	s3 =	sadd.s32 $0x88, s3;
	s6 =	simm.s32 @!p1 $0x1082;
	[sflag:s4] =	ssyncset.s32 $0xFFFFF086  }
0x25: {  	[simem:s6], [sflag:s4] =	dma.local [hbm:s3], $0xF7A  }
0x26: {  	[smem:$0x3F97] =	sst s1;
	(tag) =	ssettag s2;
	_ =	strace s9  }
0x27: {  	s1 =	sld [smem:$0x3FA7]  }
0x28: {  	s2 =	sld [smem:$0x3FA8]  }
0x29: {  	s4 =	sld [smem:$0x3FAA]  }
0x2a: {  	p0 =	seq.s32 s5, $0x0;
	s5 =	sld [smem:$0x3FAB]  }
0x2b: {  	s6 =	sld [smem:$0x3FAC]  }
0x2c: {  	s7 =	sld [smem:$0x3FAD]  }
0x2d: {  	s3 =	simm.s32 $0x108;
	s8 =	sld [smem:$0x3FAE]  }
0x2e: {  	s3 =	simm.s32 @!p0 $0x1082;
	s9 =	sld [smem:$0x3FAF]  }
0x2f: {  	lr =	sadd.s32 s0, s3;
	s0 =	sld [smem:$0x3FA6]  }
0x30: {  	s3 =	sld [smem:$0x3FA9]  }
0x31: {  	[smem:$0x3FB2] =	sst s10  }
0x32: {  	s10 =	sld [smem:$0x3FB0];
	_ =	sdelay $0x3  }
0x33: {  	p0 =	seq.s32 s10, $0x1;
	s10 =	sld [smem:$0x3FB2];
	_ =	sdelay $0x3  }
0x34: {  	[smem:$0x3FB2] =	sst s10  }
0x35: {  	s10 =	sld [smem:$0x3FB1];
	_ =	sdelay $0x3  }
0x36: {  	p1 =	seq.s32 s10, $0x1;
	s10 =	sld [smem:$0x3FB2];
	_ =	sdelay $0x3  }
0x37: {  	[smem:$0x3FB2] =	sst s10  }
0x38: {  	s10 =	sld [smem:$0x3FB3]  }
0x39: {  	_ = 	snop;
	(pc) =	sbr.ind lr, $3  }
0x3a: {  	_ = 	snop  }
0x3b: {  	_ = 	snop  }
0x3c: {  	p2 =	seq.s32 s10, $0x1;
	s10 =	sld [smem:$0x3FB2]  }
0x3d: {  	_ =	shalt  }
0x3e: {  	_ =	shalt  }
0x3f: {  	_ =	shalt  }
0x40: {  	_ =	shalt  }
0x41: {  	_ =	shalt  }
0x42: {  	_ =	shalt  }
0x43: {  	_ =	shalt  }
0x44: {  	_ =	shalt  }
0x45: {  	_ =	shalt  }
0x46: {  	_ =	shalt  }
0x47: {  	_ =	shalt  }
0x48: {  	_ =	shalt  }
0x49: {  	_ =	shalt  }
0x4a: {  	_ =	shalt  }
0x4b: {  	_ =	shalt  }
0x4c: {  	_ =	shalt  }
0x4d: {  	_ =	shalt  }
0x4e: {  	_ =	shalt  }
0x4f: {  	_ =	shalt  }
0x50: {  	_ =	shalt  }
0x51: {  	_ =	shalt  }
0x52: {  	_ =	shalt  }
0x53: {  	_ =	shalt  }
0x54: {  	_ =	shalt  }
0x55: {  	_ =	shalt  }
0x56: {  	_ =	shalt  }
0x57: {  	_ =	shalt  }
0x58: {  	_ =	shalt  }
0x59: {  	_ =	shalt  }
0x5a: {  	_ =	shalt  }
0x5b: {  	_ =	shalt  }
0x5c: {  	_ =	shalt  }
0x5d: {  	_ =	shalt  }
0x5e: {  	_ =	shalt  }
0x5f: {  	_ =	shalt  }
0x60: {  	_ =	shalt  }
0x61: {  	_ =	shalt  }
0x62: {  	_ =	shalt  }
0x63: {  	_ =	shalt  }
0x64: {  	_ =	shalt  }
0x65: {  	_ =	shalt  }
0x66: {  	_ =	shalt  }
0x67: {  	_ =	shalt  }
0x68: {  	_ =	shalt  }
0x69: {  	_ =	shalt  }
0x6a: {  	_ =	shalt  }
0x6b: {  	_ =	shalt  }
0x6c: {  	_ =	shalt  }
0x6d: {  	_ =	shalt  }
0x6e: {  	_ =	shalt  }
0x6f: {  	_ =	shalt  }
0x70: {  	_ =	shalt  }
0x71: {  	_ =	shalt  }
0x72: {  	_ =	shalt  }
0x73: {  	_ =	shalt  }
0x74: {  	_ =	shalt  }
0x75: {  	_ =	shalt  }
0x76: {  	_ =	shalt  }
0x77: {  	_ =	shalt  }
0x78: {  	_ =	shalt  }
0x79: {  	_ =	shalt  }
0x7a: {  	_ =	shalt  }
0x7b: {  	_ =	shalt  }
0x7c: {  	_ =	shalt  }
0x7d: {  	_ =	shalt  }
0x7e: {  	_ =	shalt  }
0x7f: {  	_ =	shalt  }
0x80: {  	_ =	shalt  }
0x81: {  	_ =	shalt  }
0x82: {  	_ =	shalt  }
0x83: {  	_ =	shalt  }
0x84: {  	_ =	shalt  }
0x85: {  	_ =	shalt  }
0x86: {  	_ =	shalt  }
0x87: {  	_ =	shalt  }
.Lfunc_end0:
.L_simem_size_0:
called_computation.6_lowered:
.L_overlay_start_0:
0x88: {  	s2 =	sld [smem:$0x3FD9]  }
0x89: {  	s3 =	sld [smem:$0x3FFE];
	_ =	sdelay $0x1  }
0x8a: {  	s1 =	srdreg.scid  }
0x8b: {  	s0 =	sand.u32 $0x1, s1  }
0x8c: {  	s16 =	sshll.u32 s0, $0xA;
	s2 =	sadd.s32 s3, s2  }
0x8d: {  	s2 =	sadd.s32 s2, s16  }
0x8e: {  	[smem:$0x3FBE] =	sst s2  }
0x8f: {  	_ = 	snop  }
0x90: {  	(tm) =	ssettm $0x1  }
0x91: {  	s17 =	sld [smem:$0x3FFB];
	_ =	sdelay $0x3  }
0x92: {  	_ =	strace s17  }
0x93: {  	s2 =	sld [smem:$0x3FFC];
	_ =	sdelay $0x3  }
0x94: {  	_ =	strace s2  }
0x95: {  	s2 =	sld [smem:$0x3FFD];
	_ =	sdelay $0x3  }
0x96: {  	_ =	strace s2  }
0x97: {  	_ =	strace $0x8FFFFFFF  }
0x98: {  	s18 =	sld [smem:$0x3FDB];
	_ =	sdelay $0x1  }
0x99: {  	s19 =	simm.s32 $_scs_section_size  }
0x9a: {  	s4 =	simm.s32 $_size__tile_overlayer_lowered;
	s5 =	simm.s32 $_tile_overlayer_lowered  }
0x9b: {  	s22 =	simm.s32 $0x1BFF;
	s21 =	sshll.u32 s5, $0x1;
	s2 =	sadd.s32 s19, s18  }
0x9c: {  	s6 =	simm.s32 $0x0;
	s20 =	sshll.u32 s4, $0x1;
	s4 =	sadd.s32 s21, s2  }
0x9d: {  	[timem:s6], [sflag:s22] =	dma.local [hbm:s4], s20  }
0x9e: {  	_ =	swait.ge [sflag:s22], s20  }
0x9f: {  	s3 =	ssub.s32 $0x0, s20;
	[sflag:s22] =	ssyncset.done $0x0  }
0xa0: {  	[sflag:s22] =	ssyncadd.s32 s3;
	_ =	sdelay $0x1  }
0xa1: {  	s23 =	simm.s32 $0x1B8B  }
0xa2: {  	_ =	swait.ge [sflag:s23], $0x1  }
0xa3: {  	[sflag:s23] =	ssyncset.done $0x0  }
0xa4: {  	s25 =	simm.s32 $0x1B8E;
	s24 =	sld [smem:$0x3FFE];
	[sflag:s23] =	ssyncadd.s32 $0xFFFFFFFF  }
0xa5: {  	s26 =	simm.s32 $execute0_lowered;
	[smem:$0x3FD2] =	sst s25  }
0xa6: {  	s4 =	sshll.u32 s26, $0x1;
	_ =	strace $0x8000006D;
	[dreg:$0x1] =	wrdreg $0xFFFFFFFF  }
0xa7: {  	s28 =	simm.s32 $_size_execute0_lowered;
	s2 =	sadd.s32 s2, s4;
	[dreg:$0x0] =	wrdreg $0x0  }
0xa8: {  	s4 =	sshll.u32 s28, $0x1;
	[dreg:$0x2] =	wrdreg s2  }
0xa9: {  	[dreg:$0x3] =	wrdreg s4  }
0xaa: {  	[dreg:$0x4] =	wrdreg $0xC0  }
0xab: {  	_ =	task [dreg:s6], $0x5FFFF  }
0xac: {  	[dreg:$0x1] =	wrdreg $0xFFFFFFFF  }
0xad: {  	[dreg:$0x0] =	wrdreg $0x60  }
0xae: {  	[dreg:$0x2] =	wrdreg s24  }
0xaf: {  	[dreg:$0x3] =	wrdreg $0x9  }
0xb0: {  	_ =	task.clear_ibuf [dreg:s6], $0x4FFFF;
	_ =	strace $0x9000006D  }
0xb1: {  	s29 =	simm.s32 $0x9;
	_ =	strace $0x80000076  }
0xb2: {  	_ =	swait.ge [sflag:s29], $0x1  }
0xb3: {  	[sflag:s29] =	ssyncadd.s32 $0xFFFFFFFF  }
0xb4: {  	_ =	strace $0x90000076  }
0xb5: {  	_ =	sfence  }
0xb6: {  	s30 =	sld [smem:$0x0];
	_ =	sdelay $0x2  }
0xb7: {  	s31 =	sshll.u32 s1, $0xD;
	s1 =	sshrl.u32 s1, $0x2  }
0xb8: {  	s3 =	sand.u32 $0x4000, s31;
	s1 =	sadd.s32 s1, s30  }
0xb9: {  	s0 =	sor.u32 s3, s0;
	s1 =	sshll.u32 s1, $0x11  }
0xba: {  	s0 =	sor.u32 s1, s0  }
0xbb: {  	s0 =	sadd.s32 $0x8F2B, s0  }
0xbc: {  	[sflag:s0] =	ssyncadd.remote.s32 $0x1  }
0xbd: {  	_ =	sfence.sel $0xFFFF  }
0xbe: {  	[dreg:$0x0] =	wrdreg $0xFFFFFFFF;
	(pc) =	sbr.abs _section_cstart, $3  }
0xbf: {  	[dreg:$0x1] =	wrdreg $0xFFFFFFFF  }
0xc0: {  	_ =	task.clear_ibuf [dreg:s6], $0x2FFFF;
	_ =	strace $0x9FFFFFFF  }
0xc1: {  	(tm) =	ssettm $0x7FFFFFFF  }
tec
execute0_lowered:
.L_overlay_start_1:
0x0: {  	(tag) =	ssettag $0x1  }
0x1: {  	s3 =	rddreg [dreg:$0x0]  }
0x2: {  	s1 =	simm.s32 $0x0;
	s4 =	srdreg.scid;
	s8 =	simm.s32 $0x100  }
0x3: {  	s9 =	simm.s32 $0x5;
	s10 =	simm.s32 $0x4;
	s11 =	simm.s32 $0x0  }
0x4: {  	[smem:$0x7FF] =	sst s1;
	s2 =	sadd.s32 $0x5C4400, s3;
	s4 =	sand.u32 $0x1, s4  }
0x5: {  	s5 =	sadd.s32 $0x50C000, s3;
	s30 =	sadd.s32 $0xC000, s3;
	_ =	strace $0x8000006E  }
0x6: {  	[dreg:$0x2] =	wrdreg s2;
	s2 =	stileid.u32;
	s6 =	sshll.u32 s4, $0x4  }
0x7: {  	s3 =	sadd.s32 $0x5BF400, s3;
	s4 =	ssub.s32 $0x2, s4;
	s29 =	sor.u32 s2, s6  }
0x8: {  	[dreg:$0x3] =	wrdreg s5;
	s31 =	sshrl.u32 s4, $0x1;
	s7 =	smul.u32 $0x280, s29  }
0x9: {  	[dreg:$0x4] =	wrdreg s30;
	s6 =	ssub.s32 s4, s31;
	s4 =	smul.u32 $0x14, s29  }
0xa: {  	s6 =	smax.u32 s6, $0x1;
	s5 =	sadd.s32 s3, s7;
	s7 =	simm.s32 $0x1  }
.LBB2_1:
0xb: {  	_ =	strace $0x8000006F;
	s12 =	simm.s32 $0x1;
	p0 =	por $0x0, $0x0  }
0xc: {  	[tilespmem:s1], [sflag:$0x1] =	stream.linear.gather [hbm4b:s5+s1], $0x100, $0x200038;
	[tilespmem:$0x10200] =	vst v63  }
0xd: {  	s12 =	simm.s32 @p0 $0x0  }
0xe: {  	p1 =	por $0x1, $0x1;
	p0 =	sne.s32 s12, $0x0  }
0xf: {  	p1 =	por !p1, !p0  }
0x10: {  	s21 =	sand.u32 $0x1, s1;
	p1 =	por !p1, !p1  }
0x11: {  	s26 =	simm.s32 $0x0;
	s20 =	sadd.s32 $0x0, s4;
	s13 =	sadd.s32 @p1 s4, s12  }
0x12: {  	_ =	strace $0x9000006F;
	s14 =	sand.u32 @p1 $0x1, s7;
	s13 =	sshll.u32 @p1 s13, $0x5  }
0x13: {  	s15 =	simm.s32 @p1 $0x0;
	_ =	strace @p1 $0x80000070;
	s13 =	sand.u32 @p1 $0x1FFFFFE0, s13  }
0x14: {  	s16 =	sshll.u32 @p1 s14, $0x8;
	s14 =	sadd.s32 @p1 $0x1, s14;
	s13 =	sadd.s32 @p1 s3, s13  }
0x15: {  	[tilespmem:s16], [sflag:s14] =	stream.linear.gather @p1 [hbm4b:s13+s15], $0x100, $0x200038;
	[tilespmem:$0x10200] =	vst v63  }
0x16: {  	p5 =	por $0x0, $0x0;
	p3 =	por $0x0, $0x0;
	_ =	strace @p1 $0x90000070  }
0x17: {  	p6 =	por $0x1, $0x1;
	s24 =	sadd.s32 $0x1, s21;
	_ =	strace $0x80000071  }
0x18: {  	s23 =	simm.s32 $0x1;
	s31 =	sshll.u32 s21, $0xF;
	_ =	swait.ge [sflag:s24], $0x100  }
0x19: {  	s22 =	sor.u32 $0x200, s31;
	s18 =	sadd.s32 $0x1, s12;
	[sflag:s24] =	ssyncset.done $0x0  }
0x1a: {  	p2 =	por p5, p0;
	p0 =	seq.s32 s18, $0x14;
	[sflag:s24] =	ssyncadd.s32 $0xFFFFFF00  }
0x1b: {  	s18 =	simm.s32 @p0 $0x0;
	s29 =	simm.s32 @p2 $0x0;
	_ =	strace $0x90000071  }
0x1c: {  	p0 =	sne.s32 s12, s18;
	s14 =	sand.u32 $0x100, s26;
	_ =	strace $0x80000072  }
0x1d: {  	s13 =	simm.s32 $0x13;
	s16 =	simm.s32 $0x1;
	s25 =	rddreg [dreg:$0x2]  }
0x1e: {  	[tilespmem:s22], [sflag:$0x5] =	stream.indirect.gather [hbm4b:s25+s8], $0x80, s14, s8, $0x2000b8;
	[tilespmem:$0x10200] =	vst v63  }
0x1f: {  	s15 =	simm.s32 $0x12;
	s16 =	simm.s32 @!p1 $0x0;
	_ =	swait.ge [sflag:s9], $0x8000  }
0x20: {  	p1 =	por $0x1, $0x1;
	s19 =	sadd.s32 $0x1, s16;
	[sflag:s9] =	ssyncset.done $0x0  }
0x21: {  	s16 =	simm.s32 $0x0;
	s17 =	rddreg [dreg:$0x3];
	[sflag:s9] =	ssyncadd.s32 $0xFFFF8000  }
0x22: {  	[tilespmem:s22], [sflag:$0x5] =	stream.indirect.gather.add.f32 [hbm:s17], $0x80, s14, s8, $0x2000b8;
	[tilespmem:$0x10200] =	vst v63  }
0x23: {  	s24 =	sshll.u32 @p2 s20, $0xC;
	s20 =	simm.s32 $0x0;
	_ =	swait.ge [sflag:s9], $0x8000  }
0x24: {  	s17 =	simm.s32 $0x1;
	s14 =	sand.u32 @!p1 $0x1, s1;
	[sflag:s9] =	ssyncset.done $0x0  }
0x25: {  	s17 =	simm.s32 @!p3 $0x0;
	p3 =	por !p6, !p0;
	[sflag:s9] =	ssyncadd.s32 $0xFFFF8000  }
0x26: {  	s25 =	sadd.s32 @!p1 $0x3, s14;
	p4 =	por !p3, !p3;
	_ =	strace $0x90000072  }
0x27: {  	s14 =	simm.s32 $0x0;
	s26 =	sand.u32 @p4 $0x1, s19;
	_ =	strace @p2 $0x80000073  }
0x28: {  	s28 =	sadd.s32 @p4 s4, s18;
	s23 =	simm.s32 @!p4 $0x0;
	s30 =	rddreg [dreg:$0x4]  }
.LBB2_2:
0x29: {  	s0 =	sand.u32 @p2 $0x1FFFF000, s24  }
0x2a: {  	s31 =	sshll.u32 @p4 s28, $0x5;
	s21 =	sadd.s32 @p2 $0x3, s21;
	s0 =	sadd.s32 @p2 s30, s0  }
0x2b: {  	[hbm4b:s0+s29] =	stream.linear.scatter @p2 [tilespmem:s22], [sflag:s21], $0x8000, $0x200038;
	[tilespmem:$0x10200] =	vst v63  }
0x2c: {  	s24 =	smov.u32 s13;
	s13 =	smov.u32 s15;
	_ =	strace @p2 $0x90000073  }
0x2d: {  	s28 =	smov.u32 s12;
	s15 =	sadd.s32 $0xFFFFFFFF, s15;
	_ =	strace @!p1 $0x80000074  }
0x2e: {  	s14 =	sadd.s32 s17, s14;
	s17 =	simm.s32 @p4 $0x0;
	_ =	swait.ge @!p1 [sflag:s25], $0x8000  }
0x2f: {  	s19 =	sadd.s32 s23, s19;
	s30 =	simm.s32 $0x1;
	[sflag:s25] =	ssyncset.done @!p1 $0x0  }
0x30: {  	s12 =	sand.u32 @p4 $0x1FFFFFE0, s31;
	s30 =	simm.s32 @!p2 $0x0;
	[sflag:s25] =	ssyncadd.s32 @!p1 $0xFFFF8000  }
0x31: {  	s0 =	sadd.s32 @p4 s3, s12;
	s22 =	sshll.u32 @p4 s26, $0x8;
	_ =	strace @!p1 $0x90000074  }
0x32: {  	s20 =	sadd.s32 s30, s20;
	s25 =	sadd.s32 @p4 $0x1, s26;
	_ =	strace @p4 $0x80000070  }
0x33: {  	[tilespmem:s22], [sflag:s25] =	stream.linear.gather @p4 [hbm4b:s0+s17], $0x100, $0x200038;
	[tilespmem:$0x10200] =	vst v63  }
0x34: {  	s23 =	simm.s32 $0x1;
	s31 =	sand.u32 $0x1, s20;
	_ =	strace @p4 $0x90000070  }
0x35: {  	p3 =	sne.s32 s15, $0x0;
	s26 =	sadd.s32 $0x1, s31;
	_ =	strace $0x80000071  }
0x36: {  	p5 =	seq.s32 s24, $0x1;
	s12 =	smov.u32 s18;
	_ =	swait.ge [sflag:s26], $0x100  }
0x37: {  	s18 =	sadd.s32 $0x1, s18;
	s16 =	sadd.s32 s30, s16;
	[sflag:s26] =	ssyncset.done $0x0  }
0x38: {  	p2 =	por p5, p0;
	p0 =	seq.s32 s18, $0x14;
	[sflag:s26] =	ssyncadd.s32 $0xFFFFFF00  }
0x39: {  	s29 =	sshll.u32 s20, $0x8;
	s21 =	sand.u32 $0x1, s16;
	_ =	strace $0x90000071  }
0x3a: {  	s18 =	simm.s32 @p0 $0x0;
	s22 =	sshll.u32 s21, $0xF;
	_ =	strace $0x80000072  }
0x3b: {  	s25 =	sand.u32 $0x100, s29;
	s22 =	sor.u32 $0x200, s22;
	s31 =	rddreg [dreg:$0x2]  }
0x3c: {  	[tilespmem:s22], [sflag:$0x5] =	stream.indirect.gather [hbm4b:s31+s8], $0x80, s25, s8, $0x2000b8;
	[tilespmem:$0x10200] =	vst v63  }
0x3d: {  	p6 =	sne.s32 s13, $0x1;
	p0 =	sne.s32 s12, s18;
	_ =	swait.ge [sflag:s9], $0x8000  }
0x3e: {  	p1 =	seq.s32 s24, $0x14;
	s17 =	simm.s32 $0x1;
	[sflag:s9] =	ssyncset.done $0x0  }
0x3f: {  	p4 =	sne.s32 s24, $0x14;
	s31 =	rddreg [dreg:$0x3];
	[sflag:s9] =	ssyncadd.s32 $0xFFFF8000  }
0x40: {  	[tilespmem:s22], [sflag:$0x5] =	stream.indirect.gather.add.f32 [hbm:s31], $0x80, s25, s8, $0x2000b8;
	[tilespmem:$0x10200] =	vst v63  }
0x41: {  	s0 =	sand.u32 @!p1 $0x1, s14;
	s17 =	simm.s32 @!p4 $0x0;
	_ =	swait.ge [sflag:s9], $0x8000  }
.Ltmp0:
0x42: {  	p4 =	por !p6, !p0;
	[sflag:s9] =	ssyncset.done $0x0;
	(pc) =	sbr.rel @p3 .LBB2_2-.Ltmp0, $4  }
0x43: {  	s29 =	simm.s32 @p2 $0x0;
	p4 =	por !p4, !p4;
	[sflag:s9] =	ssyncadd.s32 $0xFFFF8000  }
0x44: {  	s23 =	simm.s32 @!p4 $0x0;
	s26 =	sadd.s32 s4, s28;
	_ =	strace $0x90000072  }
0x45: {  	s28 =	sadd.s32 @p4 s4, s18;
	s24 =	sshll.u32 @p2 s26, $0xC;
	_ =	strace @p2 $0x80000073  }
0x46: {  	s26 =	sand.u32 @p4 $0x1, s19;
	s25 =	sadd.s32 @!p1 $0x3, s0;
	s30 =	rddreg [dreg:$0x4]  }
0x47: {  	s0 =	sand.u32 @p2 $0x1FFFF000, s24  }
0x48: {  	s15 =	sadd.s32 @p2 $0x3, s21;
	s0 =	sadd.s32 @p2 s30, s0  }
0x49: {  	[hbm4b:s0+s29] =	stream.linear.scatter @p2 [tilespmem:s22], [sflag:s15], $0x8000, $0x200038;
	[tilespmem:$0x10200] =	vst v63  }
0x4a: {  	_ =	strace @p2 $0x90000073  }
0x4b: {  	_ =	strace @!p1 $0x80000074  }
0x4c: {  	s19 =	simm.s32 @p4 $0x0;
	_ =	swait.ge @!p1 [sflag:s25], $0x8000  }
0x4d: {  	s21 =	sadd.s32 @p4 $0x1, s26;
	s0 =	sshll.u32 @p4 s28, $0x5;
	[sflag:s25] =	ssyncset.done @!p1 $0x0  }
0x4e: {  	s15 =	simm.s32 $0x1;
	s0 =	sand.u32 @p4 $0x1FFFFFE0, s0;
	[sflag:s25] =	ssyncadd.s32 @!p1 $0xFFFF8000  }
0x4f: {  	s15 =	simm.s32 @!p2 $0x0;
	s0 =	sadd.s32 @p4 s3, s0;
	_ =	strace @!p1 $0x90000074  }
0x50: {  	s18 =	sadd.s32 s15, s20;
	s20 =	sshll.u32 @p4 s26, $0x8;
	_ =	strace @p4 $0x80000070  }
0x51: {  	[tilespmem:s20], [sflag:s21] =	stream.linear.gather @p4 [hbm4b:s0+s19], $0x100, $0x200038;
	[tilespmem:$0x10200] =	vst v63  }
0x52: {  	s25 =	sand.u32 $0x1, s18;
	_ =	strace @p4 $0x90000070  }
0x53: {  	s0 =	sadd.s32 $0x1, s25;
	_ =	strace $0x80000071  }
0x54: {  	_ =	swait.ge [sflag:s0], $0x100  }
0x55: {  	[sflag:s0] =	ssyncset.done $0x0  }
0x56: {  	s26 =	sadd.s32 s15, s16;
	[sflag:s0] =	ssyncadd.s32 $0xFFFFFF00  }
0x57: {  	s0 =	sand.u32 $0x1, s26;
	_ =	strace $0x90000071  }
0x58: {  	s29 =	sshll.u32 s18, $0x8;
	s30 =	sshll.u32 s0, $0xF;
	_ =	strace $0x80000072  }
0x59: {  	s16 =	sand.u32 $0x100, s29;
	s18 =	sor.u32 $0x200, s30;
	s28 =	rddreg [dreg:$0x2]  }
0x5a: {  	[tilespmem:s18], [sflag:$0x5] =	stream.indirect.gather [hbm4b:s28+s8], $0x80, s16, s8, $0x2000b8;
	[tilespmem:$0x10200] =	vst v63  }
0x5b: {  	_ =	swait.ge [sflag:s9], $0x8000  }
0x5c: {  	[sflag:s9] =	ssyncset.done $0x0  }
0x5d: {  	s31 =	rddreg [dreg:$0x3];
	[sflag:s9] =	ssyncadd.s32 $0xFFFF8000  }
0x5e: {  	[tilespmem:s18], [sflag:$0x5] =	stream.indirect.gather.add.f32 [hbm:s31], $0x80, s16, s8, $0x2000b8;
	[tilespmem:$0x10200] =	vst v63  }
0x5f: {  	_ =	swait.ge [sflag:s9], $0x8000  }
0x60: {  	[sflag:s9] =	ssyncset.done $0x0  }
0x61: {  	p6 =	seq.s32 s13, $0x1;
	[sflag:s9] =	ssyncadd.s32 $0xFFFF8000  }
0x62: {  	s12 =	sadd.s32 s4, s12;
	p0 =	por p6, p0;
	_ =	strace $0x90000072  }
0x63: {  	s14 =	sadd.s32 s17, s14;
	s12 =	sshll.u32 @p0 s12, $0xC;
	_ =	strace @p0 $0x80000073  }
0x64: {  	s12 =	sand.u32 @p0 $0x1FFFF000, s12;
	p1 =	seq.s32 s13, $0x14;
	s15 =	rddreg [dreg:$0x4]  }
0x65: {  	s13 =	simm.s32 @p0 $0x0;
	s0 =	sadd.s32 @p0 $0x3, s0;
	s12 =	sadd.s32 @p0 s15, s12  }
0x66: {  	[hbm4b:s12+s13] =	stream.linear.scatter @p0 [tilespmem:s18], [sflag:s0], $0x8000, $0x200038;
	[tilespmem:$0x10200] =	vst v63  }
0x67: {  	s0 =	sand.u32 @!p1 $0x1, s14;
	_ =	strace @p0 $0x90000073  }
0x68: {  	s0 =	sadd.s32 @!p1 $0x3, s0;
	_ =	strace @!p1 $0x80000074  }
0x69: {  	_ =	swait.ge @!p1 [sflag:s0], $0x8000  }
0x6a: {  	[sflag:s0] =	ssyncset.done @!p1 $0x0  }
0x6b: {  	s11 =	sadd.s32 $0x1, s11;
	[sflag:s0] =	ssyncadd.s32 @!p1 $0xFFFF8000  }
0x6c: {  	p0 =	sne.s32 s11, s6;
	_ =	strace @!p1 $0x90000074  }
.Ltmp1:
0x6d: {  	_ =	strace $0x80000075;
	(pc) =	sbr.rel @p0 .LBB2_1-.Ltmp1, $4  }
0x6e: {  	_ =	swait.ge [sflag:s10], $0x8000  }
0x6f: {  	[sflag:s10] =	ssyncset.done $0x0  }
0x70: {  	[sflag:s10] =	ssyncadd.s32 $0xFFFF8000  }
0x71: {  	_ =	strace $0x90000075  }
0x72: {  	_ =	sfence.sel $0x180000  }
0x73: {  	[bflag:$0x0] =	sbarrier.arrive $0xFFFF  }
0x74: {  	_ =	strace $0x9000006E  }
0x75: {  	[bflag:$0x2] =	sbarrier.arrive $0xFFFF  }
0x76: {  	p0 =	sne.s32 s2, $0x0;
	s0 =	rddreg [dreg:$0x1]  }
0x77: {  	s0 =	sadd.s32 @!p0 $0x100000, s0  }
0x78: {  	[sflag:s0] =	ssyncadd.tile.s32 @!p0 $0x1;
	_ =	shalt  }
.Lfunc_end2:
_tile_overlayer_lowered:
.L_overlay_start_2:
0x79: {  	(tag) =	ssettag $0x2  }
0x7a: {  	s0 =	rddreg [dreg:$0x0];
	s2 =	stileid.u32  }
0x7b: {  	s1 =	rddreg [dreg:$0x1];
	p0 =	sne.s32 s2, $0x0  }
0x7c: {  	s3 =	rddreg [dreg:$0x2];
	[bflag:$0x3] =	sbarrier.arrive $0xFFFF;
	s2 =	simm.s32 @!p0 $0x1C01  }
0x7d: {  	[timem:s3], [sflag:s2] =	dma.local @!p0 [hbm:s0], s1  }
0x7e: {  	s0 =	simm.s32 @!p0 $0x1  }
0x7f: {  	_ =	swait.ge @!p0 [sflag:s0], s1  }
0x80: {  	s1 =	ssub.s32 @!p0 $0x0, s1;
	[sflag:s0] =	ssyncset.done @!p0 $0x0  }
0x81: {  	[sflag:s0] =	ssyncadd.s32 @!p0 s1  }
0x82: {  	[bflag:$0x3] =	sbarrier.arrive $0xFFFF  }
0x83: {  	_ =	shalt  }

// kernel: kernel.41.cloned.1.call-start
scs
__scs_entry_jumppad:
0x0: {  	(pc) =	sbr.rel $0x88, $3  }
0x1: {  	(tag) =	ssettag $0x0;
	lr =	simm.s32 $0x1  }
0x2: {  	[smem:$0x3F97] =	sst lr;
	_ =	strace $0xD0000000  }
0x3: {  	_ = 	snop  }
0x4: {  	_ = 	snop  }
0x5: {  	_ = 	snop  }
0x6: {  	_ = 	snop  }
0x7: {  	_ = 	snop  }
__scs_overlays_trampoline_lowered:
0x8: {  	[smem:$0x3FA6] =	sst s0  }
0x9: {  	[smem:$0x3FA7] =	sst s1  }
0xa: {  	[smem:$0x3FA8] =	sst s2  }
0xb: {  	[smem:$0x3FA9] =	sst s3  }
0xc: {  	[smem:$0x3FAA] =	sst s4  }
0xd: {  	[smem:$0x3FAB] =	sst s5  }
0xe: {  	[smem:$0x3FAC] =	sst s6  }
0xf: {  	[smem:$0x3FAD] =	sst s7  }
0x10: {  	[smem:$0x3FAE] =	sst s8  }
0x11: {  	[smem:$0x3FAF] =	sst s9;
	s0 =	simm.s32 @!p0 $0x0  }
0x12: {  	s1 =	sld [smem:$0x3F95];
	s0 =	simm.s32 @p0 $0x1  }
0x13: {  	[smem:$0x3FB0] =	sst s0;
	s0 =	simm.s32 @!p1 $0x0  }
0x14: {  	s2 =	sld [smem:$0x3F94];
	s0 =	simm.s32 @p1 $0x1  }
0x15: {  	[smem:$0x3FB1] =	sst s0;
	s0 =	simm.s32 @!p2 $0x0  }
0x16: {  	s3 =	sld [smem:$0x3FDB];
	s0 =	simm.s32 @p2 $0x1  }
0x17: {  	s4 =	simm.s32 $0x1BF5;
	[smem:$0x3FB3] =	sst s0  }
0x18: {  	s0 =	sld [smem:$0x3F96];
	_ =	swait.ge [sflag:s4], $0x0  }
0x19: {  	s7 =	sld [smem:$0x3F97]  }
0x1a: {  	s8 =	sadd.s32 $0xFFFFE003, lr  }
0x1b: {  	s9 =	sadd.s32 $0xFFFFFEF7, lr;
	s5 =	simm.s32 $0xFFFFFFFF;
	p2 =	slt.u32 s8, $0xFFFFF086  }
0x1c: {  	p1 =	slt.u32 s9, $0xF7A;
	s5 =	simm.s32 @!p2 $0x0  }
0x1d: {  	s5 =	simm.s32 @p1 $0x1;
	p0 =	seq.s32 s7, s2  }
0x1e: {  	s7 =	smul.u32 @!p0 $0xF7A, s2;
	p2 =	seq.s32 @!p0 s5, $0x0  }
0x1f: {  	s9 =	smul.u32 $0xF7A, s1;
	s8 =	simm.s32 @!p0 $0x1BF5;
	p2 =	por !p2, p0  }
0x20: {  	[sflag:s8] =	ssyncset.s32 @!p0 $0xFFFFF086;
	s6 =	sadd.s32 @!p0 s3, s7;
	s7 =	simm.s32 @!p0 $0x108  }
0x21: {  	s3 =	sadd.s32 s3, s9;
	s6 =	sadd.s32 @!p0 $0x88, s6;
	s7 =	simm.s32 @p2 $0x1082  }
0x22: {  	[simem:s7], [sflag:s8] =	dma.local @!p0 [hbm:s6], $0xF7A  }
0x23: {  	s9 =	sor.u32 $0xD0000000, s2;
	s6 =	simm.s32 $0x108;
	_ =	swait.ge @!p0 [sflag:s8], $0x0  }
0x24: {  	s3 =	sadd.s32 $0x88, s3;
	s6 =	simm.s32 @!p1 $0x1082;
	[sflag:s4] =	ssyncset.s32 $0xFFFFF086  }
0x25: {  	[simem:s6], [sflag:s4] =	dma.local [hbm:s3], $0xF7A  }
0x26: {  	[smem:$0x3F97] =	sst s1;
	(tag) =	ssettag s2;
	_ =	strace s9  }
0x27: {  	s1 =	sld [smem:$0x3FA7]  }
0x28: {  	s2 =	sld [smem:$0x3FA8]  }
0x29: {  	s4 =	sld [smem:$0x3FAA]  }
0x2a: {  	p0 =	seq.s32 s5, $0x0;
	s5 =	sld [smem:$0x3FAB]  }
0x2b: {  	s6 =	sld [smem:$0x3FAC]  }
0x2c: {  	s7 =	sld [smem:$0x3FAD]  }
0x2d: {  	s3 =	simm.s32 $0x108;
	s8 =	sld [smem:$0x3FAE]  }
0x2e: {  	s3 =	simm.s32 @!p0 $0x1082;
	s9 =	sld [smem:$0x3FAF]  }
0x2f: {  	lr =	sadd.s32 s0, s3;
	s0 =	sld [smem:$0x3FA6]  }
0x30: {  	s3 =	sld [smem:$0x3FA9]  }
0x31: {  	[smem:$0x3FB2] =	sst s10  }
0x32: {  	s10 =	sld [smem:$0x3FB0];
	_ =	sdelay $0x3  }
0x33: {  	p0 =	seq.s32 s10, $0x1;
	s10 =	sld [smem:$0x3FB2];
	_ =	sdelay $0x3  }
0x34: {  	[smem:$0x3FB2] =	sst s10  }
0x35: {  	s10 =	sld [smem:$0x3FB1];
	_ =	sdelay $0x3  }
0x36: {  	p1 =	seq.s32 s10, $0x1;
	s10 =	sld [smem:$0x3FB2];
	_ =	sdelay $0x3  }
0x37: {  	[smem:$0x3FB2] =	sst s10  }
0x38: {  	s10 =	sld [smem:$0x3FB3]  }
0x39: {  	_ = 	snop;
	(pc) =	sbr.ind lr, $3  }
0x3a: {  	_ = 	snop  }
0x3b: {  	_ = 	snop  }
0x3c: {  	p2 =	seq.s32 s10, $0x1;
	s10 =	sld [smem:$0x3FB2]  }
0x3d: {  	_ =	shalt  }
0x3e: {  	_ =	shalt  }
0x3f: {  	_ =	shalt  }
0x40: {  	_ =	shalt  }
0x41: {  	_ =	shalt  }
0x42: {  	_ =	shalt  }
0x43: {  	_ =	shalt  }
0x44: {  	_ =	shalt  }
0x45: {  	_ =	shalt  }
0x46: {  	_ =	shalt  }
0x47: {  	_ =	shalt  }
0x48: {  	_ =	shalt  }
0x49: {  	_ =	shalt  }
0x4a: {  	_ =	shalt  }
0x4b: {  	_ =	shalt  }
0x4c: {  	_ =	shalt  }
0x4d: {  	_ =	shalt  }
0x4e: {  	_ =	shalt  }
0x4f: {  	_ =	shalt  }
0x50: {  	_ =	shalt  }
0x51: {  	_ =	shalt  }
0x52: {  	_ =	shalt  }
0x53: {  	_ =	shalt  }
0x54: {  	_ =	shalt  }
0x55: {  	_ =	shalt  }
0x56: {  	_ =	shalt  }
0x57: {  	_ =	shalt  }
0x58: {  	_ =	shalt  }
0x59: {  	_ =	shalt  }
0x5a: {  	_ =	shalt  }
0x5b: {  	_ =	shalt  }
0x5c: {  	_ =	shalt  }
0x5d: {  	_ =	shalt  }
0x5e: {  	_ =	shalt  }
0x5f: {  	_ =	shalt  }
0x60: {  	_ =	shalt  }
0x61: {  	_ =	shalt  }
0x62: {  	_ =	shalt  }
0x63: {  	_ =	shalt  }
0x64: {  	_ =	shalt  }
0x65: {  	_ =	shalt  }
0x66: {  	_ =	shalt  }
0x67: {  	_ =	shalt  }
0x68: {  	_ =	shalt  }
0x69: {  	_ =	shalt  }
0x6a: {  	_ =	shalt  }
0x6b: {  	_ =	shalt  }
0x6c: {  	_ =	shalt  }
0x6d: {  	_ =	shalt  }
0x6e: {  	_ =	shalt  }
0x6f: {  	_ =	shalt  }
0x70: {  	_ =	shalt  }
0x71: {  	_ =	shalt  }
0x72: {  	_ =	shalt  }
0x73: {  	_ =	shalt  }
0x74: {  	_ =	shalt  }
0x75: {  	_ =	shalt  }
0x76: {  	_ =	shalt  }
0x77: {  	_ =	shalt  }
0x78: {  	_ =	shalt  }
0x79: {  	_ =	shalt  }
0x7a: {  	_ =	shalt  }
0x7b: {  	_ =	shalt  }
0x7c: {  	_ =	shalt  }
0x7d: {  	_ =	shalt  }
0x7e: {  	_ =	shalt  }
0x7f: {  	_ =	shalt  }
0x80: {  	_ =	shalt  }
0x81: {  	_ =	shalt  }
0x82: {  	_ =	shalt  }
0x83: {  	_ =	shalt  }
0x84: {  	_ =	shalt  }
0x85: {  	_ =	shalt  }
0x86: {  	_ =	shalt  }
0x87: {  	_ =	shalt  }
.Lfunc_end0:
.L_simem_size_0:
called_computation.7_lowered:
.L_overlay_start_0:
0x88: {  	s2 =	sld [smem:$0x3FD9]  }
0x89: {  	s3 =	sld [smem:$0x3FFE];
	_ =	sdelay $0x1  }
0x8a: {  	s1 =	srdreg.scid  }
0x8b: {  	s0 =	sand.u32 $0x1, s1  }
0x8c: {  	s16 =	sshll.u32 s0, $0xA;
	s2 =	sadd.s32 s3, s2  }
0x8d: {  	s2 =	sadd.s32 s2, s16  }
0x8e: {  	[smem:$0x3FBE] =	sst s2  }
0x8f: {  	_ = 	snop  }
0x90: {  	(tm) =	ssettm $0x1  }
0x91: {  	s17 =	sld [smem:$0x3FFB];
	_ =	sdelay $0x3  }
0x92: {  	_ =	strace s17  }
0x93: {  	s2 =	sld [smem:$0x3FFC];
	_ =	sdelay $0x3  }
0x94: {  	_ =	strace s2  }
0x95: {  	s2 =	sld [smem:$0x3FFD];
	_ =	sdelay $0x3  }
0x96: {  	_ =	strace s2  }
0x97: {  	_ =	strace $0x8FFFFFFF  }
0x98: {  	s18 =	sld [smem:$0x3FDB];
	_ =	sdelay $0x1  }
0x99: {  	s19 =	simm.s32 $_scs_section_size  }
0x9a: {  	s4 =	simm.s32 $_size__tile_overlayer_lowered;
	s5 =	simm.s32 $_tile_overlayer_lowered  }
0x9b: {  	s22 =	simm.s32 $0x1BFF;
	s21 =	sshll.u32 s5, $0x1;
	s2 =	sadd.s32 s19, s18  }
0x9c: {  	s6 =	simm.s32 $0x0;
	s20 =	sshll.u32 s4, $0x1;
	s4 =	sadd.s32 s21, s2  }
0x9d: {  	[timem:s6], [sflag:s22] =	dma.local [hbm:s4], s20  }
0x9e: {  	_ =	swait.ge [sflag:s22], s20  }
0x9f: {  	s3 =	ssub.s32 $0x0, s20;
	[sflag:s22] =	ssyncset.done $0x0  }
0xa0: {  	[sflag:s22] =	ssyncadd.s32 s3;
	_ =	sdelay $0x1  }
0xa1: {  	s23 =	simm.s32 $0x1B8B  }
0xa2: {  	_ =	swait.ge [sflag:s23], $0x1  }
0xa3: {  	[sflag:s23] =	ssyncset.done $0x0  }
0xa4: {  	s25 =	simm.s32 $0x1B8E;
	s24 =	sld [smem:$0x3FFE];
	[sflag:s23] =	ssyncadd.s32 $0xFFFFFFFF  }
0xa5: {  	s26 =	simm.s32 $execute0_lowered;
	[smem:$0x3FD2] =	sst s25  }
0xa6: {  	s4 =	sshll.u32 s26, $0x1;
	_ =	strace $0x80000077;
	[dreg:$0x1] =	wrdreg $0xFFFFFFFF  }
0xa7: {  	s28 =	simm.s32 $_size_execute0_lowered;
	s2 =	sadd.s32 s2, s4;
	[dreg:$0x0] =	wrdreg $0x0  }
0xa8: {  	s4 =	sshll.u32 s28, $0x1;
	[dreg:$0x2] =	wrdreg s2  }
0xa9: {  	[dreg:$0x3] =	wrdreg s4  }
0xaa: {  	[dreg:$0x4] =	wrdreg $0xC0  }
0xab: {  	_ =	task [dreg:s6], $0x5FFFF  }
0xac: {  	[dreg:$0x1] =	wrdreg $0xFFFFFFFF  }
0xad: {  	[dreg:$0x0] =	wrdreg $0x60  }
0xae: {  	[dreg:$0x2] =	wrdreg s24  }
0xaf: {  	[dreg:$0x3] =	wrdreg $0x0  }
0xb0: {  	[dreg:$0x4] =	wrdreg $0x9  }
0xb1: {  	_ =	task.clear_ibuf [dreg:s6], $0x5FFFF;
	_ =	strace $0x90000077  }
0xb2: {  	s29 =	simm.s32 $0x9;
	_ =	strace $0x80000079  }
0xb3: {  	_ =	swait.ge [sflag:s29], $0x1  }
0xb4: {  	[sflag:s29] =	ssyncadd.s32 $0xFFFFFFFF  }
0xb5: {  	_ =	strace $0x90000079  }
0xb6: {  	_ =	sfence  }
0xb7: {  	s30 =	sld [smem:$0x0];
	_ =	sdelay $0x2  }
0xb8: {  	s31 =	sshll.u32 s1, $0xD;
	s1 =	sshrl.u32 s1, $0x2  }
0xb9: {  	s3 =	sand.u32 $0x4000, s31;
	s1 =	sadd.s32 s1, s30  }
0xba: {  	s0 =	sor.u32 s3, s0;
	s1 =	sshll.u32 s1, $0x11  }
0xbb: {  	s0 =	sor.u32 s1, s0  }
0xbc: {  	s0 =	sadd.s32 $0x8F2B, s0  }
0xbd: {  	[sflag:s0] =	ssyncadd.remote.s32 $0x1  }
0xbe: {  	_ =	sfence.sel $0xFFFF  }
0xbf: {  	[dreg:$0x0] =	wrdreg $0xFFFFFFFF;
	(pc) =	sbr.abs _section_cstart, $3  }
0xc0: {  	[dreg:$0x1] =	wrdreg $0xFFFFFFFF  }
0xc1: {  	_ =	task.clear_ibuf [dreg:s6], $0x2FFFF;
	_ =	strace $0x9FFFFFFF  }
0xc2: {  	(tm) =	ssettm $0x7FFFFFFF  }
0xc3: {  	_ =	shalt  }
tec
execute0_lowered:
.L_overlay_start_1:
0x0: {  	(tag) =	ssettag $0x1  }
0x1: {  	s2 =	stileid.u32  }
0x2: {  	s14 =	smul.u32 $0x2800, s2  }
0x3: {  	s4 =	rddreg [dreg:$0x0];
	s9 =	smul.u32 $0x50000, s2  }
0x4: {  	s0 =	srdreg.scid;
	s30 =	smul.u32 $0x300, s2  }
0x5: {  	s1 =	rddreg [dreg:$0x1];
	s5 =	sand.u32 $0x1, s0;
	s12 =	smul.u32 $0x14000, s2  }
0x6: {  	s3 =	simm.s32 $0x0;
	s0 =	rddreg [dreg:$0x2];
	s6 =	smul.u32 $0x140000, s5  }
0x7: {  	[smem:$0x7FF] =	sst s3;
	s7 =	smul.u32 $0x3000, s5  }
0x8: {  	s31 =	sshll.u32 s2, $0x6;
	s26 =	smul.u32 $0x28000, s5;
	s5 =	ssub.s32 $0x2, s5  }
0x9: {  	_ =	strace $0x80000078;
	s10 =	sadd.s32 s14, s4;
	s28 =	sshrl.u32 s5, $0x1  }
0xa: {  	s29 =	sshrl.u32 s9, $0x2;
	s8 =	sadd.s32 s6, s4;
	s7 =	sadd.s32 s7, s4  }
0xb: {  	s6 =	sadd.s32 s26, s4;
	s11 =	ssub.s32 s5, s28;
	s4 =	sadd.s32 $0x547400, s10  }
0xc: {  	s13 =	sadd.s32 s29, s1;
	s5 =	sor.u32 $0x1C01, s31;
	s10 =	simm.s32 $0x1  }
0xd: {  	s15 =	sadd.s32 $0x56F400, s6;
	s6 =	smax.u32 s11, $0x1;
	s7 =	sadd.s32 s30, s7  }
0xe: {  	s8 =	sadd.s32 s12, s8;
	s9 =	sshrl.u32 s13, $0x3;
	s11 =	simm.s32 $0x1E000  }
0xf: {  	s12 =	simm.s32 $0x14000;
	s13 =	simm.s32 $0x140;
	s7 =	sadd.s32 $0x541400, s7  }
0x10: {  	s8 =	sadd.s32 $0xA32400, s8;
	s14 =	sadd.s32 s14, s15;
	s15 =	simm.s32 $0x0  }
.LBB2_1:
0x11: {  	[spmem:s9], [sflag:s5] =	dma.local [hbm:s4], $0x2800  }
0x12: {  	_ =	swait.ge [sflag:s10], $0x2800  }
0x13: {  	[sflag:s10] =	ssyncset.done $0x0  }
0x14: {  	[sflag:s10] =	ssyncadd.s32 $0xFFFFD800  }
0x15: {  	s16 =	sadd.s32 $0x0, s7;
	[bflag:$0x0] =	sbarrier.arrive $0xFFFF  }
0x16: {  	[tilespmem:s11], [sflag:$0x1] =	stream.linear.gather [hbm4b:s16+s3], $0x180, $0x38;
	[tilespmem:$0x1E180] =	vst v63  }
0x17: {  	_ =	swait.ge [sflag:s10], $0x180  }
0x18: {  	[sflag:s10] =	ssyncset.done $0x0  }
0x19: {  	[sflag:s10] =	ssyncadd.s32 $0xFFFFFE80  }
0x1a: {  	[tilespmem:s12], [sflag:$0x1] =	stream.linear.gather [hbm4b:s8+s3], $0xA000, $0x38;
	[tilespmem:$0x1E180] =	vst v63  }
0x1b: {  	_ =	swait.ge [sflag:s10], $0xA000  }
0x1c: {  	[sflag:s10] =	ssyncset.done $0x0  }
0x1d: {  	[sflag:s10] =	ssyncadd.s32 $0xFFFF6000  }
0x1e: {  	[spmem:s1] =	stream.indirect.scatter.add.f32 [tilespmem:s12], [sflag:$0x1], $0x80, s11, s13, $0xb8;
	[tilespmem:$0x1E180] =	vst v63  }
0x1f: {  	s17 =	simm.s32 $0x30;
	_ =	swait.ge [sflag:s10], $0xA000  }
0x20: {  	s18 =	simm.s32 $0x60;
	s16 =	sadd.s32 $0x1400, s8;
	[sflag:s10] =	ssyncset.done $0x0  }
.LBB2_2:
0x21: {  	s19 =	sadd.s32 s17, s7  }
0x22: {  	[sflag:s10] =	ssyncadd.s32 $0xFFFF6000;
	s17 =	smov.u32 s18;
	s20 =	sadd.s32 $0x30, s18  }
0x23: {  	[tilespmem:s11], [sflag:$0x1] =	stream.linear.gather [hbm4b:s19+s3], $0x180, $0x38;
	[tilespmem:$0x1E180] =	vst v63  }
0x24: {  	p0 =	sne.s32 s18, $0x2D0;
	_ =	swait.ge [sflag:s10], $0x180  }
0x25: {  	[sflag:s10] =	ssyncset.done $0x0  }
0x26: {  	[sflag:s10] =	ssyncadd.s32 $0xFFFFFE80  }
0x27: {  	[tilespmem:s12], [sflag:$0x1] =	stream.linear.gather [hbm4b:s16+s3], $0xA000, $0x38;
	[tilespmem:$0x1E180] =	vst v63  }
0x28: {  	_ =	swait.ge [sflag:s10], $0xA000  }
.Ltmp0:
0x29: {  	[sflag:s10] =	ssyncset.done $0x0;
	(pc) =	sbr.rel @p0 .LBB2_2-.Ltmp0, $4  }
0x2a: {  	[sflag:s10] =	ssyncadd.s32 $0xFFFF6000  }
0x2b: {  	[spmem:s1] =	stream.indirect.scatter.add.f32 [tilespmem:s12], [sflag:$0x1], $0x80, s11, s13, $0xb8;
	[tilespmem:$0x1E180] =	vst v63  }
0x2c: {  	_ =	swait.ge [sflag:s10], $0xA000  }
0x2d: {  	s18 =	smov.u32 s20;
	s16 =	sadd.s32 $0x1400, s16;
	[sflag:s10] =	ssyncset.done $0x0  }
0x2e: {  	s17 =	sadd.s32 s17, s7;
	[sflag:s10] =	ssyncadd.s32 $0xFFFF6000  }
0x2f: {  	[tilespmem:s11], [sflag:$0x1] =	stream.linear.gather [hbm4b:s17+s3], $0x180, $0x38;
	[tilespmem:$0x1E180] =	vst v63  }
0x30: {  	_ =	swait.ge [sflag:s10], $0x180  }
0x31: {  	[sflag:s10] =	ssyncset.done $0x0  }
0x32: {  	[sflag:s10] =	ssyncadd.s32 $0xFFFFFE80  }
0x33: {  	[tilespmem:s12], [sflag:$0x1] =	stream.linear.gather [hbm4b:s16+s3], $0xA000, $0x38;
	[tilespmem:$0x1E180] =	vst v63  }
0x34: {  	_ =	swait.ge [sflag:s10], $0xA000  }
0x35: {  	[sflag:s10] =	ssyncset.done $0x0  }
0x36: {  	[sflag:s10] =	ssyncadd.s32 $0xFFFF6000  }
0x37: {  	[spmem:s1] =	stream.indirect.scatter.add.f32 [tilespmem:s12], [sflag:$0x1], $0x80, s11, s13, $0xb8;
	[tilespmem:$0x1E180] =	vst v63  }
0x38: {  	_ =	swait.ge [sflag:s10], $0xA000  }
0x39: {  	s15 =	sadd.s32 $0x1, s15;
	[sflag:s10] =	ssyncset.done $0x0  }
0x3a: {  	p0 =	sne.s32 s15, s6;
	[sflag:s10] =	ssyncadd.s32 $0xFFFF6000  }
.Ltmp1:
0x3b: {  	[bflag:$0x0] =	sbarrier.arrive $0xFFFF;
	(pc) =	sbr.rel @p0 .LBB2_1-.Ltmp1, $4  }
0x3c: {  	[hbm:s14], [sflag:s5] =	dma.local [spmem:s9], $0x2800  }
0x3d: {  	_ =	swait.ge [sflag:s10], $0x2800  }
0x3e: {  	[sflag:s10] =	ssyncset.done $0x0  }
0x3f: {  	[sflag:s10] =	ssyncadd.s32 $0xFFFFD800  }
0x40: {  	_ =	sfence.sel $0x180000  }
0x41: {  	[bflag:$0x0] =	sbarrier.arrive $0xFFFF  }
0x42: {  	p0 =	sne.s32 s2, $0x0;
	_ =	strace $0x90000078  }
0x43: {  	s0 =	sadd.s32 @!p0 $0x100000, s0;
	[bflag:$0x2] =	sbarrier.arrive $0xFFFF  }
0x44: {  	[sflag:s0] =	ssyncadd.tile.s32 @!p0 $0x1;
	_ =	shalt  }
.Lfunc_end2:
_tile_overlayer_lowered:
.L_overlay_start_2:
0x45: {  	(tag) =	ssettag $0x2  }
0x46: {  	s0 =	rddreg [dreg:$0x0];
	s2 =	stileid.u32  }
0x47: {  	s1 =	rddreg [dreg:$0x1];
	p0 =	sne.s32 s2, $0x0  }
0x48: {  	s3 =	rddreg [dreg:$0x2];
	[bflag:$0x3] =	sbarrier.arrive $0xFFFF;
	s2 =	simm.s32 @!p0 $0x1C01  }
0x49: {  	[timem:s3], [sflag:s2] =	dma.local @!p0 [hbm:s0], s1  }
0x4a: {  	s0 =	simm.s32 @!p0 $0x1  }
0x4b: {  	_ =	swait.ge @!p0 [sflag:s0], s1  }
0x4c: {  	s1 =	ssub.s32 @!p0 $0x0, s1;
	[sflag:s0] =	ssyncset.done @!p0 $0x0  }
0x4d: {  	[sflag:s0] =	ssyncadd.s32 @!p0 s1  }
0x4e: {  	[bflag:$0x3] =	sbarrier.arrive $0xFFFF  }
0x4f: {  	_ =	shalt  }

// kernel: kernel.44.cloned.1.call-start
scs
__scs_entry_jumppad:
0x0: {  	(pc) =	sbr.rel $0x88, $3  }
0x1: {  	(tag) =	ssettag $0x0;
	lr =	simm.s32 $0x1  }
0x2: {  	[smem:$0x3F97] =	sst lr;
	_ =	strace $0xD0000000  }
0x3: {  	_ = 	snop  }
0x4: {  	_ = 	snop  }
0x5: {  	_ = 	snop  }
0x6: {  	_ = 	snop  }
0x7: {  	_ = 	snop  }
__scs_overlays_trampoline_lowered:
0x8: {  	[smem:$0x3FA6] =	sst s0  }
0x9: {  	[smem:$0x3FA7] =	sst s1  }
0xa: {  	[smem:$0x3FA8] =	sst s2  }
0xb: {  	[smem:$0x3FA9] =	sst s3  }
0xc: {  	[smem:$0x3FAA] =	sst s4  }
0xd: {  	[smem:$0x3FAB] =	sst s5  }
0xe: {  	[smem:$0x3FAC] =	sst s6  }
0xf: {  	[smem:$0x3FAD] =	sst s7  }
0x10: {  	[smem:$0x3FAE] =	sst s8  }
0x11: {  	[smem:$0x3FAF] =	sst s9;
	s0 =	simm.s32 @!p0 $0x0  }
0x12: {  	s1 =	sld [smem:$0x3F95];
	s0 =	simm.s32 @p0 $0x1  }
0x13: {  	[smem:$0x3FB0] =	sst s0;
	s0 =	simm.s32 @!p1 $0x0  }
0x14: {  	s2 =	sld [smem:$0x3F94];
	s0 =	simm.s32 @p1 $0x1  }
0x15: {  	[smem:$0x3FB1] =	sst s0;
	s0 =	simm.s32 @!p2 $0x0  }
0x16: {  	s3 =	sld [smem:$0x3FDB];
	s0 =	simm.s32 @p2 $0x1  }
0x17: {  	s4 =	simm.s32 $0x1BF5;
	[smem:$0x3FB3] =	sst s0  }
0x18: {  	s0 =	sld [smem:$0x3F96];
	_ =	swait.ge [sflag:s4], $0x0  }
0x19: {  	s7 =	sld [smem:$0x3F97]  }
0x1a: {  	s8 =	sadd.s32 $0xFFFFE003, lr  }
0x1b: {  	s9 =	sadd.s32 $0xFFFFFEF7, lr;
	s5 =	simm.s32 $0xFFFFFFFF;
	p2 =	slt.u32 s8, $0xFFFFF086  }
0x1c: {  	p1 =	slt.u32 s9, $0xF7A;
	s5 =	simm.s32 @!p2 $0x0  }
0x1d: {  	s5 =	simm.s32 @p1 $0x1;
	p0 =	seq.s32 s7, s2  }
0x1e: {  	s7 =	smul.u32 @!p0 $0xF7A, s2;
	p2 =	seq.s32 @!p0 s5, $0x0  }
0x1f: {  	s9 =	smul.u32 $0xF7A, s1;
	s8 =	simm.s32 @!p0 $0x1BF5;
	p2 =	por !p2, p0  }
0x20: {  	[sflag:s8] =	ssyncset.s32 @!p0 $0xFFFFF086;
	s6 =	sadd.s32 @!p0 s3, s7;
	s7 =	simm.s32 @!p0 $0x108  }
0x21: {  	s3 =	sadd.s32 s3, s9;
	s6 =	sadd.s32 @!p0 $0x88, s6;
	s7 =	simm.s32 @p2 $0x1082  }
0x22: {  	[simem:s7], [sflag:s8] =	dma.local @!p0 [hbm:s6], $0xF7A  }
0x23: {  	s9 =	sor.u32 $0xD0000000, s2;
	s6 =	simm.s32 $0x108;
	_ =	swait.ge @!p0 [sflag:s8], $0x0  }
0x24: {  	s3 =	sadd.s32 $0x88, s3;
	s6 =	simm.s32 @!p1 $0x1082;
	[sflag:s4] =	ssyncset.s32 $0xFFFFF086  }
0x25: {  	[simem:s6], [sflag:s4] =	dma.local [hbm:s3], $0xF7A  }
0x26: {  	[smem:$0x3F97] =	sst s1;
	(tag) =	ssettag s2;
	_ =	strace s9  }
0x27: {  	s1 =	sld [smem:$0x3FA7]  }
0x28: {  	s2 =	sld [smem:$0x3FA8]  }
0x29: {  	s4 =	sld [smem:$0x3FAA]  }
0x2a: {  	p0 =	seq.s32 s5, $0x0;
	s5 =	sld [smem:$0x3FAB]  }
0x2b: {  	s6 =	sld [smem:$0x3FAC]  }
0x2c: {  	s7 =	sld [smem:$0x3FAD]  }
0x2d: {  	s3 =	simm.s32 $0x108;
	s8 =	sld [smem:$0x3FAE]  }
0x2e: {  	s3 =	simm.s32 @!p0 $0x1082;
	s9 =	sld [smem:$0x3FAF]  }
0x2f: {  	lr =	sadd.s32 s0, s3;
	s0 =	sld [smem:$0x3FA6]  }
0x30: {  	s3 =	sld [smem:$0x3FA9]  }
0x31: {  	[smem:$0x3FB2] =	sst s10  }
0x32: {  	s10 =	sld [smem:$0x3FB0];
	_ =	sdelay $0x3  }
0x33: {  	p0 =	seq.s32 s10, $0x1;
	s10 =	sld [smem:$0x3FB2];
	_ =	sdelay $0x3  }
0x34: {  	[smem:$0x3FB2] =	sst s10  }
0x35: {  	s10 =	sld [smem:$0x3FB1];
	_ =	sdelay $0x3  }
0x36: {  	p1 =	seq.s32 s10, $0x1;
	s10 =	sld [smem:$0x3FB2];
	_ =	sdelay $0x3  }
0x37: {  	[smem:$0x3FB2] =	sst s10  }
0x38: {  	s10 =	sld [smem:$0x3FB3]  }
0x39: {  	_ = 	snop;
	(pc) =	sbr.ind lr, $3  }
0x3a: {  	_ = 	snop  }
0x3b: {  	_ = 	snop  }
0x3c: {  	p2 =	seq.s32 s10, $0x1;
	s10 =	sld [smem:$0x3FB2]  }
0x3d: {  	_ =	shalt  }
0x3e: {  	_ =	shalt  }
0x3f: {  	_ =	shalt  }
0x40: {  	_ =	shalt  }
0x41: {  	_ =	shalt  }
0x42: {  	_ =	shalt  }
0x43: {  	_ =	shalt  }
0x44: {  	_ =	shalt  }
0x45: {  	_ =	shalt  }
0x46: {  	_ =	shalt  }
0x47: {  	_ =	shalt  }
0x48: {  	_ =	shalt  }
0x49: {  	_ =	shalt  }
0x4a: {  	_ =	shalt  }
0x4b: {  	_ =	shalt  }
0x4c: {  	_ =	shalt  }
0x4d: {  	_ =	shalt  }
0x4e: {  	_ =	shalt  }
0x4f: {  	_ =	shalt  }
0x50: {  	_ =	shalt  }
0x51: {  	_ =	shalt  }
0x52: {  	_ =	shalt  }
0x53: {  	_ =	shalt  }
0x54: {  	_ =	shalt  }
0x55: {  	_ =	shalt  }
0x56: {  	_ =	shalt  }
0x57: {  	_ =	shalt  }
0x58: {  	_ =	shalt  }
0x59: {  	_ =	shalt  }
0x5a: {  	_ =	shalt  }
0x5b: {  	_ =	shalt  }
0x5c: {  	_ =	shalt  }
0x5d: {  	_ =	shalt  }
0x5e: {  	_ =	shalt  }
0x5f: {  	_ =	shalt  }
0x60: {  	_ =	shalt  }
0x61: {  	_ =	shalt  }
0x62: {  	_ =	shalt  }
0x63: {  	_ =	shalt  }
0x64: {  	_ =	shalt  }
0x65: {  	_ =	shalt  }
0x66: {  	_ =	shalt  }
0x67: {  	_ =	shalt  }
0x68: {  	_ =	shalt  }
0x69: {  	_ =	shalt  }
0x6a: {  	_ =	shalt  }
0x6b: {  	_ =	shalt  }
0x6c: {  	_ =	shalt  }
0x6d: {  	_ =	shalt  }
0x6e: {  	_ =	shalt  }
0x6f: {  	_ =	shalt  }
0x70: {  	_ =	shalt  }
0x71: {  	_ =	shalt  }
0x72: {  	_ =	shalt  }
0x73: {  	_ =	shalt  }
0x74: {  	_ =	shalt  }
0x75: {  	_ =	shalt  }
0x76: {  	_ =	shalt  }
0x77: {  	_ =	shalt  }
0x78: {  	_ =	shalt  }
0x79: {  	_ =	shalt  }
0x7a: {  	_ =	shalt  }
0x7b: {  	_ =	shalt  }
0x7c: {  	_ =	shalt  }
0x7d: {  	_ =	shalt  }
0x7e: {  	_ =	shalt  }
0x7f: {  	_ =	shalt  }
0x80: {  	_ =	shalt  }
0x81: {  	_ =	shalt  }
0x82: {  	_ =	shalt  }
0x83: {  	_ =	shalt  }
0x84: {  	_ =	shalt  }
0x85: {  	_ =	shalt  }
0x86: {  	_ =	shalt  }
0x87: {  	_ =	shalt  }
.Lfunc_end0:
.L_simem_size_0:
called_computation.8_lowered:
.L_overlay_start_0:
0x88: {  	s2 =	sld [smem:$0x3FD9]  }
0x89: {  	s3 =	sld [smem:$0x3FFE];
	_ =	sdelay $0x1  }
0x8a: {  	s1 =	srdreg.scid  }
0x8b: {  	s0 =	sand.u32 $0x1, s1  }
0x8c: {  	s16 =	sshll.u32 s0, $0xA;
	s2 =	sadd.s32 s3, s2  }
0x8d: {  	s2 =	sadd.s32 s2, s16  }
0x8e: {  	[smem:$0x3FBE] =	sst s2  }
0x8f: {  	_ = 	snop  }
0x90: {  	(tm) =	ssettm $0x1  }
0x91: {  	s17 =	sld [smem:$0x3FFB];
	_ =	sdelay $0x3  }
0x92: {  	_ =	strace s17  }
0x93: {  	s2 =	sld [smem:$0x3FFC];
	_ =	sdelay $0x3  }
0x94: {  	_ =	strace s2  }
0x95: {  	s2 =	sld [smem:$0x3FFD];
	_ =	sdelay $0x3  }
0x96: {  	_ =	strace s2  }
0x97: {  	_ =	strace $0x8FFFFFFF  }
0x98: {  	s18 =	sld [smem:$0x3FDB];
	_ =	sdelay $0x1  }
0x99: {  	s19 =	simm.s32 $_scs_section_size  }
0x9a: {  	s4 =	simm.s32 $_size__tile_overlayer_lowered;
	s5 =	simm.s32 $_tile_overlayer_lowered  }
0x9b: {  	s22 =	simm.s32 $0x1BFF;
	s21 =	sshll.u32 s5, $0x1;
	s2 =	sadd.s32 s19, s18  }
0x9c: {  	s6 =	simm.s32 $0x0;
	s20 =	sshll.u32 s4, $0x1;
	s4 =	sadd.s32 s21, s2  }
0x9d: {  	[timem:s6], [sflag:s22] =	dma.local [hbm:s4], s20  }
0x9e: {  	_ =	swait.ge [sflag:s22], s20  }
0x9f: {  	s3 =	ssub.s32 $0x0, s20;
	[sflag:s22] =	ssyncset.done $0x0  }
0xa0: {  	[sflag:s22] =	ssyncadd.s32 s3;
	_ =	sdelay $0x1  }
0xa1: {  	s23 =	simm.s32 $0x1B8B  }
0xa2: {  	_ =	swait.ge [sflag:s23], $0x1  }
0xa3: {  	[sflag:s23] =	ssyncset.done $0x0  }
0xa4: {  	s25 =	simm.s32 $0x1B8E;
	s24 =	sld [smem:$0x3FFE];
	[sflag:s23] =	ssyncadd.s32 $0xFFFFFFFF  }
0xa5: {  	s26 =	simm.s32 $execute0_lowered;
	[smem:$0x3FD2] =	sst s25  }
0xa6: {  	s4 =	sshll.u32 s26, $0x1;
	_ =	strace $0x8000007A;
	[dreg:$0x1] =	wrdreg $0xFFFFFFFF  }
0xa7: {  	s28 =	simm.s32 $_size_execute0_lowered;
	s2 =	sadd.s32 s2, s4;
	[dreg:$0x0] =	wrdreg $0x0  }
0xa8: {  	s4 =	sshll.u32 s28, $0x1;
	[dreg:$0x2] =	wrdreg s2  }
0xa9: {  	[dreg:$0x3] =	wrdreg s4  }
0xaa: {  	[dreg:$0x4] =	wrdreg $0xC0  }
0xab: {  	_ =	task [dreg:s6], $0x5FFFF  }
0xac: {  	[dreg:$0x1] =	wrdreg $0xFFFFFFFF  }
0xad: {  	[dreg:$0x0] =	wrdreg $0x60  }
0xae: {  	[dreg:$0x2] =	wrdreg s24  }
0xaf: {  	[dreg:$0x3] =	wrdreg $0x9  }
0xb0: {  	_ =	task.clear_ibuf [dreg:s6], $0x4FFFF;
	_ =	strace $0x9000007A  }
0xb1: {  	s29 =	simm.s32 $0x9;
	_ =	strace $0x80000083  }
0xb2: {  	_ =	swait.ge [sflag:s29], $0x1  }
0xb3: {  	[sflag:s29] =	ssyncadd.s32 $0xFFFFFFFF  }
0xb4: {  	_ =	strace $0x90000083  }
0xb5: {  	_ =	sfence  }
0xb6: {  	s30 =	sld [smem:$0x0];
	_ =	sdelay $0x2  }
0xb7: {  	s31 =	sshll.u32 s1, $0xD;
	s1 =	sshrl.u32 s1, $0x2  }
0xb8: {  	s3 =	sand.u32 $0x4000, s31;
	s1 =	sadd.s32 s1, s30  }
0xb9: {  	s0 =	sor.u32 s3, s0;
	s1 =	sshll.u32 s1, $0x11  }
0xba: {  	s0 =	sor.u32 s1, s0  }
0xbb: {  	s0 =	sadd.s32 $0x8F2B, s0  }
0xbc: {  	[sflag:s0] =	ssyncadd.remote.s32 $0x1  }
0xbd: {  	_ =	sfence.sel $0xFFFF  }
0xbe: {  	[dreg:$0x0] =	wrdreg $0xFFFFFFFF;
	(pc) =	sbr.abs _section_cstart, $3  }
0xbf: {  	[dreg:$0x1] =	wrdreg $0xFFFFFFFF  }
0xc0: {  	_ =	task.clear_ibuf [dreg:s6], $0x2FFFF;
	_ =	strace $0x9FFFFFFF  }
0xc1: {  	(tm) =	ssettm $0x7FFFFFFF  }
tec
execute0_lowered:
.L_overlay_start_1:
0x0: {  	(tag) =	ssettag $0x1  }
0x1: {  	s3 =	rddreg [dreg:$0x0]  }
0x2: {  	s1 =	simm.s32 $0x0;
	s4 =	srdreg.scid;
	s8 =	simm.s32 $0x100  }
0x3: {  	s9 =	simm.s32 $0x5;
	s10 =	simm.s32 $0x4;
	s11 =	simm.s32 $0x0  }
0x4: {  	[smem:$0x7FF] =	sst s1;
	s2 =	sadd.s32 $0x2D400, s3;
	s4 =	sand.u32 $0x1, s4  }
0x5: {  	s5 =	sadd.s32 $0x5400, s3;
	s30 =	sadd.s32 $0x55400, s3;
	_ =	strace $0x8000007B  }
0x6: {  	[dreg:$0x2] =	wrdreg s2;
	s2 =	stileid.u32;
	s6 =	sshll.u32 s4, $0x4  }
0x7: {  	s3 =	sadd.s32 $0x5BF400, s3;
	s4 =	ssub.s32 $0x2, s4;
	s29 =	sor.u32 s2, s6  }
0x8: {  	[dreg:$0x3] =	wrdreg s5;
	s31 =	sshrl.u32 s4, $0x1;
	s7 =	smul.u32 $0x280, s29  }
0x9: {  	[dreg:$0x4] =	wrdreg s30;
	s6 =	ssub.s32 s4, s31;
	s4 =	smul.u32 $0x14, s29  }
0xa: {  	s6 =	smax.u32 s6, $0x1;
	s5 =	sadd.s32 s3, s7;
	s7 =	simm.s32 $0x1  }
.LBB2_1:
0xb: {  	_ =	strace $0x8000007C;
	s12 =	simm.s32 $0x1;
	p0 =	por $0x0, $0x0  }
0xc: {  	[tilespmem:s1], [sflag:$0x1] =	stream.linear.gather [hbm4b:s5+s1], $0x100, $0x200038;
	[tilespmem:$0x10200] =	vst v63  }
0xd: {  	s12 =	simm.s32 @p0 $0x0  }
0xe: {  	p1 =	por $0x1, $0x1;
	p0 =	sne.s32 s12, $0x0  }
0xf: {  	p1 =	por !p1, !p0  }
0x10: {  	s21 =	sand.u32 $0x1, s1;
	p1 =	por !p1, !p1  }
0x11: {  	s26 =	simm.s32 $0x0;
	s20 =	sadd.s32 $0x0, s4;
	s13 =	sadd.s32 @p1 s4, s12  }
0x12: {  	_ =	strace $0x9000007C;
	s14 =	sand.u32 @p1 $0x1, s7;
	s13 =	sshll.u32 @p1 s13, $0x5  }
0x13: {  	s15 =	simm.s32 @p1 $0x0;
	_ =	strace @p1 $0x8000007D;
	s13 =	sand.u32 @p1 $0x1FFFFFE0, s13  }
0x14: {  	s16 =	sshll.u32 @p1 s14, $0x8;
	s14 =	sadd.s32 @p1 $0x1, s14;
	s13 =	sadd.s32 @p1 s3, s13  }
0x15: {  	[tilespmem:s16], [sflag:s14] =	stream.linear.gather @p1 [hbm4b:s13+s15], $0x100, $0x200038;
	[tilespmem:$0x10200] =	vst v63  }
0x16: {  	p5 =	por $0x0, $0x0;
	p3 =	por $0x0, $0x0;
	_ =	strace @p1 $0x9000007D  }
0x17: {  	p6 =	por $0x1, $0x1;
	s24 =	sadd.s32 $0x1, s21;
	_ =	strace $0x8000007E  }
0x18: {  	s23 =	simm.s32 $0x1;
	s31 =	sshll.u32 s21, $0xF;
	_ =	swait.ge [sflag:s24], $0x100  }
0x19: {  	s22 =	sor.u32 $0x200, s31;
	s18 =	sadd.s32 $0x1, s12;
	[sflag:s24] =	ssyncset.done $0x0  }
0x1a: {  	p2 =	por p5, p0;
	p0 =	seq.s32 s18, $0x14;
	[sflag:s24] =	ssyncadd.s32 $0xFFFFFF00  }
0x1b: {  	s18 =	simm.s32 @p0 $0x0;
	s29 =	simm.s32 @p2 $0x0;
	_ =	strace $0x9000007E  }
0x1c: {  	p0 =	sne.s32 s12, s18;
	s14 =	sand.u32 $0x100, s26;
	_ =	strace $0x8000007F  }
0x1d: {  	s13 =	simm.s32 $0x13;
	s16 =	simm.s32 $0x1;
	s25 =	rddreg [dreg:$0x2]  }
0x1e: {  	[tilespmem:s22], [sflag:$0x5] =	stream.indirect.gather [hbm4b:s25+s8], $0x80, s14, s8, $0x2000b8;
	[tilespmem:$0x10200] =	vst v63  }
0x1f: {  	s15 =	simm.s32 $0x12;
	s16 =	simm.s32 @!p1 $0x0;
	_ =	swait.ge [sflag:s9], $0x8000  }
0x20: {  	p1 =	por $0x1, $0x1;
	s19 =	sadd.s32 $0x1, s16;
	[sflag:s9] =	ssyncset.done $0x0  }
0x21: {  	s16 =	simm.s32 $0x0;
	s17 =	rddreg [dreg:$0x3];
	[sflag:s9] =	ssyncadd.s32 $0xFFFF8000  }
0x22: {  	[tilespmem:s22], [sflag:$0x5] =	stream.indirect.gather.add.f32 [hbm:s17], $0x80, s14, s8, $0x2000b8;
	[tilespmem:$0x10200] =	vst v63  }
0x23: {  	s24 =	sshll.u32 @p2 s20, $0xC;
	s20 =	simm.s32 $0x0;
	_ =	swait.ge [sflag:s9], $0x8000  }
0x24: {  	s17 =	simm.s32 $0x1;
	s14 =	sand.u32 @!p1 $0x1, s1;
	[sflag:s9] =	ssyncset.done $0x0  }
0x25: {  	s17 =	simm.s32 @!p3 $0x0;
	p3 =	por !p6, !p0;
	[sflag:s9] =	ssyncadd.s32 $0xFFFF8000  }
0x26: {  	s25 =	sadd.s32 @!p1 $0x3, s14;
	p4 =	por !p3, !p3;
	_ =	strace $0x9000007F  }
0x27: {  	s14 =	simm.s32 $0x0;
	s26 =	sand.u32 @p4 $0x1, s19;
	_ =	strace @p2 $0x80000080  }
0x28: {  	s28 =	sadd.s32 @p4 s4, s18;
	s23 =	simm.s32 @!p4 $0x0;
	s30 =	rddreg [dreg:$0x4]  }
.LBB2_2:
0x29: {  	s0 =	sand.u32 @p2 $0x1FFFF000, s24  }
0x2a: {  	s31 =	sshll.u32 @p4 s28, $0x5;
	s21 =	sadd.s32 @p2 $0x3, s21;
	s0 =	sadd.s32 @p2 s30, s0  }
0x2b: {  	[hbm4b:s0+s29] =	stream.linear.scatter @p2 [tilespmem:s22], [sflag:s21], $0x8000, $0x200038;
	[tilespmem:$0x10200] =	vst v63  }
0x2c: {  	s24 =	smov.u32 s13;
	s13 =	smov.u32 s15;
	_ =	strace @p2 $0x90000080  }
0x2d: {  	s28 =	smov.u32 s12;
	s15 =	sadd.s32 $0xFFFFFFFF, s15;
	_ =	strace @!p1 $0x80000081  }
0x2e: {  	s14 =	sadd.s32 s17, s14;
	s17 =	simm.s32 @p4 $0x0;
	_ =	swait.ge @!p1 [sflag:s25], $0x8000  }
0x2f: {  	s19 =	sadd.s32 s23, s19;
	s30 =	simm.s32 $0x1;
	[sflag:s25] =	ssyncset.done @!p1 $0x0  }
0x30: {  	s12 =	sand.u32 @p4 $0x1FFFFFE0, s31;
	s30 =	simm.s32 @!p2 $0x0;
	[sflag:s25] =	ssyncadd.s32 @!p1 $0xFFFF8000  }
0x31: {  	s0 =	sadd.s32 @p4 s3, s12;
	s22 =	sshll.u32 @p4 s26, $0x8;
	_ =	strace @!p1 $0x90000081  }
0x32: {  	s20 =	sadd.s32 s30, s20;
	s25 =	sadd.s32 @p4 $0x1, s26;
	_ =	strace @p4 $0x8000007D  }
0x33: {  	[tilespmem:s22], [sflag:s25] =	stream.linear.gather @p4 [hbm4b:s0+s17], $0x100, $0x200038;
	[tilespmem:$0x10200] =	vst v63  }
0x34: {  	s23 =	simm.s32 $0x1;
	s31 =	sand.u32 $0x1, s20;
	_ =	strace @p4 $0x9000007D  }
0x35: {  	p3 =	sne.s32 s15, $0x0;
	s26 =	sadd.s32 $0x1, s31;
	_ =	strace $0x8000007E  }
0x36: {  	p5 =	seq.s32 s24, $0x1;
	s12 =	smov.u32 s18;
	_ =	swait.ge [sflag:s26], $0x100  }
0x37: {  	s18 =	sadd.s32 $0x1, s18;
	s16 =	sadd.s32 s30, s16;
	[sflag:s26] =	ssyncset.done $0x0  }
0x38: {  	p2 =	por p5, p0;
	p0 =	seq.s32 s18, $0x14;
	[sflag:s26] =	ssyncadd.s32 $0xFFFFFF00  }
0x39: {  	s29 =	sshll.u32 s20, $0x8;
	s21 =	sand.u32 $0x1, s16;
	_ =	strace $0x9000007E  }
0x3a: {  	s18 =	simm.s32 @p0 $0x0;
	s22 =	sshll.u32 s21, $0xF;
	_ =	strace $0x8000007F  }
0x3b: {  	s25 =	sand.u32 $0x100, s29;
	s22 =	sor.u32 $0x200, s22;
	s31 =	rddreg [dreg:$0x2]  }
0x3c: {  	[tilespmem:s22], [sflag:$0x5] =	stream.indirect.gather [hbm4b:s31+s8], $0x80, s25, s8, $0x2000b8;
	[tilespmem:$0x10200] =	vst v63  }
0x3d: {  	p6 =	sne.s32 s13, $0x1;
	p0 =	sne.s32 s12, s18;
	_ =	swait.ge [sflag:s9], $0x8000  }
0x3e: {  	p1 =	seq.s32 s24, $0x14;
	s17 =	simm.s32 $0x1;
	[sflag:s9] =	ssyncset.done $0x0  }
0x3f: {  	p4 =	sne.s32 s24, $0x14;
	s31 =	rddreg [dreg:$0x3];
	[sflag:s9] =	ssyncadd.s32 $0xFFFF8000  }
0x40: {  	[tilespmem:s22], [sflag:$0x5] =	stream.indirect.gather.add.f32 [hbm:s31], $0x80, s25, s8, $0x2000b8;
	[tilespmem:$0x10200] =	vst v63  }
0x41: {  	s0 =	sand.u32 @!p1 $0x1, s14;
	s17 =	simm.s32 @!p4 $0x0;
	_ =	swait.ge [sflag:s9], $0x8000  }
.Ltmp0:
0x42: {  	p4 =	por !p6, !p0;
	[sflag:s9] =	ssyncset.done $0x0;
	(pc) =	sbr.rel @p3 .LBB2_2-.Ltmp0, $4  }
0x43: {  	s29 =	simm.s32 @p2 $0x0;
	p4 =	por !p4, !p4;
	[sflag:s9] =	ssyncadd.s32 $0xFFFF8000  }
0x44: {  	s23 =	simm.s32 @!p4 $0x0;
	s26 =	sadd.s32 s4, s28;
	_ =	strace $0x9000007F  }
0x45: {  	s28 =	sadd.s32 @p4 s4, s18;
	s24 =	sshll.u32 @p2 s26, $0xC;
	_ =	strace @p2 $0x80000080  }
0x46: {  	s26 =	sand.u32 @p4 $0x1, s19;
	s25 =	sadd.s32 @!p1 $0x3, s0;
	s30 =	rddreg [dreg:$0x4]  }
0x47: {  	s0 =	sand.u32 @p2 $0x1FFFF000, s24  }
0x48: {  	s15 =	sadd.s32 @p2 $0x3, s21;
	s0 =	sadd.s32 @p2 s30, s0  }
0x49: {  	[hbm4b:s0+s29] =	stream.linear.scatter @p2 [tilespmem:s22], [sflag:s15], $0x8000, $0x200038;
	[tilespmem:$0x10200] =	vst v63  }
0x4a: {  	_ =	strace @p2 $0x90000080  }
0x4b: {  	_ =	strace @!p1 $0x80000081  }
0x4c: {  	s19 =	simm.s32 @p4 $0x0;
	_ =	swait.ge @!p1 [sflag:s25], $0x8000  }
0x4d: {  	s21 =	sadd.s32 @p4 $0x1, s26;
	s0 =	sshll.u32 @p4 s28, $0x5;
	[sflag:s25] =	ssyncset.done @!p1 $0x0  }
0x4e: {  	s15 =	simm.s32 $0x1;
	s0 =	sand.u32 @p4 $0x1FFFFFE0, s0;
	[sflag:s25] =	ssyncadd.s32 @!p1 $0xFFFF8000  }
0x4f: {  	s15 =	simm.s32 @!p2 $0x0;
	s0 =	sadd.s32 @p4 s3, s0;
	_ =	strace @!p1 $0x90000081  }
0x50: {  	s18 =	sadd.s32 s15, s20;
	s20 =	sshll.u32 @p4 s26, $0x8;
	_ =	strace @p4 $0x8000007D  }
0x51: {  	[tilespmem:s20], [sflag:s21] =	stream.linear.gather @p4 [hbm4b:s0+s19], $0x100, $0x200038;
	[tilespmem:$0x10200] =	vst v63  }
0x52: {  	s25 =	sand.u32 $0x1, s18;
	_ =	strace @p4 $0x9000007D  }
0x53: {  	s0 =	sadd.s32 $0x1, s25;
	_ =	strace $0x8000007E  }
0x54: {  	_ =	swait.ge [sflag:s0], $0x100  }
0x55: {  	[sflag:s0] =	ssyncset.done $0x0  }
0x56: {  	s26 =	sadd.s32 s15, s16;
	[sflag:s0] =	ssyncadd.s32 $0xFFFFFF00  }
0x57: {  	s0 =	sand.u32 $0x1, s26;
	_ =	strace $0x9000007E  }
0x58: {  	s29 =	sshll.u32 s18, $0x8;
	s30 =	sshll.u32 s0, $0xF;
	_ =	strace $0x8000007F  }
0x59: {  	s16 =	sand.u32 $0x100, s29;
	s18 =	sor.u32 $0x200, s30;
	s28 =	rddreg [dreg:$0x2]  }
0x5a: {  	[tilespmem:s18], [sflag:$0x5] =	stream.indirect.gather [hbm4b:s28+s8], $0x80, s16, s8, $0x2000b8;
	[tilespmem:$0x10200] =	vst v63  }
0x5b: {  	_ =	swait.ge [sflag:s9], $0x8000  }
0x5c: {  	[sflag:s9] =	ssyncset.done $0x0  }
0x5d: {  	s31 =	rddreg [dreg:$0x3];
	[sflag:s9] =	ssyncadd.s32 $0xFFFF8000  }
0x5e: {  	[tilespmem:s18], [sflag:$0x5] =	stream.indirect.gather.add.f32 [hbm:s31], $0x80, s16, s8, $0x2000b8;
	[tilespmem:$0x10200] =	vst v63  }
0x5f: {  	_ =	swait.ge [sflag:s9], $0x8000  }
0x60: {  	[sflag:s9] =	ssyncset.done $0x0  }
0x61: {  	p6 =	seq.s32 s13, $0x1;
	[sflag:s9] =	ssyncadd.s32 $0xFFFF8000  }
0x62: {  	s12 =	sadd.s32 s4, s12;
	p0 =	por p6, p0;
	_ =	strace $0x9000007F  }
0x63: {  	s14 =	sadd.s32 s17, s14;
	s12 =	sshll.u32 @p0 s12, $0xC;
	_ =	strace @p0 $0x80000080  }
0x64: {  	s12 =	sand.u32 @p0 $0x1FFFF000, s12;
	p1 =	seq.s32 s13, $0x14;
	s15 =	rddreg [dreg:$0x4]  }
0x65: {  	s13 =	simm.s32 @p0 $0x0;
	s0 =	sadd.s32 @p0 $0x3, s0;
	s12 =	sadd.s32 @p0 s15, s12  }
0x66: {  	[hbm4b:s12+s13] =	stream.linear.scatter @p0 [tilespmem:s18], [sflag:s0], $0x8000, $0x200038;
	[tilespmem:$0x10200] =	vst v63  }
0x67: {  	s0 =	sand.u32 @!p1 $0x1, s14;
	_ =	strace @p0 $0x90000080  }
0x68: {  	s0 =	sadd.s32 @!p1 $0x3, s0;
	_ =	strace @!p1 $0x80000081  }
0x69: {  	_ =	swait.ge @!p1 [sflag:s0], $0x8000  }
0x6a: {  	[sflag:s0] =	ssyncset.done @!p1 $0x0  }
0x6b: {  	s11 =	sadd.s32 $0x1, s11;
	[sflag:s0] =	ssyncadd.s32 @!p1 $0xFFFF8000  }
0x6c: {  	p0 =	sne.s32 s11, s6;
	_ =	strace @!p1 $0x90000081  }
.Ltmp1:
0x6d: {  	_ =	strace $0x80000082;
	(pc) =	sbr.rel @p0 .LBB2_1-.Ltmp1, $4  }
0x6e: {  	_ =	swait.ge [sflag:s10], $0x8000  }
0x6f: {  	[sflag:s10] =	ssyncset.done $0x0  }
0x70: {  	[sflag:s10] =	ssyncadd.s32 $0xFFFF8000  }
0x71: {  	_ =	strace $0x90000082  }
0x72: {  	_ =	sfence.sel $0x180000  }
0x73: {  	[bflag:$0x0] =	sbarrier.arrive $0xFFFF  }
0x74: {  	_ =	strace $0x9000007B  }
0x75: {  	[bflag:$0x2] =	sbarrier.arrive $0xFFFF  }
0x76: {  	p0 =	sne.s32 s2, $0x0;
	s0 =	rddreg [dreg:$0x1]  }
0x77: {  	s0 =	sadd.s32 @!p0 $0x100000, s0  }
0x78: {  	[sflag:s0] =	ssyncadd.tile.s32 @!p0 $0x1;
	_ =	shalt  }
.Lfunc_end2:
_tile_overlayer_lowered:
.L_overlay_start_2:
0x79: {  	(tag) =	ssettag $0x2  }
0x7a: {  	s0 =	rddreg [dreg:$0x0];
	s2 =	stileid.u32  }
0x7b: {  	s1 =	rddreg [dreg:$0x1];
	p0 =	sne.s32 s2, $0x0  }
0x7c: {  	s3 =	rddreg [dreg:$0x2];
	[bflag:$0x3] =	sbarrier.arrive $0xFFFF;
	s2 =	simm.s32 @!p0 $0x1C01  }
0x7d: {  	[timem:s3], [sflag:s2] =	dma.local @!p0 [hbm:s0], s1  }
0x7e: {  	s0 =	simm.s32 @!p0 $0x1  }
0x7f: {  	_ =	swait.ge @!p0 [sflag:s0], s1  }
0x80: {  	s1 =	ssub.s32 @!p0 $0x0, s1;
	[sflag:s0] =	ssyncset.done @!p0 $0x0  }
0x81: {  	[sflag:s0] =	ssyncadd.s32 @!p0 s1  }
0x82: {  	[bflag:$0x3] =	sbarrier.arrive $0xFFFF  }
0x83: {  	_ =	shalt  }

// kernel: kernel.47.cloned.1.call-start
scs
__scs_entry_jumppad:
0x0: {  	(pc) =	sbr.rel $0x88, $3  }
0x1: {  	(tag) =	ssettag $0x0;
	lr =	simm.s32 $0x1  }
0x2: {  	[smem:$0x3F97] =	sst lr;
	_ =	strace $0xD0000000  }
0x3: {  	_ = 	snop  }
0x4: {  	_ = 	snop  }
0x5: {  	_ = 	snop  }
0x6: {  	_ = 	snop  }
0x7: {  	_ = 	snop  }
__scs_overlays_trampoline_lowered:
0x8: {  	[smem:$0x3FA6] =	sst s0  }
0x9: {  	[smem:$0x3FA7] =	sst s1  }
0xa: {  	[smem:$0x3FA8] =	sst s2  }
0xb: {  	[smem:$0x3FA9] =	sst s3  }
0xc: {  	[smem:$0x3FAA] =	sst s4  }
0xd: {  	[smem:$0x3FAB] =	sst s5  }
0xe: {  	[smem:$0x3FAC] =	sst s6  }
0xf: {  	[smem:$0x3FAD] =	sst s7  }
0x10: {  	[smem:$0x3FAE] =	sst s8  }
0x11: {  	[smem:$0x3FAF] =	sst s9;
	s0 =	simm.s32 @!p0 $0x0  }
0x12: {  	s1 =	sld [smem:$0x3F95];
	s0 =	simm.s32 @p0 $0x1  }
0x13: {  	[smem:$0x3FB0] =	sst s0;
	s0 =	simm.s32 @!p1 $0x0  }
0x14: {  	s2 =	sld [smem:$0x3F94];
	s0 =	simm.s32 @p1 $0x1  }
0x15: {  	[smem:$0x3FB1] =	sst s0;
	s0 =	simm.s32 @!p2 $0x0  }
0x16: {  	s3 =	sld [smem:$0x3FDB];
	s0 =	simm.s32 @p2 $0x1  }
0x17: {  	s4 =	simm.s32 $0x1BF5;
	[smem:$0x3FB3] =	sst s0  }
0x18: {  	s0 =	sld [smem:$0x3F96];
	_ =	swait.ge [sflag:s4], $0x0  }
0x19: {  	s7 =	sld [smem:$0x3F97]  }
0x1a: {  	s8 =	sadd.s32 $0xFFFFE003, lr  }
0x1b: {  	s9 =	sadd.s32 $0xFFFFFEF7, lr;
	s5 =	simm.s32 $0xFFFFFFFF;
	p2 =	slt.u32 s8, $0xFFFFF086  }
0x1c: {  	p1 =	slt.u32 s9, $0xF7A;
	s5 =	simm.s32 @!p2 $0x0  }
0x1d: {  	s5 =	simm.s32 @p1 $0x1;
	p0 =	seq.s32 s7, s2  }
0x1e: {  	s7 =	smul.u32 @!p0 $0xF7A, s2;
	p2 =	seq.s32 @!p0 s5, $0x0  }
0x1f: {  	s9 =	smul.u32 $0xF7A, s1;
	s8 =	simm.s32 @!p0 $0x1BF5;
	p2 =	por !p2, p0  }
0x20: {  	[sflag:s8] =	ssyncset.s32 @!p0 $0xFFFFF086;
	s6 =	sadd.s32 @!p0 s3, s7;
	s7 =	simm.s32 @!p0 $0x108  }
0x21: {  	s3 =	sadd.s32 s3, s9;
	s6 =	sadd.s32 @!p0 $0x88, s6;
	s7 =	simm.s32 @p2 $0x1082  }
0x22: {  	[simem:s7], [sflag:s8] =	dma.local @!p0 [hbm:s6], $0xF7A  }
0x23: {  	s9 =	sor.u32 $0xD0000000, s2;
	s6 =	simm.s32 $0x108;
	_ =	swait.ge @!p0 [sflag:s8], $0x0  }
0x24: {  	s3 =	sadd.s32 $0x88, s3;
	s6 =	simm.s32 @!p1 $0x1082;
	[sflag:s4] =	ssyncset.s32 $0xFFFFF086  }
0x25: {  	[simem:s6], [sflag:s4] =	dma.local [hbm:s3], $0xF7A  }
0x26: {  	[smem:$0x3F97] =	sst s1;
	(tag) =	ssettag s2;
	_ =	strace s9  }
0x27: {  	s1 =	sld [smem:$0x3FA7]  }
0x28: {  	s2 =	sld [smem:$0x3FA8]  }
0x29: {  	s4 =	sld [smem:$0x3FAA]  }
0x2a: {  	p0 =	seq.s32 s5, $0x0;
	s5 =	sld [smem:$0x3FAB]  }
0x2b: {  	s6 =	sld [smem:$0x3FAC]  }
0x2c: {  	s7 =	sld [smem:$0x3FAD]  }
0x2d: {  	s3 =	simm.s32 $0x108;
	s8 =	sld [smem:$0x3FAE]  }
0x2e: {  	s3 =	simm.s32 @!p0 $0x1082;
	s9 =	sld [smem:$0x3FAF]  }
0x2f: {  	lr =	sadd.s32 s0, s3;
	s0 =	sld [smem:$0x3FA6]  }
0x30: {  	s3 =	sld [smem:$0x3FA9]  }
0x31: {  	[smem:$0x3FB2] =	sst s10  }
0x32: {  	s10 =	sld [smem:$0x3FB0];
	_ =	sdelay $0x3  }
0x33: {  	p0 =	seq.s32 s10, $0x1;
	s10 =	sld [smem:$0x3FB2];
	_ =	sdelay $0x3  }
0x34: {  	[smem:$0x3FB2] =	sst s10  }
0x35: {  	s10 =	sld [smem:$0x3FB1];
	_ =	sdelay $0x3  }
0x36: {  	p1 =	seq.s32 s10, $0x1;
	s10 =	sld [smem:$0x3FB2];
	_ =	sdelay $0x3  }
0x37: {  	[smem:$0x3FB2] =	sst s10  }
0x38: {  	s10 =	sld [smem:$0x3FB3]  }
0x39: {  	_ = 	snop;
	(pc) =	sbr.ind lr, $3  }
0x3a: {  	_ = 	snop  }
0x3b: {  	_ = 	snop  }
0x3c: {  	p2 =	seq.s32 s10, $0x1;
	s10 =	sld [smem:$0x3FB2]  }
0x3d: {  	_ =	shalt  }
0x3e: {  	_ =	shalt  }
0x3f: {  	_ =	shalt  }
0x40: {  	_ =	shalt  }
0x41: {  	_ =	shalt  }
0x42: {  	_ =	shalt  }
0x43: {  	_ =	shalt  }
0x44: {  	_ =	shalt  }
0x45: {  	_ =	shalt  }
0x46: {  	_ =	shalt  }
0x47: {  	_ =	shalt  }
0x48: {  	_ =	shalt  }
0x49: {  	_ =	shalt  }
0x4a: {  	_ =	shalt  }
0x4b: {  	_ =	shalt  }
0x4c: {  	_ =	shalt  }
0x4d: {  	_ =	shalt  }
0x4e: {  	_ =	shalt  }
0x4f: {  	_ =	shalt  }
0x50: {  	_ =	shalt  }
0x51: {  	_ =	shalt  }
0x52: {  	_ =	shalt  }
0x53: {  	_ =	shalt  }
0x54: {  	_ =	shalt  }
0x55: {  	_ =	shalt  }
0x56: {  	_ =	shalt  }
0x57: {  	_ =	shalt  }
0x58: {  	_ =	shalt  }
0x59: {  	_ =	shalt  }
0x5a: {  	_ =	shalt  }
0x5b: {  	_ =	shalt  }
0x5c: {  	_ =	shalt  }
0x5d: {  	_ =	shalt  }
0x5e: {  	_ =	shalt  }
0x5f: {  	_ =	shalt  }
0x60: {  	_ =	shalt  }
0x61: {  	_ =	shalt  }
0x62: {  	_ =	shalt  }
0x63: {  	_ =	shalt  }
0x64: {  	_ =	shalt  }
0x65: {  	_ =	shalt  }
0x66: {  	_ =	shalt  }
0x67: {  	_ =	shalt  }
0x68: {  	_ =	shalt  }
0x69: {  	_ =	shalt  }
0x6a: {  	_ =	shalt  }
0x6b: {  	_ =	shalt  }
0x6c: {  	_ =	shalt  }
0x6d: {  	_ =	shalt  }
0x6e: {  	_ =	shalt  }
0x6f: {  	_ =	shalt  }
0x70: {  	_ =	shalt  }
0x71: {  	_ =	shalt  }
0x72: {  	_ =	shalt  }
0x73: {  	_ =	shalt  }
0x74: {  	_ =	shalt  }
0x75: {  	_ =	shalt  }
0x76: {  	_ =	shalt  }
0x77: {  	_ =	shalt  }
0x78: {  	_ =	shalt  }
0x79: {  	_ =	shalt  }
0x7a: {  	_ =	shalt  }
0x7b: {  	_ =	shalt  }
0x7c: {  	_ =	shalt  }
0x7d: {  	_ =	shalt  }
0x7e: {  	_ =	shalt  }
0x7f: {  	_ =	shalt  }
0x80: {  	_ =	shalt  }
0x81: {  	_ =	shalt  }
0x82: {  	_ =	shalt  }
0x83: {  	_ =	shalt  }
0x84: {  	_ =	shalt  }
0x85: {  	_ =	shalt  }
0x86: {  	_ =	shalt  }
0x87: {  	_ =	shalt  }
.Lfunc_end0:
.L_simem_size_0:
called_computation.9_lowered:
.L_overlay_start_0:
0x88: {  	s2 =	sld [smem:$0x3FD9]  }
0x89: {  	s3 =	sld [smem:$0x3FFE];
	_ =	sdelay $0x1  }
0x8a: {  	s1 =	srdreg.scid  }
0x8b: {  	s0 =	sand.u32 $0x1, s1  }
0x8c: {  	s16 =	sshll.u32 s0, $0xA;
	s2 =	sadd.s32 s3, s2  }
0x8d: {  	s2 =	sadd.s32 s2, s16  }
0x8e: {  	[smem:$0x3FBE] =	sst s2  }
0x8f: {  	_ = 	snop  }
0x90: {  	(tm) =	ssettm $0x1  }
0x91: {  	s17 =	sld [smem:$0x3FFB];
	_ =	sdelay $0x3  }
0x92: {  	_ =	strace s17  }
0x93: {  	s2 =	sld [smem:$0x3FFC];
	_ =	sdelay $0x3  }
0x94: {  	_ =	strace s2  }
0x95: {  	s2 =	sld [smem:$0x3FFD];
	_ =	sdelay $0x3  }
0x96: {  	_ =	strace s2  }
0x97: {  	_ =	strace $0x8FFFFFFF  }
0x98: {  	s18 =	sld [smem:$0x3FDB];
	_ =	sdelay $0x1  }
0x99: {  	s19 =	simm.s32 $_scs_section_size  }
0x9a: {  	s4 =	simm.s32 $_size__tile_overlayer_lowered;
	s5 =	simm.s32 $_tile_overlayer_lowered  }
0x9b: {  	s22 =	simm.s32 $0x1BFF;
	s21 =	sshll.u32 s5, $0x1;
	s2 =	sadd.s32 s19, s18  }
0x9c: {  	s6 =	simm.s32 $0x0;
	s20 =	sshll.u32 s4, $0x1;
	s4 =	sadd.s32 s21, s2  }
0x9d: {  	[timem:s6], [sflag:s22] =	dma.local [hbm:s4], s20  }
0x9e: {  	_ =	swait.ge [sflag:s22], s20  }
0x9f: {  	s3 =	ssub.s32 $0x0, s20;
	[sflag:s22] =	ssyncset.done $0x0  }
0xa0: {  	[sflag:s22] =	ssyncadd.s32 s3;
	_ =	sdelay $0x1  }
0xa1: {  	s23 =	simm.s32 $0x1B8B  }
0xa2: {  	_ =	swait.ge [sflag:s23], $0x1  }
0xa3: {  	[sflag:s23] =	ssyncset.done $0x0  }
0xa4: {  	s25 =	simm.s32 $0x1B8E;
	s24 =	sld [smem:$0x3FFE];
	[sflag:s23] =	ssyncadd.s32 $0xFFFFFFFF  }
0xa5: {  	s26 =	simm.s32 $execute0_lowered;
	[smem:$0x3FD2] =	sst s25  }
0xa6: {  	s4 =	sshll.u32 s26, $0x1;
	_ =	strace $0x80000084;
	[dreg:$0x1] =	wrdreg $0xFFFFFFFF  }
0xa7: {  	s28 =	simm.s32 $_size_execute0_lowered;
	s2 =	sadd.s32 s2, s4;
	[dreg:$0x0] =	wrdreg $0x0  }
0xa8: {  	s4 =	sshll.u32 s28, $0x1;
	[dreg:$0x2] =	wrdreg s2  }
0xa9: {  	[dreg:$0x3] =	wrdreg s4  }
0xaa: {  	[dreg:$0x4] =	wrdreg $0xC0  }
0xab: {  	_ =	task [dreg:s6], $0x5FFFF  }
0xac: {  	[dreg:$0x1] =	wrdreg $0xFFFFFFFF  }
0xad: {  	[dreg:$0x0] =	wrdreg $0x60  }
0xae: {  	[dreg:$0x2] =	wrdreg s24  }
0xaf: {  	[dreg:$0x3] =	wrdreg $0x0  }
0xb0: {  	[dreg:$0x4] =	wrdreg $0x9  }
0xb1: {  	_ =	task.clear_ibuf [dreg:s6], $0x5FFFF;
	_ =	strace $0x90000084  }
0xb2: {  	s29 =	simm.s32 $0x9;
	_ =	strace $0x80000086  }
0xb3: {  	_ =	swait.ge [sflag:s29], $0x1  }
0xb4: {  	[sflag:s29] =	ssyncadd.s32 $0xFFFFFFFF  }
0xb5: {  	_ =	strace $0x90000086  }
0xb6: {  	_ =	sfence  }
0xb7: {  	s30 =	sld [smem:$0x0];
	_ =	sdelay $0x2  }
0xb8: {  	s31 =	sshll.u32 s1, $0xD;
	s1 =	sshrl.u32 s1, $0x2  }
0xb9: {  	s3 =	sand.u32 $0x4000, s31;
	s1 =	sadd.s32 s1, s30  }
0xba: {  	s0 =	sor.u32 s3, s0;
	s1 =	sshll.u32 s1, $0x11  }
0xbb: {  	s0 =	sor.u32 s1, s0  }
0xbc: {  	s0 =	sadd.s32 $0x8F2B, s0  }
0xbd: {  	[sflag:s0] =	ssyncadd.remote.s32 $0x1  }
0xbe: {  	_ =	sfence.sel $0xFFFF  }
0xbf: {  	[dreg:$0x0] =	wrdreg $0xFFFFFFFF;
	(pc) =	sbr.abs _section_cstart, $3  }
0xc0: {  	[dreg:$0x1] =	wrdreg $0xFFFFFFFF  }
0xc1: {  	_ =	task.clear_ibuf [dreg:s6], $0x2FFFF;
	_ =	strace $0x9FFFFFFF  }
0xc2: {  	(tm) =	ssettm $0x7FFFFFFF  }
0xc3: {  	_ =	shalt  }
tec
execute0_lowered:
.L_overlay_start_1:
0x0: {  	(tag) =	ssettag $0x1  }
0x1: {  	s2 =	stileid.u32  }
0x2: {  	s14 =	smul.u32 $0x2800, s2  }
0x3: {  	s4 =	rddreg [dreg:$0x0];
	s9 =	smul.u32 $0x50000, s2  }
0x4: {  	s0 =	srdreg.scid;
	s30 =	smul.u32 $0x300, s2  }
0x5: {  	s1 =	rddreg [dreg:$0x1];
	s5 =	sand.u32 $0x1, s0;
	s13 =	smul.u32 $0x14000, s2  }
0x6: {  	s3 =	simm.s32 $0x0;
	s0 =	rddreg [dreg:$0x2];
	s6 =	smul.u32 $0x140000, s5  }
0x7: {  	[smem:$0x7FF] =	sst s3;
	s7 =	smul.u32 $0x3000, s5  }
0x8: {  	s31 =	sshll.u32 s2, $0x6;
	s26 =	smul.u32 $0x28000, s5;
	s5 =	ssub.s32 $0x2, s5  }
0x9: {  	_ =	strace $0x80000085;
	s10 =	sadd.s32 s14, s4;
	s28 =	sshrl.u32 s5, $0x1  }
0xa: {  	s29 =	sshrl.u32 s9, $0x2;
	s8 =	sadd.s32 s6, s4;
	s7 =	sadd.s32 s7, s4  }
0xb: {  	s6 =	sadd.s32 s26, s4;
	s11 =	ssub.s32 s5, s28;
	s12 =	sadd.s32 s29, s1  }
0xc: {  	s4 =	sadd.s32 $0x547400, s10;
	s5 =	sor.u32 $0x1C01, s31;
	s10 =	simm.s32 $0x1  }
0xd: {  	s15 =	sadd.s32 $0x5400, s6;
	s6 =	smax.u32 s11, $0x1;
	s7 =	sadd.s32 s30, s7  }
0xe: {  	s8 =	sadd.s32 s13, s8;
	s9 =	sshrl.u32 s12, $0x3;
	s11 =	simm.s32 $0x1E000  }
0xf: {  	s12 =	simm.s32 $0x14000;
	s13 =	simm.s32 $0x140;
	s7 =	sadd.s32 $0x541400, s7  }
0x10: {  	s8 =	sadd.s32 $0x56F400, s8;
	s14 =	sadd.s32 s14, s15;
	s15 =	simm.s32 $0x0  }
.LBB2_1:
0x11: {  	[spmem:s9], [sflag:s5] =	dma.local [hbm:s4], $0x2800  }
0x12: {  	_ =	swait.ge [sflag:s10], $0x2800  }
0x13: {  	[sflag:s10] =	ssyncset.done $0x0  }
0x14: {  	[sflag:s10] =	ssyncadd.s32 $0xFFFFD800  }
0x15: {  	s16 =	sadd.s32 $0x0, s7;
	[bflag:$0x0] =	sbarrier.arrive $0xFFFF  }
0x16: {  	[tilespmem:s11], [sflag:$0x1] =	stream.linear.gather [hbm4b:s16+s3], $0x180, $0x38;
	[tilespmem:$0x1E180] =	vst v63  }
0x17: {  	_ =	swait.ge [sflag:s10], $0x180  }
0x18: {  	[sflag:s10] =	ssyncset.done $0x0  }
0x19: {  	[sflag:s10] =	ssyncadd.s32 $0xFFFFFE80  }
0x1a: {  	[tilespmem:s12], [sflag:$0x1] =	stream.linear.gather [hbm4b:s8+s3], $0xA000, $0x38;
	[tilespmem:$0x1E180] =	vst v63  }
0x1b: {  	_ =	swait.ge [sflag:s10], $0xA000  }
0x1c: {  	[sflag:s10] =	ssyncset.done $0x0  }
0x1d: {  	[sflag:s10] =	ssyncadd.s32 $0xFFFF6000  }
0x1e: {  	[spmem:s1] =	stream.indirect.scatter.add.f32 [tilespmem:s12], [sflag:$0x1], $0x80, s11, s13, $0xb8;
	[tilespmem:$0x1E180] =	vst v63  }
0x1f: {  	s17 =	simm.s32 $0x30;
	_ =	swait.ge [sflag:s10], $0xA000  }
0x20: {  	s18 =	simm.s32 $0x60;
	s16 =	sadd.s32 $0x1400, s8;
	[sflag:s10] =	ssyncset.done $0x0  }
.LBB2_2:
0x21: {  	s19 =	sadd.s32 s17, s7  }
0x22: {  	[sflag:s10] =	ssyncadd.s32 $0xFFFF6000;
	s17 =	smov.u32 s18;
	s20 =	sadd.s32 $0x30, s18  }
0x23: {  	[tilespmem:s11], [sflag:$0x1] =	stream.linear.gather [hbm4b:s19+s3], $0x180, $0x38;
	[tilespmem:$0x1E180] =	vst v63  }
0x24: {  	p0 =	sne.s32 s18, $0x2D0;
	_ =	swait.ge [sflag:s10], $0x180  }
0x25: {  	[sflag:s10] =	ssyncset.done $0x0  }
0x26: {  	[sflag:s10] =	ssyncadd.s32 $0xFFFFFE80  }
0x27: {  	[tilespmem:s12], [sflag:$0x1] =	stream.linear.gather [hbm4b:s16+s3], $0xA000, $0x38;
	[tilespmem:$0x1E180] =	vst v63  }
0x28: {  	_ =	swait.ge [sflag:s10], $0xA000  }
.Ltmp0:
0x29: {  	[sflag:s10] =	ssyncset.done $0x0;
	(pc) =	sbr.rel @p0 .LBB2_2-.Ltmp0, $4  }
0x2a: {  	[sflag:s10] =	ssyncadd.s32 $0xFFFF6000  }
0x2b: {  	[spmem:s1] =	stream.indirect.scatter.add.f32 [tilespmem:s12], [sflag:$0x1], $0x80, s11, s13, $0xb8;
	[tilespmem:$0x1E180] =	vst v63  }
0x2c: {  	_ =	swait.ge [sflag:s10], $0xA000  }
0x2d: {  	s18 =	smov.u32 s20;
	s16 =	sadd.s32 $0x1400, s16;
	[sflag:s10] =	ssyncset.done $0x0  }
0x2e: {  	s17 =	sadd.s32 s17, s7;
	[sflag:s10] =	ssyncadd.s32 $0xFFFF6000  }
0x2f: {  	[tilespmem:s11], [sflag:$0x1] =	stream.linear.gather [hbm4b:s17+s3], $0x180, $0x38;
	[tilespmem:$0x1E180] =	vst v63  }
0x30: {  	_ =	swait.ge [sflag:s10], $0x180  }
0x31: {  	[sflag:s10] =	ssyncset.done $0x0  }
0x32: {  	[sflag:s10] =	ssyncadd.s32 $0xFFFFFE80  }
0x33: {  	[tilespmem:s12], [sflag:$0x1] =	stream.linear.gather [hbm4b:s16+s3], $0xA000, $0x38;
	[tilespmem:$0x1E180] =	vst v63  }
0x34: {  	_ =	swait.ge [sflag:s10], $0xA000  }
0x35: {  	[sflag:s10] =	ssyncset.done $0x0  }
0x36: {  	[sflag:s10] =	ssyncadd.s32 $0xFFFF6000  }
0x37: {  	[spmem:s1] =	stream.indirect.scatter.add.f32 [tilespmem:s12], [sflag:$0x1], $0x80, s11, s13, $0xb8;
	[tilespmem:$0x1E180] =	vst v63  }
0x38: {  	_ =	swait.ge [sflag:s10], $0xA000  }
0x39: {  	s15 =	sadd.s32 $0x1, s15;
	[sflag:s10] =	ssyncset.done $0x0  }
0x3a: {  	p0 =	sne.s32 s15, s6;
	[sflag:s10] =	ssyncadd.s32 $0xFFFF6000  }
.Ltmp1:
0x3b: {  	[bflag:$0x0] =	sbarrier.arrive $0xFFFF;
	(pc) =	sbr.rel @p0 .LBB2_1-.Ltmp1, $4  }
0x3c: {  	[hbm:s14], [sflag:s5] =	dma.local [spmem:s9], $0x2800  }
0x3d: {  	_ =	swait.ge [sflag:s10], $0x2800  }
0x3e: {  	[sflag:s10] =	ssyncset.done $0x0  }
0x3f: {  	[sflag:s10] =	ssyncadd.s32 $0xFFFFD800  }
0x40: {  	_ =	sfence.sel $0x180000  }
0x41: {  	[bflag:$0x0] =	sbarrier.arrive $0xFFFF  }
0x42: {  	p0 =	sne.s32 s2, $0x0;
	_ =	strace $0x90000085  }
0x43: {  	s0 =	sadd.s32 @!p0 $0x100000, s0;
	[bflag:$0x2] =	sbarrier.arrive $0xFFFF  }
0x44: {  	[sflag:s0] =	ssyncadd.tile.s32 @!p0 $0x1;
	_ =	shalt  }
.Lfunc_end2:
_tile_overlayer_lowered:
.L_overlay_start_2:
0x45: {  	(tag) =	ssettag $0x2  }
0x46: {  	s0 =	rddreg [dreg:$0x0];
	s2 =	stileid.u32  }
0x47: {  	s1 =	rddreg [dreg:$0x1];
	p0 =	sne.s32 s2, $0x0  }
0x48: {  	s3 =	rddreg [dreg:$0x2];
	[bflag:$0x3] =	sbarrier.arrive $0xFFFF;
	s2 =	simm.s32 @!p0 $0x1C01  }
0x49: {  	[timem:s3], [sflag:s2] =	dma.local @!p0 [hbm:s0], s1  }
0x4a: {  	s0 =	simm.s32 @!p0 $0x1  }
0x4b: {  	_ =	swait.ge @!p0 [sflag:s0], s1  }
0x4c: {  	s1 =	ssub.s32 @!p0 $0x0, s1;
	[sflag:s0] =	ssyncset.done @!p0 $0x0  }
0x4d: {  	[sflag:s0] =	ssyncadd.s32 @!p0 s1  }
0x4e: {  	[bflag:$0x3] =	sbarrier.arrive $0xFFFF  }
0x4f: {  	_ =	shalt  }

</sc_bundles>
